<compile_context>
chip_gen: v7x
topology: tpu7x:2x2x1
jax: 0.10.2.dev20260603
libtpu: 0.0.44.dev20260713+nightly
codegen_flags: <defaults>
</compile_context>

<pallas_src>
import functools

import jax
import jax.numpy as jnp
from jax import lax
from jax.experimental import pallas as pl
from jax.experimental.pallas import tpu as pltpu
from jax.experimental.pallas import tpu_sc as plsc

_BATCH = 4096
_SEQ = 200
_D = 64
_NCLS = 2
_VOCAB = 50257
_CHUNK = 400


@functools.cache
def _build():
    info = plsc.get_sparse_core_info()
    nc, ns = info.num_cores, info.num_subcores
    nw = nc * ns
    bpw = _BATCH // nw
    span = -(-_VOCAB // nw)
    nchunk = -(-span // _CHUNK)
    mesh = plsc.VectorSubcoreMesh(core_axis_name="c", subcore_axis_name="s")
    params = pltpu.CompilerParams(
        use_tc_tiling_on_sc=False, needs_layout_passes=False
    )

    @functools.partial(
        pl.kernel,
        mesh=mesh,
        compiler_params=params,
        out_type=jax.ShapeDtypeStruct((nw * span, _D), jnp.bfloat16),
        scratch_types=[
            pltpu.VMEM((_CHUNK, _D), jnp.float32),
            pltpu.VMEM((_CHUNK, _D), jnp.float32),
            pltpu.VMEM((_CHUNK, _D), jnp.bfloat16),
            pltpu.VMEM((_CHUNK, _D), jnp.bfloat16),
            pltpu.SemaphoreType.DMA,
            pltpu.SemaphoreType.DMA,
        ],
    )
    def convert(table_hbm, out_hbm, in_v0, in_v1, out_v0, out_v1, semi, semo):
        wid = lax.axis_index("s") * nc + lax.axis_index("c")
        sw = wid * span
        starts = [jnp.minimum(sw + k * _CHUNK, _VOCAB - _CHUNK) for k in range(nchunk)]
        inb, outb = [in_v0, in_v1], [out_v0, out_v1]

        pltpu.async_copy(table_hbm.at[pl.ds(starts[0], _CHUNK)], inb[0], semi)
        for k in range(nchunk):
            b = k % 2
            pltpu.make_async_copy(
                table_hbm.at[pl.ds(starts[k], _CHUNK)], inb[b], semi
            ).wait()
            if k + 1 < nchunk:
                pltpu.async_copy(
                    table_hbm.at[pl.ds(starts[k + 1], _CHUNK)], inb[1 - b], semi
                )
            if k >= 2:
                pltpu.make_async_copy(
                    outb[b], out_hbm.at[pl.ds(starts[k - 2], _CHUNK)], semo
                ).wait()

            def row(r, carry, b=b):
                for c in range(2):
                    a = inb[b][r, pl.ds(32 * c, 16)]
                    z = inb[b][r, pl.ds(32 * c + 16, 16)]
                    outb[b][r, pl.ds(32 * c, 32)] = plsc.pack(
                        a, z, format=plsc.PackFormat.INTERLEAVED
                    )
                return carry

            lax.fori_loop(0, _CHUNK, row, 0, unroll=4)
            pltpu.async_copy(outb[b], out_hbm.at[pl.ds(starts[k], _CHUNK)], semo)
        for k in (nchunk - 2, nchunk - 1):
            pltpu.make_async_copy(
                outb[k % 2], out_hbm.at[pl.ds(starts[k], _CHUNK)], semo
            ).wait()

    @functools.partial(
        pl.kernel,
        mesh=mesh,
        compiler_params=params,
        out_type=jax.ShapeDtypeStruct((_BATCH, _D), jnp.float32),
        scratch_types=[
            pltpu.VMEM((bpw * _SEQ,), jnp.int32),
            pltpu.VMEM((_SEQ, _D), jnp.bfloat16),
            pltpu.VMEM((_SEQ, _D), jnp.bfloat16),
            pltpu.VMEM((_SEQ, _D), jnp.bfloat16),
            pltpu.VMEM((_SEQ, _D), jnp.bfloat16),
            pltpu.VMEM((_SEQ, _D), jnp.bfloat16),
            pltpu.VMEM((_SEQ, _D), jnp.bfloat16),
            pltpu.VMEM((_SEQ, _D), jnp.bfloat16),
            pltpu.VMEM((_SEQ, _D), jnp.bfloat16),
            pltpu.VMEM((bpw, _D), jnp.float32),
        ]
        + [pltpu.SemaphoreType.DMA] * 8,
    )
    def pool(ids_hbm, table_hbm, x_hbm, idx_v, *rest):
        bufs, (out_v,), sems = rest[:8], rest[8:9], rest[9:]
        wid = lax.axis_index("s") * nc + lax.axis_index("c")
        pltpu.sync_copy(ids_hbm.at[pl.ds(wid * bpw * _SEQ, bpw * _SEQ)], idx_v)
        scale = jnp.float32(1.0 / _SEQ)
        c0, c1 = 104, _SEQ - 104

        def start(buf, sem, row):
            base = pl.multiple_of(row * _SEQ, 8)
            pltpu.async_copy(
                table_hbm.at[idx_v.at[pl.ds(base, c0)]], buf.at[pl.ds(0, c0)], sem
            )
            pltpu.async_copy(
                table_hbm.at[idx_v.at[pl.ds(base + c0, c1)]],
                buf.at[pl.ds(c0, c1)],
                sem,
            )

        def wait(buf, sem, row):
            base = pl.multiple_of(row * _SEQ, 8)
            pltpu.make_async_copy(
                table_hbm.at[idx_v.at[pl.ds(base, c0)]], buf.at[pl.ds(0, c0)], sem
            ).wait()
            pltpu.make_async_copy(
                table_hbm.at[idx_v.at[pl.ds(base + c0, c1)]],
                buf.at[pl.ds(c0, c1)],
                sem,
            ).wait()

        def accum(buf, row):
            def tbody(t, accs):
                new = []
                for c in range(2):
                    lo = buf[t, pl.ds(32 * c, 32)]
                    hi = buf[t + 100, pl.ds(32 * c, 32)]
                    alo, blo = plsc.unpack(lo, format=plsc.PackFormat.INTERLEAVED)
                    ahi, bhi = plsc.unpack(hi, format=plsc.PackFormat.INTERLEAVED)
                    new.append((accs[c][0] + alo + ahi, accs[c][1] + blo + bhi))
                return tuple(new)

            zero = jnp.zeros((16,), jnp.float32)
            accs = lax.fori_loop(
                0, _SEQ // 2, tbody, ((zero, zero), (zero, zero)), unroll=4
            )
            for c in range(2):
                for h in range(2):
                    out_v[row, pl.ds(32 * c + 16 * h, 16)] = accs[c][h] * scale

        nb = 8
        for p in range(nb - 1):
            start(bufs[p], sems[p], p)

        def body(q, carry):
            for ph in range(nb):
                r = nb * q + ph
                pf = (ph + nb - 1) % nb
                start(bufs[pf], sems[pf], jnp.minimum(r + nb - 1, bpw - 1))
                wait(bufs[ph], sems[ph], r)
                accum(bufs[ph], r)
            return carry

        lax.fori_loop(0, bpw // nb, body, 0)
        for p in range(nb - 1):
            wait(bufs[p], sems[p], bpw - 1)
        pltpu.sync_copy(out_v, x_hbm.at[pl.ds(wid * bpw, bpw)])

    return convert, pool


def _linear_body(x_ref, w_ref, b_ref, o_ref):
    o_ref[...] = (
        jnp.dot(x_ref[...], w_ref[...], preferred_element_type=jnp.float32)
        + b_ref[...]
    )


def _linear(x, w, b):
    return pl.pallas_call(
        _linear_body,
        out_shape=jax.ShapeDtypeStruct((_BATCH, _NCLS), jnp.float32),
    )(x, w, b.reshape(1, _NCLS))


def kernel(input_ids, embedding, W, b):
    convert, pool = _build()
    table_bf16 = convert(embedding)
    x = pool(input_ids.astype(jnp.int32).reshape(-1), table_bf16)
    logits = _linear(x, W, b)
    return (logits, x)

# --- scband reference (transcript-rebuilt; emitter-appended) ---
"""Pipeline reference for scband-baseline-model-4415226380960 (READ-ONLY COPY).

The authoritative reference and input builder live on the scoring server;
editing this copy changes nothing except your own understanding.
"""

import jax, jax.numpy as jnp
import numpy as np

VOCAB = 50257
EMBED_DIM = 64
NUM_CLASSES = 2
BATCH = 4096
SEQ = 200


def setup_inputs(seed: int = 0) -> dict:
    key = jax.random.key(seed)
    k_idx, k_emb, k_w, k_b = jax.random.split(key, 4)
    input_ids = jax.random.randint(k_idx, (BATCH, SEQ), 0, VOCAB, dtype=jnp.int64 if jax.config.jax_enable_x64 else jnp.int32)
    embedding = jax.random.normal(k_emb, (VOCAB, EMBED_DIM), dtype=jnp.float32)
    # nn.Linear default init approx: uniform(-1/sqrt(in), 1/sqrt(in))
    bound = 1.0 / np.sqrt(EMBED_DIM)
    W = jax.random.uniform(k_w, (EMBED_DIM, NUM_CLASSES), minval=-bound, maxval=bound, dtype=jnp.float32)
    b = jax.random.uniform(k_b, (NUM_CLASSES,), minval=-bound, maxval=bound, dtype=jnp.float32)
    return {"input_ids": input_ids, "embedding": embedding, "W": W, "b": b}


def reference(input_ids, embedding, W, b):
    # x = self.embedding(input_ids).mean(dim=1)
    gathered = jnp.take(embedding, input_ids, axis=0)  # [B, L, D]
    x = gathered.mean(axis=1)                          # [B, D]
    # logits = self.classifier(x)
    logits = x @ W + b                                 # [B, 2]
    # labels=None -> loss is None; return logits and hidden
    return (logits, x)

if __name__ == "__main__":
    import jax
    _d = setup_inputs()
    print(jax.jit(kernel)(*tuple(_d.values())))

</pallas_src>

<mosaic_0001>
#map = affine_map<(d0, d1) -> (0)>
#map1 = affine_map<(d0, d1) -> (0, 0)>
module attributes {stable_mosaic.version = 14 : i64} {
  func.func @pool(%arg0: i32, %arg1: i32, %arg2: memref<819200xi32, #tpu.memory_space<hbm>>, %arg3: memref<50272x64xbf16, #tpu.memory_space<hbm>>, %arg4: memref<4096x64xf32, #tpu.memory_space<hbm>>, %arg5: memref<25600xi32, #tpu.memory_space<vmem>>, %arg6: memref<200x64xbf16, #tpu.memory_space<vmem>>, %arg7: memref<200x64xbf16, #tpu.memory_space<vmem>>, %arg8: memref<200x64xbf16, #tpu.memory_space<vmem>>, %arg9: memref<200x64xbf16, #tpu.memory_space<vmem>>, %arg10: memref<200x64xbf16, #tpu.memory_space<vmem>>, %arg11: memref<200x64xbf16, #tpu.memory_space<vmem>>, %arg12: memref<200x64xbf16, #tpu.memory_space<vmem>>, %arg13: memref<200x64xbf16, #tpu.memory_space<vmem>>, %arg14: memref<128x64xf32, #tpu.memory_space<vmem>>, %arg15: memref<!tpu.dma_semaphore, #tpu.memory_space<semaphore_mem>>, %arg16: memref<!tpu.dma_semaphore, #tpu.memory_space<semaphore_mem>>, %arg17: memref<!tpu.dma_semaphore, #tpu.memory_space<semaphore_mem>>, %arg18: memref<!tpu.dma_semaphore, #tpu.memory_space<semaphore_mem>>, %arg19: memref<!tpu.dma_semaphore, #tpu.memory_space<semaphore_mem>>, %arg20: memref<!tpu.dma_semaphore, #tpu.memory_space<semaphore_mem>>, %arg21: memref<!tpu.dma_semaphore, #tpu.memory_space<semaphore_mem>>, %arg22: memref<!tpu.dma_semaphore, #tpu.memory_space<semaphore_mem>>) attributes {dimension_semantics = [#tpu.dimension_semantics<core_parallel>, #tpu.dimension_semantics<subcore_parallel>], iteration_bounds = array<i64: 2, 16>, scalar_prefetch = 0 : i64, scratch_operands = 18 : i64, tpu.core_type = #tpu.core_type<sc_vector_subcore>, window_params = [{transform_indices = #map}, {transform_indices = #map1}, {transform_indices = #map1}]} {
    %mul3A = arith.constant 2 : i32
    %mul3A_0 = arith.muli %arg1, %mul3A : i32
    %add3A = arith.addi %mul3A_0, %arg0 : i32
    %mul3A_1 = arith.constant 128 : i32
    %mul3A_2 = arith.muli %add3A, %mul3A_1 : i32
    %mul3A_3 = arith.constant 200 : i32
    %mul3A_4 = arith.muli %mul3A_2, %mul3A_3 : i32
    "tpu.region"() ({
      %run_scoped3A = tpu.sem_alloc : memref<!tpu.dma_semaphore, #tpu.memory_space<semaphore_mem>>
      %dma_start3A_262 = tpu.memref_slice %arg2[%mul3A_4] : memref<819200xi32, #tpu.memory_space<hbm>> -> memref<25600xi32, #tpu.memory_space<hbm>>
      %dma_start3A_263 = tpu.memref_slice %arg2[%mul3A_4] : memref<819200xi32, #tpu.memory_space<hbm>> -> memref<25600xi32, #tpu.memory_space<hbm>>
      tpu.enqueue_dma source(%dma_start3A_263 : memref<25600xi32, #tpu.memory_space<hbm>>) target(%arg5 : memref<25600xi32, #tpu.memory_space<vmem>>) target_semaphore(%run_scoped3A : memref<!tpu.dma_semaphore, #tpu.memory_space<semaphore_mem>>)
      %dma_wait3A_264 = tpu.memref_slice %arg2[%mul3A_4] : memref<819200xi32, #tpu.memory_space<hbm>> -> memref<25600xi32, #tpu.memory_space<hbm>>
      %dma_wait3A_265 = tpu.memref_slice %arg2[%mul3A_4] : memref<819200xi32, #tpu.memory_space<hbm>> -> memref<25600xi32, #tpu.memory_space<hbm>>
      tpu.wait_dma2 semaphore(%run_scoped3A : memref<!tpu.dma_semaphore, #tpu.memory_space<semaphore_mem>>) src(%dma_wait3A_265 : memref<25600xi32, #tpu.memory_space<hbm>>) dst(%arg5 : memref<25600xi32, #tpu.memory_space<vmem>>)
      tpu.yield
    }) : () -> ()
    %multiple_of3A = arith.constant 0 : i32
    %multiple_of3A_5 = tpu.assume_multiple %multiple_of3A, 8 : i32
    %dma_start3A = arith.constant 0 : i32
    %dma_start3A_6 = arith.constant 0 : i32
    %dma_start3A_7 = tpu.memref_slice %arg6[%dma_start3A, %dma_start3A_6] : memref<200x64xbf16, #tpu.memory_space<vmem>> -> memref<104x64xbf16, #tpu.memory_space<vmem>>
    %dma_start3A_8 = tpu.memref_slice %arg5[%multiple_of3A_5] : memref<25600xi32, #tpu.memory_space<vmem>> -> memref<104xi32, #tpu.memory_space<vmem>>
    %dma_start3A_9 = arith.constant 0 : i32
    %dma_start3A_10 = arith.constant 0 : i32
    %dma_start3A_11 = tpu.memref_slice %arg3[%dma_start3A_9, %dma_start3A_10] : memref<50272x64xbf16, #tpu.memory_space<hbm>> -> memref<50272x64xbf16, #tpu.memory_space<hbm>>
    tpu.enqueue_indirect_dma source(%dma_start3A_11 : memref<50272x64xbf16, #tpu.memory_space<hbm>>) target(%dma_start3A_7 : memref<104x64xbf16, #tpu.memory_space<vmem>>) offsets(%dma_start3A_8 : memref<104xi32, #tpu.memory_space<vmem>>) semaphore(%arg15 : memref<!tpu.dma_semaphore, #tpu.memory_space<semaphore_mem>>)
    %add3A_12 = arith.constant 104 : i32
    %add3A_13 = arith.addi %multiple_of3A_5, %add3A_12 : i32
    %dma_start3A_14 = arith.constant 104 : i32
    %dma_start3A_15 = arith.constant 0 : i32
    %dma_start3A_16 = tpu.memref_slice %arg6[%dma_start3A_14, %dma_start3A_15] : memref<200x64xbf16, #tpu.memory_space<vmem>> -> memref<96x64xbf16, #tpu.memory_space<vmem>>
    %dma_start3A_17 = tpu.memref_slice %arg5[%add3A_13] : memref<25600xi32, #tpu.memory_space<vmem>> -> memref<96xi32, #tpu.memory_space<vmem>>
    %dma_start3A_18 = arith.constant 0 : i32
    %dma_start3A_19 = arith.constant 0 : i32
    %dma_start3A_20 = tpu.memref_slice %arg3[%dma_start3A_18, %dma_start3A_19] : memref<50272x64xbf16, #tpu.memory_space<hbm>> -> memref<50272x64xbf16, #tpu.memory_space<hbm>>
    tpu.enqueue_indirect_dma source(%dma_start3A_20 : memref<50272x64xbf16, #tpu.memory_space<hbm>>) target(%dma_start3A_16 : memref<96x64xbf16, #tpu.memory_space<vmem>>) offsets(%dma_start3A_17 : memref<96xi32, #tpu.memory_space<vmem>>) semaphore(%arg15 : memref<!tpu.dma_semaphore, #tpu.memory_space<semaphore_mem>>)
    %multiple_of3A_21 = arith.constant 200 : i32
    %multiple_of3A_22 = tpu.assume_multiple %multiple_of3A_21, 8 : i32
    %dma_start3A_23 = arith.constant 0 : i32
    %dma_start3A_24 = arith.constant 0 : i32
    %dma_start3A_25 = tpu.memref_slice %arg7[%dma_start3A_23, %dma_start3A_24] : memref<200x64xbf16, #tpu.memory_space<vmem>> -> memref<104x64xbf16, #tpu.memory_space<vmem>>
    %dma_start3A_26 = tpu.memref_slice %arg5[%multiple_of3A_22] : memref<25600xi32, #tpu.memory_space<vmem>> -> memref<104xi32, #tpu.memory_space<vmem>>
    %dma_start3A_27 = arith.constant 0 : i32
    %dma_start3A_28 = arith.constant 0 : i32
    %dma_start3A_29 = tpu.memref_slice %arg3[%dma_start3A_27, %dma_start3A_28] : memref<50272x64xbf16, #tpu.memory_space<hbm>> -> memref<50272x64xbf16, #tpu.memory_space<hbm>>
    tpu.enqueue_indirect_dma source(%dma_start3A_29 : memref<50272x64xbf16, #tpu.memory_space<hbm>>) target(%dma_start3A_25 : memref<104x64xbf16, #tpu.memory_space<vmem>>) offsets(%dma_start3A_26 : memref<104xi32, #tpu.memory_space<vmem>>) semaphore(%arg16 : memref<!tpu.dma_semaphore, #tpu.memory_space<semaphore_mem>>)
    %add3A_30 = arith.constant 104 : i32
    %add3A_31 = arith.addi %multiple_of3A_22, %add3A_30 : i32
    %dma_start3A_32 = arith.constant 104 : i32
    %dma_start3A_33 = arith.constant 0 : i32
    %dma_start3A_34 = tpu.memref_slice %arg7[%dma_start3A_32, %dma_start3A_33] : memref<200x64xbf16, #tpu.memory_space<vmem>> -> memref<96x64xbf16, #tpu.memory_space<vmem>>
    %dma_start3A_35 = tpu.memref_slice %arg5[%add3A_31] : memref<25600xi32, #tpu.memory_space<vmem>> -> memref<96xi32, #tpu.memory_space<vmem>>
    %dma_start3A_36 = arith.constant 0 : i32
    %dma_start3A_37 = arith.constant 0 : i32
    %dma_start3A_38 = tpu.memref_slice %arg3[%dma_start3A_36, %dma_start3A_37] : memref<50272x64xbf16, #tpu.memory_space<hbm>> -> memref<50272x64xbf16, #tpu.memory_space<hbm>>
    tpu.enqueue_indirect_dma source(%dma_start3A_38 : memref<50272x64xbf16, #tpu.memory_space<hbm>>) target(%dma_start3A_34 : memref<96x64xbf16, #tpu.memory_space<vmem>>) offsets(%dma_start3A_35 : memref<96xi32, #tpu.memory_space<vmem>>) semaphore(%arg16 : memref<!tpu.dma_semaphore, #tpu.memory_space<semaphore_mem>>)
    %multiple_of3A_39 = arith.constant 400 : i32
    %multiple_of3A_40 = tpu.assume_multiple %multiple_of3A_39, 8 : i32
    %dma_start3A_41 = arith.constant 0 : i32
    %dma_start3A_42 = arith.constant 0 : i32
    %dma_start3A_43 = tpu.memref_slice %arg8[%dma_start3A_41, %dma_start3A_42] : memref<200x64xbf16, #tpu.memory_space<vmem>> -> memref<104x64xbf16, #tpu.memory_space<vmem>>
    %dma_start3A_44 = tpu.memref_slice %arg5[%multiple_of3A_40] : memref<25600xi32, #tpu.memory_space<vmem>> -> memref<104xi32, #tpu.memory_space<vmem>>
    %dma_start3A_45 = arith.constant 0 : i32
    %dma_start3A_46 = arith.constant 0 : i32
    %dma_start3A_47 = tpu.memref_slice %arg3[%dma_start3A_45, %dma_start3A_46] : memref<50272x64xbf16, #tpu.memory_space<hbm>> -> memref<50272x64xbf16, #tpu.memory_space<hbm>>
    tpu.enqueue_indirect_dma source(%dma_start3A_47 : memref<50272x64xbf16, #tpu.memory_space<hbm>>) target(%dma_start3A_43 : memref<104x64xbf16, #tpu.memory_space<vmem>>) offsets(%dma_start3A_44 : memref<104xi32, #tpu.memory_space<vmem>>) semaphore(%arg17 : memref<!tpu.dma_semaphore, #tpu.memory_space<semaphore_mem>>)
    %add3A_48 = arith.constant 104 : i32
    %add3A_49 = arith.addi %multiple_of3A_40, %add3A_48 : i32
    %dma_start3A_50 = arith.constant 104 : i32
    %dma_start3A_51 = arith.constant 0 : i32
    %dma_start3A_52 = tpu.memref_slice %arg8[%dma_start3A_50, %dma_start3A_51] : memref<200x64xbf16, #tpu.memory_space<vmem>> -> memref<96x64xbf16, #tpu.memory_space<vmem>>
    %dma_start3A_53 = tpu.memref_slice %arg5[%add3A_49] : memref<25600xi32, #tpu.memory_space<vmem>> -> memref<96xi32, #tpu.memory_space<vmem>>
    %dma_start3A_54 = arith.constant 0 : i32
    %dma_start3A_55 = arith.constant 0 : i32
    %dma_start3A_56 = tpu.memref_slice %arg3[%dma_start3A_54, %dma_start3A_55] : memref<50272x64xbf16, #tpu.memory_space<hbm>> -> memref<50272x64xbf16, #tpu.memory_space<hbm>>
    tpu.enqueue_indirect_dma source(%dma_start3A_56 : memref<50272x64xbf16, #tpu.memory_space<hbm>>) target(%dma_start3A_52 : memref<96x64xbf16, #tpu.memory_space<vmem>>) offsets(%dma_start3A_53 : memref<96xi32, #tpu.memory_space<vmem>>) semaphore(%arg17 : memref<!tpu.dma_semaphore, #tpu.memory_space<semaphore_mem>>)
    %multiple_of3A_57 = arith.constant 600 : i32
    %multiple_of3A_58 = tpu.assume_multiple %multiple_of3A_57, 8 : i32
    %dma_start3A_59 = arith.constant 0 : i32
    %dma_start3A_60 = arith.constant 0 : i32
    %dma_start3A_61 = tpu.memref_slice %arg9[%dma_start3A_59, %dma_start3A_60] : memref<200x64xbf16, #tpu.memory_space<vmem>> -> memref<104x64xbf16, #tpu.memory_space<vmem>>
    %dma_start3A_62 = tpu.memref_slice %arg5[%multiple_of3A_58] : memref<25600xi32, #tpu.memory_space<vmem>> -> memref<104xi32, #tpu.memory_space<vmem>>
    %dma_start3A_63 = arith.constant 0 : i32
    %dma_start3A_64 = arith.constant 0 : i32
    %dma_start3A_65 = tpu.memref_slice %arg3[%dma_start3A_63, %dma_start3A_64] : memref<50272x64xbf16, #tpu.memory_space<hbm>> -> memref<50272x64xbf16, #tpu.memory_space<hbm>>
    tpu.enqueue_indirect_dma source(%dma_start3A_65 : memref<50272x64xbf16, #tpu.memory_space<hbm>>) target(%dma_start3A_61 : memref<104x64xbf16, #tpu.memory_space<vmem>>) offsets(%dma_start3A_62 : memref<104xi32, #tpu.memory_space<vmem>>) semaphore(%arg18 : memref<!tpu.dma_semaphore, #tpu.memory_space<semaphore_mem>>)
    %add3A_66 = arith.constant 104 : i32
    %add3A_67 = arith.addi %multiple_of3A_58, %add3A_66 : i32
    %dma_start3A_68 = arith.constant 104 : i32
    %dma_start3A_69 = arith.constant 0 : i32
    %dma_start3A_70 = tpu.memref_slice %arg9[%dma_start3A_68, %dma_start3A_69] : memref<200x64xbf16, #tpu.memory_space<vmem>> -> memref<96x64xbf16, #tpu.memory_space<vmem>>
    %dma_start3A_71 = tpu.memref_slice %arg5[%add3A_67] : memref<25600xi32, #tpu.memory_space<vmem>> -> memref<96xi32, #tpu.memory_space<vmem>>
    %dma_start3A_72 = arith.constant 0 : i32
    %dma_start3A_73 = arith.constant 0 : i32
    %dma_start3A_74 = tpu.memref_slice %arg3[%dma_start3A_72, %dma_start3A_73] : memref<50272x64xbf16, #tpu.memory_space<hbm>> -> memref<50272x64xbf16, #tpu.memory_space<hbm>>
    tpu.enqueue_indirect_dma source(%dma_start3A_74 : memref<50272x64xbf16, #tpu.memory_space<hbm>>) target(%dma_start3A_70 : memref<96x64xbf16, #tpu.memory_space<vmem>>) offsets(%dma_start3A_71 : memref<96xi32, #tpu.memory_space<vmem>>) semaphore(%arg18 : memref<!tpu.dma_semaphore, #tpu.memory_space<semaphore_mem>>)
    %multiple_of3A_75 = arith.constant 800 : i32
    %multiple_of3A_76 = tpu.assume_multiple %multiple_of3A_75, 8 : i32
    %dma_start3A_77 = arith.constant 0 : i32
    %dma_start3A_78 = arith.constant 0 : i32
    %dma_start3A_79 = tpu.memref_slice %arg10[%dma_start3A_77, %dma_start3A_78] : memref<200x64xbf16, #tpu.memory_space<vmem>> -> memref<104x64xbf16, #tpu.memory_space<vmem>>
    %dma_start3A_80 = tpu.memref_slice %arg5[%multiple_of3A_76] : memref<25600xi32, #tpu.memory_space<vmem>> -> memref<104xi32, #tpu.memory_space<vmem>>
    %dma_start3A_81 = arith.constant 0 : i32
    %dma_start3A_82 = arith.constant 0 : i32
    %dma_start3A_83 = tpu.memref_slice %arg3[%dma_start3A_81, %dma_start3A_82] : memref<50272x64xbf16, #tpu.memory_space<hbm>> -> memref<50272x64xbf16, #tpu.memory_space<hbm>>
    tpu.enqueue_indirect_dma source(%dma_start3A_83 : memref<50272x64xbf16, #tpu.memory_space<hbm>>) target(%dma_start3A_79 : memref<104x64xbf16, #tpu.memory_space<vmem>>) offsets(%dma_start3A_80 : memref<104xi32, #tpu.memory_space<vmem>>) semaphore(%arg19 : memref<!tpu.dma_semaphore, #tpu.memory_space<semaphore_mem>>)
    %add3A_84 = arith.constant 104 : i32
    %add3A_85 = arith.addi %multiple_of3A_76, %add3A_84 : i32
    %dma_start3A_86 = arith.constant 104 : i32
    %dma_start3A_87 = arith.constant 0 : i32
    %dma_start3A_88 = tpu.memref_slice %arg10[%dma_start3A_86, %dma_start3A_87] : memref<200x64xbf16, #tpu.memory_space<vmem>> -> memref<96x64xbf16, #tpu.memory_space<vmem>>
    %dma_start3A_89 = tpu.memref_slice %arg5[%add3A_85] : memref<25600xi32, #tpu.memory_space<vmem>> -> memref<96xi32, #tpu.memory_space<vmem>>
    %dma_start3A_90 = arith.constant 0 : i32
    %dma_start3A_91 = arith.constant 0 : i32
    %dma_start3A_92 = tpu.memref_slice %arg3[%dma_start3A_90, %dma_start3A_91] : memref<50272x64xbf16, #tpu.memory_space<hbm>> -> memref<50272x64xbf16, #tpu.memory_space<hbm>>
    tpu.enqueue_indirect_dma source(%dma_start3A_92 : memref<50272x64xbf16, #tpu.memory_space<hbm>>) target(%dma_start3A_88 : memref<96x64xbf16, #tpu.memory_space<vmem>>) offsets(%dma_start3A_89 : memref<96xi32, #tpu.memory_space<vmem>>) semaphore(%arg19 : memref<!tpu.dma_semaphore, #tpu.memory_space<semaphore_mem>>)
    %multiple_of3A_93 = arith.constant 1000 : i32
    %multiple_of3A_94 = tpu.assume_multiple %multiple_of3A_93, 8 : i32
    %dma_start3A_95 = arith.constant 0 : i32
    %dma_start3A_96 = arith.constant 0 : i32
    %dma_start3A_97 = tpu.memref_slice %arg11[%dma_start3A_95, %dma_start3A_96] : memref<200x64xbf16, #tpu.memory_space<vmem>> -> memref<104x64xbf16, #tpu.memory_space<vmem>>
    %dma_start3A_98 = tpu.memref_slice %arg5[%multiple_of3A_94] : memref<25600xi32, #tpu.memory_space<vmem>> -> memref<104xi32, #tpu.memory_space<vmem>>
    %dma_start3A_99 = arith.constant 0 : i32
    %dma_start3A_100 = arith.constant 0 : i32
    %dma_start3A_101 = tpu.memref_slice %arg3[%dma_start3A_99, %dma_start3A_100] : memref<50272x64xbf16, #tpu.memory_space<hbm>> -> memref<50272x64xbf16, #tpu.memory_space<hbm>>
    tpu.enqueue_indirect_dma source(%dma_start3A_101 : memref<50272x64xbf16, #tpu.memory_space<hbm>>) target(%dma_start3A_97 : memref<104x64xbf16, #tpu.memory_space<vmem>>) offsets(%dma_start3A_98 : memref<104xi32, #tpu.memory_space<vmem>>) semaphore(%arg20 : memref<!tpu.dma_semaphore, #tpu.memory_space<semaphore_mem>>)
    %add3A_102 = arith.constant 104 : i32
    %add3A_103 = arith.addi %multiple_of3A_94, %add3A_102 : i32
    %dma_start3A_104 = arith.constant 104 : i32
    %dma_start3A_105 = arith.constant 0 : i32
    %dma_start3A_106 = tpu.memref_slice %arg11[%dma_start3A_104, %dma_start3A_105] : memref<200x64xbf16, #tpu.memory_space<vmem>> -> memref<96x64xbf16, #tpu.memory_space<vmem>>
    %dma_start3A_107 = tpu.memref_slice %arg5[%add3A_103] : memref<25600xi32, #tpu.memory_space<vmem>> -> memref<96xi32, #tpu.memory_space<vmem>>
    %dma_start3A_108 = arith.constant 0 : i32
    %dma_start3A_109 = arith.constant 0 : i32
    %dma_start3A_110 = tpu.memref_slice %arg3[%dma_start3A_108, %dma_start3A_109] : memref<50272x64xbf16, #tpu.memory_space<hbm>> -> memref<50272x64xbf16, #tpu.memory_space<hbm>>
    tpu.enqueue_indirect_dma source(%dma_start3A_110 : memref<50272x64xbf16, #tpu.memory_space<hbm>>) target(%dma_start3A_106 : memref<96x64xbf16, #tpu.memory_space<vmem>>) offsets(%dma_start3A_107 : memref<96xi32, #tpu.memory_space<vmem>>) semaphore(%arg20 : memref<!tpu.dma_semaphore, #tpu.memory_space<semaphore_mem>>)
    %multiple_of3A_111 = arith.constant 1200 : i32
    %multiple_of3A_112 = tpu.assume_multiple %multiple_of3A_111, 8 : i32
    %dma_start3A_113 = arith.constant 0 : i32
    %dma_start3A_114 = arith.constant 0 : i32
    %dma_start3A_115 = tpu.memref_slice %arg12[%dma_start3A_113, %dma_start3A_114] : memref<200x64xbf16, #tpu.memory_space<vmem>> -> memref<104x64xbf16, #tpu.memory_space<vmem>>
    %dma_start3A_116 = tpu.memref_slice %arg5[%multiple_of3A_112] : memref<25600xi32, #tpu.memory_space<vmem>> -> memref<104xi32, #tpu.memory_space<vmem>>
    %dma_start3A_117 = arith.constant 0 : i32
    %dma_start3A_118 = arith.constant 0 : i32
    %dma_start3A_119 = tpu.memref_slice %arg3[%dma_start3A_117, %dma_start3A_118] : memref<50272x64xbf16, #tpu.memory_space<hbm>> -> memref<50272x64xbf16, #tpu.memory_space<hbm>>
    tpu.enqueue_indirect_dma source(%dma_start3A_119 : memref<50272x64xbf16, #tpu.memory_space<hbm>>) target(%dma_start3A_115 : memref<104x64xbf16, #tpu.memory_space<vmem>>) offsets(%dma_start3A_116 : memref<104xi32, #tpu.memory_space<vmem>>) semaphore(%arg21 : memref<!tpu.dma_semaphore, #tpu.memory_space<semaphore_mem>>)
    %add3A_120 = arith.constant 104 : i32
    %add3A_121 = arith.addi %multiple_of3A_112, %add3A_120 : i32
    %dma_start3A_122 = arith.constant 104 : i32
    %dma_start3A_123 = arith.constant 0 : i32
    %dma_start3A_124 = tpu.memref_slice %arg12[%dma_start3A_122, %dma_start3A_123] : memref<200x64xbf16, #tpu.memory_space<vmem>> -> memref<96x64xbf16, #tpu.memory_space<vmem>>
    %dma_start3A_125 = tpu.memref_slice %arg5[%add3A_121] : memref<25600xi32, #tpu.memory_space<vmem>> -> memref<96xi32, #tpu.memory_space<vmem>>
    %dma_start3A_126 = arith.constant 0 : i32
    %dma_start3A_127 = arith.constant 0 : i32
    %dma_start3A_128 = tpu.memref_slice %arg3[%dma_start3A_126, %dma_start3A_127] : memref<50272x64xbf16, #tpu.memory_space<hbm>> -> memref<50272x64xbf16, #tpu.memory_space<hbm>>
    tpu.enqueue_indirect_dma source(%dma_start3A_128 : memref<50272x64xbf16, #tpu.memory_space<hbm>>) target(%dma_start3A_124 : memref<96x64xbf16, #tpu.memory_space<vmem>>) offsets(%dma_start3A_125 : memref<96xi32, #tpu.memory_space<vmem>>) semaphore(%arg21 : memref<!tpu.dma_semaphore, #tpu.memory_space<semaphore_mem>>)
    %scan3A = arith.constant 0 : i32
    %scan3A_129 = arith.constant 5.000000e-03 : f32
    %scan3A_130 = arith.constant 0 : i32
    %scan3A_131 = arith.constant 16 : i32
    %scan3A_132 = arith.addi %scan3A_130, %scan3A_131 : i32
    %scan3A_133 = arith.constant 1 : i32
    scf.for %scan3A_262 = %scan3A_130 to %scan3A_132 step %scan3A_133  : i32 {
      %mul3A_263 = arith.constant 8 : i32
      %mul3A_264 = arith.muli %mul3A_263, %scan3A_262 : i32
      %add3A_265 = arith.constant 0 : i32
      %add3A_266 = arith.addi %mul3A_264, %add3A_265 : i32
      %add3A_267 = arith.constant 8 : i32
      %add3A_268 = arith.addi %add3A_266, %add3A_267 : i32
      %sub3A = arith.constant 1 : i32
      %sub3A_269 = arith.subi %add3A_268, %sub3A : i32
      %min3A = arith.constant 127 : i32
      %min3A_270 = arith.minsi %sub3A_269, %min3A : i32
      %mul3A_271 = arith.constant 200 : i32
      %mul3A_272 = arith.muli %min3A_270, %mul3A_271 : i32
      %multiple_of3A_273 = tpu.assume_multiple %mul3A_272, 8 : i32
      %dma_start3A_274 = arith.constant 0 : i32
      %dma_start3A_275 = arith.constant 0 : i32
      %dma_start3A_276 = tpu.memref_slice %arg13[%dma_start3A_274, %dma_start3A_275] : memref<200x64xbf16, #tpu.memory_space<vmem>> -> memref<104x64xbf16, #tpu.memory_space<vmem>>
      %dma_start3A_277 = tpu.memref_slice %arg5[%multiple_of3A_273] : memref<25600xi32, #tpu.memory_space<vmem>> -> memref<104xi32, #tpu.memory_space<vmem>>
      %dma_start3A_278 = arith.constant 0 : i32
      %dma_start3A_279 = arith.constant 0 : i32
      %dma_start3A_280 = tpu.memref_slice %arg3[%dma_start3A_278, %dma_start3A_279] : memref<50272x64xbf16, #tpu.memory_space<hbm>> -> memref<50272x64xbf16, #tpu.memory_space<hbm>>
      tpu.enqueue_indirect_dma source(%dma_start3A_280 : memref<50272x64xbf16, #tpu.memory_space<hbm>>) target(%dma_start3A_276 : memref<104x64xbf16, #tpu.memory_space<vmem>>) offsets(%dma_start3A_277 : memref<104xi32, #tpu.memory_space<vmem>>) semaphore(%arg22 : memref<!tpu.dma_semaphore, #tpu.memory_space<semaphore_mem>>)
      %add3A_281 = arith.constant 104 : i32
      %add3A_282 = arith.addi %multiple_of3A_273, %add3A_281 : i32
      %dma_start3A_283 = arith.constant 104 : i32
      %dma_start3A_284 = arith.constant 0 : i32
      %dma_start3A_285 = tpu.memref_slice %arg13[%dma_start3A_283, %dma_start3A_284] : memref<200x64xbf16, #tpu.memory_space<vmem>> -> memref<96x64xbf16, #tpu.memory_space<vmem>>
      %dma_start3A_286 = tpu.memref_slice %arg5[%add3A_282] : memref<25600xi32, #tpu.memory_space<vmem>> -> memref<96xi32, #tpu.memory_space<vmem>>
      %dma_start3A_287 = arith.constant 0 : i32
      %dma_start3A_288 = arith.constant 0 : i32
      %dma_start3A_289 = tpu.memref_slice %arg3[%dma_start3A_287, %dma_start3A_288] : memref<50272x64xbf16, #tpu.memory_space<hbm>> -> memref<50272x64xbf16, #tpu.memory_space<hbm>>
      tpu.enqueue_indirect_dma source(%dma_start3A_289 : memref<50272x64xbf16, #tpu.memory_space<hbm>>) target(%dma_start3A_285 : memref<96x64xbf16, #tpu.memory_space<vmem>>) offsets(%dma_start3A_286 : memref<96xi32, #tpu.memory_space<vmem>>) semaphore(%arg22 : memref<!tpu.dma_semaphore, #tpu.memory_space<semaphore_mem>>)
      %mul3A_290 = arith.constant 200 : i32
      %mul3A_291 = arith.muli %add3A_266, %mul3A_290 : i32
      %multiple_of3A_292 = tpu.assume_multiple %mul3A_291, 8 : i32
      %dma_wait3A_293 = arith.constant 0 : i32
      %dma_wait3A_294 = arith.constant 0 : i32
      %dma_wait3A_295 = tpu.memref_slice %arg6[%dma_wait3A_293, %dma_wait3A_294] : memref<200x64xbf16, #tpu.memory_space<vmem>> -> memref<104x64xbf16, #tpu.memory_space<vmem>>
      %dma_wait3A_296 = tpu.memref_slice %arg5[%multiple_of3A_292] : memref<25600xi32, #tpu.memory_space<vmem>> -> memref<104xi32, #tpu.memory_space<vmem>>
      %dma_wait3A_297 = arith.constant 0 : i32
      %dma_wait3A_298 = arith.constant 0 : i32
      %dma_wait3A_299 = tpu.memref_slice %arg3[%dma_wait3A_297, %dma_wait3A_298] : memref<50272x64xbf16, #tpu.memory_space<hbm>> -> memref<50272x64xbf16, #tpu.memory_space<hbm>>
      tpu.wait_indirect_dma semaphore(%arg15 : memref<!tpu.dma_semaphore, #tpu.memory_space<semaphore_mem>>) src(%dma_wait3A_299 : memref<50272x64xbf16, #tpu.memory_space<hbm>>) dst(%dma_wait3A_295 : memref<104x64xbf16, #tpu.memory_space<vmem>>)
      %add3A_300 = arith.constant 104 : i32
      %add3A_301 = arith.addi %multiple_of3A_292, %add3A_300 : i32
      %dma_wait3A_302 = arith.constant 104 : i32
      %dma_wait3A_303 = arith.constant 0 : i32
      %dma_wait3A_304 = tpu.memref_slice %arg6[%dma_wait3A_302, %dma_wait3A_303] : memref<200x64xbf16, #tpu.memory_space<vmem>> -> memref<96x64xbf16, #tpu.memory_space<vmem>>
      %dma_wait3A_305 = tpu.memref_slice %arg5[%add3A_301] : memref<25600xi32, #tpu.memory_space<vmem>> -> memref<96xi32, #tpu.memory_space<vmem>>
      %dma_wait3A_306 = arith.constant 0 : i32
      %dma_wait3A_307 = arith.constant 0 : i32
      %dma_wait3A_308 = tpu.memref_slice %arg3[%dma_wait3A_306, %dma_wait3A_307] : memref<50272x64xbf16, #tpu.memory_space<hbm>> -> memref<50272x64xbf16, #tpu.memory_space<hbm>>
      tpu.wait_indirect_dma semaphore(%arg15 : memref<!tpu.dma_semaphore, #tpu.memory_space<semaphore_mem>>) src(%dma_wait3A_308 : memref<50272x64xbf16, #tpu.memory_space<hbm>>) dst(%dma_wait3A_304 : memref<96x64xbf16, #tpu.memory_space<vmem>>)
      %broadcast_in_dim3A = arith.constant 0.000000e+00 : f32
      %broadcast_in_dim3A_309 = vector.broadcast %broadcast_in_dim3A : f32 to vector<16xf32>
      %scan3A_310 = arith.constant 0 : i32
      %scan3A_311 = arith.constant 100 : i32
      %scan3A_312 = arith.addi %scan3A_310, %scan3A_311 : i32
      %scan3A_313 = arith.constant 4 : i32
      %scan3A_314:4 = scf.for %scan3A_867 = %scan3A_310 to %scan3A_312 step %scan3A_313 iter_args(%scan3A_868 = %broadcast_in_dim3A_309, %scan3A_869 = %broadcast_in_dim3A_309, %scan3A_870 = %broadcast_in_dim3A_309, %scan3A_871 = %broadcast_in_dim3A_309) -> (vector<16xf32>, vector<16xf32>, vector<16xf32>, vector<16xf32>)  : i32 {
        %get3A = arith.index_cast %scan3A_867 : i32 to index
        %get3A_872 = arith.constant 0 : index
        %get3A_873 = tpu.vector_load %arg6[%get3A, %get3A_872] {strides = array<i32>} : memref<200x64xbf16, #tpu.memory_space<vmem>>, vector<32xbf16>,
        %add3A_874 = arith.constant 100 : i32
        %add3A_875 = arith.addi %scan3A_867, %add3A_874 : i32
        %get3A_876 = arith.index_cast %add3A_875 : i32 to index
        %get3A_877 = arith.constant 0 : index
        %get3A_878 = tpu.vector_load %arg6[%get3A_876, %get3A_877] {strides = array<i32>} : memref<200x64xbf16, #tpu.memory_space<vmem>>, vector<32xbf16>,
        %unpack3A = tpu.unpack_subelements %get3A_873, 0 {pack_format = #tpu.pack_format<interleaved>} : vector<32xbf16> -> vector<16xf32>
        %unpack3A_879 = tpu.unpack_subelements %get3A_873, 1 {pack_format = #tpu.pack_format<interleaved>} : vector<32xbf16> -> vector<16xf32>
        %unpack3A_880 = tpu.unpack_subelements %get3A_878, 0 {pack_format = #tpu.pack_format<interleaved>} : vector<32xbf16> -> vector<16xf32>
        %unpack3A_881 = tpu.unpack_subelements %get3A_878, 1 {pack_format = #tpu.pack_format<interleaved>} : vector<32xbf16> -> vector<16xf32>
        %add3A_882 = arith.addf %scan3A_868, %unpack3A : vector<16xf32>
        %add3A_883 = arith.addf %add3A_882, %unpack3A_880 : vector<16xf32>
        %add3A_884 = arith.addf %scan3A_869, %unpack3A_879 : vector<16xf32>
        %add3A_885 = arith.addf %add3A_884, %unpack3A_881 : vector<16xf32>
        %get3A_886 = arith.index_cast %scan3A_867 : i32 to index
        %get3A_887 = arith.constant 32 : index
        %get3A_888 = tpu.vector_load %arg6[%get3A_886, %get3A_887] {strides = array<i32>} : memref<200x64xbf16, #tpu.memory_space<vmem>>, vector<32xbf16>,
        %add3A_889 = arith.constant 100 : i32
        %add3A_890 = arith.addi %scan3A_867, %add3A_889 : i32
        %get3A_891 = arith.index_cast %add3A_890 : i32 to index
        %get3A_892 = arith.constant 32 : index
        %get3A_893 = tpu.vector_load %arg6[%get3A_891, %get3A_892] {strides = array<i32>} : memref<200x64xbf16, #tpu.memory_space<vmem>>, vector<32xbf16>,
        %unpack3A_894 = tpu.unpack_subelements %get3A_888, 0 {pack_format = #tpu.pack_format<interleaved>} : vector<32xbf16> -> vector<16xf32>
        %unpack3A_895 = tpu.unpack_subelements %get3A_888, 1 {pack_format = #tpu.pack_format<interleaved>} : vector<32xbf16> -> vector<16xf32>
        %unpack3A_896 = tpu.unpack_subelements %get3A_893, 0 {pack_format = #tpu.pack_format<interleaved>} : vector<32xbf16> -> vector<16xf32>
        %unpack3A_897 = tpu.unpack_subelements %get3A_893, 1 {pack_format = #tpu.pack_format<interleaved>} : vector<32xbf16> -> vector<16xf32>
        %add3A_898 = arith.addf %scan3A_870, %unpack3A_894 : vector<16xf32>
        %add3A_899 = arith.addf %add3A_898, %unpack3A_896 : vector<16xf32>
        %add3A_900 = arith.addf %scan3A_871, %unpack3A_895 : vector<16xf32>
        %add3A_901 = arith.addf %add3A_900, %unpack3A_897 : vector<16xf32>
        %scan3A_902 = arith.constant 1 : i32
        %scan3A_903 = arith.addi %scan3A_867, %scan3A_902 : i32
        %get3A_904 = arith.index_cast %scan3A_903 : i32 to index
        %get3A_905 = arith.constant 0 : index
        %get3A_906 = tpu.vector_load %arg6[%get3A_904, %get3A_905] {strides = array<i32>} : memref<200x64xbf16, #tpu.memory_space<vmem>>, vector<32xbf16>,
        %add3A_907 = arith.constant 100 : i32
        %add3A_908 = arith.addi %scan3A_903, %add3A_907 : i32
        %get3A_909 = arith.index_cast %add3A_908 : i32 to index
        %get3A_910 = arith.constant 0 : index
        %get3A_911 = tpu.vector_load %arg6[%get3A_909, %get3A_910] {strides = array<i32>} : memref<200x64xbf16, #tpu.memory_space<vmem>>, vector<32xbf16>,
        %unpack3A_912 = tpu.unpack_subelements %get3A_906, 0 {pack_format = #tpu.pack_format<interleaved>} : vector<32xbf16> -> vector<16xf32>
        %unpack3A_913 = tpu.unpack_subelements %get3A_906, 1 {pack_format = #tpu.pack_format<interleaved>} : vector<32xbf16> -> vector<16xf32>
        %unpack3A_914 = tpu.unpack_subelements %get3A_911, 0 {pack_format = #tpu.pack_format<interleaved>} : vector<32xbf16> -> vector<16xf32>
        %unpack3A_915 = tpu.unpack_subelements %get3A_911, 1 {pack_format = #tpu.pack_format<interleaved>} : vector<32xbf16> -> vector<16xf32>
        %add3A_916 = arith.addf %add3A_883, %unpack3A_912 : vector<16xf32>
        %add3A_917 = arith.addf %add3A_916, %unpack3A_914 : vector<16xf32>
        %add3A_918 = arith.addf %add3A_885, %unpack3A_913 : vector<16xf32>
        %add3A_919 = arith.addf %add3A_918, %unpack3A_915 : vector<16xf32>
        %get3A_920 = arith.index_cast %scan3A_903 : i32 to index
        %get3A_921 = arith.constant 32 : index
        %get3A_922 = tpu.vector_load %arg6[%get3A_920, %get3A_921] {strides = array<i32>} : memref<200x64xbf16, #tpu.memory_space<vmem>>, vector<32xbf16>,
        %add3A_923 = arith.constant 100 : i32
        %add3A_924 = arith.addi %scan3A_903, %add3A_923 : i32
        %get3A_925 = arith.index_cast %add3A_924 : i32 to index
        %get3A_926 = arith.constant 32 : index
        %get3A_927 = tpu.vector_load %arg6[%get3A_925, %get3A_926] {strides = array<i32>} : memref<200x64xbf16, #tpu.memory_space<vmem>>, vector<32xbf16>,
        %unpack3A_928 = tpu.unpack_subelements %get3A_922, 0 {pack_format = #tpu.pack_format<interleaved>} : vector<32xbf16> -> vector<16xf32>
        %unpack3A_929 = tpu.unpack_subelements %get3A_922, 1 {pack_format = #tpu.pack_format<interleaved>} : vector<32xbf16> -> vector<16xf32>
        %unpack3A_930 = tpu.unpack_subelements %get3A_927, 0 {pack_format = #tpu.pack_format<interleaved>} : vector<32xbf16> -> vector<16xf32>
        %unpack3A_931 = tpu.unpack_subelements %get3A_927, 1 {pack_format = #tpu.pack_format<interleaved>} : vector<32xbf16> -> vector<16xf32>
        %add3A_932 = arith.addf %add3A_899, %unpack3A_928 : vector<16xf32>
        %add3A_933 = arith.addf %add3A_932, %unpack3A_930 : vector<16xf32>
        %add3A_934 = arith.addf %add3A_901, %unpack3A_929 : vector<16xf32>
        %add3A_935 = arith.addf %add3A_934, %unpack3A_931 : vector<16xf32>
        %scan3A_936 = arith.constant 2 : i32
        %scan3A_937 = arith.addi %scan3A_867, %scan3A_936 : i32
        %get3A_938 = arith.index_cast %scan3A_937 : i32 to index
        %get3A_939 = arith.constant 0 : index
        %get3A_940 = tpu.vector_load %arg6[%get3A_938, %get3A_939] {strides = array<i32>} : memref<200x64xbf16, #tpu.memory_space<vmem>>, vector<32xbf16>,
        %add3A_941 = arith.constant 100 : i32
        %add3A_942 = arith.addi %scan3A_937, %add3A_941 : i32
        %get3A_943 = arith.index_cast %add3A_942 : i32 to index
        %get3A_944 = arith.constant 0 : index
        %get3A_945 = tpu.vector_load %arg6[%get3A_943, %get3A_944] {strides = array<i32>} : memref<200x64xbf16, #tpu.memory_space<vmem>>, vector<32xbf16>,
        %unpack3A_946 = tpu.unpack_subelements %get3A_940, 0 {pack_format = #tpu.pack_format<interleaved>} : vector<32xbf16> -> vector<16xf32>
        %unpack3A_947 = tpu.unpack_subelements %get3A_940, 1 {pack_format = #tpu.pack_format<interleaved>} : vector<32xbf16> -> vector<16xf32>
        %unpack3A_948 = tpu.unpack_subelements %get3A_945, 0 {pack_format = #tpu.pack_format<interleaved>} : vector<32xbf16> -> vector<16xf32>
        %unpack3A_949 = tpu.unpack_subelements %get3A_945, 1 {pack_format = #tpu.pack_format<interleaved>} : vector<32xbf16> -> vector<16xf32>
        %add3A_950 = arith.addf %add3A_917, %unpack3A_946 : vector<16xf32>
        %add3A_951 = arith.addf %add3A_950, %unpack3A_948 : vector<16xf32>
        %add3A_952 = arith.addf %add3A_919, %unpack3A_947 : vector<16xf32>
        %add3A_953 = arith.addf %add3A_952, %unpack3A_949 : vector<16xf32>
        %get3A_954 = arith.index_cast %scan3A_937 : i32 to index
        %get3A_955 = arith.constant 32 : index
        %get3A_956 = tpu.vector_load %arg6[%get3A_954, %get3A_955] {strides = array<i32>} : memref<200x64xbf16, #tpu.memory_space<vmem>>, vector<32xbf16>,
        %add3A_957 = arith.constant 100 : i32
        %add3A_958 = arith.addi %scan3A_937, %add3A_957 : i32
        %get3A_959 = arith.index_cast %add3A_958 : i32 to index
        %get3A_960 = arith.constant 32 : index
        %get3A_961 = tpu.vector_load %arg6[%get3A_959, %get3A_960] {strides = array<i32>} : memref<200x64xbf16, #tpu.memory_space<vmem>>, vector<32xbf16>,
        %unpack3A_962 = tpu.unpack_subelements %get3A_956, 0 {pack_format = #tpu.pack_format<interleaved>} : vector<32xbf16> -> vector<16xf32>
        %unpack3A_963 = tpu.unpack_subelements %get3A_956, 1 {pack_format = #tpu.pack_format<interleaved>} : vector<32xbf16> -> vector<16xf32>
        %unpack3A_964 = tpu.unpack_subelements %get3A_961, 0 {pack_format = #tpu.pack_format<interleaved>} : vector<32xbf16> -> vector<16xf32>
        %unpack3A_965 = tpu.unpack_subelements %get3A_961, 1 {pack_format = #tpu.pack_format<interleaved>} : vector<32xbf16> -> vector<16xf32>
        %add3A_966 = arith.addf %add3A_933, %unpack3A_962 : vector<16xf32>
        %add3A_967 = arith.addf %add3A_966, %unpack3A_964 : vector<16xf32>
        %add3A_968 = arith.addf %add3A_935, %unpack3A_963 : vector<16xf32>
        %add3A_969 = arith.addf %add3A_968, %unpack3A_965 : vector<16xf32>
        %scan3A_970 = arith.constant 3 : i32
        %scan3A_971 = arith.addi %scan3A_867, %scan3A_970 : i32
        %get3A_972 = arith.index_cast %scan3A_971 : i32 to index
        %get3A_973 = arith.constant 0 : index
        %get3A_974 = tpu.vector_load %arg6[%get3A_972, %get3A_973] {strides = array<i32>} : memref<200x64xbf16, #tpu.memory_space<vmem>>, vector<32xbf16>,
        %add3A_975 = arith.constant 100 : i32
        %add3A_976 = arith.addi %scan3A_971, %add3A_975 : i32
        %get3A_977 = arith.index_cast %add3A_976 : i32 to index
        %get3A_978 = arith.constant 0 : index
        %get3A_979 = tpu.vector_load %arg6[%get3A_977, %get3A_978] {strides = array<i32>} : memref<200x64xbf16, #tpu.memory_space<vmem>>, vector<32xbf16>,
        %unpack3A_980 = tpu.unpack_subelements %get3A_974, 0 {pack_format = #tpu.pack_format<interleaved>} : vector<32xbf16> -> vector<16xf32>
        %unpack3A_981 = tpu.unpack_subelements %get3A_974, 1 {pack_format = #tpu.pack_format<interleaved>} : vector<32xbf16> -> vector<16xf32>
        %unpack3A_982 = tpu.unpack_subelements %get3A_979, 0 {pack_format = #tpu.pack_format<interleaved>} : vector<32xbf16> -> vector<16xf32>
        %unpack3A_983 = tpu.unpack_subelements %get3A_979, 1 {pack_format = #tpu.pack_format<interleaved>} : vector<32xbf16> -> vector<16xf32>
        %add3A_984 = arith.addf %add3A_951, %unpack3A_980 : vector<16xf32>
        %add3A_985 = arith.addf %add3A_984, %unpack3A_982 : vector<16xf32>
        %add3A_986 = arith.addf %add3A_953, %unpack3A_981 : vector<16xf32>
        %add3A_987 = arith.addf %add3A_986, %unpack3A_983 : vector<16xf32>
        %get3A_988 = arith.index_cast %scan3A_971 : i32 to index
        %get3A_989 = arith.constant 32 : index
        %get3A_990 = tpu.vector_load %arg6[%get3A_988, %get3A_989] {strides = array<i32>} : memref<200x64xbf16, #tpu.memory_space<vmem>>, vector<32xbf16>,
        %add3A_991 = arith.constant 100 : i32
        %add3A_992 = arith.addi %scan3A_971, %add3A_991 : i32
        %get3A_993 = arith.index_cast %add3A_992 : i32 to index
        %get3A_994 = arith.constant 32 : index
        %get3A_995 = tpu.vector_load %arg6[%get3A_993, %get3A_994] {strides = array<i32>} : memref<200x64xbf16, #tpu.memory_space<vmem>>, vector<32xbf16>,
        %unpack3A_996 = tpu.unpack_subelements %get3A_990, 0 {pack_format = #tpu.pack_format<interleaved>} : vector<32xbf16> -> vector<16xf32>
        %unpack3A_997 = tpu.unpack_subelements %get3A_990, 1 {pack_format = #tpu.pack_format<interleaved>} : vector<32xbf16> -> vector<16xf32>
        %unpack3A_998 = tpu.unpack_subelements %get3A_995, 0 {pack_format = #tpu.pack_format<interleaved>} : vector<32xbf16> -> vector<16xf32>
        %unpack3A_999 = tpu.unpack_subelements %get3A_995, 1 {pack_format = #tpu.pack_format<interleaved>} : vector<32xbf16> -> vector<16xf32>
        %add3A_1000 = arith.addf %add3A_967, %unpack3A_996 : vector<16xf32>
        %add3A_1001 = arith.addf %add3A_1000, %unpack3A_998 : vector<16xf32>
        %add3A_1002 = arith.addf %add3A_969, %unpack3A_997 : vector<16xf32>
        %add3A_1003 = arith.addf %add3A_1002, %unpack3A_999 : vector<16xf32>
        scf.yield %add3A_985, %add3A_987, %add3A_1001, %add3A_1003 : vector<16xf32>, vector<16xf32>, vector<16xf32>, vector<16xf32>
      }
      %scan3A_315 = arith.constant 100 : i32
      %mul3A_316 = vector.broadcast %scan3A_129 : f32 to vector<16xf32>
      %mul3A_317 = arith.mulf %scan3A_314#0, %mul3A_316 : vector<16xf32>
      %swap3A = arith.index_cast %add3A_266 : i32 to index
      %swap3A_318 = arith.constant 0 : index
      %swap3A_319 = tpu.vector_load %arg14[%swap3A, %swap3A_318] {strides = array<i32>} : memref<128x64xf32, #tpu.memory_space<vmem>>, vector<16xf32>,
      tpu.vector_store %arg14[%swap3A, %swap3A_318], %mul3A_317 {strides = array<i32>} : memref<128x64xf32, #tpu.memory_space<vmem>>, vector<16xf32>,
      %mul3A_320 = vector.broadcast %scan3A_129 : f32 to vector<16xf32>
      %mul3A_321 = arith.mulf %scan3A_314#1, %mul3A_320 : vector<16xf32>
      %swap3A_322 = arith.index_cast %add3A_266 : i32 to index
      %swap3A_323 = arith.constant 16 : index
      %swap3A_324 = tpu.vector_load %arg14[%swap3A_322, %swap3A_323] {strides = array<i32>} : memref<128x64xf32, #tpu.memory_space<vmem>>, vector<16xf32>,
      tpu.vector_store %arg14[%swap3A_322, %swap3A_323], %mul3A_321 {strides = array<i32>} : memref<128x64xf32, #tpu.memory_space<vmem>>, vector<16xf32>,
      %mul3A_325 = vector.broadcast %scan3A_129 : f32 to vector<16xf32>
      %mul3A_326 = arith.mulf %scan3A_314#2, %mul3A_325 : vector<16xf32>
      %swap3A_327 = arith.index_cast %add3A_266 : i32 to index
      %swap3A_328 = arith.constant 32 : index
      %swap3A_329 = tpu.vector_load %arg14[%swap3A_327, %swap3A_328] {strides = array<i32>} : memref<128x64xf32, #tpu.memory_space<vmem>>, vector<16xf32>,
      tpu.vector_store %arg14[%swap3A_327, %swap3A_328], %mul3A_326 {strides = array<i32>} : memref<128x64xf32, #tpu.memory_space<vmem>>, vector<16xf32>,
      %mul3A_330 = vector.broadcast %scan3A_129 : f32 to vector<16xf32>
      %mul3A_331 = arith.mulf %scan3A_314#3, %mul3A_330 : vector<16xf32>
      %swap3A_332 = arith.index_cast %add3A_266 : i32 to index
      %swap3A_333 = arith.constant 48 : index
      %swap3A_334 = tpu.vector_load %arg14[%swap3A_332, %swap3A_333] {strides = array<i32>} : memref<128x64xf32, #tpu.memory_space<vmem>>, vector<16xf32>,
      tpu.vector_store %arg14[%swap3A_332, %swap3A_333], %mul3A_331 {strides = array<i32>} : memref<128x64xf32, #tpu.memory_space<vmem>>, vector<16xf32>,
      %mul3A_335 = arith.constant 8 : i32
      %mul3A_336 = arith.muli %mul3A_335, %scan3A_262 : i32
      %add3A_337 = arith.constant 1 : i32
      %add3A_338 = arith.addi %mul3A_336, %add3A_337 : i32
      %add3A_339 = arith.constant 8 : i32
      %add3A_340 = arith.addi %add3A_338, %add3A_339 : i32
      %sub3A_341 = arith.constant 1 : i32
      %sub3A_342 = arith.subi %add3A_340, %sub3A_341 : i32
      %min3A_343 = arith.constant 127 : i32
      %min3A_344 = arith.minsi %sub3A_342, %min3A_343 : i32
      %mul3A_345 = arith.constant 200 : i32
      %mul3A_346 = arith.muli %min3A_344, %mul3A_345 : i32
      %multiple_of3A_347 = tpu.assume_multiple %mul3A_346, 8 : i32
      %dma_start3A_348 = arith.constant 0 : i32
      %dma_start3A_349 = arith.constant 0 : i32
      %dma_start3A_350 = tpu.memref_slice %arg6[%dma_start3A_348, %dma_start3A_349] : memref<200x64xbf16, #tpu.memory_space<vmem>> -> memref<104x64xbf16, #tpu.memory_space<vmem>>
      %dma_start3A_351 = tpu.memref_slice %arg5[%multiple_of3A_347] : memref<25600xi32, #tpu.memory_space<vmem>> -> memref<104xi32, #tpu.memory_space<vmem>>
      %dma_start3A_352 = arith.constant 0 : i32
      %dma_start3A_353 = arith.constant 0 : i32
      %dma_start3A_354 = tpu.memref_slice %arg3[%dma_start3A_352, %dma_start3A_353] : memref<50272x64xbf16, #tpu.memory_space<hbm>> -> memref<50272x64xbf16, #tpu.memory_space<hbm>>
      tpu.enqueue_indirect_dma source(%dma_start3A_354 : memref<50272x64xbf16, #tpu.memory_space<hbm>>) target(%dma_start3A_350 : memref<104x64xbf16, #tpu.memory_space<vmem>>) offsets(%dma_start3A_351 : memref<104xi32, #tpu.memory_space<vmem>>) semaphore(%arg15 : memref<!tpu.dma_semaphore, #tpu.memory_space<semaphore_mem>>)
      %add3A_355 = arith.constant 104 : i32
      %add3A_356 = arith.addi %multiple_of3A_347, %add3A_355 : i32
      %dma_start3A_357 = arith.constant 104 : i32
      %dma_start3A_358 = arith.constant 0 : i32
      %dma_start3A_359 = tpu.memref_slice %arg6[%dma_start3A_357, %dma_start3A_358] : memref<200x64xbf16, #tpu.memory_space<vmem>> -> memref<96x64xbf16, #tpu.memory_space<vmem>>
      %dma_start3A_360 = tpu.memref_slice %arg5[%add3A_356] : memref<25600xi32, #tpu.memory_space<vmem>> -> memref<96xi32, #tpu.memory_space<vmem>>
      %dma_start3A_361 = arith.constant 0 : i32
      %dma_start3A_362 = arith.constant 0 : i32
      %dma_start3A_363 = tpu.memref_slice %arg3[%dma_start3A_361, %dma_start3A_362] : memref<50272x64xbf16, #tpu.memory_space<hbm>> -> memref<50272x64xbf16, #tpu.memory_space<hbm>>
      tpu.enqueue_indirect_dma source(%dma_start3A_363 : memref<50272x64xbf16, #tpu.memory_space<hbm>>) target(%dma_start3A_359 : memref<96x64xbf16, #tpu.memory_space<vmem>>) offsets(%dma_start3A_360 : memref<96xi32, #tpu.memory_space<vmem>>) semaphore(%arg15 : memref<!tpu.dma_semaphore, #tpu.memory_space<semaphore_mem>>)
      %mul3A_364 = arith.constant 200 : i32
      %mul3A_365 = arith.muli %add3A_338, %mul3A_364 : i32
      %multiple_of3A_366 = tpu.assume_multiple %mul3A_365, 8 : i32
      %dma_wait3A_367 = arith.constant 0 : i32
      %dma_wait3A_368 = arith.constant 0 : i32
      %dma_wait3A_369 = tpu.memref_slice %arg7[%dma_wait3A_367, %dma_wait3A_368] : memref<200x64xbf16, #tpu.memory_space<vmem>> -> memref<104x64xbf16, #tpu.memory_space<vmem>>
      %dma_wait3A_370 = tpu.memref_slice %arg5[%multiple_of3A_366] : memref<25600xi32, #tpu.memory_space<vmem>> -> memref<104xi32, #tpu.memory_space<vmem>>
      %dma_wait3A_371 = arith.constant 0 : i32
      %dma_wait3A_372 = arith.constant 0 : i32
      %dma_wait3A_373 = tpu.memref_slice %arg3[%dma_wait3A_371, %dma_wait3A_372] : memref<50272x64xbf16, #tpu.memory_space<hbm>> -> memref<50272x64xbf16, #tpu.memory_space<hbm>>
      tpu.wait_indirect_dma semaphore(%arg16 : memref<!tpu.dma_semaphore, #tpu.memory_space<semaphore_mem>>) src(%dma_wait3A_373 : memref<50272x64xbf16, #tpu.memory_space<hbm>>) dst(%dma_wait3A_369 : memref<104x64xbf16, #tpu.memory_space<vmem>>)
      %add3A_374 = arith.constant 104 : i32
      %add3A_375 = arith.addi %multiple_of3A_366, %add3A_374 : i32
      %dma_wait3A_376 = arith.constant 104 : i32
      %dma_wait3A_377 = arith.constant 0 : i32
      %dma_wait3A_378 = tpu.memref_slice %arg7[%dma_wait3A_376, %dma_wait3A_377] : memref<200x64xbf16, #tpu.memory_space<vmem>> -> memref<96x64xbf16, #tpu.memory_space<vmem>>
      %dma_wait3A_379 = tpu.memref_slice %arg5[%add3A_375] : memref<25600xi32, #tpu.memory_space<vmem>> -> memref<96xi32, #tpu.memory_space<vmem>>
      %dma_wait3A_380 = arith.constant 0 : i32
      %dma_wait3A_381 = arith.constant 0 : i32
      %dma_wait3A_382 = tpu.memref_slice %arg3[%dma_wait3A_380, %dma_wait3A_381] : memref<50272x64xbf16, #tpu.memory_space<hbm>> -> memref<50272x64xbf16, #tpu.memory_space<hbm>>
      tpu.wait_indirect_dma semaphore(%arg16 : memref<!tpu.dma_semaphore, #tpu.memory_space<semaphore_mem>>) src(%dma_wait3A_382 : memref<50272x64xbf16, #tpu.memory_space<hbm>>) dst(%dma_wait3A_378 : memref<96x64xbf16, #tpu.memory_space<vmem>>)
      %broadcast_in_dim3A_383 = arith.constant 0.000000e+00 : f32
      %broadcast_in_dim3A_384 = vector.broadcast %broadcast_in_dim3A_383 : f32 to vector<16xf32>
      %scan3A_385 = arith.constant 0 : i32
      %scan3A_386 = arith.constant 100 : i32
      %scan3A_387 = arith.addi %scan3A_385, %scan3A_386 : i32
      %scan3A_388 = arith.constant 4 : i32
      %scan3A_389:4 = scf.for %scan3A_867 = %scan3A_385 to %scan3A_387 step %scan3A_388 iter_args(%scan3A_868 = %broadcast_in_dim3A_384, %scan3A_869 = %broadcast_in_dim3A_384, %scan3A_870 = %broadcast_in_dim3A_384, %scan3A_871 = %broadcast_in_dim3A_384) -> (vector<16xf32>, vector<16xf32>, vector<16xf32>, vector<16xf32>)  : i32 {
        %get3A = arith.index_cast %scan3A_867 : i32 to index
        %get3A_872 = arith.constant 0 : index
        %get3A_873 = tpu.vector_load %arg7[%get3A, %get3A_872] {strides = array<i32>} : memref<200x64xbf16, #tpu.memory_space<vmem>>, vector<32xbf16>,
        %add3A_874 = arith.constant 100 : i32
        %add3A_875 = arith.addi %scan3A_867, %add3A_874 : i32
        %get3A_876 = arith.index_cast %add3A_875 : i32 to index
        %get3A_877 = arith.constant 0 : index
        %get3A_878 = tpu.vector_load %arg7[%get3A_876, %get3A_877] {strides = array<i32>} : memref<200x64xbf16, #tpu.memory_space<vmem>>, vector<32xbf16>,
        %unpack3A = tpu.unpack_subelements %get3A_873, 0 {pack_format = #tpu.pack_format<interleaved>} : vector<32xbf16> -> vector<16xf32>
        %unpack3A_879 = tpu.unpack_subelements %get3A_873, 1 {pack_format = #tpu.pack_format<interleaved>} : vector<32xbf16> -> vector<16xf32>
        %unpack3A_880 = tpu.unpack_subelements %get3A_878, 0 {pack_format = #tpu.pack_format<interleaved>} : vector<32xbf16> -> vector<16xf32>
        %unpack3A_881 = tpu.unpack_subelements %get3A_878, 1 {pack_format = #tpu.pack_format<interleaved>} : vector<32xbf16> -> vector<16xf32>
        %add3A_882 = arith.addf %scan3A_868, %unpack3A : vector<16xf32>
        %add3A_883 = arith.addf %add3A_882, %unpack3A_880 : vector<16xf32>
        %add3A_884 = arith.addf %scan3A_869, %unpack3A_879 : vector<16xf32>
        %add3A_885 = arith.addf %add3A_884, %unpack3A_881 : vector<16xf32>
        %get3A_886 = arith.index_cast %scan3A_867 : i32 to index
        %get3A_887 = arith.constant 32 : index
        %get3A_888 = tpu.vector_load %arg7[%get3A_886, %get3A_887] {strides = array<i32>} : memref<200x64xbf16, #tpu.memory_space<vmem>>, vector<32xbf16>,
        %add3A_889 = arith.constant 100 : i32
        %add3A_890 = arith.addi %scan3A_867, %add3A_889 : i32
        %get3A_891 = arith.index_cast %add3A_890 : i32 to index
        %get3A_892 = arith.constant 32 : index
        %get3A_893 = tpu.vector_load %arg7[%get3A_891, %get3A_892] {strides = array<i32>} : memref<200x64xbf16, #tpu.memory_space<vmem>>, vector<32xbf16>,
        %unpack3A_894 = tpu.unpack_subelements %get3A_888, 0 {pack_format = #tpu.pack_format<interleaved>} : vector<32xbf16> -> vector<16xf32>
        %unpack3A_895 = tpu.unpack_subelements %get3A_888, 1 {pack_format = #tpu.pack_format<interleaved>} : vector<32xbf16> -> vector<16xf32>
        %unpack3A_896 = tpu.unpack_subelements %get3A_893, 0 {pack_format = #tpu.pack_format<interleaved>} : vector<32xbf16> -> vector<16xf32>
        %unpack3A_897 = tpu.unpack_subelements %get3A_893, 1 {pack_format = #tpu.pack_format<interleaved>} : vector<32xbf16> -> vector<16xf32>
        %add3A_898 = arith.addf %scan3A_870, %unpack3A_894 : vector<16xf32>
        %add3A_899 = arith.addf %add3A_898, %unpack3A_896 : vector<16xf32>
        %add3A_900 = arith.addf %scan3A_871, %unpack3A_895 : vector<16xf32>
        %add3A_901 = arith.addf %add3A_900, %unpack3A_897 : vector<16xf32>
        %scan3A_902 = arith.constant 1 : i32
        %scan3A_903 = arith.addi %scan3A_867, %scan3A_902 : i32
        %get3A_904 = arith.index_cast %scan3A_903 : i32 to index
        %get3A_905 = arith.constant 0 : index
        %get3A_906 = tpu.vector_load %arg7[%get3A_904, %get3A_905] {strides = array<i32>} : memref<200x64xbf16, #tpu.memory_space<vmem>>, vector<32xbf16>,
        %add3A_907 = arith.constant 100 : i32
        %add3A_908 = arith.addi %scan3A_903, %add3A_907 : i32
        %get3A_909 = arith.index_cast %add3A_908 : i32 to index
        %get3A_910 = arith.constant 0 : index
        %get3A_911 = tpu.vector_load %arg7[%get3A_909, %get3A_910] {strides = array<i32>} : memref<200x64xbf16, #tpu.memory_space<vmem>>, vector<32xbf16>,
        %unpack3A_912 = tpu.unpack_subelements %get3A_906, 0 {pack_format = #tpu.pack_format<interleaved>} : vector<32xbf16> -> vector<16xf32>
        %unpack3A_913 = tpu.unpack_subelements %get3A_906, 1 {pack_format = #tpu.pack_format<interleaved>} : vector<32xbf16> -> vector<16xf32>
        %unpack3A_914 = tpu.unpack_subelements %get3A_911, 0 {pack_format = #tpu.pack_format<interleaved>} : vector<32xbf16> -> vector<16xf32>
        %unpack3A_915 = tpu.unpack_subelements %get3A_911, 1 {pack_format = #tpu.pack_format<interleaved>} : vector<32xbf16> -> vector<16xf32>
        %add3A_916 = arith.addf %add3A_883, %unpack3A_912 : vector<16xf32>
        %add3A_917 = arith.addf %add3A_916, %unpack3A_914 : vector<16xf32>
        %add3A_918 = arith.addf %add3A_885, %unpack3A_913 : vector<16xf32>
        %add3A_919 = arith.addf %add3A_918, %unpack3A_915 : vector<16xf32>
        %get3A_920 = arith.index_cast %scan3A_903 : i32 to index
        %get3A_921 = arith.constant 32 : index
        %get3A_922 = tpu.vector_load %arg7[%get3A_920, %get3A_921] {strides = array<i32>} : memref<200x64xbf16, #tpu.memory_space<vmem>>, vector<32xbf16>,
        %add3A_923 = arith.constant 100 : i32
        %add3A_924 = arith.addi %scan3A_903, %add3A_923 : i32
        %get3A_925 = arith.index_cast %add3A_924 : i32 to index
        %get3A_926 = arith.constant 32 : index
        %get3A_927 = tpu.vector_load %arg7[%get3A_925, %get3A_926] {strides = array<i32>} : memref<200x64xbf16, #tpu.memory_space<vmem>>, vector<32xbf16>,
        %unpack3A_928 = tpu.unpack_subelements %get3A_922, 0 {pack_format = #tpu.pack_format<interleaved>} : vector<32xbf16> -> vector<16xf32>
        %unpack3A_929 = tpu.unpack_subelements %get3A_922, 1 {pack_format = #tpu.pack_format<interleaved>} : vector<32xbf16> -> vector<16xf32>
        %unpack3A_930 = tpu.unpack_subelements %get3A_927, 0 {pack_format = #tpu.pack_format<interleaved>} : vector<32xbf16> -> vector<16xf32>
        %unpack3A_931 = tpu.unpack_subelements %get3A_927, 1 {pack_format = #tpu.pack_format<interleaved>} : vector<32xbf16> -> vector<16xf32>
        %add3A_932 = arith.addf %add3A_899, %unpack3A_928 : vector<16xf32>
        %add3A_933 = arith.addf %add3A_932, %unpack3A_930 : vector<16xf32>
        %add3A_934 = arith.addf %add3A_901, %unpack3A_929 : vector<16xf32>
        %add3A_935 = arith.addf %add3A_934, %unpack3A_931 : vector<16xf32>
        %scan3A_936 = arith.constant 2 : i32
        %scan3A_937 = arith.addi %scan3A_867, %scan3A_936 : i32
        %get3A_938 = arith.index_cast %scan3A_937 : i32 to index
        %get3A_939 = arith.constant 0 : index
        %get3A_940 = tpu.vector_load %arg7[%get3A_938, %get3A_939] {strides = array<i32>} : memref<200x64xbf16, #tpu.memory_space<vmem>>, vector<32xbf16>,
        %add3A_941 = arith.constant 100 : i32
        %add3A_942 = arith.addi %scan3A_937, %add3A_941 : i32
        %get3A_943 = arith.index_cast %add3A_942 : i32 to index
        %get3A_944 = arith.constant 0 : index
        %get3A_945 = tpu.vector_load %arg7[%get3A_943, %get3A_944] {strides = array<i32>} : memref<200x64xbf16, #tpu.memory_space<vmem>>, vector<32xbf16>,
        %unpack3A_946 = tpu.unpack_subelements %get3A_940, 0 {pack_format = #tpu.pack_format<interleaved>} : vector<32xbf16> -> vector<16xf32>
        %unpack3A_947 = tpu.unpack_subelements %get3A_940, 1 {pack_format = #tpu.pack_format<interleaved>} : vector<32xbf16> -> vector<16xf32>
        %unpack3A_948 = tpu.unpack_subelements %get3A_945, 0 {pack_format = #tpu.pack_format<interleaved>} : vector<32xbf16> -> vector<16xf32>
        %unpack3A_949 = tpu.unpack_subelements %get3A_945, 1 {pack_format = #tpu.pack_format<interleaved>} : vector<32xbf16> -> vector<16xf32>
        %add3A_950 = arith.addf %add3A_917, %unpack3A_946 : vector<16xf32>
        %add3A_951 = arith.addf %add3A_950, %unpack3A_948 : vector<16xf32>
        %add3A_952 = arith.addf %add3A_919, %unpack3A_947 : vector<16xf32>
        %add3A_953 = arith.addf %add3A_952, %unpack3A_949 : vector<16xf32>
        %get3A_954 = arith.index_cast %scan3A_937 : i32 to index
        %get3A_955 = arith.constant 32 : index
        %get3A_956 = tpu.vector_load %arg7[%get3A_954, %get3A_955] {strides = array<i32>} : memref<200x64xbf16, #tpu.memory_space<vmem>>, vector<32xbf16>,
        %add3A_957 = arith.constant 100 : i32
        %add3A_958 = arith.addi %scan3A_937, %add3A_957 : i32
        %get3A_959 = arith.index_cast %add3A_958 : i32 to index
        %get3A_960 = arith.constant 32 : index
        %get3A_961 = tpu.vector_load %arg7[%get3A_959, %get3A_960] {strides = array<i32>} : memref<200x64xbf16, #tpu.memory_space<vmem>>, vector<32xbf16>,
        %unpack3A_962 = tpu.unpack_subelements %get3A_956, 0 {pack_format = #tpu.pack_format<interleaved>} : vector<32xbf16> -> vector<16xf32>
        %unpack3A_963 = tpu.unpack_subelements %get3A_956, 1 {pack_format = #tpu.pack_format<interleaved>} : vector<32xbf16> -> vector<16xf32>
        %unpack3A_964 = tpu.unpack_subelements %get3A_961, 0 {pack_format = #tpu.pack_format<interleaved>} : vector<32xbf16> -> vector<16xf32>
        %unpack3A_965 = tpu.unpack_subelements %get3A_961, 1 {pack_format = #tpu.pack_format<interleaved>} : vector<32xbf16> -> vector<16xf32>
        %add3A_966 = arith.addf %add3A_933, %unpack3A_962 : vector<16xf32>
        %add3A_967 = arith.addf %add3A_966, %unpack3A_964 : vector<16xf32>
        %add3A_968 = arith.addf %add3A_935, %unpack3A_963 : vector<16xf32>
        %add3A_969 = arith.addf %add3A_968, %unpack3A_965 : vector<16xf32>
        %scan3A_970 = arith.constant 3 : i32
        %scan3A_971 = arith.addi %scan3A_867, %scan3A_970 : i32
        %get3A_972 = arith.index_cast %scan3A_971 : i32 to index
        %get3A_973 = arith.constant 0 : index
        %get3A_974 = tpu.vector_load %arg7[%get3A_972, %get3A_973] {strides = array<i32>} : memref<200x64xbf16, #tpu.memory_space<vmem>>, vector<32xbf16>,
        %add3A_975 = arith.constant 100 : i32
        %add3A_976 = arith.addi %scan3A_971, %add3A_975 : i32
        %get3A_977 = arith.index_cast %add3A_976 : i32 to index
        %get3A_978 = arith.constant 0 : index
        %get3A_979 = tpu.vector_load %arg7[%get3A_977, %get3A_978] {strides = array<i32>} : memref<200x64xbf16, #tpu.memory_space<vmem>>, vector<32xbf16>,
        %unpack3A_980 = tpu.unpack_subelements %get3A_974, 0 {pack_format = #tpu.pack_format<interleaved>} : vector<32xbf16> -> vector<16xf32>
        %unpack3A_981 = tpu.unpack_subelements %get3A_974, 1 {pack_format = #tpu.pack_format<interleaved>} : vector<32xbf16> -> vector<16xf32>
        %unpack3A_982 = tpu.unpack_subelements %get3A_979, 0 {pack_format = #tpu.pack_format<interleaved>} : vector<32xbf16> -> vector<16xf32>
        %unpack3A_983 = tpu.unpack_subelements %get3A_979, 1 {pack_format = #tpu.pack_format<interleaved>} : vector<32xbf16> -> vector<16xf32>
        %add3A_984 = arith.addf %add3A_951, %unpack3A_980 : vector<16xf32>
        %add3A_985 = arith.addf %add3A_984, %unpack3A_982 : vector<16xf32>
        %add3A_986 = arith.addf %add3A_953, %unpack3A_981 : vector<16xf32>
        %add3A_987 = arith.addf %add3A_986, %unpack3A_983 : vector<16xf32>
        %get3A_988 = arith.index_cast %scan3A_971 : i32 to index
        %get3A_989 = arith.constant 32 : index
        %get3A_990 = tpu.vector_load %arg7[%get3A_988, %get3A_989] {strides = array<i32>} : memref<200x64xbf16, #tpu.memory_space<vmem>>, vector<32xbf16>,
        %add3A_991 = arith.constant 100 : i32
        %add3A_992 = arith.addi %scan3A_971, %add3A_991 : i32
        %get3A_993 = arith.index_cast %add3A_992 : i32 to index
        %get3A_994 = arith.constant 32 : index
        %get3A_995 = tpu.vector_load %arg7[%get3A_993, %get3A_994] {strides = array<i32>} : memref<200x64xbf16, #tpu.memory_space<vmem>>, vector<32xbf16>,
        %unpack3A_996 = tpu.unpack_subelements %get3A_990, 0 {pack_format = #tpu.pack_format<interleaved>} : vector<32xbf16> -> vector<16xf32>
        %unpack3A_997 = tpu.unpack_subelements %get3A_990, 1 {pack_format = #tpu.pack_format<interleaved>} : vector<32xbf16> -> vector<16xf32>
        %unpack3A_998 = tpu.unpack_subelements %get3A_995, 0 {pack_format = #tpu.pack_format<interleaved>} : vector<32xbf16> -> vector<16xf32>
        %unpack3A_999 = tpu.unpack_subelements %get3A_995, 1 {pack_format = #tpu.pack_format<interleaved>} : vector<32xbf16> -> vector<16xf32>
        %add3A_1000 = arith.addf %add3A_967, %unpack3A_996 : vector<16xf32>
        %add3A_1001 = arith.addf %add3A_1000, %unpack3A_998 : vector<16xf32>
        %add3A_1002 = arith.addf %add3A_969, %unpack3A_997 : vector<16xf32>
        %add3A_1003 = arith.addf %add3A_1002, %unpack3A_999 : vector<16xf32>
        scf.yield %add3A_985, %add3A_987, %add3A_1001, %add3A_1003 : vector<16xf32>, vector<16xf32>, vector<16xf32>, vector<16xf32>
      }
      %scan3A_390 = arith.constant 100 : i32
      %mul3A_391 = vector.broadcast %scan3A_129 : f32 to vector<16xf32>
      %mul3A_392 = arith.mulf %scan3A_389#0, %mul3A_391 : vector<16xf32>
      %swap3A_393 = arith.index_cast %add3A_338 : i32 to index
      %swap3A_394 = arith.constant 0 : index
      %swap3A_395 = tpu.vector_load %arg14[%swap3A_393, %swap3A_394] {strides = array<i32>} : memref<128x64xf32, #tpu.memory_space<vmem>>, vector<16xf32>,
      tpu.vector_store %arg14[%swap3A_393, %swap3A_394], %mul3A_392 {strides = array<i32>} : memref<128x64xf32, #tpu.memory_space<vmem>>, vector<16xf32>,
      %mul3A_396 = vector.broadcast %scan3A_129 : f32 to vector<16xf32>
      %mul3A_397 = arith.mulf %scan3A_389#1, %mul3A_396 : vector<16xf32>
      %swap3A_398 = arith.index_cast %add3A_338 : i32 to index
      %swap3A_399 = arith.constant 16 : index
      %swap3A_400 = tpu.vector_load %arg14[%swap3A_398, %swap3A_399] {strides = array<i32>} : memref<128x64xf32, #tpu.memory_space<vmem>>, vector<16xf32>,
      tpu.vector_store %arg14[%swap3A_398, %swap3A_399], %mul3A_397 {strides = array<i32>} : memref<128x64xf32, #tpu.memory_space<vmem>>, vector<16xf32>,
      %mul3A_401 = vector.broadcast %scan3A_129 : f32 to vector<16xf32>
      %mul3A_402 = arith.mulf %scan3A_389#2, %mul3A_401 : vector<16xf32>
      %swap3A_403 = arith.index_cast %add3A_338 : i32 to index
      %swap3A_404 = arith.constant 32 : index
      %swap3A_405 = tpu.vector_load %arg14[%swap3A_403, %swap3A_404] {strides = array<i32>} : memref<128x64xf32, #tpu.memory_space<vmem>>, vector<16xf32>,
      tpu.vector_store %arg14[%swap3A_403, %swap3A_404], %mul3A_402 {strides = array<i32>} : memref<128x64xf32, #tpu.memory_space<vmem>>, vector<16xf32>,
      %mul3A_406 = vector.broadcast %scan3A_129 : f32 to vector<16xf32>
      %mul3A_407 = arith.mulf %scan3A_389#3, %mul3A_406 : vector<16xf32>
      %swap3A_408 = arith.index_cast %add3A_338 : i32 to index
      %swap3A_409 = arith.constant 48 : index
      %swap3A_410 = tpu.vector_load %arg14[%swap3A_408, %swap3A_409] {strides = array<i32>} : memref<128x64xf32, #tpu.memory_space<vmem>>, vector<16xf32>,
      tpu.vector_store %arg14[%swap3A_408, %swap3A_409], %mul3A_407 {strides = array<i32>} : memref<128x64xf32, #tpu.memory_space<vmem>>, vector<16xf32>,
      %mul3A_411 = arith.constant 8 : i32
      %mul3A_412 = arith.muli %mul3A_411, %scan3A_262 : i32
      %add3A_413 = arith.constant 2 : i32
      %add3A_414 = arith.addi %mul3A_412, %add3A_413 : i32
      %add3A_415 = arith.constant 8 : i32
      %add3A_416 = arith.addi %add3A_414, %add3A_415 : i32
      %sub3A_417 = arith.constant 1 : i32
      %sub3A_418 = arith.subi %add3A_416, %sub3A_417 : i32
      %min3A_419 = arith.constant 127 : i32
      %min3A_420 = arith.minsi %sub3A_418, %min3A_419 : i32
      %mul3A_421 = arith.constant 200 : i32
      %mul3A_422 = arith.muli %min3A_420, %mul3A_421 : i32
      %multiple_of3A_423 = tpu.assume_multiple %mul3A_422, 8 : i32
      %dma_start3A_424 = arith.constant 0 : i32
      %dma_start3A_425 = arith.constant 0 : i32
      %dma_start3A_426 = tpu.memref_slice %arg7[%dma_start3A_424, %dma_start3A_425] : memref<200x64xbf16, #tpu.memory_space<vmem>> -> memref<104x64xbf16, #tpu.memory_space<vmem>>
      %dma_start3A_427 = tpu.memref_slice %arg5[%multiple_of3A_423] : memref<25600xi32, #tpu.memory_space<vmem>> -> memref<104xi32, #tpu.memory_space<vmem>>
      %dma_start3A_428 = arith.constant 0 : i32
      %dma_start3A_429 = arith.constant 0 : i32
      %dma_start3A_430 = tpu.memref_slice %arg3[%dma_start3A_428, %dma_start3A_429] : memref<50272x64xbf16, #tpu.memory_space<hbm>> -> memref<50272x64xbf16, #tpu.memory_space<hbm>>
      tpu.enqueue_indirect_dma source(%dma_start3A_430 : memref<50272x64xbf16, #tpu.memory_space<hbm>>) target(%dma_start3A_426 : memref<104x64xbf16, #tpu.memory_space<vmem>>) offsets(%dma_start3A_427 : memref<104xi32, #tpu.memory_space<vmem>>) semaphore(%arg16 : memref<!tpu.dma_semaphore, #tpu.memory_space<semaphore_mem>>)
      %add3A_431 = arith.constant 104 : i32
      %add3A_432 = arith.addi %multiple_of3A_423, %add3A_431 : i32
      %dma_start3A_433 = arith.constant 104 : i32
      %dma_start3A_434 = arith.constant 0 : i32
      %dma_start3A_435 = tpu.memref_slice %arg7[%dma_start3A_433, %dma_start3A_434] : memref<200x64xbf16, #tpu.memory_space<vmem>> -> memref<96x64xbf16, #tpu.memory_space<vmem>>
      %dma_start3A_436 = tpu.memref_slice %arg5[%add3A_432] : memref<25600xi32, #tpu.memory_space<vmem>> -> memref<96xi32, #tpu.memory_space<vmem>>
      %dma_start3A_437 = arith.constant 0 : i32
      %dma_start3A_438 = arith.constant 0 : i32
      %dma_start3A_439 = tpu.memref_slice %arg3[%dma_start3A_437, %dma_start3A_438] : memref<50272x64xbf16, #tpu.memory_space<hbm>> -> memref<50272x64xbf16, #tpu.memory_space<hbm>>
      tpu.enqueue_indirect_dma source(%dma_start3A_439 : memref<50272x64xbf16, #tpu.memory_space<hbm>>) target(%dma_start3A_435 : memref<96x64xbf16, #tpu.memory_space<vmem>>) offsets(%dma_start3A_436 : memref<96xi32, #tpu.memory_space<vmem>>) semaphore(%arg16 : memref<!tpu.dma_semaphore, #tpu.memory_space<semaphore_mem>>)
      %mul3A_440 = arith.constant 200 : i32
      %mul3A_441 = arith.muli %add3A_414, %mul3A_440 : i32
      %multiple_of3A_442 = tpu.assume_multiple %mul3A_441, 8 : i32
      %dma_wait3A_443 = arith.constant 0 : i32
      %dma_wait3A_444 = arith.constant 0 : i32
      %dma_wait3A_445 = tpu.memref_slice %arg8[%dma_wait3A_443, %dma_wait3A_444] : memref<200x64xbf16, #tpu.memory_space<vmem>> -> memref<104x64xbf16, #tpu.memory_space<vmem>>
      %dma_wait3A_446 = tpu.memref_slice %arg5[%multiple_of3A_442] : memref<25600xi32, #tpu.memory_space<vmem>> -> memref<104xi32, #tpu.memory_space<vmem>>
      %dma_wait3A_447 = arith.constant 0 : i32
      %dma_wait3A_448 = arith.constant 0 : i32
      %dma_wait3A_449 = tpu.memref_slice %arg3[%dma_wait3A_447, %dma_wait3A_448] : memref<50272x64xbf16, #tpu.memory_space<hbm>> -> memref<50272x64xbf16, #tpu.memory_space<hbm>>
      tpu.wait_indirect_dma semaphore(%arg17 : memref<!tpu.dma_semaphore, #tpu.memory_space<semaphore_mem>>) src(%dma_wait3A_449 : memref<50272x64xbf16, #tpu.memory_space<hbm>>) dst(%dma_wait3A_445 : memref<104x64xbf16, #tpu.memory_space<vmem>>)
      %add3A_450 = arith.constant 104 : i32
      %add3A_451 = arith.addi %multiple_of3A_442, %add3A_450 : i32
      %dma_wait3A_452 = arith.constant 104 : i32
      %dma_wait3A_453 = arith.constant 0 : i32
      %dma_wait3A_454 = tpu.memref_slice %arg8[%dma_wait3A_452, %dma_wait3A_453] : memref<200x64xbf16, #tpu.memory_space<vmem>> -> memref<96x64xbf16, #tpu.memory_space<vmem>>
      %dma_wait3A_455 = tpu.memref_slice %arg5[%add3A_451] : memref<25600xi32, #tpu.memory_space<vmem>> -> memref<96xi32, #tpu.memory_space<vmem>>
      %dma_wait3A_456 = arith.constant 0 : i32
      %dma_wait3A_457 = arith.constant 0 : i32
      %dma_wait3A_458 = tpu.memref_slice %arg3[%dma_wait3A_456, %dma_wait3A_457] : memref<50272x64xbf16, #tpu.memory_space<hbm>> -> memref<50272x64xbf16, #tpu.memory_space<hbm>>
      tpu.wait_indirect_dma semaphore(%arg17 : memref<!tpu.dma_semaphore, #tpu.memory_space<semaphore_mem>>) src(%dma_wait3A_458 : memref<50272x64xbf16, #tpu.memory_space<hbm>>) dst(%dma_wait3A_454 : memref<96x64xbf16, #tpu.memory_space<vmem>>)
      %broadcast_in_dim3A_459 = arith.constant 0.000000e+00 : f32
      %broadcast_in_dim3A_460 = vector.broadcast %broadcast_in_dim3A_459 : f32 to vector<16xf32>
      %scan3A_461 = arith.constant 0 : i32
      %scan3A_462 = arith.constant 100 : i32
      %scan3A_463 = arith.addi %scan3A_461, %scan3A_462 : i32
      %scan3A_464 = arith.constant 4 : i32
      %scan3A_465:4 = scf.for %scan3A_867 = %scan3A_461 to %scan3A_463 step %scan3A_464 iter_args(%scan3A_868 = %broadcast_in_dim3A_460, %scan3A_869 = %broadcast_in_dim3A_460, %scan3A_870 = %broadcast_in_dim3A_460, %scan3A_871 = %broadcast_in_dim3A_460) -> (vector<16xf32>, vector<16xf32>, vector<16xf32>, vector<16xf32>)  : i32 {
        %get3A = arith.index_cast %scan3A_867 : i32 to index
        %get3A_872 = arith.constant 0 : index
        %get3A_873 = tpu.vector_load %arg8[%get3A, %get3A_872] {strides = array<i32>} : memref<200x64xbf16, #tpu.memory_space<vmem>>, vector<32xbf16>,
        %add3A_874 = arith.constant 100 : i32
        %add3A_875 = arith.addi %scan3A_867, %add3A_874 : i32
        %get3A_876 = arith.index_cast %add3A_875 : i32 to index
        %get3A_877 = arith.constant 0 : index
        %get3A_878 = tpu.vector_load %arg8[%get3A_876, %get3A_877] {strides = array<i32>} : memref<200x64xbf16, #tpu.memory_space<vmem>>, vector<32xbf16>,
        %unpack3A = tpu.unpack_subelements %get3A_873, 0 {pack_format = #tpu.pack_format<interleaved>} : vector<32xbf16> -> vector<16xf32>
        %unpack3A_879 = tpu.unpack_subelements %get3A_873, 1 {pack_format = #tpu.pack_format<interleaved>} : vector<32xbf16> -> vector<16xf32>
        %unpack3A_880 = tpu.unpack_subelements %get3A_878, 0 {pack_format = #tpu.pack_format<interleaved>} : vector<32xbf16> -> vector<16xf32>
        %unpack3A_881 = tpu.unpack_subelements %get3A_878, 1 {pack_format = #tpu.pack_format<interleaved>} : vector<32xbf16> -> vector<16xf32>
        %add3A_882 = arith.addf %scan3A_868, %unpack3A : vector<16xf32>
        %add3A_883 = arith.addf %add3A_882, %unpack3A_880 : vector<16xf32>
        %add3A_884 = arith.addf %scan3A_869, %unpack3A_879 : vector<16xf32>
        %add3A_885 = arith.addf %add3A_884, %unpack3A_881 : vector<16xf32>
        %get3A_886 = arith.index_cast %scan3A_867 : i32 to index
        %get3A_887 = arith.constant 32 : index
        %get3A_888 = tpu.vector_load %arg8[%get3A_886, %get3A_887] {strides = array<i32>} : memref<200x64xbf16, #tpu.memory_space<vmem>>, vector<32xbf16>,
        %add3A_889 = arith.constant 100 : i32
        %add3A_890 = arith.addi %scan3A_867, %add3A_889 : i32
        %get3A_891 = arith.index_cast %add3A_890 : i32 to index
        %get3A_892 = arith.constant 32 : index
        %get3A_893 = tpu.vector_load %arg8[%get3A_891, %get3A_892] {strides = array<i32>} : memref<200x64xbf16, #tpu.memory_space<vmem>>, vector<32xbf16>,
        %unpack3A_894 = tpu.unpack_subelements %get3A_888, 0 {pack_format = #tpu.pack_format<interleaved>} : vector<32xbf16> -> vector<16xf32>
        %unpack3A_895 = tpu.unpack_subelements %get3A_888, 1 {pack_format = #tpu.pack_format<interleaved>} : vector<32xbf16> -> vector<16xf32>
        %unpack3A_896 = tpu.unpack_subelements %get3A_893, 0 {pack_format = #tpu.pack_format<interleaved>} : vector<32xbf16> -> vector<16xf32>
        %unpack3A_897 = tpu.unpack_subelements %get3A_893, 1 {pack_format = #tpu.pack_format<interleaved>} : vector<32xbf16> -> vector<16xf32>
        %add3A_898 = arith.addf %scan3A_870, %unpack3A_894 : vector<16xf32>
        %add3A_899 = arith.addf %add3A_898, %unpack3A_896 : vector<16xf32>
        %add3A_900 = arith.addf %scan3A_871, %unpack3A_895 : vector<16xf32>
        %add3A_901 = arith.addf %add3A_900, %unpack3A_897 : vector<16xf32>
        %scan3A_902 = arith.constant 1 : i32
        %scan3A_903 = arith.addi %scan3A_867, %scan3A_902 : i32
        %get3A_904 = arith.index_cast %scan3A_903 : i32 to index
        %get3A_905 = arith.constant 0 : index
        %get3A_906 = tpu.vector_load %arg8[%get3A_904, %get3A_905] {strides = array<i32>} : memref<200x64xbf16, #tpu.memory_space<vmem>>, vector<32xbf16>,
        %add3A_907 = arith.constant 100 : i32
        %add3A_908 = arith.addi %scan3A_903, %add3A_907 : i32
        %get3A_909 = arith.index_cast %add3A_908 : i32 to index
        %get3A_910 = arith.constant 0 : index
        %get3A_911 = tpu.vector_load %arg8[%get3A_909, %get3A_910] {strides = array<i32>} : memref<200x64xbf16, #tpu.memory_space<vmem>>, vector<32xbf16>,
        %unpack3A_912 = tpu.unpack_subelements %get3A_906, 0 {pack_format = #tpu.pack_format<interleaved>} : vector<32xbf16> -> vector<16xf32>
        %unpack3A_913 = tpu.unpack_subelements %get3A_906, 1 {pack_format = #tpu.pack_format<interleaved>} : vector<32xbf16> -> vector<16xf32>
        %unpack3A_914 = tpu.unpack_subelements %get3A_911, 0 {pack_format = #tpu.pack_format<interleaved>} : vector<32xbf16> -> vector<16xf32>
        %unpack3A_915 = tpu.unpack_subelements %get3A_911, 1 {pack_format = #tpu.pack_format<interleaved>} : vector<32xbf16> -> vector<16xf32>
        %add3A_916 = arith.addf %add3A_883, %unpack3A_912 : vector<16xf32>
        %add3A_917 = arith.addf %add3A_916, %unpack3A_914 : vector<16xf32>
        %add3A_918 = arith.addf %add3A_885, %unpack3A_913 : vector<16xf32>
        %add3A_919 = arith.addf %add3A_918, %unpack3A_915 : vector<16xf32>
        %get3A_920 = arith.index_cast %scan3A_903 : i32 to index
        %get3A_921 = arith.constant 32 : index
        %get3A_922 = tpu.vector_load %arg8[%get3A_920, %get3A_921] {strides = array<i32>} : memref<200x64xbf16, #tpu.memory_space<vmem>>, vector<32xbf16>,
        %add3A_923 = arith.constant 100 : i32
        %add3A_924 = arith.addi %scan3A_903, %add3A_923 : i32
        %get3A_925 = arith.index_cast %add3A_924 : i32 to index
        %get3A_926 = arith.constant 32 : index
        %get3A_927 = tpu.vector_load %arg8[%get3A_925, %get3A_926] {strides = array<i32>} : memref<200x64xbf16, #tpu.memory_space<vmem>>, vector<32xbf16>,
        %unpack3A_928 = tpu.unpack_subelements %get3A_922, 0 {pack_format = #tpu.pack_format<interleaved>} : vector<32xbf16> -> vector<16xf32>
        %unpack3A_929 = tpu.unpack_subelements %get3A_922, 1 {pack_format = #tpu.pack_format<interleaved>} : vector<32xbf16> -> vector<16xf32>
        %unpack3A_930 = tpu.unpack_subelements %get3A_927, 0 {pack_format = #tpu.pack_format<interleaved>} : vector<32xbf16> -> vector<16xf32>
        %unpack3A_931 = tpu.unpack_subelements %get3A_927, 1 {pack_format = #tpu.pack_format<interleaved>} : vector<32xbf16> -> vector<16xf32>
        %add3A_932 = arith.addf %add3A_899, %unpack3A_928 : vector<16xf32>
        %add3A_933 = arith.addf %add3A_932, %unpack3A_930 : vector<16xf32>
        %add3A_934 = arith.addf %add3A_901, %unpack3A_929 : vector<16xf32>
        %add3A_935 = arith.addf %add3A_934, %unpack3A_931 : vector<16xf32>
        %scan3A_936 = arith.constant 2 : i32
        %scan3A_937 = arith.addi %scan3A_867, %scan3A_936 : i32
        %get3A_938 = arith.index_cast %scan3A_937 : i32 to index
        %get3A_939 = arith.constant 0 : index
        %get3A_940 = tpu.vector_load %arg8[%get3A_938, %get3A_939] {strides = array<i32>} : memref<200x64xbf16, #tpu.memory_space<vmem>>, vector<32xbf16>,
        %add3A_941 = arith.constant 100 : i32
        %add3A_942 = arith.addi %scan3A_937, %add3A_941 : i32
        %get3A_943 = arith.index_cast %add3A_942 : i32 to index
        %get3A_944 = arith.constant 0 : index
        %get3A_945 = tpu.vector_load %arg8[%get3A_943, %get3A_944] {strides = array<i32>} : memref<200x64xbf16, #tpu.memory_space<vmem>>, vector<32xbf16>,
        %unpack3A_946 = tpu.unpack_subelements %get3A_940, 0 {pack_format = #tpu.pack_format<interleaved>} : vector<32xbf16> -> vector<16xf32>
        %unpack3A_947 = tpu.unpack_subelements %get3A_940, 1 {pack_format = #tpu.pack_format<interleaved>} : vector<32xbf16> -> vector<16xf32>
        %unpack3A_948 = tpu.unpack_subelements %get3A_945, 0 {pack_format = #tpu.pack_format<interleaved>} : vector<32xbf16> -> vector<16xf32>
        %unpack3A_949 = tpu.unpack_subelements %get3A_945, 1 {pack_format = #tpu.pack_format<interleaved>} : vector<32xbf16> -> vector<16xf32>
        %add3A_950 = arith.addf %add3A_917, %unpack3A_946 : vector<16xf32>
        %add3A_951 = arith.addf %add3A_950, %unpack3A_948 : vector<16xf32>
        %add3A_952 = arith.addf %add3A_919, %unpack3A_947 : vector<16xf32>
        %add3A_953 = arith.addf %add3A_952, %unpack3A_949 : vector<16xf32>
        %get3A_954 = arith.index_cast %scan3A_937 : i32 to index
        %get3A_955 = arith.constant 32 : index
        %get3A_956 = tpu.vector_load %arg8[%get3A_954, %get3A_955] {strides = array<i32>} : memref<200x64xbf16, #tpu.memory_space<vmem>>, vector<32xbf16>,
        %add3A_957 = arith.constant 100 : i32
        %add3A_958 = arith.addi %scan3A_937, %add3A_957 : i32
        %get3A_959 = arith.index_cast %add3A_958 : i32 to index
        %get3A_960 = arith.constant 32 : index
        %get3A_961 = tpu.vector_load %arg8[%get3A_959, %get3A_960] {strides = array<i32>} : memref<200x64xbf16, #tpu.memory_space<vmem>>, vector<32xbf16>,
        %unpack3A_962 = tpu.unpack_subelements %get3A_956, 0 {pack_format = #tpu.pack_format<interleaved>} : vector<32xbf16> -> vector<16xf32>
        %unpack3A_963 = tpu.unpack_subelements %get3A_956, 1 {pack_format = #tpu.pack_format<interleaved>} : vector<32xbf16> -> vector<16xf32>
        %unpack3A_964 = tpu.unpack_subelements %get3A_961, 0 {pack_format = #tpu.pack_format<interleaved>} : vector<32xbf16> -> vector<16xf32>
        %unpack3A_965 = tpu.unpack_subelements %get3A_961, 1 {pack_format = #tpu.pack_format<interleaved>} : vector<32xbf16> -> vector<16xf32>
        %add3A_966 = arith.addf %add3A_933, %unpack3A_962 : vector<16xf32>
        %add3A_967 = arith.addf %add3A_966, %unpack3A_964 : vector<16xf32>
        %add3A_968 = arith.addf %add3A_935, %unpack3A_963 : vector<16xf32>
        %add3A_969 = arith.addf %add3A_968, %unpack3A_965 : vector<16xf32>
        %scan3A_970 = arith.constant 3 : i32
        %scan3A_971 = arith.addi %scan3A_867, %scan3A_970 : i32
        %get3A_972 = arith.index_cast %scan3A_971 : i32 to index
        %get3A_973 = arith.constant 0 : index
        %get3A_974 = tpu.vector_load %arg8[%get3A_972, %get3A_973] {strides = array<i32>} : memref<200x64xbf16, #tpu.memory_space<vmem>>, vector<32xbf16>,
        %add3A_975 = arith.constant 100 : i32
        %add3A_976 = arith.addi %scan3A_971, %add3A_975 : i32
        %get3A_977 = arith.index_cast %add3A_976 : i32 to index
        %get3A_978 = arith.constant 0 : index
        %get3A_979 = tpu.vector_load %arg8[%get3A_977, %get3A_978] {strides = array<i32>} : memref<200x64xbf16, #tpu.memory_space<vmem>>, vector<32xbf16>,
        %unpack3A_980 = tpu.unpack_subelements %get3A_974, 0 {pack_format = #tpu.pack_format<interleaved>} : vector<32xbf16> -> vector<16xf32>
        %unpack3A_981 = tpu.unpack_subelements %get3A_974, 1 {pack_format = #tpu.pack_format<interleaved>} : vector<32xbf16> -> vector<16xf32>
        %unpack3A_982 = tpu.unpack_subelements %get3A_979, 0 {pack_format = #tpu.pack_format<interleaved>} : vector<32xbf16> -> vector<16xf32>
        %unpack3A_983 = tpu.unpack_subelements %get3A_979, 1 {pack_format = #tpu.pack_format<interleaved>} : vector<32xbf16> -> vector<16xf32>
        %add3A_984 = arith.addf %add3A_951, %unpack3A_980 : vector<16xf32>
        %add3A_985 = arith.addf %add3A_984, %unpack3A_982 : vector<16xf32>
        %add3A_986 = arith.addf %add3A_953, %unpack3A_981 : vector<16xf32>
        %add3A_987 = arith.addf %add3A_986, %unpack3A_983 : vector<16xf32>
        %get3A_988 = arith.index_cast %scan3A_971 : i32 to index
        %get3A_989 = arith.constant 32 : index
        %get3A_990 = tpu.vector_load %arg8[%get3A_988, %get3A_989] {strides = array<i32>} : memref<200x64xbf16, #tpu.memory_space<vmem>>, vector<32xbf16>,
        %add3A_991 = arith.constant 100 : i32
        %add3A_992 = arith.addi %scan3A_971, %add3A_991 : i32
        %get3A_993 = arith.index_cast %add3A_992 : i32 to index
        %get3A_994 = arith.constant 32 : index
        %get3A_995 = tpu.vector_load %arg8[%get3A_993, %get3A_994] {strides = array<i32>} : memref<200x64xbf16, #tpu.memory_space<vmem>>, vector<32xbf16>,
        %unpack3A_996 = tpu.unpack_subelements %get3A_990, 0 {pack_format = #tpu.pack_format<interleaved>} : vector<32xbf16> -> vector<16xf32>
        %unpack3A_997 = tpu.unpack_subelements %get3A_990, 1 {pack_format = #tpu.pack_format<interleaved>} : vector<32xbf16> -> vector<16xf32>
        %unpack3A_998 = tpu.unpack_subelements %get3A_995, 0 {pack_format = #tpu.pack_format<interleaved>} : vector<32xbf16> -> vector<16xf32>
        %unpack3A_999 = tpu.unpack_subelements %get3A_995, 1 {pack_format = #tpu.pack_format<interleaved>} : vector<32xbf16> -> vector<16xf32>
        %add3A_1000 = arith.addf %add3A_967, %unpack3A_996 : vector<16xf32>
        %add3A_1001 = arith.addf %add3A_1000, %unpack3A_998 : vector<16xf32>
        %add3A_1002 = arith.addf %add3A_969, %unpack3A_997 : vector<16xf32>
        %add3A_1003 = arith.addf %add3A_1002, %unpack3A_999 : vector<16xf32>
        scf.yield %add3A_985, %add3A_987, %add3A_1001, %add3A_1003 : vector<16xf32>, vector<16xf32>, vector<16xf32>, vector<16xf32>
      }
      %scan3A_466 = arith.constant 100 : i32
      %mul3A_467 = vector.broadcast %scan3A_129 : f32 to vector<16xf32>
      %mul3A_468 = arith.mulf %scan3A_465#0, %mul3A_467 : vector<16xf32>
      %swap3A_469 = arith.index_cast %add3A_414 : i32 to index
      %swap3A_470 = arith.constant 0 : index
      %swap3A_471 = tpu.vector_load %arg14[%swap3A_469, %swap3A_470] {strides = array<i32>} : memref<128x64xf32, #tpu.memory_space<vmem>>, vector<16xf32>,
      tpu.vector_store %arg14[%swap3A_469, %swap3A_470], %mul3A_468 {strides = array<i32>} : memref<128x64xf32, #tpu.memory_space<vmem>>, vector<16xf32>,
      %mul3A_472 = vector.broadcast %scan3A_129 : f32 to vector<16xf32>
      %mul3A_473 = arith.mulf %scan3A_465#1, %mul3A_472 : vector<16xf32>
      %swap3A_474 = arith.index_cast %add3A_414 : i32 to index
      %swap3A_475 = arith.constant 16 : index
      %swap3A_476 = tpu.vector_load %arg14[%swap3A_474, %swap3A_475] {strides = array<i32>} : memref<128x64xf32, #tpu.memory_space<vmem>>, vector<16xf32>,
      tpu.vector_store %arg14[%swap3A_474, %swap3A_475], %mul3A_473 {strides = array<i32>} : memref<128x64xf32, #tpu.memory_space<vmem>>, vector<16xf32>,
      %mul3A_477 = vector.broadcast %scan3A_129 : f32 to vector<16xf32>
      %mul3A_478 = arith.mulf %scan3A_465#2, %mul3A_477 : vector<16xf32>
      %swap3A_479 = arith.index_cast %add3A_414 : i32 to index
      %swap3A_480 = arith.constant 32 : index
      %swap3A_481 = tpu.vector_load %arg14[%swap3A_479, %swap3A_480] {strides = array<i32>} : memref<128x64xf32, #tpu.memory_space<vmem>>, vector<16xf32>,
      tpu.vector_store %arg14[%swap3A_479, %swap3A_480], %mul3A_478 {strides = array<i32>} : memref<128x64xf32, #tpu.memory_space<vmem>>, vector<16xf32>,
      %mul3A_482 = vector.broadcast %scan3A_129 : f32 to vector<16xf32>
      %mul3A_483 = arith.mulf %scan3A_465#3, %mul3A_482 : vector<16xf32>
      %swap3A_484 = arith.index_cast %add3A_414 : i32 to index
      %swap3A_485 = arith.constant 48 : index
      %swap3A_486 = tpu.vector_load %arg14[%swap3A_484, %swap3A_485] {strides = array<i32>} : memref<128x64xf32, #tpu.memory_space<vmem>>, vector<16xf32>,
      tpu.vector_store %arg14[%swap3A_484, %swap3A_485], %mul3A_483 {strides = array<i32>} : memref<128x64xf32, #tpu.memory_space<vmem>>, vector<16xf32>,
      %mul3A_487 = arith.constant 8 : i32
      %mul3A_488 = arith.muli %mul3A_487, %scan3A_262 : i32
      %add3A_489 = arith.constant 3 : i32
      %add3A_490 = arith.addi %mul3A_488, %add3A_489 : i32
      %add3A_491 = arith.constant 8 : i32
      %add3A_492 = arith.addi %add3A_490, %add3A_491 : i32
      %sub3A_493 = arith.constant 1 : i32
      %sub3A_494 = arith.subi %add3A_492, %sub3A_493 : i32
      %min3A_495 = arith.constant 127 : i32
      %min3A_496 = arith.minsi %sub3A_494, %min3A_495 : i32
      %mul3A_497 = arith.constant 200 : i32
      %mul3A_498 = arith.muli %min3A_496, %mul3A_497 : i32
      %multiple_of3A_499 = tpu.assume_multiple %mul3A_498, 8 : i32
      %dma_start3A_500 = arith.constant 0 : i32
      %dma_start3A_501 = arith.constant 0 : i32
      %dma_start3A_502 = tpu.memref_slice %arg8[%dma_start3A_500, %dma_start3A_501] : memref<200x64xbf16, #tpu.memory_space<vmem>> -> memref<104x64xbf16, #tpu.memory_space<vmem>>
      %dma_start3A_503 = tpu.memref_slice %arg5[%multiple_of3A_499] : memref<25600xi32, #tpu.memory_space<vmem>> -> memref<104xi32, #tpu.memory_space<vmem>>
      %dma_start3A_504 = arith.constant 0 : i32
      %dma_start3A_505 = arith.constant 0 : i32
      %dma_start3A_506 = tpu.memref_slice %arg3[%dma_start3A_504, %dma_start3A_505] : memref<50272x64xbf16, #tpu.memory_space<hbm>> -> memref<50272x64xbf16, #tpu.memory_space<hbm>>
      tpu.enqueue_indirect_dma source(%dma_start3A_506 : memref<50272x64xbf16, #tpu.memory_space<hbm>>) target(%dma_start3A_502 : memref<104x64xbf16, #tpu.memory_space<vmem>>) offsets(%dma_start3A_503 : memref<104xi32, #tpu.memory_space<vmem>>) semaphore(%arg17 : memref<!tpu.dma_semaphore, #tpu.memory_space<semaphore_mem>>)
      %add3A_507 = arith.constant 104 : i32
      %add3A_508 = arith.addi %multiple_of3A_499, %add3A_507 : i32
      %dma_start3A_509 = arith.constant 104 : i32
      %dma_start3A_510 = arith.constant 0 : i32
      %dma_start3A_511 = tpu.memref_slice %arg8[%dma_start3A_509, %dma_start3A_510] : memref<200x64xbf16, #tpu.memory_space<vmem>> -> memref<96x64xbf16, #tpu.memory_space<vmem>>
      %dma_start3A_512 = tpu.memref_slice %arg5[%add3A_508] : memref<25600xi32, #tpu.memory_space<vmem>> -> memref<96xi32, #tpu.memory_space<vmem>>
      %dma_start3A_513 = arith.constant 0 : i32
      %dma_start3A_514 = arith.constant 0 : i32
      %dma_start3A_515 = tpu.memref_slice %arg3[%dma_start3A_513, %dma_start3A_514] : memref<50272x64xbf16, #tpu.memory_space<hbm>> -> memref<50272x64xbf16, #tpu.memory_space<hbm>>
      tpu.enqueue_indirect_dma source(%dma_start3A_515 : memref<50272x64xbf16, #tpu.memory_space<hbm>>) target(%dma_start3A_511 : memref<96x64xbf16, #tpu.memory_space<vmem>>) offsets(%dma_start3A_512 : memref<96xi32, #tpu.memory_space<vmem>>) semaphore(%arg17 : memref<!tpu.dma_semaphore, #tpu.memory_space<semaphore_mem>>)
      %mul3A_516 = arith.constant 200 : i32
      %mul3A_517 = arith.muli %add3A_490, %mul3A_516 : i32
      %multiple_of3A_518 = tpu.assume_multiple %mul3A_517, 8 : i32
      %dma_wait3A_519 = arith.constant 0 : i32
      %dma_wait3A_520 = arith.constant 0 : i32
      %dma_wait3A_521 = tpu.memref_slice %arg9[%dma_wait3A_519, %dma_wait3A_520] : memref<200x64xbf16, #tpu.memory_space<vmem>> -> memref<104x64xbf16, #tpu.memory_space<vmem>>
      %dma_wait3A_522 = tpu.memref_slice %arg5[%multiple_of3A_518] : memref<25600xi32, #tpu.memory_space<vmem>> -> memref<104xi32, #tpu.memory_space<vmem>>
      %dma_wait3A_523 = arith.constant 0 : i32
      %dma_wait3A_524 = arith.constant 0 : i32
      %dma_wait3A_525 = tpu.memref_slice %arg3[%dma_wait3A_523, %dma_wait3A_524] : memref<50272x64xbf16, #tpu.memory_space<hbm>> -> memref<50272x64xbf16, #tpu.memory_space<hbm>>
      tpu.wait_indirect_dma semaphore(%arg18 : memref<!tpu.dma_semaphore, #tpu.memory_space<semaphore_mem>>) src(%dma_wait3A_525 : memref<50272x64xbf16, #tpu.memory_space<hbm>>) dst(%dma_wait3A_521 : memref<104x64xbf16, #tpu.memory_space<vmem>>)
      %add3A_526 = arith.constant 104 : i32
      %add3A_527 = arith.addi %multiple_of3A_518, %add3A_526 : i32
      %dma_wait3A_528 = arith.constant 104 : i32
      %dma_wait3A_529 = arith.constant 0 : i32
      %dma_wait3A_530 = tpu.memref_slice %arg9[%dma_wait3A_528, %dma_wait3A_529] : memref<200x64xbf16, #tpu.memory_space<vmem>> -> memref<96x64xbf16, #tpu.memory_space<vmem>>
      %dma_wait3A_531 = tpu.memref_slice %arg5[%add3A_527] : memref<25600xi32, #tpu.memory_space<vmem>> -> memref<96xi32, #tpu.memory_space<vmem>>
      %dma_wait3A_532 = arith.constant 0 : i32
      %dma_wait3A_533 = arith.constant 0 : i32
      %dma_wait3A_534 = tpu.memref_slice %arg3[%dma_wait3A_532, %dma_wait3A_533] : memref<50272x64xbf16, #tpu.memory_space<hbm>> -> memref<50272x64xbf16, #tpu.memory_space<hbm>>
      tpu.wait_indirect_dma semaphore(%arg18 : memref<!tpu.dma_semaphore, #tpu.memory_space<semaphore_mem>>) src(%dma_wait3A_534 : memref<50272x64xbf16, #tpu.memory_space<hbm>>) dst(%dma_wait3A_530 : memref<96x64xbf16, #tpu.memory_space<vmem>>)
      %broadcast_in_dim3A_535 = arith.constant 0.000000e+00 : f32
      %broadcast_in_dim3A_536 = vector.broadcast %broadcast_in_dim3A_535 : f32 to vector<16xf32>
      %scan3A_537 = arith.constant 0 : i32
      %scan3A_538 = arith.constant 100 : i32
      %scan3A_539 = arith.addi %scan3A_537, %scan3A_538 : i32
      %scan3A_540 = arith.constant 4 : i32
      %scan3A_541:4 = scf.for %scan3A_867 = %scan3A_537 to %scan3A_539 step %scan3A_540 iter_args(%scan3A_868 = %broadcast_in_dim3A_536, %scan3A_869 = %broadcast_in_dim3A_536, %scan3A_870 = %broadcast_in_dim3A_536, %scan3A_871 = %broadcast_in_dim3A_536) -> (vector<16xf32>, vector<16xf32>, vector<16xf32>, vector<16xf32>)  : i32 {
        %get3A = arith.index_cast %scan3A_867 : i32 to index
        %get3A_872 = arith.constant 0 : index
        %get3A_873 = tpu.vector_load %arg9[%get3A, %get3A_872] {strides = array<i32>} : memref<200x64xbf16, #tpu.memory_space<vmem>>, vector<32xbf16>,
        %add3A_874 = arith.constant 100 : i32
        %add3A_875 = arith.addi %scan3A_867, %add3A_874 : i32
        %get3A_876 = arith.index_cast %add3A_875 : i32 to index
        %get3A_877 = arith.constant 0 : index
        %get3A_878 = tpu.vector_load %arg9[%get3A_876, %get3A_877] {strides = array<i32>} : memref<200x64xbf16, #tpu.memory_space<vmem>>, vector<32xbf16>,
        %unpack3A = tpu.unpack_subelements %get3A_873, 0 {pack_format = #tpu.pack_format<interleaved>} : vector<32xbf16> -> vector<16xf32>
        %unpack3A_879 = tpu.unpack_subelements %get3A_873, 1 {pack_format = #tpu.pack_format<interleaved>} : vector<32xbf16> -> vector<16xf32>
        %unpack3A_880 = tpu.unpack_subelements %get3A_878, 0 {pack_format = #tpu.pack_format<interleaved>} : vector<32xbf16> -> vector<16xf32>
        %unpack3A_881 = tpu.unpack_subelements %get3A_878, 1 {pack_format = #tpu.pack_format<interleaved>} : vector<32xbf16> -> vector<16xf32>
        %add3A_882 = arith.addf %scan3A_868, %unpack3A : vector<16xf32>
        %add3A_883 = arith.addf %add3A_882, %unpack3A_880 : vector<16xf32>
        %add3A_884 = arith.addf %scan3A_869, %unpack3A_879 : vector<16xf32>
        %add3A_885 = arith.addf %add3A_884, %unpack3A_881 : vector<16xf32>
        %get3A_886 = arith.index_cast %scan3A_867 : i32 to index
        %get3A_887 = arith.constant 32 : index
        %get3A_888 = tpu.vector_load %arg9[%get3A_886, %get3A_887] {strides = array<i32>} : memref<200x64xbf16, #tpu.memory_space<vmem>>, vector<32xbf16>,
        %add3A_889 = arith.constant 100 : i32
        %add3A_890 = arith.addi %scan3A_867, %add3A_889 : i32
        %get3A_891 = arith.index_cast %add3A_890 : i32 to index
        %get3A_892 = arith.constant 32 : index
        %get3A_893 = tpu.vector_load %arg9[%get3A_891, %get3A_892] {strides = array<i32>} : memref<200x64xbf16, #tpu.memory_space<vmem>>, vector<32xbf16>,
        %unpack3A_894 = tpu.unpack_subelements %get3A_888, 0 {pack_format = #tpu.pack_format<interleaved>} : vector<32xbf16> -> vector<16xf32>
        %unpack3A_895 = tpu.unpack_subelements %get3A_888, 1 {pack_format = #tpu.pack_format<interleaved>} : vector<32xbf16> -> vector<16xf32>
        %unpack3A_896 = tpu.unpack_subelements %get3A_893, 0 {pack_format = #tpu.pack_format<interleaved>} : vector<32xbf16> -> vector<16xf32>
        %unpack3A_897 = tpu.unpack_subelements %get3A_893, 1 {pack_format = #tpu.pack_format<interleaved>} : vector<32xbf16> -> vector<16xf32>
        %add3A_898 = arith.addf %scan3A_870, %unpack3A_894 : vector<16xf32>
        %add3A_899 = arith.addf %add3A_898, %unpack3A_896 : vector<16xf32>
        %add3A_900 = arith.addf %scan3A_871, %unpack3A_895 : vector<16xf32>
        %add3A_901 = arith.addf %add3A_900, %unpack3A_897 : vector<16xf32>
        %scan3A_902 = arith.constant 1 : i32
        %scan3A_903 = arith.addi %scan3A_867, %scan3A_902 : i32
        %get3A_904 = arith.index_cast %scan3A_903 : i32 to index
        %get3A_905 = arith.constant 0 : index
        %get3A_906 = tpu.vector_load %arg9[%get3A_904, %get3A_905] {strides = array<i32>} : memref<200x64xbf16, #tpu.memory_space<vmem>>, vector<32xbf16>,
        %add3A_907 = arith.constant 100 : i32
        %add3A_908 = arith.addi %scan3A_903, %add3A_907 : i32
        %get3A_909 = arith.index_cast %add3A_908 : i32 to index
        %get3A_910 = arith.constant 0 : index
        %get3A_911 = tpu.vector_load %arg9[%get3A_909, %get3A_910] {strides = array<i32>} : memref<200x64xbf16, #tpu.memory_space<vmem>>, vector<32xbf16>,
        %unpack3A_912 = tpu.unpack_subelements %get3A_906, 0 {pack_format = #tpu.pack_format<interleaved>} : vector<32xbf16> -> vector<16xf32>
        %unpack3A_913 = tpu.unpack_subelements %get3A_906, 1 {pack_format = #tpu.pack_format<interleaved>} : vector<32xbf16> -> vector<16xf32>
        %unpack3A_914 = tpu.unpack_subelements %get3A_911, 0 {pack_format = #tpu.pack_format<interleaved>} : vector<32xbf16> -> vector<16xf32>
        %unpack3A_915 = tpu.unpack_subelements %get3A_911, 1 {pack_format = #tpu.pack_format<interleaved>} : vector<32xbf16> -> vector<16xf32>
        %add3A_916 = arith.addf %add3A_883, %unpack3A_912 : vector<16xf32>
        %add3A_917 = arith.addf %add3A_916, %unpack3A_914 : vector<16xf32>
        %add3A_918 = arith.addf %add3A_885, %unpack3A_913 : vector<16xf32>
        %add3A_919 = arith.addf %add3A_918, %unpack3A_915 : vector<16xf32>
        %get3A_920 = arith.index_cast %scan3A_903 : i32 to index
        %get3A_921 = arith.constant 32 : index
        %get3A_922 = tpu.vector_load %arg9[%get3A_920, %get3A_921] {strides = array<i32>} : memref<200x64xbf16, #tpu.memory_space<vmem>>, vector<32xbf16>,
        %add3A_923 = arith.constant 100 : i32
        %add3A_924 = arith.addi %scan3A_903, %add3A_923 : i32
        %get3A_925 = arith.index_cast %add3A_924 : i32 to index
        %get3A_926 = arith.constant 32 : index
        %get3A_927 = tpu.vector_load %arg9[%get3A_925, %get3A_926] {strides = array<i32>} : memref<200x64xbf16, #tpu.memory_space<vmem>>, vector<32xbf16>,
        %unpack3A_928 = tpu.unpack_subelements %get3A_922, 0 {pack_format = #tpu.pack_format<interleaved>} : vector<32xbf16> -> vector<16xf32>
        %unpack3A_929 = tpu.unpack_subelements %get3A_922, 1 {pack_format = #tpu.pack_format<interleaved>} : vector<32xbf16> -> vector<16xf32>
        %unpack3A_930 = tpu.unpack_subelements %get3A_927, 0 {pack_format = #tpu.pack_format<interleaved>} : vector<32xbf16> -> vector<16xf32>
        %unpack3A_931 = tpu.unpack_subelements %get3A_927, 1 {pack_format = #tpu.pack_format<interleaved>} : vector<32xbf16> -> vector<16xf32>
        %add3A_932 = arith.addf %add3A_899, %unpack3A_928 : vector<16xf32>
        %add3A_933 = arith.addf %add3A_932, %unpack3A_930 : vector<16xf32>
        %add3A_934 = arith.addf %add3A_901, %unpack3A_929 : vector<16xf32>
        %add3A_935 = arith.addf %add3A_934, %unpack3A_931 : vector<16xf32>
        %scan3A_936 = arith.constant 2 : i32
        %scan3A_937 = arith.addi %scan3A_867, %scan3A_936 : i32
        %get3A_938 = arith.index_cast %scan3A_937 : i32 to index
        %get3A_939 = arith.constant 0 : index
        %get3A_940 = tpu.vector_load %arg9[%get3A_938, %get3A_939] {strides = array<i32>} : memref<200x64xbf16, #tpu.memory_space<vmem>>, vector<32xbf16>,
        %add3A_941 = arith.constant 100 : i32
        %add3A_942 = arith.addi %scan3A_937, %add3A_941 : i32
        %get3A_943 = arith.index_cast %add3A_942 : i32 to index
        %get3A_944 = arith.constant 0 : index
        %get3A_945 = tpu.vector_load %arg9[%get3A_943, %get3A_944] {strides = array<i32>} : memref<200x64xbf16, #tpu.memory_space<vmem>>, vector<32xbf16>,
        %unpack3A_946 = tpu.unpack_subelements %get3A_940, 0 {pack_format = #tpu.pack_format<interleaved>} : vector<32xbf16> -> vector<16xf32>
        %unpack3A_947 = tpu.unpack_subelements %get3A_940, 1 {pack_format = #tpu.pack_format<interleaved>} : vector<32xbf16> -> vector<16xf32>
        %unpack3A_948 = tpu.unpack_subelements %get3A_945, 0 {pack_format = #tpu.pack_format<interleaved>} : vector<32xbf16> -> vector<16xf32>
        %unpack3A_949 = tpu.unpack_subelements %get3A_945, 1 {pack_format = #tpu.pack_format<interleaved>} : vector<32xbf16> -> vector<16xf32>
        %add3A_950 = arith.addf %add3A_917, %unpack3A_946 : vector<16xf32>
        %add3A_951 = arith.addf %add3A_950, %unpack3A_948 : vector<16xf32>
        %add3A_952 = arith.addf %add3A_919, %unpack3A_947 : vector<16xf32>
        %add3A_953 = arith.addf %add3A_952, %unpack3A_949 : vector<16xf32>
        %get3A_954 = arith.index_cast %scan3A_937 : i32 to index
        %get3A_955 = arith.constant 32 : index
        %get3A_956 = tpu.vector_load %arg9[%get3A_954, %get3A_955] {strides = array<i32>} : memref<200x64xbf16, #tpu.memory_space<vmem>>, vector<32xbf16>,
        %add3A_957 = arith.constant 100 : i32
        %add3A_958 = arith.addi %scan3A_937, %add3A_957 : i32
        %get3A_959 = arith.index_cast %add3A_958 : i32 to index
        %get3A_960 = arith.constant 32 : index
        %get3A_961 = tpu.vector_load %arg9[%get3A_959, %get3A_960] {strides = array<i32>} : memref<200x64xbf16, #tpu.memory_space<vmem>>, vector<32xbf16>,
        %unpack3A_962 = tpu.unpack_subelements %get3A_956, 0 {pack_format = #tpu.pack_format<interleaved>} : vector<32xbf16> -> vector<16xf32>
        %unpack3A_963 = tpu.unpack_subelements %get3A_956, 1 {pack_format = #tpu.pack_format<interleaved>} : vector<32xbf16> -> vector<16xf32>
        %unpack3A_964 = tpu.unpack_subelements %get3A_961, 0 {pack_format = #tpu.pack_format<interleaved>} : vector<32xbf16> -> vector<16xf32>
        %unpack3A_965 = tpu.unpack_subelements %get3A_961, 1 {pack_format = #tpu.pack_format<interleaved>} : vector<32xbf16> -> vector<16xf32>
        %add3A_966 = arith.addf %add3A_933, %unpack3A_962 : vector<16xf32>
        %add3A_967 = arith.addf %add3A_966, %unpack3A_964 : vector<16xf32>
        %add3A_968 = arith.addf %add3A_935, %unpack3A_963 : vector<16xf32>
        %add3A_969 = arith.addf %add3A_968, %unpack3A_965 : vector<16xf32>
        %scan3A_970 = arith.constant 3 : i32
        %scan3A_971 = arith.addi %scan3A_867, %scan3A_970 : i32
        %get3A_972 = arith.index_cast %scan3A_971 : i32 to index
        %get3A_973 = arith.constant 0 : index
        %get3A_974 = tpu.vector_load %arg9[%get3A_972, %get3A_973] {strides = array<i32>} : memref<200x64xbf16, #tpu.memory_space<vmem>>, vector<32xbf16>,
        %add3A_975 = arith.constant 100 : i32
        %add3A_976 = arith.addi %scan3A_971, %add3A_975 : i32
        %get3A_977 = arith.index_cast %add3A_976 : i32 to index
        %get3A_978 = arith.constant 0 : index
        %get3A_979 = tpu.vector_load %arg9[%get3A_977, %get3A_978] {strides = array<i32>} : memref<200x64xbf16, #tpu.memory_space<vmem>>, vector<32xbf16>,
        %unpack3A_980 = tpu.unpack_subelements %get3A_974, 0 {pack_format = #tpu.pack_format<interleaved>} : vector<32xbf16> -> vector<16xf32>
        %unpack3A_981 = tpu.unpack_subelements %get3A_974, 1 {pack_format = #tpu.pack_format<interleaved>} : vector<32xbf16> -> vector<16xf32>
        %unpack3A_982 = tpu.unpack_subelements %get3A_979, 0 {pack_format = #tpu.pack_format<interleaved>} : vector<32xbf16> -> vector<16xf32>
        %unpack3A_983 = tpu.unpack_subelements %get3A_979, 1 {pack_format = #tpu.pack_format<interleaved>} : vector<32xbf16> -> vector<16xf32>
        %add3A_984 = arith.addf %add3A_951, %unpack3A_980 : vector<16xf32>
        %add3A_985 = arith.addf %add3A_984, %unpack3A_982 : vector<16xf32>
        %add3A_986 = arith.addf %add3A_953, %unpack3A_981 : vector<16xf32>
        %add3A_987 = arith.addf %add3A_986, %unpack3A_983 : vector<16xf32>
        %get3A_988 = arith.index_cast %scan3A_971 : i32 to index
        %get3A_989 = arith.constant 32 : index
        %get3A_990 = tpu.vector_load %arg9[%get3A_988, %get3A_989] {strides = array<i32>} : memref<200x64xbf16, #tpu.memory_space<vmem>>, vector<32xbf16>,
        %add3A_991 = arith.constant 100 : i32
        %add3A_992 = arith.addi %scan3A_971, %add3A_991 : i32
        %get3A_993 = arith.index_cast %add3A_992 : i32 to index
        %get3A_994 = arith.constant 32 : index
        %get3A_995 = tpu.vector_load %arg9[%get3A_993, %get3A_994] {strides = array<i32>} : memref<200x64xbf16, #tpu.memory_space<vmem>>, vector<32xbf16>,
        %unpack3A_996 = tpu.unpack_subelements %get3A_990, 0 {pack_format = #tpu.pack_format<interleaved>} : vector<32xbf16> -> vector<16xf32>
        %unpack3A_997 = tpu.unpack_subelements %get3A_990, 1 {pack_format = #tpu.pack_format<interleaved>} : vector<32xbf16> -> vector<16xf32>
        %unpack3A_998 = tpu.unpack_subelements %get3A_995, 0 {pack_format = #tpu.pack_format<interleaved>} : vector<32xbf16> -> vector<16xf32>
        %unpack3A_999 = tpu.unpack_subelements %get3A_995, 1 {pack_format = #tpu.pack_format<interleaved>} : vector<32xbf16> -> vector<16xf32>
        %add3A_1000 = arith.addf %add3A_967, %unpack3A_996 : vector<16xf32>
        %add3A_1001 = arith.addf %add3A_1000, %unpack3A_998 : vector<16xf32>
        %add3A_1002 = arith.addf %add3A_969, %unpack3A_997 : vector<16xf32>
        %add3A_1003 = arith.addf %add3A_1002, %unpack3A_999 : vector<16xf32>
        scf.yield %add3A_985, %add3A_987, %add3A_1001, %add3A_1003 : vector<16xf32>, vector<16xf32>, vector<16xf32>, vector<16xf32>
      }
      %scan3A_542 = arith.constant 100 : i32
      %mul3A_543 = vector.broadcast %scan3A_129 : f32 to vector<16xf32>
      %mul3A_544 = arith.mulf %scan3A_541#0, %mul3A_543 : vector<16xf32>
      %swap3A_545 = arith.index_cast %add3A_490 : i32 to index
      %swap3A_546 = arith.constant 0 : index
      %swap3A_547 = tpu.vector_load %arg14[%swap3A_545, %swap3A_546] {strides = array<i32>} : memref<128x64xf32, #tpu.memory_space<vmem>>, vector<16xf32>,
      tpu.vector_store %arg14[%swap3A_545, %swap3A_546], %mul3A_544 {strides = array<i32>} : memref<128x64xf32, #tpu.memory_space<vmem>>, vector<16xf32>,
      %mul3A_548 = vector.broadcast %scan3A_129 : f32 to vector<16xf32>
      %mul3A_549 = arith.mulf %scan3A_541#1, %mul3A_548 : vector<16xf32>
      %swap3A_550 = arith.index_cast %add3A_490 : i32 to index
      %swap3A_551 = arith.constant 16 : index
      %swap3A_552 = tpu.vector_load %arg14[%swap3A_550, %swap3A_551] {strides = array<i32>} : memref<128x64xf32, #tpu.memory_space<vmem>>, vector<16xf32>,
      tpu.vector_store %arg14[%swap3A_550, %swap3A_551], %mul3A_549 {strides = array<i32>} : memref<128x64xf32, #tpu.memory_space<vmem>>, vector<16xf32>,
      %mul3A_553 = vector.broadcast %scan3A_129 : f32 to vector<16xf32>
      %mul3A_554 = arith.mulf %scan3A_541#2, %mul3A_553 : vector<16xf32>
      %swap3A_555 = arith.index_cast %add3A_490 : i32 to index
      %swap3A_556 = arith.constant 32 : index
      %swap3A_557 = tpu.vector_load %arg14[%swap3A_555, %swap3A_556] {strides = array<i32>} : memref<128x64xf32, #tpu.memory_space<vmem>>, vector<16xf32>,
      tpu.vector_store %arg14[%swap3A_555, %swap3A_556], %mul3A_554 {strides = array<i32>} : memref<128x64xf32, #tpu.memory_space<vmem>>, vector<16xf32>,
      %mul3A_558 = vector.broadcast %scan3A_129 : f32 to vector<16xf32>
      %mul3A_559 = arith.mulf %scan3A_541#3, %mul3A_558 : vector<16xf32>
      %swap3A_560 = arith.index_cast %add3A_490 : i32 to index
      %swap3A_561 = arith.constant 48 : index
      %swap3A_562 = tpu.vector_load %arg14[%swap3A_560, %swap3A_561] {strides = array<i32>} : memref<128x64xf32, #tpu.memory_space<vmem>>, vector<16xf32>,
      tpu.vector_store %arg14[%swap3A_560, %swap3A_561], %mul3A_559 {strides = array<i32>} : memref<128x64xf32, #tpu.memory_space<vmem>>, vector<16xf32>,
      %mul3A_563 = arith.constant 8 : i32
      %mul3A_564 = arith.muli %mul3A_563, %scan3A_262 : i32
      %add3A_565 = arith.constant 4 : i32
      %add3A_566 = arith.addi %mul3A_564, %add3A_565 : i32
      %add3A_567 = arith.constant 8 : i32
      %add3A_568 = arith.addi %add3A_566, %add3A_567 : i32
      %sub3A_569 = arith.constant 1 : i32
      %sub3A_570 = arith.subi %add3A_568, %sub3A_569 : i32
      %min3A_571 = arith.constant 127 : i32
      %min3A_572 = arith.minsi %sub3A_570, %min3A_571 : i32
      %mul3A_573 = arith.constant 200 : i32
      %mul3A_574 = arith.muli %min3A_572, %mul3A_573 : i32
      %multiple_of3A_575 = tpu.assume_multiple %mul3A_574, 8 : i32
      %dma_start3A_576 = arith.constant 0 : i32
      %dma_start3A_577 = arith.constant 0 : i32
      %dma_start3A_578 = tpu.memref_slice %arg9[%dma_start3A_576, %dma_start3A_577] : memref<200x64xbf16, #tpu.memory_space<vmem>> -> memref<104x64xbf16, #tpu.memory_space<vmem>>
      %dma_start3A_579 = tpu.memref_slice %arg5[%multiple_of3A_575] : memref<25600xi32, #tpu.memory_space<vmem>> -> memref<104xi32, #tpu.memory_space<vmem>>
      %dma_start3A_580 = arith.constant 0 : i32
      %dma_start3A_581 = arith.constant 0 : i32
      %dma_start3A_582 = tpu.memref_slice %arg3[%dma_start3A_580, %dma_start3A_581] : memref<50272x64xbf16, #tpu.memory_space<hbm>> -> memref<50272x64xbf16, #tpu.memory_space<hbm>>
      tpu.enqueue_indirect_dma source(%dma_start3A_582 : memref<50272x64xbf16, #tpu.memory_space<hbm>>) target(%dma_start3A_578 : memref<104x64xbf16, #tpu.memory_space<vmem>>) offsets(%dma_start3A_579 : memref<104xi32, #tpu.memory_space<vmem>>) semaphore(%arg18 : memref<!tpu.dma_semaphore, #tpu.memory_space<semaphore_mem>>)
      %add3A_583 = arith.constant 104 : i32
      %add3A_584 = arith.addi %multiple_of3A_575, %add3A_583 : i32
      %dma_start3A_585 = arith.constant 104 : i32
      %dma_start3A_586 = arith.constant 0 : i32
      %dma_start3A_587 = tpu.memref_slice %arg9[%dma_start3A_585, %dma_start3A_586] : memref<200x64xbf16, #tpu.memory_space<vmem>> -> memref<96x64xbf16, #tpu.memory_space<vmem>>
      %dma_start3A_588 = tpu.memref_slice %arg5[%add3A_584] : memref<25600xi32, #tpu.memory_space<vmem>> -> memref<96xi32, #tpu.memory_space<vmem>>
      %dma_start3A_589 = arith.constant 0 : i32
      %dma_start3A_590 = arith.constant 0 : i32
      %dma_start3A_591 = tpu.memref_slice %arg3[%dma_start3A_589, %dma_start3A_590] : memref<50272x64xbf16, #tpu.memory_space<hbm>> -> memref<50272x64xbf16, #tpu.memory_space<hbm>>
      tpu.enqueue_indirect_dma source(%dma_start3A_591 : memref<50272x64xbf16, #tpu.memory_space<hbm>>) target(%dma_start3A_587 : memref<96x64xbf16, #tpu.memory_space<vmem>>) offsets(%dma_start3A_588 : memref<96xi32, #tpu.memory_space<vmem>>) semaphore(%arg18 : memref<!tpu.dma_semaphore, #tpu.memory_space<semaphore_mem>>)
      %mul3A_592 = arith.constant 200 : i32
      %mul3A_593 = arith.muli %add3A_566, %mul3A_592 : i32
      %multiple_of3A_594 = tpu.assume_multiple %mul3A_593, 8 : i32
      %dma_wait3A_595 = arith.constant 0 : i32
      %dma_wait3A_596 = arith.constant 0 : i32
      %dma_wait3A_597 = tpu.memref_slice %arg10[%dma_wait3A_595, %dma_wait3A_596] : memref<200x64xbf16, #tpu.memory_space<vmem>> -> memref<104x64xbf16, #tpu.memory_space<vmem>>
      %dma_wait3A_598 = tpu.memref_slice %arg5[%multiple_of3A_594] : memref<25600xi32, #tpu.memory_space<vmem>> -> memref<104xi32, #tpu.memory_space<vmem>>
      %dma_wait3A_599 = arith.constant 0 : i32
      %dma_wait3A_600 = arith.constant 0 : i32
      %dma_wait3A_601 = tpu.memref_slice %arg3[%dma_wait3A_599, %dma_wait3A_600] : memref<50272x64xbf16, #tpu.memory_space<hbm>> -> memref<50272x64xbf16, #tpu.memory_space<hbm>>
      tpu.wait_indirect_dma semaphore(%arg19 : memref<!tpu.dma_semaphore, #tpu.memory_space<semaphore_mem>>) src(%dma_wait3A_601 : memref<50272x64xbf16, #tpu.memory_space<hbm>>) dst(%dma_wait3A_597 : memref<104x64xbf16, #tpu.memory_space<vmem>>)
      %add3A_602 = arith.constant 104 : i32
      %add3A_603 = arith.addi %multiple_of3A_594, %add3A_602 : i32
      %dma_wait3A_604 = arith.constant 104 : i32
      %dma_wait3A_605 = arith.constant 0 : i32
      %dma_wait3A_606 = tpu.memref_slice %arg10[%dma_wait3A_604, %dma_wait3A_605] : memref<200x64xbf16, #tpu.memory_space<vmem>> -> memref<96x64xbf16, #tpu.memory_space<vmem>>
      %dma_wait3A_607 = tpu.memref_slice %arg5[%add3A_603] : memref<25600xi32, #tpu.memory_space<vmem>> -> memref<96xi32, #tpu.memory_space<vmem>>
      %dma_wait3A_608 = arith.constant 0 : i32
      %dma_wait3A_609 = arith.constant 0 : i32
      %dma_wait3A_610 = tpu.memref_slice %arg3[%dma_wait3A_608, %dma_wait3A_609] : memref<50272x64xbf16, #tpu.memory_space<hbm>> -> memref<50272x64xbf16, #tpu.memory_space<hbm>>
      tpu.wait_indirect_dma semaphore(%arg19 : memref<!tpu.dma_semaphore, #tpu.memory_space<semaphore_mem>>) src(%dma_wait3A_610 : memref<50272x64xbf16, #tpu.memory_space<hbm>>) dst(%dma_wait3A_606 : memref<96x64xbf16, #tpu.memory_space<vmem>>)
      %broadcast_in_dim3A_611 = arith.constant 0.000000e+00 : f32
      %broadcast_in_dim3A_612 = vector.broadcast %broadcast_in_dim3A_611 : f32 to vector<16xf32>
      %scan3A_613 = arith.constant 0 : i32
      %scan3A_614 = arith.constant 100 : i32
      %scan3A_615 = arith.addi %scan3A_613, %scan3A_614 : i32
      %scan3A_616 = arith.constant 4 : i32
      %scan3A_617:4 = scf.for %scan3A_867 = %scan3A_613 to %scan3A_615 step %scan3A_616 iter_args(%scan3A_868 = %broadcast_in_dim3A_612, %scan3A_869 = %broadcast_in_dim3A_612, %scan3A_870 = %broadcast_in_dim3A_612, %scan3A_871 = %broadcast_in_dim3A_612) -> (vector<16xf32>, vector<16xf32>, vector<16xf32>, vector<16xf32>)  : i32 {
        %get3A = arith.index_cast %scan3A_867 : i32 to index
        %get3A_872 = arith.constant 0 : index
        %get3A_873 = tpu.vector_load %arg10[%get3A, %get3A_872] {strides = array<i32>} : memref<200x64xbf16, #tpu.memory_space<vmem>>, vector<32xbf16>,
        %add3A_874 = arith.constant 100 : i32
        %add3A_875 = arith.addi %scan3A_867, %add3A_874 : i32
        %get3A_876 = arith.index_cast %add3A_875 : i32 to index
        %get3A_877 = arith.constant 0 : index
        %get3A_878 = tpu.vector_load %arg10[%get3A_876, %get3A_877] {strides = array<i32>} : memref<200x64xbf16, #tpu.memory_space<vmem>>, vector<32xbf16>,
        %unpack3A = tpu.unpack_subelements %get3A_873, 0 {pack_format = #tpu.pack_format<interleaved>} : vector<32xbf16> -> vector<16xf32>
        %unpack3A_879 = tpu.unpack_subelements %get3A_873, 1 {pack_format = #tpu.pack_format<interleaved>} : vector<32xbf16> -> vector<16xf32>
        %unpack3A_880 = tpu.unpack_subelements %get3A_878, 0 {pack_format = #tpu.pack_format<interleaved>} : vector<32xbf16> -> vector<16xf32>
        %unpack3A_881 = tpu.unpack_subelements %get3A_878, 1 {pack_format = #tpu.pack_format<interleaved>} : vector<32xbf16> -> vector<16xf32>
        %add3A_882 = arith.addf %scan3A_868, %unpack3A : vector<16xf32>
        %add3A_883 = arith.addf %add3A_882, %unpack3A_880 : vector<16xf32>
        %add3A_884 = arith.addf %scan3A_869, %unpack3A_879 : vector<16xf32>
        %add3A_885 = arith.addf %add3A_884, %unpack3A_881 : vector<16xf32>
        %get3A_886 = arith.index_cast %scan3A_867 : i32 to index
        %get3A_887 = arith.constant 32 : index
        %get3A_888 = tpu.vector_load %arg10[%get3A_886, %get3A_887] {strides = array<i32>} : memref<200x64xbf16, #tpu.memory_space<vmem>>, vector<32xbf16>,
        %add3A_889 = arith.constant 100 : i32
        %add3A_890 = arith.addi %scan3A_867, %add3A_889 : i32
        %get3A_891 = arith.index_cast %add3A_890 : i32 to index
        %get3A_892 = arith.constant 32 : index
        %get3A_893 = tpu.vector_load %arg10[%get3A_891, %get3A_892] {strides = array<i32>} : memref<200x64xbf16, #tpu.memory_space<vmem>>, vector<32xbf16>,
        %unpack3A_894 = tpu.unpack_subelements %get3A_888, 0 {pack_format = #tpu.pack_format<interleaved>} : vector<32xbf16> -> vector<16xf32>
        %unpack3A_895 = tpu.unpack_subelements %get3A_888, 1 {pack_format = #tpu.pack_format<interleaved>} : vector<32xbf16> -> vector<16xf32>
        %unpack3A_896 = tpu.unpack_subelements %get3A_893, 0 {pack_format = #tpu.pack_format<interleaved>} : vector<32xbf16> -> vector<16xf32>
        %unpack3A_897 = tpu.unpack_subelements %get3A_893, 1 {pack_format = #tpu.pack_format<interleaved>} : vector<32xbf16> -> vector<16xf32>
        %add3A_898 = arith.addf %scan3A_870, %unpack3A_894 : vector<16xf32>
        %add3A_899 = arith.addf %add3A_898, %unpack3A_896 : vector<16xf32>
        %add3A_900 = arith.addf %scan3A_871, %unpack3A_895 : vector<16xf32>
        %add3A_901 = arith.addf %add3A_900, %unpack3A_897 : vector<16xf32>
        %scan3A_902 = arith.constant 1 : i32
        %scan3A_903 = arith.addi %scan3A_867, %scan3A_902 : i32
        %get3A_904 = arith.index_cast %scan3A_903 : i32 to index
        %get3A_905 = arith.constant 0 : index
        %get3A_906 = tpu.vector_load %arg10[%get3A_904, %get3A_905] {strides = array<i32>} : memref<200x64xbf16, #tpu.memory_space<vmem>>, vector<32xbf16>,
        %add3A_907 = arith.constant 100 : i32
        %add3A_908 = arith.addi %scan3A_903, %add3A_907 : i32
        %get3A_909 = arith.index_cast %add3A_908 : i32 to index
        %get3A_910 = arith.constant 0 : index
        %get3A_911 = tpu.vector_load %arg10[%get3A_909, %get3A_910] {strides = array<i32>} : memref<200x64xbf16, #tpu.memory_space<vmem>>, vector<32xbf16>,
        %unpack3A_912 = tpu.unpack_subelements %get3A_906, 0 {pack_format = #tpu.pack_format<interleaved>} : vector<32xbf16> -> vector<16xf32>
        %unpack3A_913 = tpu.unpack_subelements %get3A_906, 1 {pack_format = #tpu.pack_format<interleaved>} : vector<32xbf16> -> vector<16xf32>
        %unpack3A_914 = tpu.unpack_subelements %get3A_911, 0 {pack_format = #tpu.pack_format<interleaved>} : vector<32xbf16> -> vector<16xf32>
        %unpack3A_915 = tpu.unpack_subelements %get3A_911, 1 {pack_format = #tpu.pack_format<interleaved>} : vector<32xbf16> -> vector<16xf32>
        %add3A_916 = arith.addf %add3A_883, %unpack3A_912 : vector<16xf32>
        %add3A_917 = arith.addf %add3A_916, %unpack3A_914 : vector<16xf32>
        %add3A_918 = arith.addf %add3A_885, %unpack3A_913 : vector<16xf32>
        %add3A_919 = arith.addf %add3A_918, %unpack3A_915 : vector<16xf32>
        %get3A_920 = arith.index_cast %scan3A_903 : i32 to index
        %get3A_921 = arith.constant 32 : index
        %get3A_922 = tpu.vector_load %arg10[%get3A_920, %get3A_921] {strides = array<i32>} : memref<200x64xbf16, #tpu.memory_space<vmem>>, vector<32xbf16>,
        %add3A_923 = arith.constant 100 : i32
        %add3A_924 = arith.addi %scan3A_903, %add3A_923 : i32
        %get3A_925 = arith.index_cast %add3A_924 : i32 to index
        %get3A_926 = arith.constant 32 : index
        %get3A_927 = tpu.vector_load %arg10[%get3A_925, %get3A_926] {strides = array<i32>} : memref<200x64xbf16, #tpu.memory_space<vmem>>, vector<32xbf16>,
        %unpack3A_928 = tpu.unpack_subelements %get3A_922, 0 {pack_format = #tpu.pack_format<interleaved>} : vector<32xbf16> -> vector<16xf32>
        %unpack3A_929 = tpu.unpack_subelements %get3A_922, 1 {pack_format = #tpu.pack_format<interleaved>} : vector<32xbf16> -> vector<16xf32>
        %unpack3A_930 = tpu.unpack_subelements %get3A_927, 0 {pack_format = #tpu.pack_format<interleaved>} : vector<32xbf16> -> vector<16xf32>
        %unpack3A_931 = tpu.unpack_subelements %get3A_927, 1 {pack_format = #tpu.pack_format<interleaved>} : vector<32xbf16> -> vector<16xf32>
        %add3A_932 = arith.addf %add3A_899, %unpack3A_928 : vector<16xf32>
        %add3A_933 = arith.addf %add3A_932, %unpack3A_930 : vector<16xf32>
        %add3A_934 = arith.addf %add3A_901, %unpack3A_929 : vector<16xf32>
        %add3A_935 = arith.addf %add3A_934, %unpack3A_931 : vector<16xf32>
        %scan3A_936 = arith.constant 2 : i32
        %scan3A_937 = arith.addi %scan3A_867, %scan3A_936 : i32
        %get3A_938 = arith.index_cast %scan3A_937 : i32 to index
        %get3A_939 = arith.constant 0 : index
        %get3A_940 = tpu.vector_load %arg10[%get3A_938, %get3A_939] {strides = array<i32>} : memref<200x64xbf16, #tpu.memory_space<vmem>>, vector<32xbf16>,
        %add3A_941 = arith.constant 100 : i32
        %add3A_942 = arith.addi %scan3A_937, %add3A_941 : i32
        %get3A_943 = arith.index_cast %add3A_942 : i32 to index
        %get3A_944 = arith.constant 0 : index
        %get3A_945 = tpu.vector_load %arg10[%get3A_943, %get3A_944] {strides = array<i32>} : memref<200x64xbf16, #tpu.memory_space<vmem>>, vector<32xbf16>,
        %unpack3A_946 = tpu.unpack_subelements %get3A_940, 0 {pack_format = #tpu.pack_format<interleaved>} : vector<32xbf16> -> vector<16xf32>
        %unpack3A_947 = tpu.unpack_subelements %get3A_940, 1 {pack_format = #tpu.pack_format<interleaved>} : vector<32xbf16> -> vector<16xf32>
        %unpack3A_948 = tpu.unpack_subelements %get3A_945, 0 {pack_format = #tpu.pack_format<interleaved>} : vector<32xbf16> -> vector<16xf32>
        %unpack3A_949 = tpu.unpack_subelements %get3A_945, 1 {pack_format = #tpu.pack_format<interleaved>} : vector<32xbf16> -> vector<16xf32>
        %add3A_950 = arith.addf %add3A_917, %unpack3A_946 : vector<16xf32>
        %add3A_951 = arith.addf %add3A_950, %unpack3A_948 : vector<16xf32>
        %add3A_952 = arith.addf %add3A_919, %unpack3A_947 : vector<16xf32>
        %add3A_953 = arith.addf %add3A_952, %unpack3A_949 : vector<16xf32>
        %get3A_954 = arith.index_cast %scan3A_937 : i32 to index
        %get3A_955 = arith.constant 32 : index
        %get3A_956 = tpu.vector_load %arg10[%get3A_954, %get3A_955] {strides = array<i32>} : memref<200x64xbf16, #tpu.memory_space<vmem>>, vector<32xbf16>,
        %add3A_957 = arith.constant 100 : i32
        %add3A_958 = arith.addi %scan3A_937, %add3A_957 : i32
        %get3A_959 = arith.index_cast %add3A_958 : i32 to index
        %get3A_960 = arith.constant 32 : index
        %get3A_961 = tpu.vector_load %arg10[%get3A_959, %get3A_960] {strides = array<i32>} : memref<200x64xbf16, #tpu.memory_space<vmem>>, vector<32xbf16>,
        %unpack3A_962 = tpu.unpack_subelements %get3A_956, 0 {pack_format = #tpu.pack_format<interleaved>} : vector<32xbf16> -> vector<16xf32>
        %unpack3A_963 = tpu.unpack_subelements %get3A_956, 1 {pack_format = #tpu.pack_format<interleaved>} : vector<32xbf16> -> vector<16xf32>
        %unpack3A_964 = tpu.unpack_subelements %get3A_961, 0 {pack_format = #tpu.pack_format<interleaved>} : vector<32xbf16> -> vector<16xf32>
        %unpack3A_965 = tpu.unpack_subelements %get3A_961, 1 {pack_format = #tpu.pack_format<interleaved>} : vector<32xbf16> -> vector<16xf32>
        %add3A_966 = arith.addf %add3A_933, %unpack3A_962 : vector<16xf32>
        %add3A_967 = arith.addf %add3A_966, %unpack3A_964 : vector<16xf32>
        %add3A_968 = arith.addf %add3A_935, %unpack3A_963 : vector<16xf32>
        %add3A_969 = arith.addf %add3A_968, %unpack3A_965 : vector<16xf32>
        %scan3A_970 = arith.constant 3 : i32
        %scan3A_971 = arith.addi %scan3A_867, %scan3A_970 : i32
        %get3A_972 = arith.index_cast %scan3A_971 : i32 to index
        %get3A_973 = arith.constant 0 : index
        %get3A_974 = tpu.vector_load %arg10[%get3A_972, %get3A_973] {strides = array<i32>} : memref<200x64xbf16, #tpu.memory_space<vmem>>, vector<32xbf16>,
        %add3A_975 = arith.constant 100 : i32
        %add3A_976 = arith.addi %scan3A_971, %add3A_975 : i32
        %get3A_977 = arith.index_cast %add3A_976 : i32 to index
        %get3A_978 = arith.constant 0 : index
        %get3A_979 = tpu.vector_load %arg10[%get3A_977, %get3A_978] {strides = array<i32>} : memref<200x64xbf16, #tpu.memory_space<vmem>>, vector<32xbf16>,
        %unpack3A_980 = tpu.unpack_subelements %get3A_974, 0 {pack_format = #tpu.pack_format<interleaved>} : vector<32xbf16> -> vector<16xf32>
        %unpack3A_981 = tpu.unpack_subelements %get3A_974, 1 {pack_format = #tpu.pack_format<interleaved>} : vector<32xbf16> -> vector<16xf32>
        %unpack3A_982 = tpu.unpack_subelements %get3A_979, 0 {pack_format = #tpu.pack_format<interleaved>} : vector<32xbf16> -> vector<16xf32>
        %unpack3A_983 = tpu.unpack_subelements %get3A_979, 1 {pack_format = #tpu.pack_format<interleaved>} : vector<32xbf16> -> vector<16xf32>
        %add3A_984 = arith.addf %add3A_951, %unpack3A_980 : vector<16xf32>
        %add3A_985 = arith.addf %add3A_984, %unpack3A_982 : vector<16xf32>
        %add3A_986 = arith.addf %add3A_953, %unpack3A_981 : vector<16xf32>
        %add3A_987 = arith.addf %add3A_986, %unpack3A_983 : vector<16xf32>
        %get3A_988 = arith.index_cast %scan3A_971 : i32 to index
        %get3A_989 = arith.constant 32 : index
        %get3A_990 = tpu.vector_load %arg10[%get3A_988, %get3A_989] {strides = array<i32>} : memref<200x64xbf16, #tpu.memory_space<vmem>>, vector<32xbf16>,
        %add3A_991 = arith.constant 100 : i32
        %add3A_992 = arith.addi %scan3A_971, %add3A_991 : i32
        %get3A_993 = arith.index_cast %add3A_992 : i32 to index
        %get3A_994 = arith.constant 32 : index
        %get3A_995 = tpu.vector_load %arg10[%get3A_993, %get3A_994] {strides = array<i32>} : memref<200x64xbf16, #tpu.memory_space<vmem>>, vector<32xbf16>,
        %unpack3A_996 = tpu.unpack_subelements %get3A_990, 0 {pack_format = #tpu.pack_format<interleaved>} : vector<32xbf16> -> vector<16xf32>
        %unpack3A_997 = tpu.unpack_subelements %get3A_990, 1 {pack_format = #tpu.pack_format<interleaved>} : vector<32xbf16> -> vector<16xf32>
        %unpack3A_998 = tpu.unpack_subelements %get3A_995, 0 {pack_format = #tpu.pack_format<interleaved>} : vector<32xbf16> -> vector<16xf32>
        %unpack3A_999 = tpu.unpack_subelements %get3A_995, 1 {pack_format = #tpu.pack_format<interleaved>} : vector<32xbf16> -> vector<16xf32>
        %add3A_1000 = arith.addf %add3A_967, %unpack3A_996 : vector<16xf32>
        %add3A_1001 = arith.addf %add3A_1000, %unpack3A_998 : vector<16xf32>
        %add3A_1002 = arith.addf %add3A_969, %unpack3A_997 : vector<16xf32>
        %add3A_1003 = arith.addf %add3A_1002, %unpack3A_999 : vector<16xf32>
        scf.yield %add3A_985, %add3A_987, %add3A_1001, %add3A_1003 : vector<16xf32>, vector<16xf32>, vector<16xf32>, vector<16xf32>
      }
      %scan3A_618 = arith.constant 100 : i32
      %mul3A_619 = vector.broadcast %scan3A_129 : f32 to vector<16xf32>
      %mul3A_620 = arith.mulf %scan3A_617#0, %mul3A_619 : vector<16xf32>
      %swap3A_621 = arith.index_cast %add3A_566 : i32 to index
      %swap3A_622 = arith.constant 0 : index
      %swap3A_623 = tpu.vector_load %arg14[%swap3A_621, %swap3A_622] {strides = array<i32>} : memref<128x64xf32, #tpu.memory_space<vmem>>, vector<16xf32>,
      tpu.vector_store %arg14[%swap3A_621, %swap3A_622], %mul3A_620 {strides = array<i32>} : memref<128x64xf32, #tpu.memory_space<vmem>>, vector<16xf32>,
      %mul3A_624 = vector.broadcast %scan3A_129 : f32 to vector<16xf32>
      %mul3A_625 = arith.mulf %scan3A_617#1, %mul3A_624 : vector<16xf32>
      %swap3A_626 = arith.index_cast %add3A_566 : i32 to index
      %swap3A_627 = arith.constant 16 : index
      %swap3A_628 = tpu.vector_load %arg14[%swap3A_626, %swap3A_627] {strides = array<i32>} : memref<128x64xf32, #tpu.memory_space<vmem>>, vector<16xf32>,
      tpu.vector_store %arg14[%swap3A_626, %swap3A_627], %mul3A_625 {strides = array<i32>} : memref<128x64xf32, #tpu.memory_space<vmem>>, vector<16xf32>,
      %mul3A_629 = vector.broadcast %scan3A_129 : f32 to vector<16xf32>
      %mul3A_630 = arith.mulf %scan3A_617#2, %mul3A_629 : vector<16xf32>
      %swap3A_631 = arith.index_cast %add3A_566 : i32 to index
      %swap3A_632 = arith.constant 32 : index
      %swap3A_633 = tpu.vector_load %arg14[%swap3A_631, %swap3A_632] {strides = array<i32>} : memref<128x64xf32, #tpu.memory_space<vmem>>, vector<16xf32>,
      tpu.vector_store %arg14[%swap3A_631, %swap3A_632], %mul3A_630 {strides = array<i32>} : memref<128x64xf32, #tpu.memory_space<vmem>>, vector<16xf32>,
      %mul3A_634 = vector.broadcast %scan3A_129 : f32 to vector<16xf32>
      %mul3A_635 = arith.mulf %scan3A_617#3, %mul3A_634 : vector<16xf32>
      %swap3A_636 = arith.index_cast %add3A_566 : i32 to index
      %swap3A_637 = arith.constant 48 : index
      %swap3A_638 = tpu.vector_load %arg14[%swap3A_636, %swap3A_637] {strides = array<i32>} : memref<128x64xf32, #tpu.memory_space<vmem>>, vector<16xf32>,
      tpu.vector_store %arg14[%swap3A_636, %swap3A_637], %mul3A_635 {strides = array<i32>} : memref<128x64xf32, #tpu.memory_space<vmem>>, vector<16xf32>,
      %mul3A_639 = arith.constant 8 : i32
      %mul3A_640 = arith.muli %mul3A_639, %scan3A_262 : i32
      %add3A_641 = arith.constant 5 : i32
      %add3A_642 = arith.addi %mul3A_640, %add3A_641 : i32
      %add3A_643 = arith.constant 8 : i32
      %add3A_644 = arith.addi %add3A_642, %add3A_643 : i32
      %sub3A_645 = arith.constant 1 : i32
      %sub3A_646 = arith.subi %add3A_644, %sub3A_645 : i32
      %min3A_647 = arith.constant 127 : i32
      %min3A_648 = arith.minsi %sub3A_646, %min3A_647 : i32
      %mul3A_649 = arith.constant 200 : i32
      %mul3A_650 = arith.muli %min3A_648, %mul3A_649 : i32
      %multiple_of3A_651 = tpu.assume_multiple %mul3A_650, 8 : i32
      %dma_start3A_652 = arith.constant 0 : i32
      %dma_start3A_653 = arith.constant 0 : i32
      %dma_start3A_654 = tpu.memref_slice %arg10[%dma_start3A_652, %dma_start3A_653] : memref<200x64xbf16, #tpu.memory_space<vmem>> -> memref<104x64xbf16, #tpu.memory_space<vmem>>
      %dma_start3A_655 = tpu.memref_slice %arg5[%multiple_of3A_651] : memref<25600xi32, #tpu.memory_space<vmem>> -> memref<104xi32, #tpu.memory_space<vmem>>
      %dma_start3A_656 = arith.constant 0 : i32
      %dma_start3A_657 = arith.constant 0 : i32
      %dma_start3A_658 = tpu.memref_slice %arg3[%dma_start3A_656, %dma_start3A_657] : memref<50272x64xbf16, #tpu.memory_space<hbm>> -> memref<50272x64xbf16, #tpu.memory_space<hbm>>
      tpu.enqueue_indirect_dma source(%dma_start3A_658 : memref<50272x64xbf16, #tpu.memory_space<hbm>>) target(%dma_start3A_654 : memref<104x64xbf16, #tpu.memory_space<vmem>>) offsets(%dma_start3A_655 : memref<104xi32, #tpu.memory_space<vmem>>) semaphore(%arg19 : memref<!tpu.dma_semaphore, #tpu.memory_space<semaphore_mem>>)
      %add3A_659 = arith.constant 104 : i32
      %add3A_660 = arith.addi %multiple_of3A_651, %add3A_659 : i32
      %dma_start3A_661 = arith.constant 104 : i32
      %dma_start3A_662 = arith.constant 0 : i32
      %dma_start3A_663 = tpu.memref_slice %arg10[%dma_start3A_661, %dma_start3A_662] : memref<200x64xbf16, #tpu.memory_space<vmem>> -> memref<96x64xbf16, #tpu.memory_space<vmem>>
      %dma_start3A_664 = tpu.memref_slice %arg5[%add3A_660] : memref<25600xi32, #tpu.memory_space<vmem>> -> memref<96xi32, #tpu.memory_space<vmem>>
      %dma_start3A_665 = arith.constant 0 : i32
      %dma_start3A_666 = arith.constant 0 : i32
      %dma_start3A_667 = tpu.memref_slice %arg3[%dma_start3A_665, %dma_start3A_666] : memref<50272x64xbf16, #tpu.memory_space<hbm>> -> memref<50272x64xbf16, #tpu.memory_space<hbm>>
      tpu.enqueue_indirect_dma source(%dma_start3A_667 : memref<50272x64xbf16, #tpu.memory_space<hbm>>) target(%dma_start3A_663 : memref<96x64xbf16, #tpu.memory_space<vmem>>) offsets(%dma_start3A_664 : memref<96xi32, #tpu.memory_space<vmem>>) semaphore(%arg19 : memref<!tpu.dma_semaphore, #tpu.memory_space<semaphore_mem>>)
      %mul3A_668 = arith.constant 200 : i32
      %mul3A_669 = arith.muli %add3A_642, %mul3A_668 : i32
      %multiple_of3A_670 = tpu.assume_multiple %mul3A_669, 8 : i32
      %dma_wait3A_671 = arith.constant 0 : i32
      %dma_wait3A_672 = arith.constant 0 : i32
      %dma_wait3A_673 = tpu.memref_slice %arg11[%dma_wait3A_671, %dma_wait3A_672] : memref<200x64xbf16, #tpu.memory_space<vmem>> -> memref<104x64xbf16, #tpu.memory_space<vmem>>
      %dma_wait3A_674 = tpu.memref_slice %arg5[%multiple_of3A_670] : memref<25600xi32, #tpu.memory_space<vmem>> -> memref<104xi32, #tpu.memory_space<vmem>>
      %dma_wait3A_675 = arith.constant 0 : i32
      %dma_wait3A_676 = arith.constant 0 : i32
      %dma_wait3A_677 = tpu.memref_slice %arg3[%dma_wait3A_675, %dma_wait3A_676] : memref<50272x64xbf16, #tpu.memory_space<hbm>> -> memref<50272x64xbf16, #tpu.memory_space<hbm>>
      tpu.wait_indirect_dma semaphore(%arg20 : memref<!tpu.dma_semaphore, #tpu.memory_space<semaphore_mem>>) src(%dma_wait3A_677 : memref<50272x64xbf16, #tpu.memory_space<hbm>>) dst(%dma_wait3A_673 : memref<104x64xbf16, #tpu.memory_space<vmem>>)
      %add3A_678 = arith.constant 104 : i32
      %add3A_679 = arith.addi %multiple_of3A_670, %add3A_678 : i32
      %dma_wait3A_680 = arith.constant 104 : i32
      %dma_wait3A_681 = arith.constant 0 : i32
      %dma_wait3A_682 = tpu.memref_slice %arg11[%dma_wait3A_680, %dma_wait3A_681] : memref<200x64xbf16, #tpu.memory_space<vmem>> -> memref<96x64xbf16, #tpu.memory_space<vmem>>
      %dma_wait3A_683 = tpu.memref_slice %arg5[%add3A_679] : memref<25600xi32, #tpu.memory_space<vmem>> -> memref<96xi32, #tpu.memory_space<vmem>>
      %dma_wait3A_684 = arith.constant 0 : i32
      %dma_wait3A_685 = arith.constant 0 : i32
      %dma_wait3A_686 = tpu.memref_slice %arg3[%dma_wait3A_684, %dma_wait3A_685] : memref<50272x64xbf16, #tpu.memory_space<hbm>> -> memref<50272x64xbf16, #tpu.memory_space<hbm>>
      tpu.wait_indirect_dma semaphore(%arg20 : memref<!tpu.dma_semaphore, #tpu.memory_space<semaphore_mem>>) src(%dma_wait3A_686 : memref<50272x64xbf16, #tpu.memory_space<hbm>>) dst(%dma_wait3A_682 : memref<96x64xbf16, #tpu.memory_space<vmem>>)
      %broadcast_in_dim3A_687 = arith.constant 0.000000e+00 : f32
      %broadcast_in_dim3A_688 = vector.broadcast %broadcast_in_dim3A_687 : f32 to vector<16xf32>
      %scan3A_689 = arith.constant 0 : i32
      %scan3A_690 = arith.constant 100 : i32
      %scan3A_691 = arith.addi %scan3A_689, %scan3A_690 : i32
      %scan3A_692 = arith.constant 4 : i32
      %scan3A_693:4 = scf.for %scan3A_867 = %scan3A_689 to %scan3A_691 step %scan3A_692 iter_args(%scan3A_868 = %broadcast_in_dim3A_688, %scan3A_869 = %broadcast_in_dim3A_688, %scan3A_870 = %broadcast_in_dim3A_688, %scan3A_871 = %broadcast_in_dim3A_688) -> (vector<16xf32>, vector<16xf32>, vector<16xf32>, vector<16xf32>)  : i32 {
        %get3A = arith.index_cast %scan3A_867 : i32 to index
        %get3A_872 = arith.constant 0 : index
        %get3A_873 = tpu.vector_load %arg11[%get3A, %get3A_872] {strides = array<i32>} : memref<200x64xbf16, #tpu.memory_space<vmem>>, vector<32xbf16>,
        %add3A_874 = arith.constant 100 : i32
        %add3A_875 = arith.addi %scan3A_867, %add3A_874 : i32
        %get3A_876 = arith.index_cast %add3A_875 : i32 to index
        %get3A_877 = arith.constant 0 : index
        %get3A_878 = tpu.vector_load %arg11[%get3A_876, %get3A_877] {strides = array<i32>} : memref<200x64xbf16, #tpu.memory_space<vmem>>, vector<32xbf16>,
        %unpack3A = tpu.unpack_subelements %get3A_873, 0 {pack_format = #tpu.pack_format<interleaved>} : vector<32xbf16> -> vector<16xf32>
        %unpack3A_879 = tpu.unpack_subelements %get3A_873, 1 {pack_format = #tpu.pack_format<interleaved>} : vector<32xbf16> -> vector<16xf32>
        %unpack3A_880 = tpu.unpack_subelements %get3A_878, 0 {pack_format = #tpu.pack_format<interleaved>} : vector<32xbf16> -> vector<16xf32>
        %unpack3A_881 = tpu.unpack_subelements %get3A_878, 1 {pack_format = #tpu.pack_format<interleaved>} : vector<32xbf16> -> vector<16xf32>
        %add3A_882 = arith.addf %scan3A_868, %unpack3A : vector<16xf32>
        %add3A_883 = arith.addf %add3A_882, %unpack3A_880 : vector<16xf32>
        %add3A_884 = arith.addf %scan3A_869, %unpack3A_879 : vector<16xf32>
        %add3A_885 = arith.addf %add3A_884, %unpack3A_881 : vector<16xf32>
        %get3A_886 = arith.index_cast %scan3A_867 : i32 to index
        %get3A_887 = arith.constant 32 : index
        %get3A_888 = tpu.vector_load %arg11[%get3A_886, %get3A_887] {strides = array<i32>} : memref<200x64xbf16, #tpu.memory_space<vmem>>, vector<32xbf16>,
        %add3A_889 = arith.constant 100 : i32
        %add3A_890 = arith.addi %scan3A_867, %add3A_889 : i32
        %get3A_891 = arith.index_cast %add3A_890 : i32 to index
        %get3A_892 = arith.constant 32 : index
        %get3A_893 = tpu.vector_load %arg11[%get3A_891, %get3A_892] {strides = array<i32>} : memref<200x64xbf16, #tpu.memory_space<vmem>>, vector<32xbf16>,
        %unpack3A_894 = tpu.unpack_subelements %get3A_888, 0 {pack_format = #tpu.pack_format<interleaved>} : vector<32xbf16> -> vector<16xf32>
        %unpack3A_895 = tpu.unpack_subelements %get3A_888, 1 {pack_format = #tpu.pack_format<interleaved>} : vector<32xbf16> -> vector<16xf32>
        %unpack3A_896 = tpu.unpack_subelements %get3A_893, 0 {pack_format = #tpu.pack_format<interleaved>} : vector<32xbf16> -> vector<16xf32>
        %unpack3A_897 = tpu.unpack_subelements %get3A_893, 1 {pack_format = #tpu.pack_format<interleaved>} : vector<32xbf16> -> vector<16xf32>
        %add3A_898 = arith.addf %scan3A_870, %unpack3A_894 : vector<16xf32>
        %add3A_899 = arith.addf %add3A_898, %unpack3A_896 : vector<16xf32>
        %add3A_900 = arith.addf %scan3A_871, %unpack3A_895 : vector<16xf32>
        %add3A_901 = arith.addf %add3A_900, %unpack3A_897 : vector<16xf32>
        %scan3A_902 = arith.constant 1 : i32
        %scan3A_903 = arith.addi %scan3A_867, %scan3A_902 : i32
        %get3A_904 = arith.index_cast %scan3A_903 : i32 to index
        %get3A_905 = arith.constant 0 : index
        %get3A_906 = tpu.vector_load %arg11[%get3A_904, %get3A_905] {strides = array<i32>} : memref<200x64xbf16, #tpu.memory_space<vmem>>, vector<32xbf16>,
        %add3A_907 = arith.constant 100 : i32
        %add3A_908 = arith.addi %scan3A_903, %add3A_907 : i32
        %get3A_909 = arith.index_cast %add3A_908 : i32 to index
        %get3A_910 = arith.constant 0 : index
        %get3A_911 = tpu.vector_load %arg11[%get3A_909, %get3A_910] {strides = array<i32>} : memref<200x64xbf16, #tpu.memory_space<vmem>>, vector<32xbf16>,
        %unpack3A_912 = tpu.unpack_subelements %get3A_906, 0 {pack_format = #tpu.pack_format<interleaved>} : vector<32xbf16> -> vector<16xf32>
        %unpack3A_913 = tpu.unpack_subelements %get3A_906, 1 {pack_format = #tpu.pack_format<interleaved>} : vector<32xbf16> -> vector<16xf32>
        %unpack3A_914 = tpu.unpack_subelements %get3A_911, 0 {pack_format = #tpu.pack_format<interleaved>} : vector<32xbf16> -> vector<16xf32>
        %unpack3A_915 = tpu.unpack_subelements %get3A_911, 1 {pack_format = #tpu.pack_format<interleaved>} : vector<32xbf16> -> vector<16xf32>
        %add3A_916 = arith.addf %add3A_883, %unpack3A_912 : vector<16xf32>
        %add3A_917 = arith.addf %add3A_916, %unpack3A_914 : vector<16xf32>
        %add3A_918 = arith.addf %add3A_885, %unpack3A_913 : vector<16xf32>
        %add3A_919 = arith.addf %add3A_918, %unpack3A_915 : vector<16xf32>
        %get3A_920 = arith.index_cast %scan3A_903 : i32 to index
        %get3A_921 = arith.constant 32 : index
        %get3A_922 = tpu.vector_load %arg11[%get3A_920, %get3A_921] {strides = array<i32>} : memref<200x64xbf16, #tpu.memory_space<vmem>>, vector<32xbf16>,
        %add3A_923 = arith.constant 100 : i32
        %add3A_924 = arith.addi %scan3A_903, %add3A_923 : i32
        %get3A_925 = arith.index_cast %add3A_924 : i32 to index
        %get3A_926 = arith.constant 32 : index
        %get3A_927 = tpu.vector_load %arg11[%get3A_925, %get3A_926] {strides = array<i32>} : memref<200x64xbf16, #tpu.memory_space<vmem>>, vector<32xbf16>,
        %unpack3A_928 = tpu.unpack_subelements %get3A_922, 0 {pack_format = #tpu.pack_format<interleaved>} : vector<32xbf16> -> vector<16xf32>
        %unpack3A_929 = tpu.unpack_subelements %get3A_922, 1 {pack_format = #tpu.pack_format<interleaved>} : vector<32xbf16> -> vector<16xf32>
        %unpack3A_930 = tpu.unpack_subelements %get3A_927, 0 {pack_format = #tpu.pack_format<interleaved>} : vector<32xbf16> -> vector<16xf32>
        %unpack3A_931 = tpu.unpack_subelements %get3A_927, 1 {pack_format = #tpu.pack_format<interleaved>} : vector<32xbf16> -> vector<16xf32>
        %add3A_932 = arith.addf %add3A_899, %unpack3A_928 : vector<16xf32>
        %add3A_933 = arith.addf %add3A_932, %unpack3A_930 : vector<16xf32>
        %add3A_934 = arith.addf %add3A_901, %unpack3A_929 : vector<16xf32>
        %add3A_935 = arith.addf %add3A_934, %unpack3A_931 : vector<16xf32>
        %scan3A_936 = arith.constant 2 : i32
        %scan3A_937 = arith.addi %scan3A_867, %scan3A_936 : i32
        %get3A_938 = arith.index_cast %scan3A_937 : i32 to index
        %get3A_939 = arith.constant 0 : index
        %get3A_940 = tpu.vector_load %arg11[%get3A_938, %get3A_939] {strides = array<i32>} : memref<200x64xbf16, #tpu.memory_space<vmem>>, vector<32xbf16>,
        %add3A_941 = arith.constant 100 : i32
        %add3A_942 = arith.addi %scan3A_937, %add3A_941 : i32
        %get3A_943 = arith.index_cast %add3A_942 : i32 to index
        %get3A_944 = arith.constant 0 : index
        %get3A_945 = tpu.vector_load %arg11[%get3A_943, %get3A_944] {strides = array<i32>} : memref<200x64xbf16, #tpu.memory_space<vmem>>, vector<32xbf16>,
        %unpack3A_946 = tpu.unpack_subelements %get3A_940, 0 {pack_format = #tpu.pack_format<interleaved>} : vector<32xbf16> -> vector<16xf32>
        %unpack3A_947 = tpu.unpack_subelements %get3A_940, 1 {pack_format = #tpu.pack_format<interleaved>} : vector<32xbf16> -> vector<16xf32>
        %unpack3A_948 = tpu.unpack_subelements %get3A_945, 0 {pack_format = #tpu.pack_format<interleaved>} : vector<32xbf16> -> vector<16xf32>
        %unpack3A_949 = tpu.unpack_subelements %get3A_945, 1 {pack_format = #tpu.pack_format<interleaved>} : vector<32xbf16> -> vector<16xf32>
        %add3A_950 = arith.addf %add3A_917, %unpack3A_946 : vector<16xf32>
        %add3A_951 = arith.addf %add3A_950, %unpack3A_948 : vector<16xf32>
        %add3A_952 = arith.addf %add3A_919, %unpack3A_947 : vector<16xf32>
        %add3A_953 = arith.addf %add3A_952, %unpack3A_949 : vector<16xf32>
        %get3A_954 = arith.index_cast %scan3A_937 : i32 to index
        %get3A_955 = arith.constant 32 : index
        %get3A_956 = tpu.vector_load %arg11[%get3A_954, %get3A_955] {strides = array<i32>} : memref<200x64xbf16, #tpu.memory_space<vmem>>, vector<32xbf16>,
        %add3A_957 = arith.constant 100 : i32
        %add3A_958 = arith.addi %scan3A_937, %add3A_957 : i32
        %get3A_959 = arith.index_cast %add3A_958 : i32 to index
        %get3A_960 = arith.constant 32 : index
        %get3A_961 = tpu.vector_load %arg11[%get3A_959, %get3A_960] {strides = array<i32>} : memref<200x64xbf16, #tpu.memory_space<vmem>>, vector<32xbf16>,
        %unpack3A_962 = tpu.unpack_subelements %get3A_956, 0 {pack_format = #tpu.pack_format<interleaved>} : vector<32xbf16> -> vector<16xf32>
        %unpack3A_963 = tpu.unpack_subelements %get3A_956, 1 {pack_format = #tpu.pack_format<interleaved>} : vector<32xbf16> -> vector<16xf32>
        %unpack3A_964 = tpu.unpack_subelements %get3A_961, 0 {pack_format = #tpu.pack_format<interleaved>} : vector<32xbf16> -> vector<16xf32>
        %unpack3A_965 = tpu.unpack_subelements %get3A_961, 1 {pack_format = #tpu.pack_format<interleaved>} : vector<32xbf16> -> vector<16xf32>
        %add3A_966 = arith.addf %add3A_933, %unpack3A_962 : vector<16xf32>
        %add3A_967 = arith.addf %add3A_966, %unpack3A_964 : vector<16xf32>
        %add3A_968 = arith.addf %add3A_935, %unpack3A_963 : vector<16xf32>
        %add3A_969 = arith.addf %add3A_968, %unpack3A_965 : vector<16xf32>
        %scan3A_970 = arith.constant 3 : i32
        %scan3A_971 = arith.addi %scan3A_867, %scan3A_970 : i32
        %get3A_972 = arith.index_cast %scan3A_971 : i32 to index
        %get3A_973 = arith.constant 0 : index
        %get3A_974 = tpu.vector_load %arg11[%get3A_972, %get3A_973] {strides = array<i32>} : memref<200x64xbf16, #tpu.memory_space<vmem>>, vector<32xbf16>,
        %add3A_975 = arith.constant 100 : i32
        %add3A_976 = arith.addi %scan3A_971, %add3A_975 : i32
        %get3A_977 = arith.index_cast %add3A_976 : i32 to index
        %get3A_978 = arith.constant 0 : index
        %get3A_979 = tpu.vector_load %arg11[%get3A_977, %get3A_978] {strides = array<i32>} : memref<200x64xbf16, #tpu.memory_space<vmem>>, vector<32xbf16>,
        %unpack3A_980 = tpu.unpack_subelements %get3A_974, 0 {pack_format = #tpu.pack_format<interleaved>} : vector<32xbf16> -> vector<16xf32>
        %unpack3A_981 = tpu.unpack_subelements %get3A_974, 1 {pack_format = #tpu.pack_format<interleaved>} : vector<32xbf16> -> vector<16xf32>
        %unpack3A_982 = tpu.unpack_subelements %get3A_979, 0 {pack_format = #tpu.pack_format<interleaved>} : vector<32xbf16> -> vector<16xf32>
        %unpack3A_983 = tpu.unpack_subelements %get3A_979, 1 {pack_format = #tpu.pack_format<interleaved>} : vector<32xbf16> -> vector<16xf32>
        %add3A_984 = arith.addf %add3A_951, %unpack3A_980 : vector<16xf32>
        %add3A_985 = arith.addf %add3A_984, %unpack3A_982 : vector<16xf32>
        %add3A_986 = arith.addf %add3A_953, %unpack3A_981 : vector<16xf32>
        %add3A_987 = arith.addf %add3A_986, %unpack3A_983 : vector<16xf32>
        %get3A_988 = arith.index_cast %scan3A_971 : i32 to index
        %get3A_989 = arith.constant 32 : index
        %get3A_990 = tpu.vector_load %arg11[%get3A_988, %get3A_989] {strides = array<i32>} : memref<200x64xbf16, #tpu.memory_space<vmem>>, vector<32xbf16>,
        %add3A_991 = arith.constant 100 : i32
        %add3A_992 = arith.addi %scan3A_971, %add3A_991 : i32
        %get3A_993 = arith.index_cast %add3A_992 : i32 to index
        %get3A_994 = arith.constant 32 : index
        %get3A_995 = tpu.vector_load %arg11[%get3A_993, %get3A_994] {strides = array<i32>} : memref<200x64xbf16, #tpu.memory_space<vmem>>, vector<32xbf16>,
        %unpack3A_996 = tpu.unpack_subelements %get3A_990, 0 {pack_format = #tpu.pack_format<interleaved>} : vector<32xbf16> -> vector<16xf32>
        %unpack3A_997 = tpu.unpack_subelements %get3A_990, 1 {pack_format = #tpu.pack_format<interleaved>} : vector<32xbf16> -> vector<16xf32>
        %unpack3A_998 = tpu.unpack_subelements %get3A_995, 0 {pack_format = #tpu.pack_format<interleaved>} : vector<32xbf16> -> vector<16xf32>
        %unpack3A_999 = tpu.unpack_subelements %get3A_995, 1 {pack_format = #tpu.pack_format<interleaved>} : vector<32xbf16> -> vector<16xf32>
        %add3A_1000 = arith.addf %add3A_967, %unpack3A_996 : vector<16xf32>
        %add3A_1001 = arith.addf %add3A_1000, %unpack3A_998 : vector<16xf32>
        %add3A_1002 = arith.addf %add3A_969, %unpack3A_997 : vector<16xf32>
        %add3A_1003 = arith.addf %add3A_1002, %unpack3A_999 : vector<16xf32>
        scf.yield %add3A_985, %add3A_987, %add3A_1001, %add3A_1003 : vector<16xf32>, vector<16xf32>, vector<16xf32>, vector<16xf32>
      }
      %scan3A_694 = arith.constant 100 : i32
      %mul3A_695 = vector.broadcast %scan3A_129 : f32 to vector<16xf32>
      %mul3A_696 = arith.mulf %scan3A_693#0, %mul3A_695 : vector<16xf32>
      %swap3A_697 = arith.index_cast %add3A_642 : i32 to index
      %swap3A_698 = arith.constant 0 : index
      %swap3A_699 = tpu.vector_load %arg14[%swap3A_697, %swap3A_698] {strides = array<i32>} : memref<128x64xf32, #tpu.memory_space<vmem>>, vector<16xf32>,
      tpu.vector_store %arg14[%swap3A_697, %swap3A_698], %mul3A_696 {strides = array<i32>} : memref<128x64xf32, #tpu.memory_space<vmem>>, vector<16xf32>,
      %mul3A_700 = vector.broadcast %scan3A_129 : f32 to vector<16xf32>
      %mul3A_701 = arith.mulf %scan3A_693#1, %mul3A_700 : vector<16xf32>
      %swap3A_702 = arith.index_cast %add3A_642 : i32 to index
      %swap3A_703 = arith.constant 16 : index
      %swap3A_704 = tpu.vector_load %arg14[%swap3A_702, %swap3A_703] {strides = array<i32>} : memref<128x64xf32, #tpu.memory_space<vmem>>, vector<16xf32>,
      tpu.vector_store %arg14[%swap3A_702, %swap3A_703], %mul3A_701 {strides = array<i32>} : memref<128x64xf32, #tpu.memory_space<vmem>>, vector<16xf32>,
      %mul3A_705 = vector.broadcast %scan3A_129 : f32 to vector<16xf32>
      %mul3A_706 = arith.mulf %scan3A_693#2, %mul3A_705 : vector<16xf32>
      %swap3A_707 = arith.index_cast %add3A_642 : i32 to index
      %swap3A_708 = arith.constant 32 : index
      %swap3A_709 = tpu.vector_load %arg14[%swap3A_707, %swap3A_708] {strides = array<i32>} : memref<128x64xf32, #tpu.memory_space<vmem>>, vector<16xf32>,
      tpu.vector_store %arg14[%swap3A_707, %swap3A_708], %mul3A_706 {strides = array<i32>} : memref<128x64xf32, #tpu.memory_space<vmem>>, vector<16xf32>,
      %mul3A_710 = vector.broadcast %scan3A_129 : f32 to vector<16xf32>
      %mul3A_711 = arith.mulf %scan3A_693#3, %mul3A_710 : vector<16xf32>
      %swap3A_712 = arith.index_cast %add3A_642 : i32 to index
      %swap3A_713 = arith.constant 48 : index
      %swap3A_714 = tpu.vector_load %arg14[%swap3A_712, %swap3A_713] {strides = array<i32>} : memref<128x64xf32, #tpu.memory_space<vmem>>, vector<16xf32>,
      tpu.vector_store %arg14[%swap3A_712, %swap3A_713], %mul3A_711 {strides = array<i32>} : memref<128x64xf32, #tpu.memory_space<vmem>>, vector<16xf32>,
      %mul3A_715 = arith.constant 8 : i32
      %mul3A_716 = arith.muli %mul3A_715, %scan3A_262 : i32
      %add3A_717 = arith.constant 6 : i32
      %add3A_718 = arith.addi %mul3A_716, %add3A_717 : i32
      %add3A_719 = arith.constant 8 : i32
      %add3A_720 = arith.addi %add3A_718, %add3A_719 : i32
      %sub3A_721 = arith.constant 1 : i32
      %sub3A_722 = arith.subi %add3A_720, %sub3A_721 : i32
      %min3A_723 = arith.constant 127 : i32
      %min3A_724 = arith.minsi %sub3A_722, %min3A_723 : i32
      %mul3A_725 = arith.constant 200 : i32
      %mul3A_726 = arith.muli %min3A_724, %mul3A_725 : i32
      %multiple_of3A_727 = tpu.assume_multiple %mul3A_726, 8 : i32
      %dma_start3A_728 = arith.constant 0 : i32
      %dma_start3A_729 = arith.constant 0 : i32
      %dma_start3A_730 = tpu.memref_slice %arg11[%dma_start3A_728, %dma_start3A_729] : memref<200x64xbf16, #tpu.memory_space<vmem>> -> memref<104x64xbf16, #tpu.memory_space<vmem>>
      %dma_start3A_731 = tpu.memref_slice %arg5[%multiple_of3A_727] : memref<25600xi32, #tpu.memory_space<vmem>> -> memref<104xi32, #tpu.memory_space<vmem>>
      %dma_start3A_732 = arith.constant 0 : i32
      %dma_start3A_733 = arith.constant 0 : i32
      %dma_start3A_734 = tpu.memref_slice %arg3[%dma_start3A_732, %dma_start3A_733] : memref<50272x64xbf16, #tpu.memory_space<hbm>> -> memref<50272x64xbf16, #tpu.memory_space<hbm>>
      tpu.enqueue_indirect_dma source(%dma_start3A_734 : memref<50272x64xbf16, #tpu.memory_space<hbm>>) target(%dma_start3A_730 : memref<104x64xbf16, #tpu.memory_space<vmem>>) offsets(%dma_start3A_731 : memref<104xi32, #tpu.memory_space<vmem>>) semaphore(%arg20 : memref<!tpu.dma_semaphore, #tpu.memory_space<semaphore_mem>>)
      %add3A_735 = arith.constant 104 : i32
      %add3A_736 = arith.addi %multiple_of3A_727, %add3A_735 : i32
      %dma_start3A_737 = arith.constant 104 : i32
      %dma_start3A_738 = arith.constant 0 : i32
      %dma_start3A_739 = tpu.memref_slice %arg11[%dma_start3A_737, %dma_start3A_738] : memref<200x64xbf16, #tpu.memory_space<vmem>> -> memref<96x64xbf16, #tpu.memory_space<vmem>>
      %dma_start3A_740 = tpu.memref_slice %arg5[%add3A_736] : memref<25600xi32, #tpu.memory_space<vmem>> -> memref<96xi32, #tpu.memory_space<vmem>>
      %dma_start3A_741 = arith.constant 0 : i32
      %dma_start3A_742 = arith.constant 0 : i32
      %dma_start3A_743 = tpu.memref_slice %arg3[%dma_start3A_741, %dma_start3A_742] : memref<50272x64xbf16, #tpu.memory_space<hbm>> -> memref<50272x64xbf16, #tpu.memory_space<hbm>>
      tpu.enqueue_indirect_dma source(%dma_start3A_743 : memref<50272x64xbf16, #tpu.memory_space<hbm>>) target(%dma_start3A_739 : memref<96x64xbf16, #tpu.memory_space<vmem>>) offsets(%dma_start3A_740 : memref<96xi32, #tpu.memory_space<vmem>>) semaphore(%arg20 : memref<!tpu.dma_semaphore, #tpu.memory_space<semaphore_mem>>)
      %mul3A_744 = arith.constant 200 : i32
      %mul3A_745 = arith.muli %add3A_718, %mul3A_744 : i32
      %multiple_of3A_746 = tpu.assume_multiple %mul3A_745, 8 : i32
      %dma_wait3A_747 = arith.constant 0 : i32
      %dma_wait3A_748 = arith.constant 0 : i32
      %dma_wait3A_749 = tpu.memref_slice %arg12[%dma_wait3A_747, %dma_wait3A_748] : memref<200x64xbf16, #tpu.memory_space<vmem>> -> memref<104x64xbf16, #tpu.memory_space<vmem>>
      %dma_wait3A_750 = tpu.memref_slice %arg5[%multiple_of3A_746] : memref<25600xi32, #tpu.memory_space<vmem>> -> memref<104xi32, #tpu.memory_space<vmem>>
      %dma_wait3A_751 = arith.constant 0 : i32
      %dma_wait3A_752 = arith.constant 0 : i32
      %dma_wait3A_753 = tpu.memref_slice %arg3[%dma_wait3A_751, %dma_wait3A_752] : memref<50272x64xbf16, #tpu.memory_space<hbm>> -> memref<50272x64xbf16, #tpu.memory_space<hbm>>
      tpu.wait_indirect_dma semaphore(%arg21 : memref<!tpu.dma_semaphore, #tpu.memory_space<semaphore_mem>>) src(%dma_wait3A_753 : memref<50272x64xbf16, #tpu.memory_space<hbm>>) dst(%dma_wait3A_749 : memref<104x64xbf16, #tpu.memory_space<vmem>>)
      %add3A_754 = arith.constant 104 : i32
      %add3A_755 = arith.addi %multiple_of3A_746, %add3A_754 : i32
      %dma_wait3A_756 = arith.constant 104 : i32
      %dma_wait3A_757 = arith.constant 0 : i32
      %dma_wait3A_758 = tpu.memref_slice %arg12[%dma_wait3A_756, %dma_wait3A_757] : memref<200x64xbf16, #tpu.memory_space<vmem>> -> memref<96x64xbf16, #tpu.memory_space<vmem>>
      %dma_wait3A_759 = tpu.memref_slice %arg5[%add3A_755] : memref<25600xi32, #tpu.memory_space<vmem>> -> memref<96xi32, #tpu.memory_space<vmem>>
      %dma_wait3A_760 = arith.constant 0 : i32
      %dma_wait3A_761 = arith.constant 0 : i32
      %dma_wait3A_762 = tpu.memref_slice %arg3[%dma_wait3A_760, %dma_wait3A_761] : memref<50272x64xbf16, #tpu.memory_space<hbm>> -> memref<50272x64xbf16, #tpu.memory_space<hbm>>
      tpu.wait_indirect_dma semaphore(%arg21 : memref<!tpu.dma_semaphore, #tpu.memory_space<semaphore_mem>>) src(%dma_wait3A_762 : memref<50272x64xbf16, #tpu.memory_space<hbm>>) dst(%dma_wait3A_758 : memref<96x64xbf16, #tpu.memory_space<vmem>>)
      %broadcast_in_dim3A_763 = arith.constant 0.000000e+00 : f32
      %broadcast_in_dim3A_764 = vector.broadcast %broadcast_in_dim3A_763 : f32 to vector<16xf32>
      %scan3A_765 = arith.constant 0 : i32
      %scan3A_766 = arith.constant 100 : i32
      %scan3A_767 = arith.addi %scan3A_765, %scan3A_766 : i32
      %scan3A_768 = arith.constant 4 : i32
      %scan3A_769:4 = scf.for %scan3A_867 = %scan3A_765 to %scan3A_767 step %scan3A_768 iter_args(%scan3A_868 = %broadcast_in_dim3A_764, %scan3A_869 = %broadcast_in_dim3A_764, %scan3A_870 = %broadcast_in_dim3A_764, %scan3A_871 = %broadcast_in_dim3A_764) -> (vector<16xf32>, vector<16xf32>, vector<16xf32>, vector<16xf32>)  : i32 {
        %get3A = arith.index_cast %scan3A_867 : i32 to index
        %get3A_872 = arith.constant 0 : index
        %get3A_873 = tpu.vector_load %arg12[%get3A, %get3A_872] {strides = array<i32>} : memref<200x64xbf16, #tpu.memory_space<vmem>>, vector<32xbf16>,
        %add3A_874 = arith.constant 100 : i32
        %add3A_875 = arith.addi %scan3A_867, %add3A_874 : i32
        %get3A_876 = arith.index_cast %add3A_875 : i32 to index
        %get3A_877 = arith.constant 0 : index
        %get3A_878 = tpu.vector_load %arg12[%get3A_876, %get3A_877] {strides = array<i32>} : memref<200x64xbf16, #tpu.memory_space<vmem>>, vector<32xbf16>,
        %unpack3A = tpu.unpack_subelements %get3A_873, 0 {pack_format = #tpu.pack_format<interleaved>} : vector<32xbf16> -> vector<16xf32>
        %unpack3A_879 = tpu.unpack_subelements %get3A_873, 1 {pack_format = #tpu.pack_format<interleaved>} : vector<32xbf16> -> vector<16xf32>
        %unpack3A_880 = tpu.unpack_subelements %get3A_878, 0 {pack_format = #tpu.pack_format<interleaved>} : vector<32xbf16> -> vector<16xf32>
        %unpack3A_881 = tpu.unpack_subelements %get3A_878, 1 {pack_format = #tpu.pack_format<interleaved>} : vector<32xbf16> -> vector<16xf32>
        %add3A_882 = arith.addf %scan3A_868, %unpack3A : vector<16xf32>
        %add3A_883 = arith.addf %add3A_882, %unpack3A_880 : vector<16xf32>
        %add3A_884 = arith.addf %scan3A_869, %unpack3A_879 : vector<16xf32>
        %add3A_885 = arith.addf %add3A_884, %unpack3A_881 : vector<16xf32>
        %get3A_886 = arith.index_cast %scan3A_867 : i32 to index
        %get3A_887 = arith.constant 32 : index
        %get3A_888 = tpu.vector_load %arg12[%get3A_886, %get3A_887] {strides = array<i32>} : memref<200x64xbf16, #tpu.memory_space<vmem>>, vector<32xbf16>,
        %add3A_889 = arith.constant 100 : i32
        %add3A_890 = arith.addi %scan3A_867, %add3A_889 : i32
        %get3A_891 = arith.index_cast %add3A_890 : i32 to index
        %get3A_892 = arith.constant 32 : index
        %get3A_893 = tpu.vector_load %arg12[%get3A_891, %get3A_892] {strides = array<i32>} : memref<200x64xbf16, #tpu.memory_space<vmem>>, vector<32xbf16>,
        %unpack3A_894 = tpu.unpack_subelements %get3A_888, 0 {pack_format = #tpu.pack_format<interleaved>} : vector<32xbf16> -> vector<16xf32>
        %unpack3A_895 = tpu.unpack_subelements %get3A_888, 1 {pack_format = #tpu.pack_format<interleaved>} : vector<32xbf16> -> vector<16xf32>
        %unpack3A_896 = tpu.unpack_subelements %get3A_893, 0 {pack_format = #tpu.pack_format<interleaved>} : vector<32xbf16> -> vector<16xf32>
        %unpack3A_897 = tpu.unpack_subelements %get3A_893, 1 {pack_format = #tpu.pack_format<interleaved>} : vector<32xbf16> -> vector<16xf32>
        %add3A_898 = arith.addf %scan3A_870, %unpack3A_894 : vector<16xf32>
        %add3A_899 = arith.addf %add3A_898, %unpack3A_896 : vector<16xf32>
        %add3A_900 = arith.addf %scan3A_871, %unpack3A_895 : vector<16xf32>
        %add3A_901 = arith.addf %add3A_900, %unpack3A_897 : vector<16xf32>
        %scan3A_902 = arith.constant 1 : i32
        %scan3A_903 = arith.addi %scan3A_867, %scan3A_902 : i32
        %get3A_904 = arith.index_cast %scan3A_903 : i32 to index
        %get3A_905 = arith.constant 0 : index
        %get3A_906 = tpu.vector_load %arg12[%get3A_904, %get3A_905] {strides = array<i32>} : memref<200x64xbf16, #tpu.memory_space<vmem>>, vector<32xbf16>,
        %add3A_907 = arith.constant 100 : i32
        %add3A_908 = arith.addi %scan3A_903, %add3A_907 : i32
        %get3A_909 = arith.index_cast %add3A_908 : i32 to index
        %get3A_910 = arith.constant 0 : index
        %get3A_911 = tpu.vector_load %arg12[%get3A_909, %get3A_910] {strides = array<i32>} : memref<200x64xbf16, #tpu.memory_space<vmem>>, vector<32xbf16>,
        %unpack3A_912 = tpu.unpack_subelements %get3A_906, 0 {pack_format = #tpu.pack_format<interleaved>} : vector<32xbf16> -> vector<16xf32>
        %unpack3A_913 = tpu.unpack_subelements %get3A_906, 1 {pack_format = #tpu.pack_format<interleaved>} : vector<32xbf16> -> vector<16xf32>
        %unpack3A_914 = tpu.unpack_subelements %get3A_911, 0 {pack_format = #tpu.pack_format<interleaved>} : vector<32xbf16> -> vector<16xf32>
        %unpack3A_915 = tpu.unpack_subelements %get3A_911, 1 {pack_format = #tpu.pack_format<interleaved>} : vector<32xbf16> -> vector<16xf32>
        %add3A_916 = arith.addf %add3A_883, %unpack3A_912 : vector<16xf32>
        %add3A_917 = arith.addf %add3A_916, %unpack3A_914 : vector<16xf32>
        %add3A_918 = arith.addf %add3A_885, %unpack3A_913 : vector<16xf32>
        %add3A_919 = arith.addf %add3A_918, %unpack3A_915 : vector<16xf32>
        %get3A_920 = arith.index_cast %scan3A_903 : i32 to index
        %get3A_921 = arith.constant 32 : index
        %get3A_922 = tpu.vector_load %arg12[%get3A_920, %get3A_921] {strides = array<i32>} : memref<200x64xbf16, #tpu.memory_space<vmem>>, vector<32xbf16>,
        %add3A_923 = arith.constant 100 : i32
        %add3A_924 = arith.addi %scan3A_903, %add3A_923 : i32
        %get3A_925 = arith.index_cast %add3A_924 : i32 to index
        %get3A_926 = arith.constant 32 : index
        %get3A_927 = tpu.vector_load %arg12[%get3A_925, %get3A_926] {strides = array<i32>} : memref<200x64xbf16, #tpu.memory_space<vmem>>, vector<32xbf16>,
        %unpack3A_928 = tpu.unpack_subelements %get3A_922, 0 {pack_format = #tpu.pack_format<interleaved>} : vector<32xbf16> -> vector<16xf32>
        %unpack3A_929 = tpu.unpack_subelements %get3A_922, 1 {pack_format = #tpu.pack_format<interleaved>} : vector<32xbf16> -> vector<16xf32>
        %unpack3A_930 = tpu.unpack_subelements %get3A_927, 0 {pack_format = #tpu.pack_format<interleaved>} : vector<32xbf16> -> vector<16xf32>
        %unpack3A_931 = tpu.unpack_subelements %get3A_927, 1 {pack_format = #tpu.pack_format<interleaved>} : vector<32xbf16> -> vector<16xf32>
        %add3A_932 = arith.addf %add3A_899, %unpack3A_928 : vector<16xf32>
        %add3A_933 = arith.addf %add3A_932, %unpack3A_930 : vector<16xf32>
        %add3A_934 = arith.addf %add3A_901, %unpack3A_929 : vector<16xf32>
        %add3A_935 = arith.addf %add3A_934, %unpack3A_931 : vector<16xf32>
        %scan3A_936 = arith.constant 2 : i32
        %scan3A_937 = arith.addi %scan3A_867, %scan3A_936 : i32
        %get3A_938 = arith.index_cast %scan3A_937 : i32 to index
        %get3A_939 = arith.constant 0 : index
        %get3A_940 = tpu.vector_load %arg12[%get3A_938, %get3A_939] {strides = array<i32>} : memref<200x64xbf16, #tpu.memory_space<vmem>>, vector<32xbf16>,
        %add3A_941 = arith.constant 100 : i32
        %add3A_942 = arith.addi %scan3A_937, %add3A_941 : i32
        %get3A_943 = arith.index_cast %add3A_942 : i32 to index
        %get3A_944 = arith.constant 0 : index
        %get3A_945 = tpu.vector_load %arg12[%get3A_943, %get3A_944] {strides = array<i32>} : memref<200x64xbf16, #tpu.memory_space<vmem>>, vector<32xbf16>,
        %unpack3A_946 = tpu.unpack_subelements %get3A_940, 0 {pack_format = #tpu.pack_format<interleaved>} : vector<32xbf16> -> vector<16xf32>
        %unpack3A_947 = tpu.unpack_subelements %get3A_940, 1 {pack_format = #tpu.pack_format<interleaved>} : vector<32xbf16> -> vector<16xf32>
        %unpack3A_948 = tpu.unpack_subelements %get3A_945, 0 {pack_format = #tpu.pack_format<interleaved>} : vector<32xbf16> -> vector<16xf32>
        %unpack3A_949 = tpu.unpack_subelements %get3A_945, 1 {pack_format = #tpu.pack_format<interleaved>} : vector<32xbf16> -> vector<16xf32>
        %add3A_950 = arith.addf %add3A_917, %unpack3A_946 : vector<16xf32>
        %add3A_951 = arith.addf %add3A_950, %unpack3A_948 : vector<16xf32>
        %add3A_952 = arith.addf %add3A_919, %unpack3A_947 : vector<16xf32>
        %add3A_953 = arith.addf %add3A_952, %unpack3A_949 : vector<16xf32>
        %get3A_954 = arith.index_cast %scan3A_937 : i32 to index
        %get3A_955 = arith.constant 32 : index
        %get3A_956 = tpu.vector_load %arg12[%get3A_954, %get3A_955] {strides = array<i32>} : memref<200x64xbf16, #tpu.memory_space<vmem>>, vector<32xbf16>,
        %add3A_957 = arith.constant 100 : i32
        %add3A_958 = arith.addi %scan3A_937, %add3A_957 : i32
        %get3A_959 = arith.index_cast %add3A_958 : i32 to index
        %get3A_960 = arith.constant 32 : index
        %get3A_961 = tpu.vector_load %arg12[%get3A_959, %get3A_960] {strides = array<i32>} : memref<200x64xbf16, #tpu.memory_space<vmem>>, vector<32xbf16>,
        %unpack3A_962 = tpu.unpack_subelements %get3A_956, 0 {pack_format = #tpu.pack_format<interleaved>} : vector<32xbf16> -> vector<16xf32>
        %unpack3A_963 = tpu.unpack_subelements %get3A_956, 1 {pack_format = #tpu.pack_format<interleaved>} : vector<32xbf16> -> vector<16xf32>
        %unpack3A_964 = tpu.unpack_subelements %get3A_961, 0 {pack_format = #tpu.pack_format<interleaved>} : vector<32xbf16> -> vector<16xf32>
        %unpack3A_965 = tpu.unpack_subelements %get3A_961, 1 {pack_format = #tpu.pack_format<interleaved>} : vector<32xbf16> -> vector<16xf32>
        %add3A_966 = arith.addf %add3A_933, %unpack3A_962 : vector<16xf32>
        %add3A_967 = arith.addf %add3A_966, %unpack3A_964 : vector<16xf32>
        %add3A_968 = arith.addf %add3A_935, %unpack3A_963 : vector<16xf32>
        %add3A_969 = arith.addf %add3A_968, %unpack3A_965 : vector<16xf32>
        %scan3A_970 = arith.constant 3 : i32
        %scan3A_971 = arith.addi %scan3A_867, %scan3A_970 : i32
        %get3A_972 = arith.index_cast %scan3A_971 : i32 to index
        %get3A_973 = arith.constant 0 : index
        %get3A_974 = tpu.vector_load %arg12[%get3A_972, %get3A_973] {strides = array<i32>} : memref<200x64xbf16, #tpu.memory_space<vmem>>, vector<32xbf16>,
        %add3A_975 = arith.constant 100 : i32
        %add3A_976 = arith.addi %scan3A_971, %add3A_975 : i32
        %get3A_977 = arith.index_cast %add3A_976 : i32 to index
        %get3A_978 = arith.constant 0 : index
        %get3A_979 = tpu.vector_load %arg12[%get3A_977, %get3A_978] {strides = array<i32>} : memref<200x64xbf16, #tpu.memory_space<vmem>>, vector<32xbf16>,
        %unpack3A_980 = tpu.unpack_subelements %get3A_974, 0 {pack_format = #tpu.pack_format<interleaved>} : vector<32xbf16> -> vector<16xf32>
        %unpack3A_981 = tpu.unpack_subelements %get3A_974, 1 {pack_format = #tpu.pack_format<interleaved>} : vector<32xbf16> -> vector<16xf32>
        %unpack3A_982 = tpu.unpack_subelements %get3A_979, 0 {pack_format = #tpu.pack_format<interleaved>} : vector<32xbf16> -> vector<16xf32>
        %unpack3A_983 = tpu.unpack_subelements %get3A_979, 1 {pack_format = #tpu.pack_format<interleaved>} : vector<32xbf16> -> vector<16xf32>
        %add3A_984 = arith.addf %add3A_951, %unpack3A_980 : vector<16xf32>
        %add3A_985 = arith.addf %add3A_984, %unpack3A_982 : vector<16xf32>
        %add3A_986 = arith.addf %add3A_953, %unpack3A_981 : vector<16xf32>
        %add3A_987 = arith.addf %add3A_986, %unpack3A_983 : vector<16xf32>
        %get3A_988 = arith.index_cast %scan3A_971 : i32 to index
        %get3A_989 = arith.constant 32 : index
        %get3A_990 = tpu.vector_load %arg12[%get3A_988, %get3A_989] {strides = array<i32>} : memref<200x64xbf16, #tpu.memory_space<vmem>>, vector<32xbf16>,
        %add3A_991 = arith.constant 100 : i32
        %add3A_992 = arith.addi %scan3A_971, %add3A_991 : i32
        %get3A_993 = arith.index_cast %add3A_992 : i32 to index
        %get3A_994 = arith.constant 32 : index
        %get3A_995 = tpu.vector_load %arg12[%get3A_993, %get3A_994] {strides = array<i32>} : memref<200x64xbf16, #tpu.memory_space<vmem>>, vector<32xbf16>,
        %unpack3A_996 = tpu.unpack_subelements %get3A_990, 0 {pack_format = #tpu.pack_format<interleaved>} : vector<32xbf16> -> vector<16xf32>
        %unpack3A_997 = tpu.unpack_subelements %get3A_990, 1 {pack_format = #tpu.pack_format<interleaved>} : vector<32xbf16> -> vector<16xf32>
        %unpack3A_998 = tpu.unpack_subelements %get3A_995, 0 {pack_format = #tpu.pack_format<interleaved>} : vector<32xbf16> -> vector<16xf32>
        %unpack3A_999 = tpu.unpack_subelements %get3A_995, 1 {pack_format = #tpu.pack_format<interleaved>} : vector<32xbf16> -> vector<16xf32>
        %add3A_1000 = arith.addf %add3A_967, %unpack3A_996 : vector<16xf32>
        %add3A_1001 = arith.addf %add3A_1000, %unpack3A_998 : vector<16xf32>
        %add3A_1002 = arith.addf %add3A_969, %unpack3A_997 : vector<16xf32>
        %add3A_1003 = arith.addf %add3A_1002, %unpack3A_999 : vector<16xf32>
        scf.yield %add3A_985, %add3A_987, %add3A_1001, %add3A_1003 : vector<16xf32>, vector<16xf32>, vector<16xf32>, vector<16xf32>
      }
      %scan3A_770 = arith.constant 100 : i32
      %mul3A_771 = vector.broadcast %scan3A_129 : f32 to vector<16xf32>
      %mul3A_772 = arith.mulf %scan3A_769#0, %mul3A_771 : vector<16xf32>
      %swap3A_773 = arith.index_cast %add3A_718 : i32 to index
      %swap3A_774 = arith.constant 0 : index
      %swap3A_775 = tpu.vector_load %arg14[%swap3A_773, %swap3A_774] {strides = array<i32>} : memref<128x64xf32, #tpu.memory_space<vmem>>, vector<16xf32>,
      tpu.vector_store %arg14[%swap3A_773, %swap3A_774], %mul3A_772 {strides = array<i32>} : memref<128x64xf32, #tpu.memory_space<vmem>>, vector<16xf32>,
      %mul3A_776 = vector.broadcast %scan3A_129 : f32 to vector<16xf32>
      %mul3A_777 = arith.mulf %scan3A_769#1, %mul3A_776 : vector<16xf32>
      %swap3A_778 = arith.index_cast %add3A_718 : i32 to index
      %swap3A_779 = arith.constant 16 : index
      %swap3A_780 = tpu.vector_load %arg14[%swap3A_778, %swap3A_779] {strides = array<i32>} : memref<128x64xf32, #tpu.memory_space<vmem>>, vector<16xf32>,
      tpu.vector_store %arg14[%swap3A_778, %swap3A_779], %mul3A_777 {strides = array<i32>} : memref<128x64xf32, #tpu.memory_space<vmem>>, vector<16xf32>,
      %mul3A_781 = vector.broadcast %scan3A_129 : f32 to vector<16xf32>
      %mul3A_782 = arith.mulf %scan3A_769#2, %mul3A_781 : vector<16xf32>
      %swap3A_783 = arith.index_cast %add3A_718 : i32 to index
      %swap3A_784 = arith.constant 32 : index
      %swap3A_785 = tpu.vector_load %arg14[%swap3A_783, %swap3A_784] {strides = array<i32>} : memref<128x64xf32, #tpu.memory_space<vmem>>, vector<16xf32>,
      tpu.vector_store %arg14[%swap3A_783, %swap3A_784], %mul3A_782 {strides = array<i32>} : memref<128x64xf32, #tpu.memory_space<vmem>>, vector<16xf32>,
      %mul3A_786 = vector.broadcast %scan3A_129 : f32 to vector<16xf32>
      %mul3A_787 = arith.mulf %scan3A_769#3, %mul3A_786 : vector<16xf32>
      %swap3A_788 = arith.index_cast %add3A_718 : i32 to index
      %swap3A_789 = arith.constant 48 : index
      %swap3A_790 = tpu.vector_load %arg14[%swap3A_788, %swap3A_789] {strides = array<i32>} : memref<128x64xf32, #tpu.memory_space<vmem>>, vector<16xf32>,
      tpu.vector_store %arg14[%swap3A_788, %swap3A_789], %mul3A_787 {strides = array<i32>} : memref<128x64xf32, #tpu.memory_space<vmem>>, vector<16xf32>,
      %mul3A_791 = arith.constant 8 : i32
      %mul3A_792 = arith.muli %mul3A_791, %scan3A_262 : i32
      %add3A_793 = arith.constant 7 : i32
      %add3A_794 = arith.addi %mul3A_792, %add3A_793 : i32
      %add3A_795 = arith.constant 8 : i32
      %add3A_796 = arith.addi %add3A_794, %add3A_795 : i32
      %sub3A_797 = arith.constant 1 : i32
      %sub3A_798 = arith.subi %add3A_796, %sub3A_797 : i32
      %min3A_799 = arith.constant 127 : i32
      %min3A_800 = arith.minsi %sub3A_798, %min3A_799 : i32
      %mul3A_801 = arith.constant 200 : i32
      %mul3A_802 = arith.muli %min3A_800, %mul3A_801 : i32
      %multiple_of3A_803 = tpu.assume_multiple %mul3A_802, 8 : i32
      %dma_start3A_804 = arith.constant 0 : i32
      %dma_start3A_805 = arith.constant 0 : i32
      %dma_start3A_806 = tpu.memref_slice %arg12[%dma_start3A_804, %dma_start3A_805] : memref<200x64xbf16, #tpu.memory_space<vmem>> -> memref<104x64xbf16, #tpu.memory_space<vmem>>
      %dma_start3A_807 = tpu.memref_slice %arg5[%multiple_of3A_803] : memref<25600xi32, #tpu.memory_space<vmem>> -> memref<104xi32, #tpu.memory_space<vmem>>
      %dma_start3A_808 = arith.constant 0 : i32
      %dma_start3A_809 = arith.constant 0 : i32
      %dma_start3A_810 = tpu.memref_slice %arg3[%dma_start3A_808, %dma_start3A_809] : memref<50272x64xbf16, #tpu.memory_space<hbm>> -> memref<50272x64xbf16, #tpu.memory_space<hbm>>
      tpu.enqueue_indirect_dma source(%dma_start3A_810 : memref<50272x64xbf16, #tpu.memory_space<hbm>>) target(%dma_start3A_806 : memref<104x64xbf16, #tpu.memory_space<vmem>>) offsets(%dma_start3A_807 : memref<104xi32, #tpu.memory_space<vmem>>) semaphore(%arg21 : memref<!tpu.dma_semaphore, #tpu.memory_space<semaphore_mem>>)
      %add3A_811 = arith.constant 104 : i32
      %add3A_812 = arith.addi %multiple_of3A_803, %add3A_811 : i32
      %dma_start3A_813 = arith.constant 104 : i32
      %dma_start3A_814 = arith.constant 0 : i32
      %dma_start3A_815 = tpu.memref_slice %arg12[%dma_start3A_813, %dma_start3A_814] : memref<200x64xbf16, #tpu.memory_space<vmem>> -> memref<96x64xbf16, #tpu.memory_space<vmem>>
      %dma_start3A_816 = tpu.memref_slice %arg5[%add3A_812] : memref<25600xi32, #tpu.memory_space<vmem>> -> memref<96xi32, #tpu.memory_space<vmem>>
      %dma_start3A_817 = arith.constant 0 : i32
      %dma_start3A_818 = arith.constant 0 : i32
      %dma_start3A_819 = tpu.memref_slice %arg3[%dma_start3A_817, %dma_start3A_818] : memref<50272x64xbf16, #tpu.memory_space<hbm>> -> memref<50272x64xbf16, #tpu.memory_space<hbm>>
      tpu.enqueue_indirect_dma source(%dma_start3A_819 : memref<50272x64xbf16, #tpu.memory_space<hbm>>) target(%dma_start3A_815 : memref<96x64xbf16, #tpu.memory_space<vmem>>) offsets(%dma_start3A_816 : memref<96xi32, #tpu.memory_space<vmem>>) semaphore(%arg21 : memref<!tpu.dma_semaphore, #tpu.memory_space<semaphore_mem>>)
      %mul3A_820 = arith.constant 200 : i32
      %mul3A_821 = arith.muli %add3A_794, %mul3A_820 : i32
      %multiple_of3A_822 = tpu.assume_multiple %mul3A_821, 8 : i32
      %dma_wait3A_823 = arith.constant 0 : i32
      %dma_wait3A_824 = arith.constant 0 : i32
      %dma_wait3A_825 = tpu.memref_slice %arg13[%dma_wait3A_823, %dma_wait3A_824] : memref<200x64xbf16, #tpu.memory_space<vmem>> -> memref<104x64xbf16, #tpu.memory_space<vmem>>
      %dma_wait3A_826 = tpu.memref_slice %arg5[%multiple_of3A_822] : memref<25600xi32, #tpu.memory_space<vmem>> -> memref<104xi32, #tpu.memory_space<vmem>>
      %dma_wait3A_827 = arith.constant 0 : i32
      %dma_wait3A_828 = arith.constant 0 : i32
      %dma_wait3A_829 = tpu.memref_slice %arg3[%dma_wait3A_827, %dma_wait3A_828] : memref<50272x64xbf16, #tpu.memory_space<hbm>> -> memref<50272x64xbf16, #tpu.memory_space<hbm>>
      tpu.wait_indirect_dma semaphore(%arg22 : memref<!tpu.dma_semaphore, #tpu.memory_space<semaphore_mem>>) src(%dma_wait3A_829 : memref<50272x64xbf16, #tpu.memory_space<hbm>>) dst(%dma_wait3A_825 : memref<104x64xbf16, #tpu.memory_space<vmem>>)
      %add3A_830 = arith.constant 104 : i32
      %add3A_831 = arith.addi %multiple_of3A_822, %add3A_830 : i32
      %dma_wait3A_832 = arith.constant 104 : i32
      %dma_wait3A_833 = arith.constant 0 : i32
      %dma_wait3A_834 = tpu.memref_slice %arg13[%dma_wait3A_832, %dma_wait3A_833] : memref<200x64xbf16, #tpu.memory_space<vmem>> -> memref<96x64xbf16, #tpu.memory_space<vmem>>
      %dma_wait3A_835 = tpu.memref_slice %arg5[%add3A_831] : memref<25600xi32, #tpu.memory_space<vmem>> -> memref<96xi32, #tpu.memory_space<vmem>>
      %dma_wait3A_836 = arith.constant 0 : i32
      %dma_wait3A_837 = arith.constant 0 : i32
      %dma_wait3A_838 = tpu.memref_slice %arg3[%dma_wait3A_836, %dma_wait3A_837] : memref<50272x64xbf16, #tpu.memory_space<hbm>> -> memref<50272x64xbf16, #tpu.memory_space<hbm>>
      tpu.wait_indirect_dma semaphore(%arg22 : memref<!tpu.dma_semaphore, #tpu.memory_space<semaphore_mem>>) src(%dma_wait3A_838 : memref<50272x64xbf16, #tpu.memory_space<hbm>>) dst(%dma_wait3A_834 : memref<96x64xbf16, #tpu.memory_space<vmem>>)
      %broadcast_in_dim3A_839 = arith.constant 0.000000e+00 : f32
      %broadcast_in_dim3A_840 = vector.broadcast %broadcast_in_dim3A_839 : f32 to vector<16xf32>
      %scan3A_841 = arith.constant 0 : i32
      %scan3A_842 = arith.constant 100 : i32
      %scan3A_843 = arith.addi %scan3A_841, %scan3A_842 : i32
      %scan3A_844 = arith.constant 4 : i32
      %scan3A_845:4 = scf.for %scan3A_867 = %scan3A_841 to %scan3A_843 step %scan3A_844 iter_args(%scan3A_868 = %broadcast_in_dim3A_840, %scan3A_869 = %broadcast_in_dim3A_840, %scan3A_870 = %broadcast_in_dim3A_840, %scan3A_871 = %broadcast_in_dim3A_840) -> (vector<16xf32>, vector<16xf32>, vector<16xf32>, vector<16xf32>)  : i32 {
        %get3A = arith.index_cast %scan3A_867 : i32 to index
        %get3A_872 = arith.constant 0 : index
        %get3A_873 = tpu.vector_load %arg13[%get3A, %get3A_872] {strides = array<i32>} : memref<200x64xbf16, #tpu.memory_space<vmem>>, vector<32xbf16>,
        %add3A_874 = arith.constant 100 : i32
        %add3A_875 = arith.addi %scan3A_867, %add3A_874 : i32
        %get3A_876 = arith.index_cast %add3A_875 : i32 to index
        %get3A_877 = arith.constant 0 : index
        %get3A_878 = tpu.vector_load %arg13[%get3A_876, %get3A_877] {strides = array<i32>} : memref<200x64xbf16, #tpu.memory_space<vmem>>, vector<32xbf16>,
        %unpack3A = tpu.unpack_subelements %get3A_873, 0 {pack_format = #tpu.pack_format<interleaved>} : vector<32xbf16> -> vector<16xf32>
        %unpack3A_879 = tpu.unpack_subelements %get3A_873, 1 {pack_format = #tpu.pack_format<interleaved>} : vector<32xbf16> -> vector<16xf32>
        %unpack3A_880 = tpu.unpack_subelements %get3A_878, 0 {pack_format = #tpu.pack_format<interleaved>} : vector<32xbf16> -> vector<16xf32>
        %unpack3A_881 = tpu.unpack_subelements %get3A_878, 1 {pack_format = #tpu.pack_format<interleaved>} : vector<32xbf16> -> vector<16xf32>
        %add3A_882 = arith.addf %scan3A_868, %unpack3A : vector<16xf32>
        %add3A_883 = arith.addf %add3A_882, %unpack3A_880 : vector<16xf32>
        %add3A_884 = arith.addf %scan3A_869, %unpack3A_879 : vector<16xf32>
        %add3A_885 = arith.addf %add3A_884, %unpack3A_881 : vector<16xf32>
        %get3A_886 = arith.index_cast %scan3A_867 : i32 to index
        %get3A_887 = arith.constant 32 : index
        %get3A_888 = tpu.vector_load %arg13[%get3A_886, %get3A_887] {strides = array<i32>} : memref<200x64xbf16, #tpu.memory_space<vmem>>, vector<32xbf16>,
        %add3A_889 = arith.constant 100 : i32
        %add3A_890 = arith.addi %scan3A_867, %add3A_889 : i32
        %get3A_891 = arith.index_cast %add3A_890 : i32 to index
        %get3A_892 = arith.constant 32 : index
        %get3A_893 = tpu.vector_load %arg13[%get3A_891, %get3A_892] {strides = array<i32>} : memref<200x64xbf16, #tpu.memory_space<vmem>>, vector<32xbf16>,
        %unpack3A_894 = tpu.unpack_subelements %get3A_888, 0 {pack_format = #tpu.pack_format<interleaved>} : vector<32xbf16> -> vector<16xf32>
        %unpack3A_895 = tpu.unpack_subelements %get3A_888, 1 {pack_format = #tpu.pack_format<interleaved>} : vector<32xbf16> -> vector<16xf32>
        %unpack3A_896 = tpu.unpack_subelements %get3A_893, 0 {pack_format = #tpu.pack_format<interleaved>} : vector<32xbf16> -> vector<16xf32>
        %unpack3A_897 = tpu.unpack_subelements %get3A_893, 1 {pack_format = #tpu.pack_format<interleaved>} : vector<32xbf16> -> vector<16xf32>
        %add3A_898 = arith.addf %scan3A_870, %unpack3A_894 : vector<16xf32>
        %add3A_899 = arith.addf %add3A_898, %unpack3A_896 : vector<16xf32>
        %add3A_900 = arith.addf %scan3A_871, %unpack3A_895 : vector<16xf32>
        %add3A_901 = arith.addf %add3A_900, %unpack3A_897 : vector<16xf32>
        %scan3A_902 = arith.constant 1 : i32
        %scan3A_903 = arith.addi %scan3A_867, %scan3A_902 : i32
        %get3A_904 = arith.index_cast %scan3A_903 : i32 to index
        %get3A_905 = arith.constant 0 : index
        %get3A_906 = tpu.vector_load %arg13[%get3A_904, %get3A_905] {strides = array<i32>} : memref<200x64xbf16, #tpu.memory_space<vmem>>, vector<32xbf16>,
        %add3A_907 = arith.constant 100 : i32
        %add3A_908 = arith.addi %scan3A_903, %add3A_907 : i32
        %get3A_909 = arith.index_cast %add3A_908 : i32 to index
        %get3A_910 = arith.constant 0 : index
        %get3A_911 = tpu.vector_load %arg13[%get3A_909, %get3A_910] {strides = array<i32>} : memref<200x64xbf16, #tpu.memory_space<vmem>>, vector<32xbf16>,
        %unpack3A_912 = tpu.unpack_subelements %get3A_906, 0 {pack_format = #tpu.pack_format<interleaved>} : vector<32xbf16> -> vector<16xf32>
        %unpack3A_913 = tpu.unpack_subelements %get3A_906, 1 {pack_format = #tpu.pack_format<interleaved>} : vector<32xbf16> -> vector<16xf32>
        %unpack3A_914 = tpu.unpack_subelements %get3A_911, 0 {pack_format = #tpu.pack_format<interleaved>} : vector<32xbf16> -> vector<16xf32>
        %unpack3A_915 = tpu.unpack_subelements %get3A_911, 1 {pack_format = #tpu.pack_format<interleaved>} : vector<32xbf16> -> vector<16xf32>
        %add3A_916 = arith.addf %add3A_883, %unpack3A_912 : vector<16xf32>
        %add3A_917 = arith.addf %add3A_916, %unpack3A_914 : vector<16xf32>
        %add3A_918 = arith.addf %add3A_885, %unpack3A_913 : vector<16xf32>
        %add3A_919 = arith.addf %add3A_918, %unpack3A_915 : vector<16xf32>
        %get3A_920 = arith.index_cast %scan3A_903 : i32 to index
        %get3A_921 = arith.constant 32 : index
        %get3A_922 = tpu.vector_load %arg13[%get3A_920, %get3A_921] {strides = array<i32>} : memref<200x64xbf16, #tpu.memory_space<vmem>>, vector<32xbf16>,
        %add3A_923 = arith.constant 100 : i32
        %add3A_924 = arith.addi %scan3A_903, %add3A_923 : i32
        %get3A_925 = arith.index_cast %add3A_924 : i32 to index
        %get3A_926 = arith.constant 32 : index
        %get3A_927 = tpu.vector_load %arg13[%get3A_925, %get3A_926] {strides = array<i32>} : memref<200x64xbf16, #tpu.memory_space<vmem>>, vector<32xbf16>,
        %unpack3A_928 = tpu.unpack_subelements %get3A_922, 0 {pack_format = #tpu.pack_format<interleaved>} : vector<32xbf16> -> vector<16xf32>
        %unpack3A_929 = tpu.unpack_subelements %get3A_922, 1 {pack_format = #tpu.pack_format<interleaved>} : vector<32xbf16> -> vector<16xf32>
        %unpack3A_930 = tpu.unpack_subelements %get3A_927, 0 {pack_format = #tpu.pack_format<interleaved>} : vector<32xbf16> -> vector<16xf32>
        %unpack3A_931 = tpu.unpack_subelements %get3A_927, 1 {pack_format = #tpu.pack_format<interleaved>} : vector<32xbf16> -> vector<16xf32>
        %add3A_932 = arith.addf %add3A_899, %unpack3A_928 : vector<16xf32>
        %add3A_933 = arith.addf %add3A_932, %unpack3A_930 : vector<16xf32>
        %add3A_934 = arith.addf %add3A_901, %unpack3A_929 : vector<16xf32>
        %add3A_935 = arith.addf %add3A_934, %unpack3A_931 : vector<16xf32>
        %scan3A_936 = arith.constant 2 : i32
        %scan3A_937 = arith.addi %scan3A_867, %scan3A_936 : i32
        %get3A_938 = arith.index_cast %scan3A_937 : i32 to index
        %get3A_939 = arith.constant 0 : index
        %get3A_940 = tpu.vector_load %arg13[%get3A_938, %get3A_939] {strides = array<i32>} : memref<200x64xbf16, #tpu.memory_space<vmem>>, vector<32xbf16>,
        %add3A_941 = arith.constant 100 : i32
        %add3A_942 = arith.addi %scan3A_937, %add3A_941 : i32
        %get3A_943 = arith.index_cast %add3A_942 : i32 to index
        %get3A_944 = arith.constant 0 : index
        %get3A_945 = tpu.vector_load %arg13[%get3A_943, %get3A_944] {strides = array<i32>} : memref<200x64xbf16, #tpu.memory_space<vmem>>, vector<32xbf16>,
        %unpack3A_946 = tpu.unpack_subelements %get3A_940, 0 {pack_format = #tpu.pack_format<interleaved>} : vector<32xbf16> -> vector<16xf32>
        %unpack3A_947 = tpu.unpack_subelements %get3A_940, 1 {pack_format = #tpu.pack_format<interleaved>} : vector<32xbf16> -> vector<16xf32>
        %unpack3A_948 = tpu.unpack_subelements %get3A_945, 0 {pack_format = #tpu.pack_format<interleaved>} : vector<32xbf16> -> vector<16xf32>
        %unpack3A_949 = tpu.unpack_subelements %get3A_945, 1 {pack_format = #tpu.pack_format<interleaved>} : vector<32xbf16> -> vector<16xf32>
        %add3A_950 = arith.addf %add3A_917, %unpack3A_946 : vector<16xf32>
        %add3A_951 = arith.addf %add3A_950, %unpack3A_948 : vector<16xf32>
        %add3A_952 = arith.addf %add3A_919, %unpack3A_947 : vector<16xf32>
        %add3A_953 = arith.addf %add3A_952, %unpack3A_949 : vector<16xf32>
        %get3A_954 = arith.index_cast %scan3A_937 : i32 to index
        %get3A_955 = arith.constant 32 : index
        %get3A_956 = tpu.vector_load %arg13[%get3A_954, %get3A_955] {strides = array<i32>} : memref<200x64xbf16, #tpu.memory_space<vmem>>, vector<32xbf16>,
        %add3A_957 = arith.constant 100 : i32
        %add3A_958 = arith.addi %scan3A_937, %add3A_957 : i32
        %get3A_959 = arith.index_cast %add3A_958 : i32 to index
        %get3A_960 = arith.constant 32 : index
        %get3A_961 = tpu.vector_load %arg13[%get3A_959, %get3A_960] {strides = array<i32>} : memref<200x64xbf16, #tpu.memory_space<vmem>>, vector<32xbf16>,
        %unpack3A_962 = tpu.unpack_subelements %get3A_956, 0 {pack_format = #tpu.pack_format<interleaved>} : vector<32xbf16> -> vector<16xf32>
        %unpack3A_963 = tpu.unpack_subelements %get3A_956, 1 {pack_format = #tpu.pack_format<interleaved>} : vector<32xbf16> -> vector<16xf32>
        %unpack3A_964 = tpu.unpack_subelements %get3A_961, 0 {pack_format = #tpu.pack_format<interleaved>} : vector<32xbf16> -> vector<16xf32>
        %unpack3A_965 = tpu.unpack_subelements %get3A_961, 1 {pack_format = #tpu.pack_format<interleaved>} : vector<32xbf16> -> vector<16xf32>
        %add3A_966 = arith.addf %add3A_933, %unpack3A_962 : vector<16xf32>
        %add3A_967 = arith.addf %add3A_966, %unpack3A_964 : vector<16xf32>
        %add3A_968 = arith.addf %add3A_935, %unpack3A_963 : vector<16xf32>
        %add3A_969 = arith.addf %add3A_968, %unpack3A_965 : vector<16xf32>
        %scan3A_970 = arith.constant 3 : i32
        %scan3A_971 = arith.addi %scan3A_867, %scan3A_970 : i32
        %get3A_972 = arith.index_cast %scan3A_971 : i32 to index
        %get3A_973 = arith.constant 0 : index
        %get3A_974 = tpu.vector_load %arg13[%get3A_972, %get3A_973] {strides = array<i32>} : memref<200x64xbf16, #tpu.memory_space<vmem>>, vector<32xbf16>,
        %add3A_975 = arith.constant 100 : i32
        %add3A_976 = arith.addi %scan3A_971, %add3A_975 : i32
        %get3A_977 = arith.index_cast %add3A_976 : i32 to index
        %get3A_978 = arith.constant 0 : index
        %get3A_979 = tpu.vector_load %arg13[%get3A_977, %get3A_978] {strides = array<i32>} : memref<200x64xbf16, #tpu.memory_space<vmem>>, vector<32xbf16>,
        %unpack3A_980 = tpu.unpack_subelements %get3A_974, 0 {pack_format = #tpu.pack_format<interleaved>} : vector<32xbf16> -> vector<16xf32>
        %unpack3A_981 = tpu.unpack_subelements %get3A_974, 1 {pack_format = #tpu.pack_format<interleaved>} : vector<32xbf16> -> vector<16xf32>
        %unpack3A_982 = tpu.unpack_subelements %get3A_979, 0 {pack_format = #tpu.pack_format<interleaved>} : vector<32xbf16> -> vector<16xf32>
        %unpack3A_983 = tpu.unpack_subelements %get3A_979, 1 {pack_format = #tpu.pack_format<interleaved>} : vector<32xbf16> -> vector<16xf32>
        %add3A_984 = arith.addf %add3A_951, %unpack3A_980 : vector<16xf32>
        %add3A_985 = arith.addf %add3A_984, %unpack3A_982 : vector<16xf32>
        %add3A_986 = arith.addf %add3A_953, %unpack3A_981 : vector<16xf32>
        %add3A_987 = arith.addf %add3A_986, %unpack3A_983 : vector<16xf32>
        %get3A_988 = arith.index_cast %scan3A_971 : i32 to index
        %get3A_989 = arith.constant 32 : index
        %get3A_990 = tpu.vector_load %arg13[%get3A_988, %get3A_989] {strides = array<i32>} : memref<200x64xbf16, #tpu.memory_space<vmem>>, vector<32xbf16>,
        %add3A_991 = arith.constant 100 : i32
        %add3A_992 = arith.addi %scan3A_971, %add3A_991 : i32
        %get3A_993 = arith.index_cast %add3A_992 : i32 to index
        %get3A_994 = arith.constant 32 : index
        %get3A_995 = tpu.vector_load %arg13[%get3A_993, %get3A_994] {strides = array<i32>} : memref<200x64xbf16, #tpu.memory_space<vmem>>, vector<32xbf16>,
        %unpack3A_996 = tpu.unpack_subelements %get3A_990, 0 {pack_format = #tpu.pack_format<interleaved>} : vector<32xbf16> -> vector<16xf32>
        %unpack3A_997 = tpu.unpack_subelements %get3A_990, 1 {pack_format = #tpu.pack_format<interleaved>} : vector<32xbf16> -> vector<16xf32>
        %unpack3A_998 = tpu.unpack_subelements %get3A_995, 0 {pack_format = #tpu.pack_format<interleaved>} : vector<32xbf16> -> vector<16xf32>
        %unpack3A_999 = tpu.unpack_subelements %get3A_995, 1 {pack_format = #tpu.pack_format<interleaved>} : vector<32xbf16> -> vector<16xf32>
        %add3A_1000 = arith.addf %add3A_967, %unpack3A_996 : vector<16xf32>
        %add3A_1001 = arith.addf %add3A_1000, %unpack3A_998 : vector<16xf32>
        %add3A_1002 = arith.addf %add3A_969, %unpack3A_997 : vector<16xf32>
        %add3A_1003 = arith.addf %add3A_1002, %unpack3A_999 : vector<16xf32>
        scf.yield %add3A_985, %add3A_987, %add3A_1001, %add3A_1003 : vector<16xf32>, vector<16xf32>, vector<16xf32>, vector<16xf32>
      }
      %scan3A_846 = arith.constant 100 : i32
      %mul3A_847 = vector.broadcast %scan3A_129 : f32 to vector<16xf32>
      %mul3A_848 = arith.mulf %scan3A_845#0, %mul3A_847 : vector<16xf32>
      %swap3A_849 = arith.index_cast %add3A_794 : i32 to index
      %swap3A_850 = arith.constant 0 : index
      %swap3A_851 = tpu.vector_load %arg14[%swap3A_849, %swap3A_850] {strides = array<i32>} : memref<128x64xf32, #tpu.memory_space<vmem>>, vector<16xf32>,
      tpu.vector_store %arg14[%swap3A_849, %swap3A_850], %mul3A_848 {strides = array<i32>} : memref<128x64xf32, #tpu.memory_space<vmem>>, vector<16xf32>,
      %mul3A_852 = vector.broadcast %scan3A_129 : f32 to vector<16xf32>
      %mul3A_853 = arith.mulf %scan3A_845#1, %mul3A_852 : vector<16xf32>
      %swap3A_854 = arith.index_cast %add3A_794 : i32 to index
      %swap3A_855 = arith.constant 16 : index
      %swap3A_856 = tpu.vector_load %arg14[%swap3A_854, %swap3A_855] {strides = array<i32>} : memref<128x64xf32, #tpu.memory_space<vmem>>, vector<16xf32>,
      tpu.vector_store %arg14[%swap3A_854, %swap3A_855], %mul3A_853 {strides = array<i32>} : memref<128x64xf32, #tpu.memory_space<vmem>>, vector<16xf32>,
      %mul3A_857 = vector.broadcast %scan3A_129 : f32 to vector<16xf32>
      %mul3A_858 = arith.mulf %scan3A_845#2, %mul3A_857 : vector<16xf32>
      %swap3A_859 = arith.index_cast %add3A_794 : i32 to index
      %swap3A_860 = arith.constant 32 : index
      %swap3A_861 = tpu.vector_load %arg14[%swap3A_859, %swap3A_860] {strides = array<i32>} : memref<128x64xf32, #tpu.memory_space<vmem>>, vector<16xf32>,
      tpu.vector_store %arg14[%swap3A_859, %swap3A_860], %mul3A_858 {strides = array<i32>} : memref<128x64xf32, #tpu.memory_space<vmem>>, vector<16xf32>,
      %mul3A_862 = vector.broadcast %scan3A_129 : f32 to vector<16xf32>
      %mul3A_863 = arith.mulf %scan3A_845#3, %mul3A_862 : vector<16xf32>
      %swap3A_864 = arith.index_cast %add3A_794 : i32 to index
      %swap3A_865 = arith.constant 48 : index
      %swap3A_866 = tpu.vector_load %arg14[%swap3A_864, %swap3A_865] {strides = array<i32>} : memref<128x64xf32, #tpu.memory_space<vmem>>, vector<16xf32>,
      tpu.vector_store %arg14[%swap3A_864, %swap3A_865], %mul3A_863 {strides = array<i32>} : memref<128x64xf32, #tpu.memory_space<vmem>>, vector<16xf32>,
    }
    %scan3A_134 = arith.constant 16 : i32
    %multiple_of3A_135 = arith.constant 25400 : i32
    %multiple_of3A_136 = tpu.assume_multiple %multiple_of3A_135, 8 : i32
    %dma_wait3A = arith.constant 0 : i32
    %dma_wait3A_137 = arith.constant 0 : i32
    %dma_wait3A_138 = tpu.memref_slice %arg6[%dma_wait3A, %dma_wait3A_137] : memref<200x64xbf16, #tpu.memory_space<vmem>> -> memref<104x64xbf16, #tpu.memory_space<vmem>>
    %dma_wait3A_139 = tpu.memref_slice %arg5[%multiple_of3A_136] : memref<25600xi32, #tpu.memory_space<vmem>> -> memref<104xi32, #tpu.memory_space<vmem>>
    %dma_wait3A_140 = arith.constant 0 : i32
    %dma_wait3A_141 = arith.constant 0 : i32
    %dma_wait3A_142 = tpu.memref_slice %arg3[%dma_wait3A_140, %dma_wait3A_141] : memref<50272x64xbf16, #tpu.memory_space<hbm>> -> memref<50272x64xbf16, #tpu.memory_space<hbm>>
    tpu.wait_indirect_dma semaphore(%arg15 : memref<!tpu.dma_semaphore, #tpu.memory_space<semaphore_mem>>) src(%dma_wait3A_142 : memref<50272x64xbf16, #tpu.memory_space<hbm>>) dst(%dma_wait3A_138 : memref<104x64xbf16, #tpu.memory_space<vmem>>)
    %add3A_143 = arith.constant 104 : i32
    %add3A_144 = arith.addi %multiple_of3A_136, %add3A_143 : i32
    %dma_wait3A_145 = arith.constant 104 : i32
    %dma_wait3A_146 = arith.constant 0 : i32
    %dma_wait3A_147 = tpu.memref_slice %arg6[%dma_wait3A_145, %dma_wait3A_146] : memref<200x64xbf16, #tpu.memory_space<vmem>> -> memref<96x64xbf16, #tpu.memory_space<vmem>>
    %dma_wait3A_148 = tpu.memref_slice %arg5[%add3A_144] : memref<25600xi32, #tpu.memory_space<vmem>> -> memref<96xi32, #tpu.memory_space<vmem>>
    %dma_wait3A_149 = arith.constant 0 : i32
    %dma_wait3A_150 = arith.constant 0 : i32
    %dma_wait3A_151 = tpu.memref_slice %arg3[%dma_wait3A_149, %dma_wait3A_150] : memref<50272x64xbf16, #tpu.memory_space<hbm>> -> memref<50272x64xbf16, #tpu.memory_space<hbm>>
    tpu.wait_indirect_dma semaphore(%arg15 : memref<!tpu.dma_semaphore, #tpu.memory_space<semaphore_mem>>) src(%dma_wait3A_151 : memref<50272x64xbf16, #tpu.memory_space<hbm>>) dst(%dma_wait3A_147 : memref<96x64xbf16, #tpu.memory_space<vmem>>)
    %multiple_of3A_152 = arith.constant 25400 : i32
    %multiple_of3A_153 = tpu.assume_multiple %multiple_of3A_152, 8 : i32
    %dma_wait3A_154 = arith.constant 0 : i32
    %dma_wait3A_155 = arith.constant 0 : i32
    %dma_wait3A_156 = tpu.memref_slice %arg7[%dma_wait3A_154, %dma_wait3A_155] : memref<200x64xbf16, #tpu.memory_space<vmem>> -> memref<104x64xbf16, #tpu.memory_space<vmem>>
    %dma_wait3A_157 = tpu.memref_slice %arg5[%multiple_of3A_153] : memref<25600xi32, #tpu.memory_space<vmem>> -> memref<104xi32, #tpu.memory_space<vmem>>
    %dma_wait3A_158 = arith.constant 0 : i32
    %dma_wait3A_159 = arith.constant 0 : i32
    %dma_wait3A_160 = tpu.memref_slice %arg3[%dma_wait3A_158, %dma_wait3A_159] : memref<50272x64xbf16, #tpu.memory_space<hbm>> -> memref<50272x64xbf16, #tpu.memory_space<hbm>>
    tpu.wait_indirect_dma semaphore(%arg16 : memref<!tpu.dma_semaphore, #tpu.memory_space<semaphore_mem>>) src(%dma_wait3A_160 : memref<50272x64xbf16, #tpu.memory_space<hbm>>) dst(%dma_wait3A_156 : memref<104x64xbf16, #tpu.memory_space<vmem>>)
    %add3A_161 = arith.constant 104 : i32
    %add3A_162 = arith.addi %multiple_of3A_153, %add3A_161 : i32
    %dma_wait3A_163 = arith.constant 104 : i32
    %dma_wait3A_164 = arith.constant 0 : i32
    %dma_wait3A_165 = tpu.memref_slice %arg7[%dma_wait3A_163, %dma_wait3A_164] : memref<200x64xbf16, #tpu.memory_space<vmem>> -> memref<96x64xbf16, #tpu.memory_space<vmem>>
    %dma_wait3A_166 = tpu.memref_slice %arg5[%add3A_162] : memref<25600xi32, #tpu.memory_space<vmem>> -> memref<96xi32, #tpu.memory_space<vmem>>
    %dma_wait3A_167 = arith.constant 0 : i32
    %dma_wait3A_168 = arith.constant 0 : i32
    %dma_wait3A_169 = tpu.memref_slice %arg3[%dma_wait3A_167, %dma_wait3A_168] : memref<50272x64xbf16, #tpu.memory_space<hbm>> -> memref<50272x64xbf16, #tpu.memory_space<hbm>>
    tpu.wait_indirect_dma semaphore(%arg16 : memref<!tpu.dma_semaphore, #tpu.memory_space<semaphore_mem>>) src(%dma_wait3A_169 : memref<50272x64xbf16, #tpu.memory_space<hbm>>) dst(%dma_wait3A_165 : memref<96x64xbf16, #tpu.memory_space<vmem>>)
    %multiple_of3A_170 = arith.constant 25400 : i32
    %multiple_of3A_171 = tpu.assume_multiple %multiple_of3A_170, 8 : i32
    %dma_wait3A_172 = arith.constant 0 : i32
    %dma_wait3A_173 = arith.constant 0 : i32
    %dma_wait3A_174 = tpu.memref_slice %arg8[%dma_wait3A_172, %dma_wait3A_173] : memref<200x64xbf16, #tpu.memory_space<vmem>> -> memref<104x64xbf16, #tpu.memory_space<vmem>>
    %dma_wait3A_175 = tpu.memref_slice %arg5[%multiple_of3A_171] : memref<25600xi32, #tpu.memory_space<vmem>> -> memref<104xi32, #tpu.memory_space<vmem>>
    %dma_wait3A_176 = arith.constant 0 : i32
    %dma_wait3A_177 = arith.constant 0 : i32
    %dma_wait3A_178 = tpu.memref_slice %arg3[%dma_wait3A_176, %dma_wait3A_177] : memref<50272x64xbf16, #tpu.memory_space<hbm>> -> memref<50272x64xbf16, #tpu.memory_space<hbm>>
    tpu.wait_indirect_dma semaphore(%arg17 : memref<!tpu.dma_semaphore, #tpu.memory_space<semaphore_mem>>) src(%dma_wait3A_178 : memref<50272x64xbf16, #tpu.memory_space<hbm>>) dst(%dma_wait3A_174 : memref<104x64xbf16, #tpu.memory_space<vmem>>)
    %add3A_179 = arith.constant 104 : i32
    %add3A_180 = arith.addi %multiple_of3A_171, %add3A_179 : i32
    %dma_wait3A_181 = arith.constant 104 : i32
    %dma_wait3A_182 = arith.constant 0 : i32
    %dma_wait3A_183 = tpu.memref_slice %arg8[%dma_wait3A_181, %dma_wait3A_182] : memref<200x64xbf16, #tpu.memory_space<vmem>> -> memref<96x64xbf16, #tpu.memory_space<vmem>>
    %dma_wait3A_184 = tpu.memref_slice %arg5[%add3A_180] : memref<25600xi32, #tpu.memory_space<vmem>> -> memref<96xi32, #tpu.memory_space<vmem>>
    %dma_wait3A_185 = arith.constant 0 : i32
    %dma_wait3A_186 = arith.constant 0 : i32
    %dma_wait3A_187 = tpu.memref_slice %arg3[%dma_wait3A_185, %dma_wait3A_186] : memref<50272x64xbf16, #tpu.memory_space<hbm>> -> memref<50272x64xbf16, #tpu.memory_space<hbm>>
    tpu.wait_indirect_dma semaphore(%arg17 : memref<!tpu.dma_semaphore, #tpu.memory_space<semaphore_mem>>) src(%dma_wait3A_187 : memref<50272x64xbf16, #tpu.memory_space<hbm>>) dst(%dma_wait3A_183 : memref<96x64xbf16, #tpu.memory_space<vmem>>)
    %multiple_of3A_188 = arith.constant 25400 : i32
    %multiple_of3A_189 = tpu.assume_multiple %multiple_of3A_188, 8 : i32
    %dma_wait3A_190 = arith.constant 0 : i32
    %dma_wait3A_191 = arith.constant 0 : i32
    %dma_wait3A_192 = tpu.memref_slice %arg9[%dma_wait3A_190, %dma_wait3A_191] : memref<200x64xbf16, #tpu.memory_space<vmem>> -> memref<104x64xbf16, #tpu.memory_space<vmem>>
    %dma_wait3A_193 = tpu.memref_slice %arg5[%multiple_of3A_189] : memref<25600xi32, #tpu.memory_space<vmem>> -> memref<104xi32, #tpu.memory_space<vmem>>
    %dma_wait3A_194 = arith.constant 0 : i32
    %dma_wait3A_195 = arith.constant 0 : i32
    %dma_wait3A_196 = tpu.memref_slice %arg3[%dma_wait3A_194, %dma_wait3A_195] : memref<50272x64xbf16, #tpu.memory_space<hbm>> -> memref<50272x64xbf16, #tpu.memory_space<hbm>>
    tpu.wait_indirect_dma semaphore(%arg18 : memref<!tpu.dma_semaphore, #tpu.memory_space<semaphore_mem>>) src(%dma_wait3A_196 : memref<50272x64xbf16, #tpu.memory_space<hbm>>) dst(%dma_wait3A_192 : memref<104x64xbf16, #tpu.memory_space<vmem>>)
    %add3A_197 = arith.constant 104 : i32
    %add3A_198 = arith.addi %multiple_of3A_189, %add3A_197 : i32
    %dma_wait3A_199 = arith.constant 104 : i32
    %dma_wait3A_200 = arith.constant 0 : i32
    %dma_wait3A_201 = tpu.memref_slice %arg9[%dma_wait3A_199, %dma_wait3A_200] : memref<200x64xbf16, #tpu.memory_space<vmem>> -> memref<96x64xbf16, #tpu.memory_space<vmem>>
    %dma_wait3A_202 = tpu.memref_slice %arg5[%add3A_198] : memref<25600xi32, #tpu.memory_space<vmem>> -> memref<96xi32, #tpu.memory_space<vmem>>
    %dma_wait3A_203 = arith.constant 0 : i32
    %dma_wait3A_204 = arith.constant 0 : i32
    %dma_wait3A_205 = tpu.memref_slice %arg3[%dma_wait3A_203, %dma_wait3A_204] : memref<50272x64xbf16, #tpu.memory_space<hbm>> -> memref<50272x64xbf16, #tpu.memory_space<hbm>>
    tpu.wait_indirect_dma semaphore(%arg18 : memref<!tpu.dma_semaphore, #tpu.memory_space<semaphore_mem>>) src(%dma_wait3A_205 : memref<50272x64xbf16, #tpu.memory_space<hbm>>) dst(%dma_wait3A_201 : memref<96x64xbf16, #tpu.memory_space<vmem>>)
    %multiple_of3A_206 = arith.constant 25400 : i32
    %multiple_of3A_207 = tpu.assume_multiple %multiple_of3A_206, 8 : i32
    %dma_wait3A_208 = arith.constant 0 : i32
    %dma_wait3A_209 = arith.constant 0 : i32
    %dma_wait3A_210 = tpu.memref_slice %arg10[%dma_wait3A_208, %dma_wait3A_209] : memref<200x64xbf16, #tpu.memory_space<vmem>> -> memref<104x64xbf16, #tpu.memory_space<vmem>>
    %dma_wait3A_211 = tpu.memref_slice %arg5[%multiple_of3A_207] : memref<25600xi32, #tpu.memory_space<vmem>> -> memref<104xi32, #tpu.memory_space<vmem>>
    %dma_wait3A_212 = arith.constant 0 : i32
    %dma_wait3A_213 = arith.constant 0 : i32
    %dma_wait3A_214 = tpu.memref_slice %arg3[%dma_wait3A_212, %dma_wait3A_213] : memref<50272x64xbf16, #tpu.memory_space<hbm>> -> memref<50272x64xbf16, #tpu.memory_space<hbm>>
    tpu.wait_indirect_dma semaphore(%arg19 : memref<!tpu.dma_semaphore, #tpu.memory_space<semaphore_mem>>) src(%dma_wait3A_214 : memref<50272x64xbf16, #tpu.memory_space<hbm>>) dst(%dma_wait3A_210 : memref<104x64xbf16, #tpu.memory_space<vmem>>)
    %add3A_215 = arith.constant 104 : i32
    %add3A_216 = arith.addi %multiple_of3A_207, %add3A_215 : i32
    %dma_wait3A_217 = arith.constant 104 : i32
    %dma_wait3A_218 = arith.constant 0 : i32
    %dma_wait3A_219 = tpu.memref_slice %arg10[%dma_wait3A_217, %dma_wait3A_218] : memref<200x64xbf16, #tpu.memory_space<vmem>> -> memref<96x64xbf16, #tpu.memory_space<vmem>>
    %dma_wait3A_220 = tpu.memref_slice %arg5[%add3A_216] : memref<25600xi32, #tpu.memory_space<vmem>> -> memref<96xi32, #tpu.memory_space<vmem>>
    %dma_wait3A_221 = arith.constant 0 : i32
    %dma_wait3A_222 = arith.constant 0 : i32
    %dma_wait3A_223 = tpu.memref_slice %arg3[%dma_wait3A_221, %dma_wait3A_222] : memref<50272x64xbf16, #tpu.memory_space<hbm>> -> memref<50272x64xbf16, #tpu.memory_space<hbm>>
    tpu.wait_indirect_dma semaphore(%arg19 : memref<!tpu.dma_semaphore, #tpu.memory_space<semaphore_mem>>) src(%dma_wait3A_223 : memref<50272x64xbf16, #tpu.memory_space<hbm>>) dst(%dma_wait3A_219 : memref<96x64xbf16, #tpu.memory_space<vmem>>)
    %multiple_of3A_224 = arith.constant 25400 : i32
    %multiple_of3A_225 = tpu.assume_multiple %multiple_of3A_224, 8 : i32
    %dma_wait3A_226 = arith.constant 0 : i32
    %dma_wait3A_227 = arith.constant 0 : i32
    %dma_wait3A_228 = tpu.memref_slice %arg11[%dma_wait3A_226, %dma_wait3A_227] : memref<200x64xbf16, #tpu.memory_space<vmem>> -> memref<104x64xbf16, #tpu.memory_space<vmem>>
    %dma_wait3A_229 = tpu.memref_slice %arg5[%multiple_of3A_225] : memref<25600xi32, #tpu.memory_space<vmem>> -> memref<104xi32, #tpu.memory_space<vmem>>
    %dma_wait3A_230 = arith.constant 0 : i32
    %dma_wait3A_231 = arith.constant 0 : i32
    %dma_wait3A_232 = tpu.memref_slice %arg3[%dma_wait3A_230, %dma_wait3A_231] : memref<50272x64xbf16, #tpu.memory_space<hbm>> -> memref<50272x64xbf16, #tpu.memory_space<hbm>>
    tpu.wait_indirect_dma semaphore(%arg20 : memref<!tpu.dma_semaphore, #tpu.memory_space<semaphore_mem>>) src(%dma_wait3A_232 : memref<50272x64xbf16, #tpu.memory_space<hbm>>) dst(%dma_wait3A_228 : memref<104x64xbf16, #tpu.memory_space<vmem>>)
    %add3A_233 = arith.constant 104 : i32
    %add3A_234 = arith.addi %multiple_of3A_225, %add3A_233 : i32
    %dma_wait3A_235 = arith.constant 104 : i32
    %dma_wait3A_236 = arith.constant 0 : i32
    %dma_wait3A_237 = tpu.memref_slice %arg11[%dma_wait3A_235, %dma_wait3A_236] : memref<200x64xbf16, #tpu.memory_space<vmem>> -> memref<96x64xbf16, #tpu.memory_space<vmem>>
    %dma_wait3A_238 = tpu.memref_slice %arg5[%add3A_234] : memref<25600xi32, #tpu.memory_space<vmem>> -> memref<96xi32, #tpu.memory_space<vmem>>
    %dma_wait3A_239 = arith.constant 0 : i32
    %dma_wait3A_240 = arith.constant 0 : i32
    %dma_wait3A_241 = tpu.memref_slice %arg3[%dma_wait3A_239, %dma_wait3A_240] : memref<50272x64xbf16, #tpu.memory_space<hbm>> -> memref<50272x64xbf16, #tpu.memory_space<hbm>>
    tpu.wait_indirect_dma semaphore(%arg20 : memref<!tpu.dma_semaphore, #tpu.memory_space<semaphore_mem>>) src(%dma_wait3A_241 : memref<50272x64xbf16, #tpu.memory_space<hbm>>) dst(%dma_wait3A_237 : memref<96x64xbf16, #tpu.memory_space<vmem>>)
    %multiple_of3A_242 = arith.constant 25400 : i32
    %multiple_of3A_243 = tpu.assume_multiple %multiple_of3A_242, 8 : i32
    %dma_wait3A_244 = arith.constant 0 : i32
    %dma_wait3A_245 = arith.constant 0 : i32
    %dma_wait3A_246 = tpu.memref_slice %arg12[%dma_wait3A_244, %dma_wait3A_245] : memref<200x64xbf16, #tpu.memory_space<vmem>> -> memref<104x64xbf16, #tpu.memory_space<vmem>>
    %dma_wait3A_247 = tpu.memref_slice %arg5[%multiple_of3A_243] : memref<25600xi32, #tpu.memory_space<vmem>> -> memref<104xi32, #tpu.memory_space<vmem>>
    %dma_wait3A_248 = arith.constant 0 : i32
    %dma_wait3A_249 = arith.constant 0 : i32
    %dma_wait3A_250 = tpu.memref_slice %arg3[%dma_wait3A_248, %dma_wait3A_249] : memref<50272x64xbf16, #tpu.memory_space<hbm>> -> memref<50272x64xbf16, #tpu.memory_space<hbm>>
    tpu.wait_indirect_dma semaphore(%arg21 : memref<!tpu.dma_semaphore, #tpu.memory_space<semaphore_mem>>) src(%dma_wait3A_250 : memref<50272x64xbf16, #tpu.memory_space<hbm>>) dst(%dma_wait3A_246 : memref<104x64xbf16, #tpu.memory_space<vmem>>)
    %add3A_251 = arith.constant 104 : i32
    %add3A_252 = arith.addi %multiple_of3A_243, %add3A_251 : i32
    %dma_wait3A_253 = arith.constant 104 : i32
    %dma_wait3A_254 = arith.constant 0 : i32
    %dma_wait3A_255 = tpu.memref_slice %arg12[%dma_wait3A_253, %dma_wait3A_254] : memref<200x64xbf16, #tpu.memory_space<vmem>> -> memref<96x64xbf16, #tpu.memory_space<vmem>>
    %dma_wait3A_256 = tpu.memref_slice %arg5[%add3A_252] : memref<25600xi32, #tpu.memory_space<vmem>> -> memref<96xi32, #tpu.memory_space<vmem>>
    %dma_wait3A_257 = arith.constant 0 : i32
    %dma_wait3A_258 = arith.constant 0 : i32
    %dma_wait3A_259 = tpu.memref_slice %arg3[%dma_wait3A_257, %dma_wait3A_258] : memref<50272x64xbf16, #tpu.memory_space<hbm>> -> memref<50272x64xbf16, #tpu.memory_space<hbm>>
    tpu.wait_indirect_dma semaphore(%arg21 : memref<!tpu.dma_semaphore, #tpu.memory_space<semaphore_mem>>) src(%dma_wait3A_259 : memref<50272x64xbf16, #tpu.memory_space<hbm>>) dst(%dma_wait3A_255 : memref<96x64xbf16, #tpu.memory_space<vmem>>)
    %mul3A_260 = arith.constant 128 : i32
    %mul3A_261 = arith.muli %add3A, %mul3A_260 : i32
    "tpu.region"() ({
      %run_scoped3A = tpu.sem_alloc : memref<!tpu.dma_semaphore, #tpu.memory_space<semaphore_mem>>
      %dma_start3A_262 = arith.constant 0 : i32
      %dma_start3A_263 = tpu.memref_slice %arg4[%mul3A_261, %dma_start3A_262] : memref<4096x64xf32, #tpu.memory_space<hbm>> -> memref<128x64xf32, #tpu.memory_space<hbm>>
      %dma_start3A_264 = arith.constant 0 : i32
      %dma_start3A_265 = tpu.memref_slice %arg4[%mul3A_261, %dma_start3A_264] : memref<4096x64xf32, #tpu.memory_space<hbm>> -> memref<128x64xf32, #tpu.memory_space<hbm>>
      tpu.enqueue_dma source(%arg14 : memref<128x64xf32, #tpu.memory_space<vmem>>) target(%dma_start3A_265 : memref<128x64xf32, #tpu.memory_space<hbm>>) target_semaphore(%run_scoped3A : memref<!tpu.dma_semaphore, #tpu.memory_space<semaphore_mem>>)
      %dma_wait3A_266 = arith.constant 0 : i32
      %dma_wait3A_267 = tpu.memref_slice %arg4[%mul3A_261, %dma_wait3A_266] : memref<4096x64xf32, #tpu.memory_space<hbm>> -> memref<128x64xf32, #tpu.memory_space<hbm>>
      %dma_wait3A_268 = arith.constant 0 : i32
      %dma_wait3A_269 = tpu.memref_slice %arg4[%mul3A_261, %dma_wait3A_268] : memref<4096x64xf32, #tpu.memory_space<hbm>> -> memref<128x64xf32, #tpu.memory_space<hbm>>
      tpu.wait_dma2 semaphore(%run_scoped3A : memref<!tpu.dma_semaphore, #tpu.memory_space<semaphore_mem>>) src(%arg14 : memref<128x64xf32, #tpu.memory_space<vmem>>) dst(%dma_wait3A_269 : memref<128x64xf32, #tpu.memory_space<hbm>>)
      tpu.yield
    }) : () -> ()
    return
  }
}

#map = affine_map<(d0, d1) -> (0, 0)>
module attributes {stable_mosaic.version = 14 : i64} {
  func.func @convert(%arg0: i32, %arg1: i32, %arg2: memref<50257x64xf32, #tpu.memory_space<hbm>>, %arg3: memref<50272x64xbf16, #tpu.memory_space<hbm>>, %arg4: memref<400x64xf32, #tpu.memory_space<vmem>>, %arg5: memref<400x64xf32, #tpu.memory_space<vmem>>, %arg6: memref<400x64xbf16, #tpu.memory_space<vmem>>, %arg7: memref<400x64xbf16, #tpu.memory_space<vmem>>, %arg8: memref<!tpu.dma_semaphore, #tpu.memory_space<semaphore_mem>>, %arg9: memref<!tpu.dma_semaphore, #tpu.memory_space<semaphore_mem>>) attributes {dimension_semantics = [#tpu.dimension_semantics<core_parallel>, #tpu.dimension_semantics<subcore_parallel>], iteration_bounds = array<i64: 2, 16>, scalar_prefetch = 0 : i64, scratch_operands = 6 : i64, tpu.core_type = #tpu.core_type<sc_vector_subcore>, window_params = [{transform_indices = #map}, {transform_indices = #map}]} {
    %mul3A = arith.constant 2 : i32
    %mul3A_0 = arith.muli %arg1, %mul3A : i32
    %add3A = arith.addi %mul3A_0, %arg0 : i32
    %mul3A_1 = arith.constant 1571 : i32
    %mul3A_2 = arith.muli %add3A, %mul3A_1 : i32
    %add3A_3 = arith.constant 0 : i32
    %add3A_4 = arith.addi %mul3A_2, %add3A_3 : i32
    %min3A = arith.constant 49857 : i32
    %min3A_5 = arith.minsi %add3A_4, %min3A : i32
    %add3A_6 = arith.constant 400 : i32
    %add3A_7 = arith.addi %mul3A_2, %add3A_6 : i32
    %min3A_8 = arith.constant 49857 : i32
    %min3A_9 = arith.minsi %add3A_7, %min3A_8 : i32
    %add3A_10 = arith.constant 800 : i32
    %add3A_11 = arith.addi %mul3A_2, %add3A_10 : i32
    %min3A_12 = arith.constant 49857 : i32
    %min3A_13 = arith.minsi %add3A_11, %min3A_12 : i32
    %add3A_14 = arith.constant 1200 : i32
    %add3A_15 = arith.addi %mul3A_2, %add3A_14 : i32
    %min3A_16 = arith.constant 49857 : i32
    %min3A_17 = arith.minsi %add3A_15, %min3A_16 : i32
    %dma_start3A = arith.constant 0 : i32
    %dma_start3A_18 = tpu.memref_slice %arg2[%min3A_5, %dma_start3A] : memref<50257x64xf32, #tpu.memory_space<hbm>> -> memref<400x64xf32, #tpu.memory_space<hbm>>
    %dma_start3A_19 = arith.constant 0 : i32
    %dma_start3A_20 = tpu.memref_slice %arg2[%min3A_5, %dma_start3A_19] : memref<50257x64xf32, #tpu.memory_space<hbm>> -> memref<400x64xf32, #tpu.memory_space<hbm>>
    tpu.enqueue_dma source(%dma_start3A_20 : memref<400x64xf32, #tpu.memory_space<hbm>>) target(%arg4 : memref<400x64xf32, #tpu.memory_space<vmem>>) target_semaphore(%arg8 : memref<!tpu.dma_semaphore, #tpu.memory_space<semaphore_mem>>)
    %dma_wait3A = arith.constant 0 : i32
    %dma_wait3A_21 = tpu.memref_slice %arg2[%min3A_5, %dma_wait3A] : memref<50257x64xf32, #tpu.memory_space<hbm>> -> memref<400x64xf32, #tpu.memory_space<hbm>>
    %dma_wait3A_22 = arith.constant 0 : i32
    %dma_wait3A_23 = tpu.memref_slice %arg2[%min3A_5, %dma_wait3A_22] : memref<50257x64xf32, #tpu.memory_space<hbm>> -> memref<400x64xf32, #tpu.memory_space<hbm>>
    tpu.wait_dma2 semaphore(%arg8 : memref<!tpu.dma_semaphore, #tpu.memory_space<semaphore_mem>>) src(%dma_wait3A_23 : memref<400x64xf32, #tpu.memory_space<hbm>>) dst(%arg4 : memref<400x64xf32, #tpu.memory_space<vmem>>)
    %dma_start3A_24 = arith.constant 0 : i32
    %dma_start3A_25 = tpu.memref_slice %arg2[%min3A_9, %dma_start3A_24] : memref<50257x64xf32, #tpu.memory_space<hbm>> -> memref<400x64xf32, #tpu.memory_space<hbm>>
    %dma_start3A_26 = arith.constant 0 : i32
    %dma_start3A_27 = tpu.memref_slice %arg2[%min3A_9, %dma_start3A_26] : memref<50257x64xf32, #tpu.memory_space<hbm>> -> memref<400x64xf32, #tpu.memory_space<hbm>>
    tpu.enqueue_dma source(%dma_start3A_27 : memref<400x64xf32, #tpu.memory_space<hbm>>) target(%arg5 : memref<400x64xf32, #tpu.memory_space<vmem>>) target_semaphore(%arg8 : memref<!tpu.dma_semaphore, #tpu.memory_space<semaphore_mem>>)
    %scan3A = arith.constant 0 : i32
    %scan3A_28 = arith.constant 0 : i32
    %scan3A_29 = arith.constant 400 : i32
    %scan3A_30 = arith.addi %scan3A_28, %scan3A_29 : i32
    %scan3A_31 = arith.constant 4 : i32
    scf.for %scan3A_103 = %scan3A_28 to %scan3A_30 step %scan3A_31  : i32 {
      %get3A = arith.index_cast %scan3A_103 : i32 to index
      %get3A_104 = arith.constant 0 : index
      %get3A_105 = tpu.vector_load %arg4[%get3A, %get3A_104] {strides = array<i32>} : memref<400x64xf32, #tpu.memory_space<vmem>>, vector<16xf32>,
      %get3A_106 = arith.index_cast %scan3A_103 : i32 to index
      %get3A_107 = arith.constant 16 : index
      %get3A_108 = tpu.vector_load %arg4[%get3A_106, %get3A_107] {strides = array<i32>} : memref<400x64xf32, #tpu.memory_space<vmem>>, vector<16xf32>,
      %pack3A = tpu.pack_subelements %get3A_105, %get3A_108 {pack_format = #tpu.pack_format<interleaved>, positions = array<i32: 0, 1>} : vector<16xf32>, vector<16xf32> -> vector<32xbf16>
      %swap3A = arith.index_cast %scan3A_103 : i32 to index
      %swap3A_109 = arith.constant 0 : index
      %swap3A_110 = tpu.vector_load %arg6[%swap3A, %swap3A_109] {strides = array<i32>} : memref<400x64xbf16, #tpu.memory_space<vmem>>, vector<32xbf16>,
      tpu.vector_store %arg6[%swap3A, %swap3A_109], %pack3A {strides = array<i32>} : memref<400x64xbf16, #tpu.memory_space<vmem>>, vector<32xbf16>,
      %get3A_111 = arith.index_cast %scan3A_103 : i32 to index
      %get3A_112 = arith.constant 32 : index
      %get3A_113 = tpu.vector_load %arg4[%get3A_111, %get3A_112] {strides = array<i32>} : memref<400x64xf32, #tpu.memory_space<vmem>>, vector<16xf32>,
      %get3A_114 = arith.index_cast %scan3A_103 : i32 to index
      %get3A_115 = arith.constant 48 : index
      %get3A_116 = tpu.vector_load %arg4[%get3A_114, %get3A_115] {strides = array<i32>} : memref<400x64xf32, #tpu.memory_space<vmem>>, vector<16xf32>,
      %pack3A_117 = tpu.pack_subelements %get3A_113, %get3A_116 {pack_format = #tpu.pack_format<interleaved>, positions = array<i32: 0, 1>} : vector<16xf32>, vector<16xf32> -> vector<32xbf16>
      %swap3A_118 = arith.index_cast %scan3A_103 : i32 to index
      %swap3A_119 = arith.constant 32 : index
      %swap3A_120 = tpu.vector_load %arg6[%swap3A_118, %swap3A_119] {strides = array<i32>} : memref<400x64xbf16, #tpu.memory_space<vmem>>, vector<32xbf16>,
      tpu.vector_store %arg6[%swap3A_118, %swap3A_119], %pack3A_117 {strides = array<i32>} : memref<400x64xbf16, #tpu.memory_space<vmem>>, vector<32xbf16>,
      %scan3A_121 = arith.constant 1 : i32
      %scan3A_122 = arith.addi %scan3A_103, %scan3A_121 : i32
      %get3A_123 = arith.index_cast %scan3A_122 : i32 to index
      %get3A_124 = arith.constant 0 : index
      %get3A_125 = tpu.vector_load %arg4[%get3A_123, %get3A_124] {strides = array<i32>} : memref<400x64xf32, #tpu.memory_space<vmem>>, vector<16xf32>,
      %get3A_126 = arith.index_cast %scan3A_122 : i32 to index
      %get3A_127 = arith.constant 16 : index
      %get3A_128 = tpu.vector_load %arg4[%get3A_126, %get3A_127] {strides = array<i32>} : memref<400x64xf32, #tpu.memory_space<vmem>>, vector<16xf32>,
      %pack3A_129 = tpu.pack_subelements %get3A_125, %get3A_128 {pack_format = #tpu.pack_format<interleaved>, positions = array<i32: 0, 1>} : vector<16xf32>, vector<16xf32> -> vector<32xbf16>
      %swap3A_130 = arith.index_cast %scan3A_122 : i32 to index
      %swap3A_131 = arith.constant 0 : index
      %swap3A_132 = tpu.vector_load %arg6[%swap3A_130, %swap3A_131] {strides = array<i32>} : memref<400x64xbf16, #tpu.memory_space<vmem>>, vector<32xbf16>,
      tpu.vector_store %arg6[%swap3A_130, %swap3A_131], %pack3A_129 {strides = array<i32>} : memref<400x64xbf16, #tpu.memory_space<vmem>>, vector<32xbf16>,
      %get3A_133 = arith.index_cast %scan3A_122 : i32 to index
      %get3A_134 = arith.constant 32 : index
      %get3A_135 = tpu.vector_load %arg4[%get3A_133, %get3A_134] {strides = array<i32>} : memref<400x64xf32, #tpu.memory_space<vmem>>, vector<16xf32>,
      %get3A_136 = arith.index_cast %scan3A_122 : i32 to index
      %get3A_137 = arith.constant 48 : index
      %get3A_138 = tpu.vector_load %arg4[%get3A_136, %get3A_137] {strides = array<i32>} : memref<400x64xf32, #tpu.memory_space<vmem>>, vector<16xf32>,
      %pack3A_139 = tpu.pack_subelements %get3A_135, %get3A_138 {pack_format = #tpu.pack_format<interleaved>, positions = array<i32: 0, 1>} : vector<16xf32>, vector<16xf32> -> vector<32xbf16>
      %swap3A_140 = arith.index_cast %scan3A_122 : i32 to index
      %swap3A_141 = arith.constant 32 : index
      %swap3A_142 = tpu.vector_load %arg6[%swap3A_140, %swap3A_141] {strides = array<i32>} : memref<400x64xbf16, #tpu.memory_space<vmem>>, vector<32xbf16>,
      tpu.vector_store %arg6[%swap3A_140, %swap3A_141], %pack3A_139 {strides = array<i32>} : memref<400x64xbf16, #tpu.memory_space<vmem>>, vector<32xbf16>,
      %scan3A_143 = arith.constant 2 : i32
      %scan3A_144 = arith.addi %scan3A_103, %scan3A_143 : i32
      %get3A_145 = arith.index_cast %scan3A_144 : i32 to index
      %get3A_146 = arith.constant 0 : index
      %get3A_147 = tpu.vector_load %arg4[%get3A_145, %get3A_146] {strides = array<i32>} : memref<400x64xf32, #tpu.memory_space<vmem>>, vector<16xf32>,
      %get3A_148 = arith.index_cast %scan3A_144 : i32 to index
      %get3A_149 = arith.constant 16 : index
      %get3A_150 = tpu.vector_load %arg4[%get3A_148, %get3A_149] {strides = array<i32>} : memref<400x64xf32, #tpu.memory_space<vmem>>, vector<16xf32>,
      %pack3A_151 = tpu.pack_subelements %get3A_147, %get3A_150 {pack_format = #tpu.pack_format<interleaved>, positions = array<i32: 0, 1>} : vector<16xf32>, vector<16xf32> -> vector<32xbf16>
      %swap3A_152 = arith.index_cast %scan3A_144 : i32 to index
      %swap3A_153 = arith.constant 0 : index
      %swap3A_154 = tpu.vector_load %arg6[%swap3A_152, %swap3A_153] {strides = array<i32>} : memref<400x64xbf16, #tpu.memory_space<vmem>>, vector<32xbf16>,
      tpu.vector_store %arg6[%swap3A_152, %swap3A_153], %pack3A_151 {strides = array<i32>} : memref<400x64xbf16, #tpu.memory_space<vmem>>, vector<32xbf16>,
      %get3A_155 = arith.index_cast %scan3A_144 : i32 to index
      %get3A_156 = arith.constant 32 : index
      %get3A_157 = tpu.vector_load %arg4[%get3A_155, %get3A_156] {strides = array<i32>} : memref<400x64xf32, #tpu.memory_space<vmem>>, vector<16xf32>,
      %get3A_158 = arith.index_cast %scan3A_144 : i32 to index
      %get3A_159 = arith.constant 48 : index
      %get3A_160 = tpu.vector_load %arg4[%get3A_158, %get3A_159] {strides = array<i32>} : memref<400x64xf32, #tpu.memory_space<vmem>>, vector<16xf32>,
      %pack3A_161 = tpu.pack_subelements %get3A_157, %get3A_160 {pack_format = #tpu.pack_format<interleaved>, positions = array<i32: 0, 1>} : vector<16xf32>, vector<16xf32> -> vector<32xbf16>
      %swap3A_162 = arith.index_cast %scan3A_144 : i32 to index
      %swap3A_163 = arith.constant 32 : index
      %swap3A_164 = tpu.vector_load %arg6[%swap3A_162, %swap3A_163] {strides = array<i32>} : memref<400x64xbf16, #tpu.memory_space<vmem>>, vector<32xbf16>,
      tpu.vector_store %arg6[%swap3A_162, %swap3A_163], %pack3A_161 {strides = array<i32>} : memref<400x64xbf16, #tpu.memory_space<vmem>>, vector<32xbf16>,
      %scan3A_165 = arith.constant 3 : i32
      %scan3A_166 = arith.addi %scan3A_103, %scan3A_165 : i32
      %get3A_167 = arith.index_cast %scan3A_166 : i32 to index
      %get3A_168 = arith.constant 0 : index
      %get3A_169 = tpu.vector_load %arg4[%get3A_167, %get3A_168] {strides = array<i32>} : memref<400x64xf32, #tpu.memory_space<vmem>>, vector<16xf32>,
      %get3A_170 = arith.index_cast %scan3A_166 : i32 to index
      %get3A_171 = arith.constant 16 : index
      %get3A_172 = tpu.vector_load %arg4[%get3A_170, %get3A_171] {strides = array<i32>} : memref<400x64xf32, #tpu.memory_space<vmem>>, vector<16xf32>,
      %pack3A_173 = tpu.pack_subelements %get3A_169, %get3A_172 {pack_format = #tpu.pack_format<interleaved>, positions = array<i32: 0, 1>} : vector<16xf32>, vector<16xf32> -> vector<32xbf16>
      %swap3A_174 = arith.index_cast %scan3A_166 : i32 to index
      %swap3A_175 = arith.constant 0 : index
      %swap3A_176 = tpu.vector_load %arg6[%swap3A_174, %swap3A_175] {strides = array<i32>} : memref<400x64xbf16, #tpu.memory_space<vmem>>, vector<32xbf16>,
      tpu.vector_store %arg6[%swap3A_174, %swap3A_175], %pack3A_173 {strides = array<i32>} : memref<400x64xbf16, #tpu.memory_space<vmem>>, vector<32xbf16>,
      %get3A_177 = arith.index_cast %scan3A_166 : i32 to index
      %get3A_178 = arith.constant 32 : index
      %get3A_179 = tpu.vector_load %arg4[%get3A_177, %get3A_178] {strides = array<i32>} : memref<400x64xf32, #tpu.memory_space<vmem>>, vector<16xf32>,
      %get3A_180 = arith.index_cast %scan3A_166 : i32 to index
      %get3A_181 = arith.constant 48 : index
      %get3A_182 = tpu.vector_load %arg4[%get3A_180, %get3A_181] {strides = array<i32>} : memref<400x64xf32, #tpu.memory_space<vmem>>, vector<16xf32>,
      %pack3A_183 = tpu.pack_subelements %get3A_179, %get3A_182 {pack_format = #tpu.pack_format<interleaved>, positions = array<i32: 0, 1>} : vector<16xf32>, vector<16xf32> -> vector<32xbf16>
      %swap3A_184 = arith.index_cast %scan3A_166 : i32 to index
      %swap3A_185 = arith.constant 32 : index
      %swap3A_186 = tpu.vector_load %arg6[%swap3A_184, %swap3A_185] {strides = array<i32>} : memref<400x64xbf16, #tpu.memory_space<vmem>>, vector<32xbf16>,
      tpu.vector_store %arg6[%swap3A_184, %swap3A_185], %pack3A_183 {strides = array<i32>} : memref<400x64xbf16, #tpu.memory_space<vmem>>, vector<32xbf16>,
    }
    %scan3A_32 = arith.constant 400 : i32
    %dma_start3A_33 = arith.constant 0 : i32
    %dma_start3A_34 = tpu.memref_slice %arg3[%min3A_5, %dma_start3A_33] : memref<50272x64xbf16, #tpu.memory_space<hbm>> -> memref<400x64xbf16, #tpu.memory_space<hbm>>
    %dma_start3A_35 = arith.constant 0 : i32
    %dma_start3A_36 = tpu.memref_slice %arg3[%min3A_5, %dma_start3A_35] : memref<50272x64xbf16, #tpu.memory_space<hbm>> -> memref<400x64xbf16, #tpu.memory_space<hbm>>
    tpu.enqueue_dma source(%arg6 : memref<400x64xbf16, #tpu.memory_space<vmem>>) target(%dma_start3A_36 : memref<400x64xbf16, #tpu.memory_space<hbm>>) target_semaphore(%arg9 : memref<!tpu.dma_semaphore, #tpu.memory_space<semaphore_mem>>)
    %dma_wait3A_37 = arith.constant 0 : i32
    %dma_wait3A_38 = tpu.memref_slice %arg2[%min3A_9, %dma_wait3A_37] : memref<50257x64xf32, #tpu.memory_space<hbm>> -> memref<400x64xf32, #tpu.memory_space<hbm>>
    %dma_wait3A_39 = arith.constant 0 : i32
    %dma_wait3A_40 = tpu.memref_slice %arg2[%min3A_9, %dma_wait3A_39] : memref<50257x64xf32, #tpu.memory_space<hbm>> -> memref<400x64xf32, #tpu.memory_space<hbm>>
    tpu.wait_dma2 semaphore(%arg8 : memref<!tpu.dma_semaphore, #tpu.memory_space<semaphore_mem>>) src(%dma_wait3A_40 : memref<400x64xf32, #tpu.memory_space<hbm>>) dst(%arg5 : memref<400x64xf32, #tpu.memory_space<vmem>>)
    %dma_start3A_41 = arith.constant 0 : i32
    %dma_start3A_42 = tpu.memref_slice %arg2[%min3A_13, %dma_start3A_41] : memref<50257x64xf32, #tpu.memory_space<hbm>> -> memref<400x64xf32, #tpu.memory_space<hbm>>
    %dma_start3A_43 = arith.constant 0 : i32
    %dma_start3A_44 = tpu.memref_slice %arg2[%min3A_13, %dma_start3A_43] : memref<50257x64xf32, #tpu.memory_space<hbm>> -> memref<400x64xf32, #tpu.memory_space<hbm>>
    tpu.enqueue_dma source(%dma_start3A_44 : memref<400x64xf32, #tpu.memory_space<hbm>>) target(%arg4 : memref<400x64xf32, #tpu.memory_space<vmem>>) target_semaphore(%arg8 : memref<!tpu.dma_semaphore, #tpu.memory_space<semaphore_mem>>)
    %scan3A_45 = arith.constant 0 : i32
    %scan3A_46 = arith.constant 0 : i32
    %scan3A_47 = arith.constant 400 : i32
    %scan3A_48 = arith.addi %scan3A_46, %scan3A_47 : i32
    %scan3A_49 = arith.constant 4 : i32
    scf.for %scan3A_103 = %scan3A_46 to %scan3A_48 step %scan3A_49  : i32 {
      %get3A = arith.index_cast %scan3A_103 : i32 to index
      %get3A_104 = arith.constant 0 : index
      %get3A_105 = tpu.vector_load %arg5[%get3A, %get3A_104] {strides = array<i32>} : memref<400x64xf32, #tpu.memory_space<vmem>>, vector<16xf32>,
      %get3A_106 = arith.index_cast %scan3A_103 : i32 to index
      %get3A_107 = arith.constant 16 : index
      %get3A_108 = tpu.vector_load %arg5[%get3A_106, %get3A_107] {strides = array<i32>} : memref<400x64xf32, #tpu.memory_space<vmem>>, vector<16xf32>,
      %pack3A = tpu.pack_subelements %get3A_105, %get3A_108 {pack_format = #tpu.pack_format<interleaved>, positions = array<i32: 0, 1>} : vector<16xf32>, vector<16xf32> -> vector<32xbf16>
      %swap3A = arith.index_cast %scan3A_103 : i32 to index
      %swap3A_109 = arith.constant 0 : index
      %swap3A_110 = tpu.vector_load %arg7[%swap3A, %swap3A_109] {strides = array<i32>} : memref<400x64xbf16, #tpu.memory_space<vmem>>, vector<32xbf16>,
      tpu.vector_store %arg7[%swap3A, %swap3A_109], %pack3A {strides = array<i32>} : memref<400x64xbf16, #tpu.memory_space<vmem>>, vector<32xbf16>,
      %get3A_111 = arith.index_cast %scan3A_103 : i32 to index
      %get3A_112 = arith.constant 32 : index
      %get3A_113 = tpu.vector_load %arg5[%get3A_111, %get3A_112] {strides = array<i32>} : memref<400x64xf32, #tpu.memory_space<vmem>>, vector<16xf32>,
      %get3A_114 = arith.index_cast %scan3A_103 : i32 to index
      %get3A_115 = arith.constant 48 : index
      %get3A_116 = tpu.vector_load %arg5[%get3A_114, %get3A_115] {strides = array<i32>} : memref<400x64xf32, #tpu.memory_space<vmem>>, vector<16xf32>,
      %pack3A_117 = tpu.pack_subelements %get3A_113, %get3A_116 {pack_format = #tpu.pack_format<interleaved>, positions = array<i32: 0, 1>} : vector<16xf32>, vector<16xf32> -> vector<32xbf16>
      %swap3A_118 = arith.index_cast %scan3A_103 : i32 to index
      %swap3A_119 = arith.constant 32 : index
      %swap3A_120 = tpu.vector_load %arg7[%swap3A_118, %swap3A_119] {strides = array<i32>} : memref<400x64xbf16, #tpu.memory_space<vmem>>, vector<32xbf16>,
      tpu.vector_store %arg7[%swap3A_118, %swap3A_119], %pack3A_117 {strides = array<i32>} : memref<400x64xbf16, #tpu.memory_space<vmem>>, vector<32xbf16>,
      %scan3A_121 = arith.constant 1 : i32
      %scan3A_122 = arith.addi %scan3A_103, %scan3A_121 : i32
      %get3A_123 = arith.index_cast %scan3A_122 : i32 to index
      %get3A_124 = arith.constant 0 : index
      %get3A_125 = tpu.vector_load %arg5[%get3A_123, %get3A_124] {strides = array<i32>} : memref<400x64xf32, #tpu.memory_space<vmem>>, vector<16xf32>,
      %get3A_126 = arith.index_cast %scan3A_122 : i32 to index
      %get3A_127 = arith.constant 16 : index
      %get3A_128 = tpu.vector_load %arg5[%get3A_126, %get3A_127] {strides = array<i32>} : memref<400x64xf32, #tpu.memory_space<vmem>>, vector<16xf32>,
      %pack3A_129 = tpu.pack_subelements %get3A_125, %get3A_128 {pack_format = #tpu.pack_format<interleaved>, positions = array<i32: 0, 1>} : vector<16xf32>, vector<16xf32> -> vector<32xbf16>
      %swap3A_130 = arith.index_cast %scan3A_122 : i32 to index
      %swap3A_131 = arith.constant 0 : index
      %swap3A_132 = tpu.vector_load %arg7[%swap3A_130, %swap3A_131] {strides = array<i32>} : memref<400x64xbf16, #tpu.memory_space<vmem>>, vector<32xbf16>,
      tpu.vector_store %arg7[%swap3A_130, %swap3A_131], %pack3A_129 {strides = array<i32>} : memref<400x64xbf16, #tpu.memory_space<vmem>>, vector<32xbf16>,
      %get3A_133 = arith.index_cast %scan3A_122 : i32 to index
      %get3A_134 = arith.constant 32 : index
      %get3A_135 = tpu.vector_load %arg5[%get3A_133, %get3A_134] {strides = array<i32>} : memref<400x64xf32, #tpu.memory_space<vmem>>, vector<16xf32>,
      %get3A_136 = arith.index_cast %scan3A_122 : i32 to index
      %get3A_137 = arith.constant 48 : index
      %get3A_138 = tpu.vector_load %arg5[%get3A_136, %get3A_137] {strides = array<i32>} : memref<400x64xf32, #tpu.memory_space<vmem>>, vector<16xf32>,
      %pack3A_139 = tpu.pack_subelements %get3A_135, %get3A_138 {pack_format = #tpu.pack_format<interleaved>, positions = array<i32: 0, 1>} : vector<16xf32>, vector<16xf32> -> vector<32xbf16>
      %swap3A_140 = arith.index_cast %scan3A_122 : i32 to index
      %swap3A_141 = arith.constant 32 : index
      %swap3A_142 = tpu.vector_load %arg7[%swap3A_140, %swap3A_141] {strides = array<i32>} : memref<400x64xbf16, #tpu.memory_space<vmem>>, vector<32xbf16>,
      tpu.vector_store %arg7[%swap3A_140, %swap3A_141], %pack3A_139 {strides = array<i32>} : memref<400x64xbf16, #tpu.memory_space<vmem>>, vector<32xbf16>,
      %scan3A_143 = arith.constant 2 : i32
      %scan3A_144 = arith.addi %scan3A_103, %scan3A_143 : i32
      %get3A_145 = arith.index_cast %scan3A_144 : i32 to index
      %get3A_146 = arith.constant 0 : index
      %get3A_147 = tpu.vector_load %arg5[%get3A_145, %get3A_146] {strides = array<i32>} : memref<400x64xf32, #tpu.memory_space<vmem>>, vector<16xf32>,
      %get3A_148 = arith.index_cast %scan3A_144 : i32 to index
      %get3A_149 = arith.constant 16 : index
      %get3A_150 = tpu.vector_load %arg5[%get3A_148, %get3A_149] {strides = array<i32>} : memref<400x64xf32, #tpu.memory_space<vmem>>, vector<16xf32>,
      %pack3A_151 = tpu.pack_subelements %get3A_147, %get3A_150 {pack_format = #tpu.pack_format<interleaved>, positions = array<i32: 0, 1>} : vector<16xf32>, vector<16xf32> -> vector<32xbf16>
      %swap3A_152 = arith.index_cast %scan3A_144 : i32 to index
      %swap3A_153 = arith.constant 0 : index
      %swap3A_154 = tpu.vector_load %arg7[%swap3A_152, %swap3A_153] {strides = array<i32>} : memref<400x64xbf16, #tpu.memory_space<vmem>>, vector<32xbf16>,
      tpu.vector_store %arg7[%swap3A_152, %swap3A_153], %pack3A_151 {strides = array<i32>} : memref<400x64xbf16, #tpu.memory_space<vmem>>, vector<32xbf16>,
      %get3A_155 = arith.index_cast %scan3A_144 : i32 to index
      %get3A_156 = arith.constant 32 : index
      %get3A_157 = tpu.vector_load %arg5[%get3A_155, %get3A_156] {strides = array<i32>} : memref<400x64xf32, #tpu.memory_space<vmem>>, vector<16xf32>,
      %get3A_158 = arith.index_cast %scan3A_144 : i32 to index
      %get3A_159 = arith.constant 48 : index
      %get3A_160 = tpu.vector_load %arg5[%get3A_158, %get3A_159] {strides = array<i32>} : memref<400x64xf32, #tpu.memory_space<vmem>>, vector<16xf32>,
      %pack3A_161 = tpu.pack_subelements %get3A_157, %get3A_160 {pack_format = #tpu.pack_format<interleaved>, positions = array<i32: 0, 1>} : vector<16xf32>, vector<16xf32> -> vector<32xbf16>
      %swap3A_162 = arith.index_cast %scan3A_144 : i32 to index
      %swap3A_163 = arith.constant 32 : index
      %swap3A_164 = tpu.vector_load %arg7[%swap3A_162, %swap3A_163] {strides = array<i32>} : memref<400x64xbf16, #tpu.memory_space<vmem>>, vector<32xbf16>,
      tpu.vector_store %arg7[%swap3A_162, %swap3A_163], %pack3A_161 {strides = array<i32>} : memref<400x64xbf16, #tpu.memory_space<vmem>>, vector<32xbf16>,
      %scan3A_165 = arith.constant 3 : i32
      %scan3A_166 = arith.addi %scan3A_103, %scan3A_165 : i32
      %get3A_167 = arith.index_cast %scan3A_166 : i32 to index
      %get3A_168 = arith.constant 0 : index
      %get3A_169 = tpu.vector_load %arg5[%get3A_167, %get3A_168] {strides = array<i32>} : memref<400x64xf32, #tpu.memory_space<vmem>>, vector<16xf32>,
      %get3A_170 = arith.index_cast %scan3A_166 : i32 to index
      %get3A_171 = arith.constant 16 : index
      %get3A_172 = tpu.vector_load %arg5[%get3A_170, %get3A_171] {strides = array<i32>} : memref<400x64xf32, #tpu.memory_space<vmem>>, vector<16xf32>,
      %pack3A_173 = tpu.pack_subelements %get3A_169, %get3A_172 {pack_format = #tpu.pack_format<interleaved>, positions = array<i32: 0, 1>} : vector<16xf32>, vector<16xf32> -> vector<32xbf16>
      %swap3A_174 = arith.index_cast %scan3A_166 : i32 to index
      %swap3A_175 = arith.constant 0 : index
      %swap3A_176 = tpu.vector_load %arg7[%swap3A_174, %swap3A_175] {strides = array<i32>} : memref<400x64xbf16, #tpu.memory_space<vmem>>, vector<32xbf16>,
      tpu.vector_store %arg7[%swap3A_174, %swap3A_175], %pack3A_173 {strides = array<i32>} : memref<400x64xbf16, #tpu.memory_space<vmem>>, vector<32xbf16>,
      %get3A_177 = arith.index_cast %scan3A_166 : i32 to index
      %get3A_178 = arith.constant 32 : index
      %get3A_179 = tpu.vector_load %arg5[%get3A_177, %get3A_178] {strides = array<i32>} : memref<400x64xf32, #tpu.memory_space<vmem>>, vector<16xf32>,
      %get3A_180 = arith.index_cast %scan3A_166 : i32 to index
      %get3A_181 = arith.constant 48 : index
      %get3A_182 = tpu.vector_load %arg5[%get3A_180, %get3A_181] {strides = array<i32>} : memref<400x64xf32, #tpu.memory_space<vmem>>, vector<16xf32>,
      %pack3A_183 = tpu.pack_subelements %get3A_179, %get3A_182 {pack_format = #tpu.pack_format<interleaved>, positions = array<i32: 0, 1>} : vector<16xf32>, vector<16xf32> -> vector<32xbf16>
      %swap3A_184 = arith.index_cast %scan3A_166 : i32 to index
      %swap3A_185 = arith.constant 32 : index
      %swap3A_186 = tpu.vector_load %arg7[%swap3A_184, %swap3A_185] {strides = array<i32>} : memref<400x64xbf16, #tpu.memory_space<vmem>>, vector<32xbf16>,
      tpu.vector_store %arg7[%swap3A_184, %swap3A_185], %pack3A_183 {strides = array<i32>} : memref<400x64xbf16, #tpu.memory_space<vmem>>, vector<32xbf16>,
    }
    %scan3A_50 = arith.constant 400 : i32
    %dma_start3A_51 = arith.constant 0 : i32
    %dma_start3A_52 = tpu.memref_slice %arg3[%min3A_9, %dma_start3A_51] : memref<50272x64xbf16, #tpu.memory_space<hbm>> -> memref<400x64xbf16, #tpu.memory_space<hbm>>
    %dma_start3A_53 = arith.constant 0 : i32
    %dma_start3A_54 = tpu.memref_slice %arg3[%min3A_9, %dma_start3A_53] : memref<50272x64xbf16, #tpu.memory_space<hbm>> -> memref<400x64xbf16, #tpu.memory_space<hbm>>
    tpu.enqueue_dma source(%arg7 : memref<400x64xbf16, #tpu.memory_space<vmem>>) target(%dma_start3A_54 : memref<400x64xbf16, #tpu.memory_space<hbm>>) target_semaphore(%arg9 : memref<!tpu.dma_semaphore, #tpu.memory_space<semaphore_mem>>)
    %dma_wait3A_55 = arith.constant 0 : i32
    %dma_wait3A_56 = tpu.memref_slice %arg2[%min3A_13, %dma_wait3A_55] : memref<50257x64xf32, #tpu.memory_space<hbm>> -> memref<400x64xf32, #tpu.memory_space<hbm>>
    %dma_wait3A_57 = arith.constant 0 : i32
    %dma_wait3A_58 = tpu.memref_slice %arg2[%min3A_13, %dma_wait3A_57] : memref<50257x64xf32, #tpu.memory_space<hbm>> -> memref<400x64xf32, #tpu.memory_space<hbm>>
    tpu.wait_dma2 semaphore(%arg8 : memref<!tpu.dma_semaphore, #tpu.memory_space<semaphore_mem>>) src(%dma_wait3A_58 : memref<400x64xf32, #tpu.memory_space<hbm>>) dst(%arg4 : memref<400x64xf32, #tpu.memory_space<vmem>>)
    %dma_start3A_59 = arith.constant 0 : i32
    %dma_start3A_60 = tpu.memref_slice %arg2[%min3A_17, %dma_start3A_59] : memref<50257x64xf32, #tpu.memory_space<hbm>> -> memref<400x64xf32, #tpu.memory_space<hbm>>
    %dma_start3A_61 = arith.constant 0 : i32
    %dma_start3A_62 = tpu.memref_slice %arg2[%min3A_17, %dma_start3A_61] : memref<50257x64xf32, #tpu.memory_space<hbm>> -> memref<400x64xf32, #tpu.memory_space<hbm>>
    tpu.enqueue_dma source(%dma_start3A_62 : memref<400x64xf32, #tpu.memory_space<hbm>>) target(%arg5 : memref<400x64xf32, #tpu.memory_space<vmem>>) target_semaphore(%arg8 : memref<!tpu.dma_semaphore, #tpu.memory_space<semaphore_mem>>)
    %dma_wait3A_63 = arith.constant 0 : i32
    %dma_wait3A_64 = tpu.memref_slice %arg3[%min3A_5, %dma_wait3A_63] : memref<50272x64xbf16, #tpu.memory_space<hbm>> -> memref<400x64xbf16, #tpu.memory_space<hbm>>
    %dma_wait3A_65 = arith.constant 0 : i32
    %dma_wait3A_66 = tpu.memref_slice %arg3[%min3A_5, %dma_wait3A_65] : memref<50272x64xbf16, #tpu.memory_space<hbm>> -> memref<400x64xbf16, #tpu.memory_space<hbm>>
    tpu.wait_dma2 semaphore(%arg9 : memref<!tpu.dma_semaphore, #tpu.memory_space<semaphore_mem>>) src(%arg6 : memref<400x64xbf16, #tpu.memory_space<vmem>>) dst(%dma_wait3A_66 : memref<400x64xbf16, #tpu.memory_space<hbm>>)
    %scan3A_67 = arith.constant 0 : i32
    %scan3A_68 = arith.constant 0 : i32
    %scan3A_69 = arith.constant 400 : i32
    %scan3A_70 = arith.addi %scan3A_68, %scan3A_69 : i32
    %scan3A_71 = arith.constant 4 : i32
    scf.for %scan3A_103 = %scan3A_68 to %scan3A_70 step %scan3A_71  : i32 {
      %get3A = arith.index_cast %scan3A_103 : i32 to index
      %get3A_104 = arith.constant 0 : index
      %get3A_105 = tpu.vector_load %arg4[%get3A, %get3A_104] {strides = array<i32>} : memref<400x64xf32, #tpu.memory_space<vmem>>, vector<16xf32>,
      %get3A_106 = arith.index_cast %scan3A_103 : i32 to index
      %get3A_107 = arith.constant 16 : index
      %get3A_108 = tpu.vector_load %arg4[%get3A_106, %get3A_107] {strides = array<i32>} : memref<400x64xf32, #tpu.memory_space<vmem>>, vector<16xf32>,
      %pack3A = tpu.pack_subelements %get3A_105, %get3A_108 {pack_format = #tpu.pack_format<interleaved>, positions = array<i32: 0, 1>} : vector<16xf32>, vector<16xf32> -> vector<32xbf16>
      %swap3A = arith.index_cast %scan3A_103 : i32 to index
      %swap3A_109 = arith.constant 0 : index
      %swap3A_110 = tpu.vector_load %arg6[%swap3A, %swap3A_109] {strides = array<i32>} : memref<400x64xbf16, #tpu.memory_space<vmem>>, vector<32xbf16>,
      tpu.vector_store %arg6[%swap3A, %swap3A_109], %pack3A {strides = array<i32>} : memref<400x64xbf16, #tpu.memory_space<vmem>>, vector<32xbf16>,
      %get3A_111 = arith.index_cast %scan3A_103 : i32 to index
      %get3A_112 = arith.constant 32 : index
      %get3A_113 = tpu.vector_load %arg4[%get3A_111, %get3A_112] {strides = array<i32>} : memref<400x64xf32, #tpu.memory_space<vmem>>, vector<16xf32>,
      %get3A_114 = arith.index_cast %scan3A_103 : i32 to index
      %get3A_115 = arith.constant 48 : index
      %get3A_116 = tpu.vector_load %arg4[%get3A_114, %get3A_115] {strides = array<i32>} : memref<400x64xf32, #tpu.memory_space<vmem>>, vector<16xf32>,
      %pack3A_117 = tpu.pack_subelements %get3A_113, %get3A_116 {pack_format = #tpu.pack_format<interleaved>, positions = array<i32: 0, 1>} : vector<16xf32>, vector<16xf32> -> vector<32xbf16>
      %swap3A_118 = arith.index_cast %scan3A_103 : i32 to index
      %swap3A_119 = arith.constant 32 : index
      %swap3A_120 = tpu.vector_load %arg6[%swap3A_118, %swap3A_119] {strides = array<i32>} : memref<400x64xbf16, #tpu.memory_space<vmem>>, vector<32xbf16>,
      tpu.vector_store %arg6[%swap3A_118, %swap3A_119], %pack3A_117 {strides = array<i32>} : memref<400x64xbf16, #tpu.memory_space<vmem>>, vector<32xbf16>,
      %scan3A_121 = arith.constant 1 : i32
      %scan3A_122 = arith.addi %scan3A_103, %scan3A_121 : i32
      %get3A_123 = arith.index_cast %scan3A_122 : i32 to index
      %get3A_124 = arith.constant 0 : index
      %get3A_125 = tpu.vector_load %arg4[%get3A_123, %get3A_124] {strides = array<i32>} : memref<400x64xf32, #tpu.memory_space<vmem>>, vector<16xf32>,
      %get3A_126 = arith.index_cast %scan3A_122 : i32 to index
      %get3A_127 = arith.constant 16 : index
      %get3A_128 = tpu.vector_load %arg4[%get3A_126, %get3A_127] {strides = array<i32>} : memref<400x64xf32, #tpu.memory_space<vmem>>, vector<16xf32>,
      %pack3A_129 = tpu.pack_subelements %get3A_125, %get3A_128 {pack_format = #tpu.pack_format<interleaved>, positions = array<i32: 0, 1>} : vector<16xf32>, vector<16xf32> -> vector<32xbf16>
      %swap3A_130 = arith.index_cast %scan3A_122 : i32 to index
      %swap3A_131 = arith.constant 0 : index
      %swap3A_132 = tpu.vector_load %arg6[%swap3A_130, %swap3A_131] {strides = array<i32>} : memref<400x64xbf16, #tpu.memory_space<vmem>>, vector<32xbf16>,
      tpu.vector_store %arg6[%swap3A_130, %swap3A_131], %pack3A_129 {strides = array<i32>} : memref<400x64xbf16, #tpu.memory_space<vmem>>, vector<32xbf16>,
      %get3A_133 = arith.index_cast %scan3A_122 : i32 to index
      %get3A_134 = arith.constant 32 : index
      %get3A_135 = tpu.vector_load %arg4[%get3A_133, %get3A_134] {strides = array<i32>} : memref<400x64xf32, #tpu.memory_space<vmem>>, vector<16xf32>,
      %get3A_136 = arith.index_cast %scan3A_122 : i32 to index
      %get3A_137 = arith.constant 48 : index
      %get3A_138 = tpu.vector_load %arg4[%get3A_136, %get3A_137] {strides = array<i32>} : memref<400x64xf32, #tpu.memory_space<vmem>>, vector<16xf32>,
      %pack3A_139 = tpu.pack_subelements %get3A_135, %get3A_138 {pack_format = #tpu.pack_format<interleaved>, positions = array<i32: 0, 1>} : vector<16xf32>, vector<16xf32> -> vector<32xbf16>
      %swap3A_140 = arith.index_cast %scan3A_122 : i32 to index
      %swap3A_141 = arith.constant 32 : index
      %swap3A_142 = tpu.vector_load %arg6[%swap3A_140, %swap3A_141] {strides = array<i32>} : memref<400x64xbf16, #tpu.memory_space<vmem>>, vector<32xbf16>,
      tpu.vector_store %arg6[%swap3A_140, %swap3A_141], %pack3A_139 {strides = array<i32>} : memref<400x64xbf16, #tpu.memory_space<vmem>>, vector<32xbf16>,
      %scan3A_143 = arith.constant 2 : i32
      %scan3A_144 = arith.addi %scan3A_103, %scan3A_143 : i32
      %get3A_145 = arith.index_cast %scan3A_144 : i32 to index
      %get3A_146 = arith.constant 0 : index
      %get3A_147 = tpu.vector_load %arg4[%get3A_145, %get3A_146] {strides = array<i32>} : memref<400x64xf32, #tpu.memory_space<vmem>>, vector<16xf32>,
      %get3A_148 = arith.index_cast %scan3A_144 : i32 to index
      %get3A_149 = arith.constant 16 : index
      %get3A_150 = tpu.vector_load %arg4[%get3A_148, %get3A_149] {strides = array<i32>} : memref<400x64xf32, #tpu.memory_space<vmem>>, vector<16xf32>,
      %pack3A_151 = tpu.pack_subelements %get3A_147, %get3A_150 {pack_format = #tpu.pack_format<interleaved>, positions = array<i32: 0, 1>} : vector<16xf32>, vector<16xf32> -> vector<32xbf16>
      %swap3A_152 = arith.index_cast %scan3A_144 : i32 to index
      %swap3A_153 = arith.constant 0 : index
      %swap3A_154 = tpu.vector_load %arg6[%swap3A_152, %swap3A_153] {strides = array<i32>} : memref<400x64xbf16, #tpu.memory_space<vmem>>, vector<32xbf16>,
      tpu.vector_store %arg6[%swap3A_152, %swap3A_153], %pack3A_151 {strides = array<i32>} : memref<400x64xbf16, #tpu.memory_space<vmem>>, vector<32xbf16>,
      %get3A_155 = arith.index_cast %scan3A_144 : i32 to index
      %get3A_156 = arith.constant 32 : index
      %get3A_157 = tpu.vector_load %arg4[%get3A_155, %get3A_156] {strides = array<i32>} : memref<400x64xf32, #tpu.memory_space<vmem>>, vector<16xf32>,
      %get3A_158 = arith.index_cast %scan3A_144 : i32 to index
      %get3A_159 = arith.constant 48 : index
      %get3A_160 = tpu.vector_load %arg4[%get3A_158, %get3A_159] {strides = array<i32>} : memref<400x64xf32, #tpu.memory_space<vmem>>, vector<16xf32>,
      %pack3A_161 = tpu.pack_subelements %get3A_157, %get3A_160 {pack_format = #tpu.pack_format<interleaved>, positions = array<i32: 0, 1>} : vector<16xf32>, vector<16xf32> -> vector<32xbf16>
      %swap3A_162 = arith.index_cast %scan3A_144 : i32 to index
      %swap3A_163 = arith.constant 32 : index
      %swap3A_164 = tpu.vector_load %arg6[%swap3A_162, %swap3A_163] {strides = array<i32>} : memref<400x64xbf16, #tpu.memory_space<vmem>>, vector<32xbf16>,
      tpu.vector_store %arg6[%swap3A_162, %swap3A_163], %pack3A_161 {strides = array<i32>} : memref<400x64xbf16, #tpu.memory_space<vmem>>, vector<32xbf16>,
      %scan3A_165 = arith.constant 3 : i32
      %scan3A_166 = arith.addi %scan3A_103, %scan3A_165 : i32
      %get3A_167 = arith.index_cast %scan3A_166 : i32 to index
      %get3A_168 = arith.constant 0 : index
      %get3A_169 = tpu.vector_load %arg4[%get3A_167, %get3A_168] {strides = array<i32>} : memref<400x64xf32, #tpu.memory_space<vmem>>, vector<16xf32>,
      %get3A_170 = arith.index_cast %scan3A_166 : i32 to index
      %get3A_171 = arith.constant 16 : index
      %get3A_172 = tpu.vector_load %arg4[%get3A_170, %get3A_171] {strides = array<i32>} : memref<400x64xf32, #tpu.memory_space<vmem>>, vector<16xf32>,
      %pack3A_173 = tpu.pack_subelements %get3A_169, %get3A_172 {pack_format = #tpu.pack_format<interleaved>, positions = array<i32: 0, 1>} : vector<16xf32>, vector<16xf32> -> vector<32xbf16>
      %swap3A_174 = arith.index_cast %scan3A_166 : i32 to index
      %swap3A_175 = arith.constant 0 : index
      %swap3A_176 = tpu.vector_load %arg6[%swap3A_174, %swap3A_175] {strides = array<i32>} : memref<400x64xbf16, #tpu.memory_space<vmem>>, vector<32xbf16>,
      tpu.vector_store %arg6[%swap3A_174, %swap3A_175], %pack3A_173 {strides = array<i32>} : memref<400x64xbf16, #tpu.memory_space<vmem>>, vector<32xbf16>,
      %get3A_177 = arith.index_cast %scan3A_166 : i32 to index
      %get3A_178 = arith.constant 32 : index
      %get3A_179 = tpu.vector_load %arg4[%get3A_177, %get3A_178] {strides = array<i32>} : memref<400x64xf32, #tpu.memory_space<vmem>>, vector<16xf32>,
      %get3A_180 = arith.index_cast %scan3A_166 : i32 to index
      %get3A_181 = arith.constant 48 : index
      %get3A_182 = tpu.vector_load %arg4[%get3A_180, %get3A_181] {strides = array<i32>} : memref<400x64xf32, #tpu.memory_space<vmem>>, vector<16xf32>,
      %pack3A_183 = tpu.pack_subelements %get3A_179, %get3A_182 {pack_format = #tpu.pack_format<interleaved>, positions = array<i32: 0, 1>} : vector<16xf32>, vector<16xf32> -> vector<32xbf16>
      %swap3A_184 = arith.index_cast %scan3A_166 : i32 to index
      %swap3A_185 = arith.constant 32 : index
      %swap3A_186 = tpu.vector_load %arg6[%swap3A_184, %swap3A_185] {strides = array<i32>} : memref<400x64xbf16, #tpu.memory_space<vmem>>, vector<32xbf16>,
      tpu.vector_store %arg6[%swap3A_184, %swap3A_185], %pack3A_183 {strides = array<i32>} : memref<400x64xbf16, #tpu.memory_space<vmem>>, vector<32xbf16>,
    }
    %scan3A_72 = arith.constant 400 : i32
    %dma_start3A_73 = arith.constant 0 : i32
    %dma_start3A_74 = tpu.memref_slice %arg3[%min3A_13, %dma_start3A_73] : memref<50272x64xbf16, #tpu.memory_space<hbm>> -> memref<400x64xbf16, #tpu.memory_space<hbm>>
    %dma_start3A_75 = arith.constant 0 : i32
    %dma_start3A_76 = tpu.memref_slice %arg3[%min3A_13, %dma_start3A_75] : memref<50272x64xbf16, #tpu.memory_space<hbm>> -> memref<400x64xbf16, #tpu.memory_space<hbm>>
    tpu.enqueue_dma source(%arg6 : memref<400x64xbf16, #tpu.memory_space<vmem>>) target(%dma_start3A_76 : memref<400x64xbf16, #tpu.memory_space<hbm>>) target_semaphore(%arg9 : memref<!tpu.dma_semaphore, #tpu.memory_space<semaphore_mem>>)
    %dma_wait3A_77 = arith.constant 0 : i32
    %dma_wait3A_78 = tpu.memref_slice %arg2[%min3A_17, %dma_wait3A_77] : memref<50257x64xf32, #tpu.memory_space<hbm>> -> memref<400x64xf32, #tpu.memory_space<hbm>>
    %dma_wait3A_79 = arith.constant 0 : i32
    %dma_wait3A_80 = tpu.memref_slice %arg2[%min3A_17, %dma_wait3A_79] : memref<50257x64xf32, #tpu.memory_space<hbm>> -> memref<400x64xf32, #tpu.memory_space<hbm>>
    tpu.wait_dma2 semaphore(%arg8 : memref<!tpu.dma_semaphore, #tpu.memory_space<semaphore_mem>>) src(%dma_wait3A_80 : memref<400x64xf32, #tpu.memory_space<hbm>>) dst(%arg5 : memref<400x64xf32, #tpu.memory_space<vmem>>)
    %dma_wait3A_81 = arith.constant 0 : i32
    %dma_wait3A_82 = tpu.memref_slice %arg3[%min3A_9, %dma_wait3A_81] : memref<50272x64xbf16, #tpu.memory_space<hbm>> -> memref<400x64xbf16, #tpu.memory_space<hbm>>
    %dma_wait3A_83 = arith.constant 0 : i32
    %dma_wait3A_84 = tpu.memref_slice %arg3[%min3A_9, %dma_wait3A_83] : memref<50272x64xbf16, #tpu.memory_space<hbm>> -> memref<400x64xbf16, #tpu.memory_space<hbm>>
    tpu.wait_dma2 semaphore(%arg9 : memref<!tpu.dma_semaphore, #tpu.memory_space<semaphore_mem>>) src(%arg7 : memref<400x64xbf16, #tpu.memory_space<vmem>>) dst(%dma_wait3A_84 : memref<400x64xbf16, #tpu.memory_space<hbm>>)
    %scan3A_85 = arith.constant 0 : i32
    %scan3A_86 = arith.constant 0 : i32
    %scan3A_87 = arith.constant 400 : i32
    %scan3A_88 = arith.addi %scan3A_86, %scan3A_87 : i32
    %scan3A_89 = arith.constant 4 : i32
    scf.for %scan3A_103 = %scan3A_86 to %scan3A_88 step %scan3A_89  : i32 {
      %get3A = arith.index_cast %scan3A_103 : i32 to index
      %get3A_104 = arith.constant 0 : index
      %get3A_105 = tpu.vector_load %arg5[%get3A, %get3A_104] {strides = array<i32>} : memref<400x64xf32, #tpu.memory_space<vmem>>, vector<16xf32>,
      %get3A_106 = arith.index_cast %scan3A_103 : i32 to index
      %get3A_107 = arith.constant 16 : index
      %get3A_108 = tpu.vector_load %arg5[%get3A_106, %get3A_107] {strides = array<i32>} : memref<400x64xf32, #tpu.memory_space<vmem>>, vector<16xf32>,
      %pack3A = tpu.pack_subelements %get3A_105, %get3A_108 {pack_format = #tpu.pack_format<interleaved>, positions = array<i32: 0, 1>} : vector<16xf32>, vector<16xf32> -> vector<32xbf16>
      %swap3A = arith.index_cast %scan3A_103 : i32 to index
      %swap3A_109 = arith.constant 0 : index
      %swap3A_110 = tpu.vector_load %arg7[%swap3A, %swap3A_109] {strides = array<i32>} : memref<400x64xbf16, #tpu.memory_space<vmem>>, vector<32xbf16>,
      tpu.vector_store %arg7[%swap3A, %swap3A_109], %pack3A {strides = array<i32>} : memref<400x64xbf16, #tpu.memory_space<vmem>>, vector<32xbf16>,
      %get3A_111 = arith.index_cast %scan3A_103 : i32 to index
      %get3A_112 = arith.constant 32 : index
      %get3A_113 = tpu.vector_load %arg5[%get3A_111, %get3A_112] {strides = array<i32>} : memref<400x64xf32, #tpu.memory_space<vmem>>, vector<16xf32>,
      %get3A_114 = arith.index_cast %scan3A_103 : i32 to index
      %get3A_115 = arith.constant 48 : index
      %get3A_116 = tpu.vector_load %arg5[%get3A_114, %get3A_115] {strides = array<i32>} : memref<400x64xf32, #tpu.memory_space<vmem>>, vector<16xf32>,
      %pack3A_117 = tpu.pack_subelements %get3A_113, %get3A_116 {pack_format = #tpu.pack_format<interleaved>, positions = array<i32: 0, 1>} : vector<16xf32>, vector<16xf32> -> vector<32xbf16>
      %swap3A_118 = arith.index_cast %scan3A_103 : i32 to index
      %swap3A_119 = arith.constant 32 : index
      %swap3A_120 = tpu.vector_load %arg7[%swap3A_118, %swap3A_119] {strides = array<i32>} : memref<400x64xbf16, #tpu.memory_space<vmem>>, vector<32xbf16>,
      tpu.vector_store %arg7[%swap3A_118, %swap3A_119], %pack3A_117 {strides = array<i32>} : memref<400x64xbf16, #tpu.memory_space<vmem>>, vector<32xbf16>,
      %scan3A_121 = arith.constant 1 : i32
      %scan3A_122 = arith.addi %scan3A_103, %scan3A_121 : i32
      %get3A_123 = arith.index_cast %scan3A_122 : i32 to index
      %get3A_124 = arith.constant 0 : index
      %get3A_125 = tpu.vector_load %arg5[%get3A_123, %get3A_124] {strides = array<i32>} : memref<400x64xf32, #tpu.memory_space<vmem>>, vector<16xf32>,
      %get3A_126 = arith.index_cast %scan3A_122 : i32 to index
      %get3A_127 = arith.constant 16 : index
      %get3A_128 = tpu.vector_load %arg5[%get3A_126, %get3A_127] {strides = array<i32>} : memref<400x64xf32, #tpu.memory_space<vmem>>, vector<16xf32>,
      %pack3A_129 = tpu.pack_subelements %get3A_125, %get3A_128 {pack_format = #tpu.pack_format<interleaved>, positions = array<i32: 0, 1>} : vector<16xf32>, vector<16xf32> -> vector<32xbf16>
      %swap3A_130 = arith.index_cast %scan3A_122 : i32 to index
      %swap3A_131 = arith.constant 0 : index
      %swap3A_132 = tpu.vector_load %arg7[%swap3A_130, %swap3A_131] {strides = array<i32>} : memref<400x64xbf16, #tpu.memory_space<vmem>>, vector<32xbf16>,
      tpu.vector_store %arg7[%swap3A_130, %swap3A_131], %pack3A_129 {strides = array<i32>} : memref<400x64xbf16, #tpu.memory_space<vmem>>, vector<32xbf16>,
      %get3A_133 = arith.index_cast %scan3A_122 : i32 to index
      %get3A_134 = arith.constant 32 : index
      %get3A_135 = tpu.vector_load %arg5[%get3A_133, %get3A_134] {strides = array<i32>} : memref<400x64xf32, #tpu.memory_space<vmem>>, vector<16xf32>,
      %get3A_136 = arith.index_cast %scan3A_122 : i32 to index
      %get3A_137 = arith.constant 48 : index
      %get3A_138 = tpu.vector_load %arg5[%get3A_136, %get3A_137] {strides = array<i32>} : memref<400x64xf32, #tpu.memory_space<vmem>>, vector<16xf32>,
      %pack3A_139 = tpu.pack_subelements %get3A_135, %get3A_138 {pack_format = #tpu.pack_format<interleaved>, positions = array<i32: 0, 1>} : vector<16xf32>, vector<16xf32> -> vector<32xbf16>
      %swap3A_140 = arith.index_cast %scan3A_122 : i32 to index
      %swap3A_141 = arith.constant 32 : index
      %swap3A_142 = tpu.vector_load %arg7[%swap3A_140, %swap3A_141] {strides = array<i32>} : memref<400x64xbf16, #tpu.memory_space<vmem>>, vector<32xbf16>,
      tpu.vector_store %arg7[%swap3A_140, %swap3A_141], %pack3A_139 {strides = array<i32>} : memref<400x64xbf16, #tpu.memory_space<vmem>>, vector<32xbf16>,
      %scan3A_143 = arith.constant 2 : i32
      %scan3A_144 = arith.addi %scan3A_103, %scan3A_143 : i32
      %get3A_145 = arith.index_cast %scan3A_144 : i32 to index
      %get3A_146 = arith.constant 0 : index
      %get3A_147 = tpu.vector_load %arg5[%get3A_145, %get3A_146] {strides = array<i32>} : memref<400x64xf32, #tpu.memory_space<vmem>>, vector<16xf32>,
      %get3A_148 = arith.index_cast %scan3A_144 : i32 to index
      %get3A_149 = arith.constant 16 : index
      %get3A_150 = tpu.vector_load %arg5[%get3A_148, %get3A_149] {strides = array<i32>} : memref<400x64xf32, #tpu.memory_space<vmem>>, vector<16xf32>,
      %pack3A_151 = tpu.pack_subelements %get3A_147, %get3A_150 {pack_format = #tpu.pack_format<interleaved>, positions = array<i32: 0, 1>} : vector<16xf32>, vector<16xf32> -> vector<32xbf16>
      %swap3A_152 = arith.index_cast %scan3A_144 : i32 to index
      %swap3A_153 = arith.constant 0 : index
      %swap3A_154 = tpu.vector_load %arg7[%swap3A_152, %swap3A_153] {strides = array<i32>} : memref<400x64xbf16, #tpu.memory_space<vmem>>, vector<32xbf16>,
      tpu.vector_store %arg7[%swap3A_152, %swap3A_153], %pack3A_151 {strides = array<i32>} : memref<400x64xbf16, #tpu.memory_space<vmem>>, vector<32xbf16>,
      %get3A_155 = arith.index_cast %scan3A_144 : i32 to index
      %get3A_156 = arith.constant 32 : index
      %get3A_157 = tpu.vector_load %arg5[%get3A_155, %get3A_156] {strides = array<i32>} : memref<400x64xf32, #tpu.memory_space<vmem>>, vector<16xf32>,
      %get3A_158 = arith.index_cast %scan3A_144 : i32 to index
      %get3A_159 = arith.constant 48 : index
      %get3A_160 = tpu.vector_load %arg5[%get3A_158, %get3A_159] {strides = array<i32>} : memref<400x64xf32, #tpu.memory_space<vmem>>, vector<16xf32>,
      %pack3A_161 = tpu.pack_subelements %get3A_157, %get3A_160 {pack_format = #tpu.pack_format<interleaved>, positions = array<i32: 0, 1>} : vector<16xf32>, vector<16xf32> -> vector<32xbf16>
      %swap3A_162 = arith.index_cast %scan3A_144 : i32 to index
      %swap3A_163 = arith.constant 32 : index
      %swap3A_164 = tpu.vector_load %arg7[%swap3A_162, %swap3A_163] {strides = array<i32>} : memref<400x64xbf16, #tpu.memory_space<vmem>>, vector<32xbf16>,
      tpu.vector_store %arg7[%swap3A_162, %swap3A_163], %pack3A_161 {strides = array<i32>} : memref<400x64xbf16, #tpu.memory_space<vmem>>, vector<32xbf16>,
      %scan3A_165 = arith.constant 3 : i32
      %scan3A_166 = arith.addi %scan3A_103, %scan3A_165 : i32
      %get3A_167 = arith.index_cast %scan3A_166 : i32 to index
      %get3A_168 = arith.constant 0 : index
      %get3A_169 = tpu.vector_load %arg5[%get3A_167, %get3A_168] {strides = array<i32>} : memref<400x64xf32, #tpu.memory_space<vmem>>, vector<16xf32>,
      %get3A_170 = arith.index_cast %scan3A_166 : i32 to index
      %get3A_171 = arith.constant 16 : index
      %get3A_172 = tpu.vector_load %arg5[%get3A_170, %get3A_171] {strides = array<i32>} : memref<400x64xf32, #tpu.memory_space<vmem>>, vector<16xf32>,
      %pack3A_173 = tpu.pack_subelements %get3A_169, %get3A_172 {pack_format = #tpu.pack_format<interleaved>, positions = array<i32: 0, 1>} : vector<16xf32>, vector<16xf32> -> vector<32xbf16>
      %swap3A_174 = arith.index_cast %scan3A_166 : i32 to index
      %swap3A_175 = arith.constant 0 : index
      %swap3A_176 = tpu.vector_load %arg7[%swap3A_174, %swap3A_175] {strides = array<i32>} : memref<400x64xbf16, #tpu.memory_space<vmem>>, vector<32xbf16>,
      tpu.vector_store %arg7[%swap3A_174, %swap3A_175], %pack3A_173 {strides = array<i32>} : memref<400x64xbf16, #tpu.memory_space<vmem>>, vector<32xbf16>,
      %get3A_177 = arith.index_cast %scan3A_166 : i32 to index
      %get3A_178 = arith.constant 32 : index
      %get3A_179 = tpu.vector_load %arg5[%get3A_177, %get3A_178] {strides = array<i32>} : memref<400x64xf32, #tpu.memory_space<vmem>>, vector<16xf32>,
      %get3A_180 = arith.index_cast %scan3A_166 : i32 to index
      %get3A_181 = arith.constant 48 : index
      %get3A_182 = tpu.vector_load %arg5[%get3A_180, %get3A_181] {strides = array<i32>} : memref<400x64xf32, #tpu.memory_space<vmem>>, vector<16xf32>,
      %pack3A_183 = tpu.pack_subelements %get3A_179, %get3A_182 {pack_format = #tpu.pack_format<interleaved>, positions = array<i32: 0, 1>} : vector<16xf32>, vector<16xf32> -> vector<32xbf16>
      %swap3A_184 = arith.index_cast %scan3A_166 : i32 to index
      %swap3A_185 = arith.constant 32 : index
      %swap3A_186 = tpu.vector_load %arg7[%swap3A_184, %swap3A_185] {strides = array<i32>} : memref<400x64xbf16, #tpu.memory_space<vmem>>, vector<32xbf16>,
      tpu.vector_store %arg7[%swap3A_184, %swap3A_185], %pack3A_183 {strides = array<i32>} : memref<400x64xbf16, #tpu.memory_space<vmem>>, vector<32xbf16>,
    }
    %scan3A_90 = arith.constant 400 : i32
    %dma_start3A_91 = arith.constant 0 : i32
    %dma_start3A_92 = tpu.memref_slice %arg3[%min3A_17, %dma_start3A_91] : memref<50272x64xbf16, #tpu.memory_space<hbm>> -> memref<400x64xbf16, #tpu.memory_space<hbm>>
    %dma_start3A_93 = arith.constant 0 : i32
    %dma_start3A_94 = tpu.memref_slice %arg3[%min3A_17, %dma_start3A_93] : memref<50272x64xbf16, #tpu.memory_space<hbm>> -> memref<400x64xbf16, #tpu.memory_space<hbm>>
    tpu.enqueue_dma source(%arg7 : memref<400x64xbf16, #tpu.memory_space<vmem>>) target(%dma_start3A_94 : memref<400x64xbf16, #tpu.memory_space<hbm>>) target_semaphore(%arg9 : memref<!tpu.dma_semaphore, #tpu.memory_space<semaphore_mem>>)
    %dma_wait3A_95 = arith.constant 0 : i32
    %dma_wait3A_96 = tpu.memref_slice %arg3[%min3A_13, %dma_wait3A_95] : memref<50272x64xbf16, #tpu.memory_space<hbm>> -> memref<400x64xbf16, #tpu.memory_space<hbm>>
    %dma_wait3A_97 = arith.constant 0 : i32
    %dma_wait3A_98 = tpu.memref_slice %arg3[%min3A_13, %dma_wait3A_97] : memref<50272x64xbf16, #tpu.memory_space<hbm>> -> memref<400x64xbf16, #tpu.memory_space<hbm>>
    tpu.wait_dma2 semaphore(%arg9 : memref<!tpu.dma_semaphore, #tpu.memory_space<semaphore_mem>>) src(%arg6 : memref<400x64xbf16, #tpu.memory_space<vmem>>) dst(%dma_wait3A_98 : memref<400x64xbf16, #tpu.memory_space<hbm>>)
    %dma_wait3A_99 = arith.constant 0 : i32
    %dma_wait3A_100 = tpu.memref_slice %arg3[%min3A_17, %dma_wait3A_99] : memref<50272x64xbf16, #tpu.memory_space<hbm>> -> memref<400x64xbf16, #tpu.memory_space<hbm>>
    %dma_wait3A_101 = arith.constant 0 : i32
    %dma_wait3A_102 = tpu.memref_slice %arg3[%min3A_17, %dma_wait3A_101] : memref<50272x64xbf16, #tpu.memory_space<hbm>> -> memref<400x64xbf16, #tpu.memory_space<hbm>>
    tpu.wait_dma2 semaphore(%arg9 : memref<!tpu.dma_semaphore, #tpu.memory_space<semaphore_mem>>) src(%arg7 : memref<400x64xbf16, #tpu.memory_space<vmem>>) dst(%dma_wait3A_102 : memref<400x64xbf16, #tpu.memory_space<hbm>>)
    return
  }
}

module attributes {stable_mosaic.version = 14 : i64} {
  func.func @_linear_body(%arg0: memref<4096x64xf32, #tpu.memory_space<vmem>>, %arg1: memref<64x2xf32, #tpu.memory_space<vmem>>, %arg2: memref<1x2xf32, #tpu.memory_space<vmem>>, %arg3: memref<4096x2xf32, #tpu.memory_space<vmem>>) attributes {dimension_semantics = [], scalar_prefetch = 0 : i64, scratch_operands = 0 : i64, tpu.core_type = #tpu.core_type<tc>} {
    %get3A = arith.constant 0 : index
    %get3A_0 = arith.constant 0 : index
    %get3A_1 = vector.load %arg0[%get3A, %get3A_0] : memref<4096x64xf32, #tpu.memory_space<vmem>>, vector<4096x64xf32>
    %get3A_2 = arith.constant 0 : index
    %get3A_3 = arith.constant 0 : index
    %get3A_4 = vector.load %arg1[%get3A_2, %get3A_3] : memref<64x2xf32, #tpu.memory_space<vmem>>, vector<64x2xf32>
    %dot_general3A = arith.constant dense<0.000000e+00> : vector<4096x2xf32>
    %dot_general3A_5 = tpu.matmul %get3A_1, %get3A_4, %dot_general3A {dimension_numbers = #tpu.dot_dimension_numbers<[1], [0], [0], [1], [0, 0, 1, 1], [], []>, transpose_lhs_hint = false} : vector<4096x64xf32>, vector<64x2xf32>, vector<4096x2xf32> -> vector<4096x2xf32>
    %get3A_6 = arith.constant 0 : index
    %get3A_7 = arith.constant 0 : index
    %get3A_8 = vector.load %arg2[%get3A_6, %get3A_7] : memref<1x2xf32, #tpu.memory_space<vmem>>, vector<1x2xf32>
    %add3A = vector.broadcast %get3A_8 : vector<1x2xf32> to vector<4096x2xf32>
    %add3A_9 = arith.addf %dot_general3A_5, %add3A : vector<4096x2xf32>
    %swap3A = arith.constant 0 : index
    %swap3A_10 = arith.constant 0 : index
    %swap3A_11 = vector.load %arg3[%swap3A, %swap3A_10] : memref<4096x2xf32, #tpu.memory_space<vmem>>, vector<4096x2xf32>
    tpu.vector_store %arg3[%swap3A, %swap3A_10], %add3A_9 {strides = array<i32>} : memref<4096x2xf32, #tpu.memory_space<vmem>>, vector<4096x2xf32>,
    return
  }
}

</mosaic_0001>

<sc_bundles>
// kernel: kernel.5.cloned.1.call-start
scs
__scs_entry_jumppad:
0x0: {  	(pc) =	sbr.rel $0x88, $3  }
0x1: {  	(tag) =	ssettag $0x0;
	lr =	simm.s32 $0x1  }
0x2: {  	[smem:$0x3F9D] =	sst lr;
	_ =	strace $0xD0000000  }
0x3: {  	_ = 	snop  }
0x4: {  	_ = 	snop  }
0x5: {  	_ = 	snop  }
0x6: {  	_ = 	snop  }
0x7: {  	_ = 	snop  }
__scs_overlays_trampoline_lowered:
0x8: {  	[smem:$0x3FAC] =	sst s0  }
0x9: {  	[smem:$0x3FAD] =	sst s1  }
0xa: {  	[smem:$0x3FAE] =	sst s2  }
0xb: {  	[smem:$0x3FAF] =	sst s3  }
0xc: {  	[smem:$0x3FB0] =	sst s4  }
0xd: {  	[smem:$0x3FB1] =	sst s5  }
0xe: {  	[smem:$0x3FB2] =	sst s6  }
0xf: {  	[smem:$0x3FB3] =	sst s7  }
0x10: {  	[smem:$0x3FB4] =	sst s8  }
0x11: {  	[smem:$0x3FB5] =	sst s9;
	s0 =	simm.s32 @!p0 $0x0  }
0x12: {  	s1 =	sld [smem:$0x3F9B];
	s0 =	simm.s32 @p0 $0x1  }
0x13: {  	[smem:$0x3FB6] =	sst s0;
	s0 =	simm.s32 @!p1 $0x0  }
0x14: {  	s2 =	sld [smem:$0x3F9A];
	s0 =	simm.s32 @p1 $0x1  }
0x15: {  	[smem:$0x3FB7] =	sst s0;
	s0 =	simm.s32 @!p2 $0x0  }
0x16: {  	s3 =	sld [smem:$0x3FDB];
	s0 =	simm.s32 @p2 $0x1  }
0x17: {  	s4 =	simm.s32 $0x1BF5;
	[smem:$0x3FB9] =	sst s0  }
0x18: {  	s0 =	sld [smem:$0x3F9C];
	_ =	swait.ge [sflag:s4], $0x0  }
0x19: {  	s7 =	sld [smem:$0x3F9D]  }
0x1a: {  	s8 =	sadd.s32 $0xFFFFE003, lr  }
0x1b: {  	s9 =	sadd.s32 $0xFFFFFEF7, lr;
	s5 =	simm.s32 $0xFFFFFFFF;
	p2 =	slt.u32 s8, $0xFFFFF086  }
0x1c: {  	p1 =	slt.u32 s9, $0xF7A;
	s5 =	simm.s32 @!p2 $0x0  }
0x1d: {  	s5 =	simm.s32 @p1 $0x1;
	p0 =	seq.s32 s7, s2  }
0x1e: {  	s7 =	smul.u32 @!p0 $0xF7A, s2;
	p2 =	seq.s32 @!p0 s5, $0x0  }
0x1f: {  	s9 =	smul.u32 $0xF7A, s1;
	s8 =	simm.s32 @!p0 $0x1BF5;
	p2 =	por !p2, p0  }
0x20: {  	[sflag:s8] =	ssyncset.s32 @!p0 $0xFFFFF086;
	s6 =	sadd.s32 @!p0 s3, s7;
	s7 =	simm.s32 @!p0 $0x108  }
0x21: {  	s3 =	sadd.s32 s3, s9;
	s6 =	sadd.s32 @!p0 $0x88, s6;
	s7 =	simm.s32 @p2 $0x1082  }
0x22: {  	[simem:s7], [sflag:s8] =	dma.local @!p0 [hbm:s6], $0xF7A  }
0x23: {  	s9 =	sor.u32 $0xD0000000, s2;
	s6 =	simm.s32 $0x108;
	_ =	swait.ge @!p0 [sflag:s8], $0x0  }
0x24: {  	s3 =	sadd.s32 $0x88, s3;
	s6 =	simm.s32 @!p1 $0x1082;
	[sflag:s4] =	ssyncset.s32 $0xFFFFF086  }
0x25: {  	[simem:s6], [sflag:s4] =	dma.local [hbm:s3], $0xF7A  }
0x26: {  	[smem:$0x3F9D] =	sst s1;
	(tag) =	ssettag s2;
	_ =	strace s9  }
0x27: {  	s1 =	sld [smem:$0x3FAD]  }
0x28: {  	s2 =	sld [smem:$0x3FAE]  }
0x29: {  	s4 =	sld [smem:$0x3FB0]  }
0x2a: {  	p0 =	seq.s32 s5, $0x0;
	s5 =	sld [smem:$0x3FB1]  }
0x2b: {  	s6 =	sld [smem:$0x3FB2]  }
0x2c: {  	s7 =	sld [smem:$0x3FB3]  }
0x2d: {  	s3 =	simm.s32 $0x108;
	s8 =	sld [smem:$0x3FB4]  }
0x2e: {  	s3 =	simm.s32 @!p0 $0x1082;
	s9 =	sld [smem:$0x3FB5]  }
0x2f: {  	lr =	sadd.s32 s0, s3;
	s0 =	sld [smem:$0x3FAC]  }
0x30: {  	s3 =	sld [smem:$0x3FAF]  }
0x31: {  	[smem:$0x3FB8] =	sst s10  }
0x32: {  	s10 =	sld [smem:$0x3FB6];
	_ =	sdelay $0x3  }
0x33: {  	p0 =	seq.s32 s10, $0x1;
	s10 =	sld [smem:$0x3FB8];
	_ =	sdelay $0x3  }
0x34: {  	[smem:$0x3FB8] =	sst s10  }
0x35: {  	s10 =	sld [smem:$0x3FB7];
	_ =	sdelay $0x3  }
0x36: {  	p1 =	seq.s32 s10, $0x1;
	s10 =	sld [smem:$0x3FB8];
	_ =	sdelay $0x3  }
0x37: {  	[smem:$0x3FB8] =	sst s10  }
0x38: {  	s10 =	sld [smem:$0x3FB9]  }
0x39: {  	_ = 	snop;
	(pc) =	sbr.ind lr, $3  }
0x3a: {  	_ = 	snop  }
0x3b: {  	_ = 	snop  }
0x3c: {  	p2 =	seq.s32 s10, $0x1;
	s10 =	sld [smem:$0x3FB8]  }
0x3d: {  	_ =	shalt  }
0x3e: {  	_ =	shalt  }
0x3f: {  	_ =	shalt  }
0x40: {  	_ =	shalt  }
0x41: {  	_ =	shalt  }
0x42: {  	_ =	shalt  }
0x43: {  	_ =	shalt  }
0x44: {  	_ =	shalt  }
0x45: {  	_ =	shalt  }
0x46: {  	_ =	shalt  }
0x47: {  	_ =	shalt  }
0x48: {  	_ =	shalt  }
0x49: {  	_ =	shalt  }
0x4a: {  	_ =	shalt  }
0x4b: {  	_ =	shalt  }
0x4c: {  	_ =	shalt  }
0x4d: {  	_ =	shalt  }
0x4e: {  	_ =	shalt  }
0x4f: {  	_ =	shalt  }
0x50: {  	_ =	shalt  }
0x51: {  	_ =	shalt  }
0x52: {  	_ =	shalt  }
0x53: {  	_ =	shalt  }
0x54: {  	_ =	shalt  }
0x55: {  	_ =	shalt  }
0x56: {  	_ =	shalt  }
0x57: {  	_ =	shalt  }
0x58: {  	_ =	shalt  }
0x59: {  	_ =	shalt  }
0x5a: {  	_ =	shalt  }
0x5b: {  	_ =	shalt  }
0x5c: {  	_ =	shalt  }
0x5d: {  	_ =	shalt  }
0x5e: {  	_ =	shalt  }
0x5f: {  	_ =	shalt  }
0x60: {  	_ =	shalt  }
0x61: {  	_ =	shalt  }
0x62: {  	_ =	shalt  }
0x63: {  	_ =	shalt  }
0x64: {  	_ =	shalt  }
0x65: {  	_ =	shalt  }
0x66: {  	_ =	shalt  }
0x67: {  	_ =	shalt  }
0x68: {  	_ =	shalt  }
0x69: {  	_ =	shalt  }
0x6a: {  	_ =	shalt  }
0x6b: {  	_ =	shalt  }
0x6c: {  	_ =	shalt  }
0x6d: {  	_ =	shalt  }
0x6e: {  	_ =	shalt  }
0x6f: {  	_ =	shalt  }
0x70: {  	_ =	shalt  }
0x71: {  	_ =	shalt  }
0x72: {  	_ =	shalt  }
0x73: {  	_ =	shalt  }
0x74: {  	_ =	shalt  }
0x75: {  	_ =	shalt  }
0x76: {  	_ =	shalt  }
0x77: {  	_ =	shalt  }
0x78: {  	_ =	shalt  }
0x79: {  	_ =	shalt  }
0x7a: {  	_ =	shalt  }
0x7b: {  	_ =	shalt  }
0x7c: {  	_ =	shalt  }
0x7d: {  	_ =	shalt  }
0x7e: {  	_ =	shalt  }
0x7f: {  	_ =	shalt  }
0x80: {  	_ =	shalt  }
0x81: {  	_ =	shalt  }
0x82: {  	_ =	shalt  }
0x83: {  	_ =	shalt  }
0x84: {  	_ =	shalt  }
0x85: {  	_ =	shalt  }
0x86: {  	_ =	shalt  }
0x87: {  	_ =	shalt  }
.Lfunc_end0:
.L_simem_size_0:
called_computation_lowered:
.L_overlay_start_0:
0x88: {  	s2 =	sld [smem:$0x3FD9]  }
0x89: {  	s3 =	sld [smem:$0x3FFE];
	_ =	sdelay $0x1  }
0x8a: {  	s1 =	srdreg.scid  }
0x8b: {  	s0 =	sand.u32 $0x1, s1  }
0x8c: {  	s16 =	sshll.u32 s0, $0xA;
	s2 =	sadd.s32 s3, s2  }
0x8d: {  	s2 =	sadd.s32 s2, s16  }
0x8e: {  	[smem:$0x3FC4] =	sst s2  }
0x8f: {  	_ = 	snop  }
0x90: {  	(tm) =	ssettm $0x1  }
0x91: {  	s17 =	sld [smem:$0x3FFB];
	_ =	sdelay $0x3  }
0x92: {  	_ =	strace s17  }
0x93: {  	s2 =	sld [smem:$0x3FFC];
	_ =	sdelay $0x3  }
0x94: {  	_ =	strace s2  }
0x95: {  	s2 =	sld [smem:$0x3FFD];
	_ =	sdelay $0x3  }
0x96: {  	_ =	strace s2  }
0x97: {  	_ =	strace $0x8FFFFFFF  }
0x98: {  	s18 =	sld [smem:$0x3FDB];
	_ =	sdelay $0x1  }
0x99: {  	s19 =	simm.s32 $_scs_section_size  }
0x9a: {  	s4 =	simm.s32 $_size__tile_overlayer_lowered;
	s5 =	simm.s32 $_tile_overlayer_lowered  }
0x9b: {  	s22 =	simm.s32 $0x1BFF;
	s21 =	sshll.u32 s5, $0x1;
	s2 =	sadd.s32 s19, s18  }
0x9c: {  	s6 =	simm.s32 $0x0;
	s20 =	sshll.u32 s4, $0x1;
	s4 =	sadd.s32 s21, s2  }
0x9d: {  	[timem:s6], [sflag:s22] =	dma.local [hbm:s4], s20  }
0x9e: {  	_ =	swait.ge [sflag:s22], s20  }
0x9f: {  	s3 =	ssub.s32 $0x0, s20;
	[sflag:s22] =	ssyncset.done $0x0  }
0xa0: {  	[sflag:s22] =	ssyncadd.s32 s3;
	_ =	sdelay $0x1  }
0xa1: {  	s23 =	simm.s32 $0x1B8B  }
0xa2: {  	_ =	swait.ge [sflag:s23], $0x1  }
0xa3: {  	[sflag:s23] =	ssyncset.done $0x0  }
0xa4: {  	s25 =	simm.s32 $0x1B8E;
	s24 =	sld [smem:$0x3FFE];
	[sflag:s23] =	ssyncadd.s32 $0xFFFFFFFF  }
0xa5: {  	s26 =	simm.s32 $execute0_lowered;
	[smem:$0x3FD2] =	sst s25  }
0xa6: {  	s4 =	sshll.u32 s26, $0x1;
	_ =	strace $0x80000046;
	[dreg:$0x1] =	wrdreg $0xFFFFFFFF  }
0xa7: {  	s28 =	simm.s32 $_size_execute0_lowered;
	s2 =	sadd.s32 s2, s4;
	[dreg:$0x0] =	wrdreg $0x0  }
0xa8: {  	s4 =	sshll.u32 s28, $0x1;
	[dreg:$0x2] =	wrdreg s2  }
0xa9: {  	[dreg:$0x3] =	wrdreg s4  }
0xaa: {  	[dreg:$0x4] =	wrdreg $0xC0  }
0xab: {  	_ =	task [dreg:s6], $0x5FFFF  }
0xac: {  	[dreg:$0x1] =	wrdreg $0xFFFFFFFF  }
0xad: {  	[dreg:$0x0] =	wrdreg $0x60  }
0xae: {  	[dreg:$0x2] =	wrdreg s24  }
0xaf: {  	[dreg:$0x3] =	wrdreg $0x9  }
0xb0: {  	_ =	task.clear_ibuf [dreg:s6], $0x4FFFF;
	_ =	strace $0x90000046  }
0xb1: {  	s29 =	simm.s32 $0x9;
	_ =	strace $0x80000048  }
0xb2: {  	_ =	swait.ge [sflag:s29], $0x1  }
0xb3: {  	[sflag:s29] =	ssyncadd.s32 $0xFFFFFFFF  }
0xb4: {  	_ =	strace $0x90000048  }
0xb5: {  	_ =	sfence  }
0xb6: {  	s30 =	sld [smem:$0x0];
	_ =	sdelay $0x2  }
0xb7: {  	s31 =	sshll.u32 s1, $0xD;
	s1 =	sshrl.u32 s1, $0x2  }
0xb8: {  	s3 =	sand.u32 $0x4000, s31;
	s1 =	sadd.s32 s1, s30  }
0xb9: {  	s0 =	sor.u32 s3, s0;
	s1 =	sshll.u32 s1, $0x11  }
0xba: {  	s0 =	sor.u32 s1, s0  }
0xbb: {  	s0 =	sadd.s32 $0x8F2B, s0  }
0xbc: {  	[sflag:s0] =	ssyncadd.remote.s32 $0x1  }
0xbd: {  	_ =	sfence.sel $0xFFFF  }
0xbe: {  	[dreg:$0x0] =	wrdreg $0xFFFFFFFF;
	(pc) =	sbr.abs _section_cstart, $3  }
0xbf: {  	[dreg:$0x1] =	wrdreg $0xFFFFFFFF  }
0xc0: {  	_ =	task.clear_ibuf [dreg:s6], $0x2FFFF;
	_ =	strace $0x9FFFFFFF  }
0xc1: {  	(tm) =	ssettm $0x7FFFFFFF  }
tec
execute0_lowered:
.L_overlay_start_1:
0x0: {  	(tag) =	ssettag $0x1  }
0x1: {  	s3 =	rddreg [dreg:$0x0]  }
0x2: {  	s4 =	srdreg.scid;
	s1 =	stileid.u32  }
0x3: {  	s0 =	rddreg [dreg:$0x1];
	s4 =	sand.u32 $0x1, s4;
	s5 =	sshll.u32 s1, $0x1  }
0x4: {  	s2 =	simm.s32 $0x0;
	s14 =	simm.s32 $0xC800;
	s5 =	sor.u32 s4, s5  }
0x5: {  	s15 =	simm.s32 $0xFA00;
	s16 =	simm.s32 $0x2;
	s6 =	smul.u32 $0x188C0, s5  }
0x6: {  	s17 =	simm.s32 $0x0;
	[smem:$0x7FF] =	sst s2;
	s24 =	smul.u32 $0x623, s5  }
0x7: {  	s8 =	sadd.s32 $0xE00, s3;
	s23 =	ssub.s32 $0x2, s4;
	s9 =	smul.u32 $0x3118, s5  }
0x8: {  	s10 =	sadd.s32 $0x63200, s3;
	s7 =	sshrl.u32 s23, $0x1;
	s5 =	smul.u32 $0x188C, s5  }
0x9: {  	_ =	strace $0x80000047;
	s12 =	ssub.s32 s23, s7;
	s11 =	sadd.s32 $0x6400, s6  }
0xa: {  	s13 =	smin.u32 s24, $0xBE11;
	s3 =	sadd.s32 s8, s9;
	s5 =	sadd.s32 s10, s5  }
0xb: {  	s26 =	sadd.s32 $0xC800, s6;
	s25 =	sshrl.u32 s11, $0x3;
	s28 =	sshll.u32 s13, $0x6  }
0xc: {  	s29 =	sshrl.u32 s26, $0x3;
	s11 =	sshrl.u32 s11, $0x4;
	s9 =	sshrl.u32 s26, $0x4  }
0xd: {  	s4 =	sadd.s32 s8, s25;
	s13 =	sadd.s32 $0x12C00, s28;
	s6 =	sadd.s32 s8, s29  }
0xe: {  	s7 =	sadd.s32 s10, s11;
	s9 =	sadd.s32 s10, s9;
	s11 =	smax.u32 s12, $0x1  }
0xf: {  	s12 =	simm.s32 $0x1;
	s30 =	sshrl.u32 s13, $0x3;
	s31 =	sshrl.u32 s13, $0x4  }
0x10: {  	s13 =	simm.s32 $0x6400;
	s8 =	sadd.s32 s8, s30;
	s10 =	sadd.s32 s10, s31  }
.LBB2_1:
0x11: {  	[tilespmem:s2], [sflag:$0x1] =	stream.linear.gather [hbm4b:s3+s2], $0x6400, $0x38;
	[tilespmem:$0x12C00] =	vst v63  }
0x12: {  	_ =	swait.ge [sflag:s12], $0x6400  }
0x13: {  	[sflag:s12] =	ssyncset.done $0x0  }
0x14: {  	s18 =	simm.s32 $0x80;
	[sflag:s12] =	ssyncadd.s32 $0xFFFF9C00  }
0x15: {  	[tilespmem:s13], [sflag:$0x1] =	stream.linear.gather [hbm4b:s4+s2], $0x6400, $0x38;
	[tilespmem:$0x12C00] =	vst v63  }
0x16: {  	v0 =	vld [tilespmem:s18+$0xFFFFFF80]  }
0x17: {  	v1 =	vld [tilespmem:s18+$0xFFFFFF90];
	_ =	sdelay $0x4  }
0x18: {  	s19 =	simm.s32 $0xC840;
	v0 =	vpack.i.f32.bf16 v1, v0  }
0x19: {  	[tilespmem:s19+$0xFFFFFFC0] =	vst v0  }
0x1a: {  	v0 =	vld [tilespmem:s18+$0xFFFFFFB0]  }
0x1b: {  	v58 =	vld [tilespmem:s18+$0xFFFFFFA0];
	_ =	sdelay $0x4  }
0x1c: {  	v0 =	vpack.i.f32.bf16 v0, v58  }
0x1d: {  	[tilespmem:s19+$0xFFFFFFD0] =	vst v0  }
0x1e: {  	v0 =	vld [tilespmem:s18+$0xFFFFFFC0]  }
0x1f: {  	v59 =	vld [tilespmem:s18+$0xFFFFFFD0];
	_ =	sdelay $0x4  }
0x20: {  	v0 =	vpack.i.f32.bf16 v59, v0  }
0x21: {  	[tilespmem:s19+$0xFFFFFFE0] =	vst v0  }
0x22: {  	v0 =	vld [tilespmem:s18+$0xFFFFFFE0]  }
0x23: {  	v60 =	vld [tilespmem:s18+$0xFFFFFFF0];
	_ =	sdelay $0x4  }
0x24: {  	v0 =	vpack.i.f32.bf16 v60, v0  }
0x25: {  	[tilespmem:s19+$0xFFFFFFF0] =	vst v0  }
0x26: {  	v0 =	vld [tilespmem:s18+$0x0]  }
0x27: {  	v61 =	vld [tilespmem:s18+$0x10];
	_ =	sdelay $0x4  }
0x28: {  	v0 =	vpack.i.f32.bf16 v61, v0  }
0x29: {  	[tilespmem:s19+$0x0] =	vst v0  }
0x2a: {  	v0 =	vld [tilespmem:s18+$0x20]  }
0x2b: {  	v62 =	vld [tilespmem:s18+$0x30];
	_ =	sdelay $0x4  }
0x2c: {  	v0 =	vpack.i.f32.bf16 v62, v0  }
0x2d: {  	[tilespmem:s19+$0x10] =	vst v0  }
0x2e: {  	v0 =	vld [tilespmem:s18+$0x40]  }
0x2f: {  	v63 =	vld [tilespmem:s18+$0x50];
	_ =	sdelay $0x4  }
0x30: {  	v0 =	vpack.i.f32.bf16 v63, v0  }
0x31: {  	s21 =	simm.s32 $0x0;
	s22 =	simm.s32 $0x80;
	s20 =	simm.s32 $0xC840;
	[tilespmem:s19+$0x20] =	vst v0  }
.LBB2_2:
0x32: {  	s21 =	sadd.s32 $0x4, s21;
	v0 =	vld [tilespmem:s18+$0x60];
	s22 =	sadd.s32 $0x100, s22;
	s19 =	sadd.s32 $0x80, s19  }
0x33: {  	p0 =	slt.u32 s21, $0x18C;
	v1 =	vld [tilespmem:s18+$0x70];
	s18 =	smov.u32 s22;
	_ =	sdelay $0x4  }
0x34: {  	v0 =	vpack.i.f32.bf16 v1, v0  }
0x35: {  	[tilespmem:s20+$0x30] =	vst v0;
	s20 =	smov.u32 s19  }
0x36: {  	v0 =	vld [tilespmem:s22+$0xFFFFFF80]  }
0x37: {  	v1 =	vld [tilespmem:s22+$0xFFFFFF90];
	_ =	sdelay $0x4  }
0x38: {  	v0 =	vpack.i.f32.bf16 v1, v0  }
0x39: {  	[tilespmem:s19+$0xFFFFFFC0] =	vst v0  }
0x3a: {  	v0 =	vld [tilespmem:s22+$0xFFFFFFB0]  }
0x3b: {  	v1 =	vld [tilespmem:s22+$0xFFFFFFA0];
	_ =	sdelay $0x4  }
0x3c: {  	v0 =	vpack.i.f32.bf16 v0, v1  }
0x3d: {  	[tilespmem:s19+$0xFFFFFFD0] =	vst v0  }
0x3e: {  	v0 =	vld [tilespmem:s22+$0xFFFFFFC0]  }
0x3f: {  	v1 =	vld [tilespmem:s22+$0xFFFFFFD0];
	_ =	sdelay $0x4  }
0x40: {  	v0 =	vpack.i.f32.bf16 v1, v0  }
0x41: {  	[tilespmem:s19+$0xFFFFFFE0] =	vst v0  }
0x42: {  	v0 =	vld [tilespmem:s22+$0xFFFFFFE0]  }
0x43: {  	v1 =	vld [tilespmem:s22+$0xFFFFFFF0];
	_ =	sdelay $0x4  }
0x44: {  	v0 =	vpack.i.f32.bf16 v1, v0  }
0x45: {  	[tilespmem:s19+$0xFFFFFFF0] =	vst v0  }
0x46: {  	v0 =	vld [tilespmem:s22+$0x0]  }
0x47: {  	v1 =	vld [tilespmem:s22+$0x10];
	_ =	sdelay $0x4  }
0x48: {  	v0 =	vpack.i.f32.bf16 v1, v0  }
0x49: {  	[tilespmem:s19+$0x0] =	vst v0  }
0x4a: {  	v0 =	vld [tilespmem:s22+$0x20]  }
0x4b: {  	v1 =	vld [tilespmem:s22+$0x30];
	_ =	sdelay $0x4  }
0x4c: {  	v0 =	vpack.i.f32.bf16 v1, v0  }
0x4d: {  	[tilespmem:s19+$0x10] =	vst v0  }
0x4e: {  	v0 =	vld [tilespmem:s22+$0x40]  }
0x4f: {  	v1 =	vld [tilespmem:s22+$0x50];
	_ =	sdelay $0x1  }
.Ltmp0:
0x50: {  	(pc) =	sbr.rel @p0 .LBB2_2-.Ltmp0, $3  }
0x51: {  	_ =	sdelay $0x1  }
0x52: {  	v0 =	vpack.i.f32.bf16 v1, v0  }
0x53: {  	[tilespmem:s19+$0x20] =	vst v0  }
0x54: {  	v0 =	vld [tilespmem:s18+$0x60]  }
0x55: {  	v1 =	vld [tilespmem:s18+$0x70];
	_ =	sdelay $0x4  }
0x56: {  	v0 =	vpack.i.f32.bf16 v1, v0  }
0x57: {  	[tilespmem:s20+$0x30] =	vst v0  }
0x58: {  	[hbm4b:s5+s2] =	stream.linear.scatter [tilespmem:s14], [sflag:$0x2], $0x3200, $0x38;
	[tilespmem:$0x12C00] =	vst v63  }
0x59: {  	_ =	swait.ge [sflag:s12], $0x6400  }
0x5a: {  	[sflag:s12] =	ssyncset.done $0x0  }
0x5b: {  	s18 =	simm.s32 $0x6480;
	[sflag:s12] =	ssyncadd.s32 $0xFFFF9C00  }
0x5c: {  	[tilespmem:s2], [sflag:$0x1] =	stream.linear.gather [hbm4b:s6+s2], $0x6400, $0x38;
	[tilespmem:$0x12C00] =	vst v63  }
0x5d: {  	v56 =	vld [tilespmem:s18+$0xFFFFFF80]  }
0x5e: {  	v57 =	vld [tilespmem:s18+$0xFFFFFF90];
	_ =	sdelay $0x4  }
0x5f: {  	s19 =	simm.s32 $0xFA40;
	v0 =	vpack.i.f32.bf16 v57, v56  }
0x60: {  	[tilespmem:s19+$0xFFFFFFC0] =	vst v0  }
0x61: {  	v0 =	vld [tilespmem:s18+$0xFFFFFFB0]  }
0x62: {  	v58 =	vld [tilespmem:s18+$0xFFFFFFA0];
	_ =	sdelay $0x4  }
0x63: {  	v0 =	vpack.i.f32.bf16 v0, v58  }
0x64: {  	[tilespmem:s19+$0xFFFFFFD0] =	vst v0  }
0x65: {  	v0 =	vld [tilespmem:s18+$0xFFFFFFC0]  }
0x66: {  	v59 =	vld [tilespmem:s18+$0xFFFFFFD0];
	_ =	sdelay $0x4  }
0x67: {  	v0 =	vpack.i.f32.bf16 v59, v0  }
0x68: {  	[tilespmem:s19+$0xFFFFFFE0] =	vst v0  }
0x69: {  	v0 =	vld [tilespmem:s18+$0xFFFFFFE0]  }
0x6a: {  	v60 =	vld [tilespmem:s18+$0xFFFFFFF0];
	_ =	sdelay $0x4  }
0x6b: {  	v0 =	vpack.i.f32.bf16 v60, v0  }
0x6c: {  	[tilespmem:s19+$0xFFFFFFF0] =	vst v0  }
0x6d: {  	v0 =	vld [tilespmem:s18+$0x0]  }
0x6e: {  	v61 =	vld [tilespmem:s18+$0x10];
	_ =	sdelay $0x4  }
0x6f: {  	v0 =	vpack.i.f32.bf16 v61, v0  }
0x70: {  	[tilespmem:s19+$0x0] =	vst v0  }
0x71: {  	v0 =	vld [tilespmem:s18+$0x20]  }
0x72: {  	v62 =	vld [tilespmem:s18+$0x30];
	_ =	sdelay $0x4  }
0x73: {  	v0 =	vpack.i.f32.bf16 v62, v0  }
0x74: {  	[tilespmem:s19+$0x10] =	vst v0  }
0x75: {  	v0 =	vld [tilespmem:s18+$0x40]  }
0x76: {  	v63 =	vld [tilespmem:s18+$0x50];
	_ =	sdelay $0x4  }
0x77: {  	v0 =	vpack.i.f32.bf16 v63, v0  }
0x78: {  	s21 =	simm.s32 $0x0;
	s22 =	simm.s32 $0x6480;
	s20 =	simm.s32 $0xFA40;
	[tilespmem:s19+$0x20] =	vst v0  }
.LBB2_4:
0x79: {  	s21 =	sadd.s32 $0x4, s21;
	v0 =	vld [tilespmem:s18+$0x60];
	s22 =	sadd.s32 $0x100, s22;
	s19 =	sadd.s32 $0x80, s19  }
0x7a: {  	p0 =	slt.u32 s21, $0x18C;
	v1 =	vld [tilespmem:s18+$0x70];
	s18 =	smov.u32 s22;
	_ =	sdelay $0x4  }
0x7b: {  	v0 =	vpack.i.f32.bf16 v1, v0  }
0x7c: {  	[tilespmem:s20+$0x30] =	vst v0;
	s20 =	smov.u32 s19  }
0x7d: {  	v0 =	vld [tilespmem:s22+$0xFFFFFF80]  }
0x7e: {  	v1 =	vld [tilespmem:s22+$0xFFFFFF90];
	_ =	sdelay $0x4  }
0x7f: {  	v0 =	vpack.i.f32.bf16 v1, v0  }
0x80: {  	[tilespmem:s19+$0xFFFFFFC0] =	vst v0  }
0x81: {  	v0 =	vld [tilespmem:s22+$0xFFFFFFB0]  }
0x82: {  	v1 =	vld [tilespmem:s22+$0xFFFFFFA0];
	_ =	sdelay $0x4  }
0x83: {  	v0 =	vpack.i.f32.bf16 v0, v1  }
0x84: {  	[tilespmem:s19+$0xFFFFFFD0] =	vst v0  }
0x85: {  	v0 =	vld [tilespmem:s22+$0xFFFFFFC0]  }
0x86: {  	v1 =	vld [tilespmem:s22+$0xFFFFFFD0];
	_ =	sdelay $0x4  }
0x87: {  	v0 =	vpack.i.f32.bf16 v1, v0  }
0x88: {  	[tilespmem:s19+$0xFFFFFFE0] =	vst v0  }
0x89: {  	v0 =	vld [tilespmem:s22+$0xFFFFFFE0]  }
0x8a: {  	v1 =	vld [tilespmem:s22+$0xFFFFFFF0];
	_ =	sdelay $0x4  }
0x8b: {  	v0 =	vpack.i.f32.bf16 v1, v0  }
0x8c: {  	[tilespmem:s19+$0xFFFFFFF0] =	vst v0  }
0x8d: {  	v0 =	vld [tilespmem:s22+$0x0]  }
0x8e: {  	v1 =	vld [tilespmem:s22+$0x10];
	_ =	sdelay $0x4  }
0x8f: {  	v0 =	vpack.i.f32.bf16 v1, v0  }
0x90: {  	[tilespmem:s19+$0x0] =	vst v0  }
0x91: {  	v0 =	vld [tilespmem:s22+$0x20]  }
0x92: {  	v1 =	vld [tilespmem:s22+$0x30];
	_ =	sdelay $0x4  }
0x93: {  	v0 =	vpack.i.f32.bf16 v1, v0  }
0x94: {  	[tilespmem:s19+$0x10] =	vst v0  }
0x95: {  	v0 =	vld [tilespmem:s22+$0x40]  }
0x96: {  	v1 =	vld [tilespmem:s22+$0x50];
	_ =	sdelay $0x1  }
.Ltmp1:
0x97: {  	(pc) =	sbr.rel @p0 .LBB2_4-.Ltmp1, $3  }
0x98: {  	_ =	sdelay $0x1  }
0x99: {  	v0 =	vpack.i.f32.bf16 v1, v0  }
0x9a: {  	[tilespmem:s19+$0x20] =	vst v0  }
0x9b: {  	v0 =	vld [tilespmem:s18+$0x60]  }
0x9c: {  	v1 =	vld [tilespmem:s18+$0x70];
	_ =	sdelay $0x4  }
0x9d: {  	v0 =	vpack.i.f32.bf16 v1, v0  }
0x9e: {  	[tilespmem:s20+$0x30] =	vst v0  }
0x9f: {  	[hbm4b:s7+s2] =	stream.linear.scatter [tilespmem:s15], [sflag:$0x2], $0x3200, $0x38;
	[tilespmem:$0x12C00] =	vst v63  }
0xa0: {  	_ =	swait.ge [sflag:s12], $0x6400  }
0xa1: {  	[sflag:s12] =	ssyncset.done $0x0  }
0xa2: {  	[sflag:s12] =	ssyncadd.s32 $0xFFFF9C00  }
0xa3: {  	[tilespmem:s13], [sflag:$0x1] =	stream.linear.gather [hbm4b:s8+s2], $0x6400, $0x38;
	[tilespmem:$0x12C00] =	vst v63  }
0xa4: {  	_ =	swait.ge [sflag:s16], $0x3200  }
0xa5: {  	[sflag:s16] =	ssyncset.done $0x0  }
0xa6: {  	s18 =	simm.s32 $0x80;
	[sflag:s16] =	ssyncadd.s32 $0xFFFFCE00  }
0xa7: {  	v56 =	vld [tilespmem:s18+$0xFFFFFF80]  }
0xa8: {  	v57 =	vld [tilespmem:s18+$0xFFFFFF90];
	_ =	sdelay $0x4  }
0xa9: {  	s19 =	simm.s32 $0xC840;
	v0 =	vpack.i.f32.bf16 v57, v56  }
0xaa: {  	[tilespmem:s19+$0xFFFFFFC0] =	vst v0  }
0xab: {  	v0 =	vld [tilespmem:s18+$0xFFFFFFB0]  }
0xac: {  	v58 =	vld [tilespmem:s18+$0xFFFFFFA0];
	_ =	sdelay $0x4  }
0xad: {  	v0 =	vpack.i.f32.bf16 v0, v58  }
0xae: {  	[tilespmem:s19+$0xFFFFFFD0] =	vst v0  }
0xaf: {  	v0 =	vld [tilespmem:s18+$0xFFFFFFC0]  }
0xb0: {  	v59 =	vld [tilespmem:s18+$0xFFFFFFD0];
	_ =	sdelay $0x4  }
0xb1: {  	v0 =	vpack.i.f32.bf16 v59, v0  }
0xb2: {  	[tilespmem:s19+$0xFFFFFFE0] =	vst v0  }
0xb3: {  	v0 =	vld [tilespmem:s18+$0xFFFFFFE0]  }
0xb4: {  	v60 =	vld [tilespmem:s18+$0xFFFFFFF0];
	_ =	sdelay $0x4  }
0xb5: {  	v0 =	vpack.i.f32.bf16 v60, v0  }
0xb6: {  	[tilespmem:s19+$0xFFFFFFF0] =	vst v0  }
0xb7: {  	v0 =	vld [tilespmem:s18+$0x0]  }
0xb8: {  	v61 =	vld [tilespmem:s18+$0x10];
	_ =	sdelay $0x4  }
0xb9: {  	v0 =	vpack.i.f32.bf16 v61, v0  }
0xba: {  	[tilespmem:s19+$0x0] =	vst v0  }
0xbb: {  	v0 =	vld [tilespmem:s18+$0x20]  }
0xbc: {  	v62 =	vld [tilespmem:s18+$0x30];
	_ =	sdelay $0x4  }
0xbd: {  	v0 =	vpack.i.f32.bf16 v62, v0  }
0xbe: {  	[tilespmem:s19+$0x10] =	vst v0  }
0xbf: {  	v0 =	vld [tilespmem:s18+$0x40]  }
0xc0: {  	v63 =	vld [tilespmem:s18+$0x50];
	_ =	sdelay $0x4  }
0xc1: {  	v0 =	vpack.i.f32.bf16 v63, v0  }
0xc2: {  	s21 =	simm.s32 $0x0;
	s22 =	simm.s32 $0x80;
	s20 =	simm.s32 $0xC840;
	[tilespmem:s19+$0x20] =	vst v0  }
.LBB2_6:
0xc3: {  	s21 =	sadd.s32 $0x4, s21;
	v0 =	vld [tilespmem:s18+$0x60];
	s22 =	sadd.s32 $0x100, s22;
	s19 =	sadd.s32 $0x80, s19  }
0xc4: {  	p0 =	slt.u32 s21, $0x18C;
	v1 =	vld [tilespmem:s18+$0x70];
	s18 =	smov.u32 s22;
	_ =	sdelay $0x4  }
0xc5: {  	v0 =	vpack.i.f32.bf16 v1, v0  }
0xc6: {  	[tilespmem:s20+$0x30] =	vst v0;
	s20 =	smov.u32 s19  }
0xc7: {  	v0 =	vld [tilespmem:s22+$0xFFFFFF80]  }
0xc8: {  	v1 =	vld [tilespmem:s22+$0xFFFFFF90];
	_ =	sdelay $0x4  }
0xc9: {  	v0 =	vpack.i.f32.bf16 v1, v0  }
0xca: {  	[tilespmem:s19+$0xFFFFFFC0] =	vst v0  }
0xcb: {  	v0 =	vld [tilespmem:s22+$0xFFFFFFB0]  }
0xcc: {  	v1 =	vld [tilespmem:s22+$0xFFFFFFA0];
	_ =	sdelay $0x4  }
0xcd: {  	v0 =	vpack.i.f32.bf16 v0, v1  }
0xce: {  	[tilespmem:s19+$0xFFFFFFD0] =	vst v0  }
0xcf: {  	v0 =	vld [tilespmem:s22+$0xFFFFFFC0]  }
0xd0: {  	v1 =	vld [tilespmem:s22+$0xFFFFFFD0];
	_ =	sdelay $0x4  }
0xd1: {  	v0 =	vpack.i.f32.bf16 v1, v0  }
0xd2: {  	[tilespmem:s19+$0xFFFFFFE0] =	vst v0  }
0xd3: {  	v0 =	vld [tilespmem:s22+$0xFFFFFFE0]  }
0xd4: {  	v1 =	vld [tilespmem:s22+$0xFFFFFFF0];
	_ =	sdelay $0x4  }
0xd5: {  	v0 =	vpack.i.f32.bf16 v1, v0  }
0xd6: {  	[tilespmem:s19+$0xFFFFFFF0] =	vst v0  }
0xd7: {  	v0 =	vld [tilespmem:s22+$0x0]  }
0xd8: {  	v1 =	vld [tilespmem:s22+$0x10];
	_ =	sdelay $0x4  }
0xd9: {  	v0 =	vpack.i.f32.bf16 v1, v0  }
0xda: {  	[tilespmem:s19+$0x0] =	vst v0  }
0xdb: {  	v0 =	vld [tilespmem:s22+$0x20]  }
0xdc: {  	v1 =	vld [tilespmem:s22+$0x30];
	_ =	sdelay $0x4  }
0xdd: {  	v0 =	vpack.i.f32.bf16 v1, v0  }
0xde: {  	[tilespmem:s19+$0x10] =	vst v0  }
0xdf: {  	v0 =	vld [tilespmem:s22+$0x40]  }
0xe0: {  	v1 =	vld [tilespmem:s22+$0x50];
	_ =	sdelay $0x1  }
.Ltmp2:
0xe1: {  	(pc) =	sbr.rel @p0 .LBB2_6-.Ltmp2, $3  }
0xe2: {  	_ =	sdelay $0x1  }
0xe3: {  	v0 =	vpack.i.f32.bf16 v1, v0  }
0xe4: {  	[tilespmem:s19+$0x20] =	vst v0  }
0xe5: {  	v0 =	vld [tilespmem:s18+$0x60]  }
0xe6: {  	v1 =	vld [tilespmem:s18+$0x70];
	_ =	sdelay $0x4  }
0xe7: {  	v0 =	vpack.i.f32.bf16 v1, v0  }
0xe8: {  	[tilespmem:s20+$0x30] =	vst v0  }
0xe9: {  	[hbm4b:s9+s2] =	stream.linear.scatter [tilespmem:s14], [sflag:$0x2], $0x3200, $0x38;
	[tilespmem:$0x12C00] =	vst v63  }
0xea: {  	_ =	swait.ge [sflag:s12], $0x6400  }
0xeb: {  	[sflag:s12] =	ssyncset.done $0x0  }
0xec: {  	[sflag:s12] =	ssyncadd.s32 $0xFFFF9C00  }
0xed: {  	_ =	swait.ge [sflag:s16], $0x3200  }
0xee: {  	[sflag:s16] =	ssyncset.done $0x0  }
0xef: {  	s18 =	simm.s32 $0x6480;
	[sflag:s16] =	ssyncadd.s32 $0xFFFFCE00  }
0xf0: {  	v56 =	vld [tilespmem:s18+$0xFFFFFF80]  }
0xf1: {  	v57 =	vld [tilespmem:s18+$0xFFFFFF90];
	_ =	sdelay $0x4  }
0xf2: {  	s19 =	simm.s32 $0xFA40;
	v0 =	vpack.i.f32.bf16 v57, v56  }
0xf3: {  	[tilespmem:s19+$0xFFFFFFC0] =	vst v0  }
0xf4: {  	v0 =	vld [tilespmem:s18+$0xFFFFFFB0]  }
0xf5: {  	v58 =	vld [tilespmem:s18+$0xFFFFFFA0];
	_ =	sdelay $0x4  }
0xf6: {  	v0 =	vpack.i.f32.bf16 v0, v58  }
0xf7: {  	[tilespmem:s19+$0xFFFFFFD0] =	vst v0  }
0xf8: {  	v0 =	vld [tilespmem:s18+$0xFFFFFFC0]  }
0xf9: {  	v59 =	vld [tilespmem:s18+$0xFFFFFFD0];
	_ =	sdelay $0x4  }
0xfa: {  	v0 =	vpack.i.f32.bf16 v59, v0  }
0xfb: {  	[tilespmem:s19+$0xFFFFFFE0] =	vst v0  }
0xfc: {  	v0 =	vld [tilespmem:s18+$0xFFFFFFE0]  }
0xfd: {  	v60 =	vld [tilespmem:s18+$0xFFFFFFF0];
	_ =	sdelay $0x4  }
0xfe: {  	v0 =	vpack.i.f32.bf16 v60, v0  }
0xff: {  	[tilespmem:s19+$0xFFFFFFF0] =	vst v0  }
0x100: {  	v0 =	vld [tilespmem:s18+$0x0]  }
0x101: {  	v61 =	vld [tilespmem:s18+$0x10];
	_ =	sdelay $0x4  }
0x102: {  	v0 =	vpack.i.f32.bf16 v61, v0  }
0x103: {  	[tilespmem:s19+$0x0] =	vst v0  }
0x104: {  	v0 =	vld [tilespmem:s18+$0x20]  }
0x105: {  	v62 =	vld [tilespmem:s18+$0x30];
	_ =	sdelay $0x4  }
0x106: {  	v0 =	vpack.i.f32.bf16 v62, v0  }
0x107: {  	[tilespmem:s19+$0x10] =	vst v0  }
0x108: {  	v0 =	vld [tilespmem:s18+$0x40]  }
0x109: {  	v63 =	vld [tilespmem:s18+$0x50];
	_ =	sdelay $0x4  }
0x10a: {  	v0 =	vpack.i.f32.bf16 v63, v0  }
0x10b: {  	s21 =	simm.s32 $0x0;
	s22 =	simm.s32 $0x6480;
	s20 =	simm.s32 $0xFA40;
	[tilespmem:s19+$0x20] =	vst v0  }
.LBB2_8:
0x10c: {  	s21 =	sadd.s32 $0x4, s21;
	v0 =	vld [tilespmem:s18+$0x60];
	s22 =	sadd.s32 $0x100, s22;
	s19 =	sadd.s32 $0x80, s19  }
0x10d: {  	p0 =	slt.u32 s21, $0x18C;
	v1 =	vld [tilespmem:s18+$0x70];
	s18 =	smov.u32 s22;
	_ =	sdelay $0x4  }
0x10e: {  	v0 =	vpack.i.f32.bf16 v1, v0  }
0x10f: {  	[tilespmem:s20+$0x30] =	vst v0;
	s20 =	smov.u32 s19  }
0x110: {  	v0 =	vld [tilespmem:s22+$0xFFFFFF80]  }
0x111: {  	v1 =	vld [tilespmem:s22+$0xFFFFFF90];
	_ =	sdelay $0x4  }
0x112: {  	v0 =	vpack.i.f32.bf16 v1, v0  }
0x113: {  	[tilespmem:s19+$0xFFFFFFC0] =	vst v0  }
0x114: {  	v0 =	vld [tilespmem:s22+$0xFFFFFFB0]  }
0x115: {  	v1 =	vld [tilespmem:s22+$0xFFFFFFA0];
	_ =	sdelay $0x4  }
0x116: {  	v0 =	vpack.i.f32.bf16 v0, v1  }
0x117: {  	[tilespmem:s19+$0xFFFFFFD0] =	vst v0  }
0x118: {  	v0 =	vld [tilespmem:s22+$0xFFFFFFC0]  }
0x119: {  	v1 =	vld [tilespmem:s22+$0xFFFFFFD0];
	_ =	sdelay $0x4  }
0x11a: {  	v0 =	vpack.i.f32.bf16 v1, v0  }
0x11b: {  	[tilespmem:s19+$0xFFFFFFE0] =	vst v0  }
0x11c: {  	v0 =	vld [tilespmem:s22+$0xFFFFFFE0]  }
0x11d: {  	v1 =	vld [tilespmem:s22+$0xFFFFFFF0];
	_ =	sdelay $0x4  }
0x11e: {  	v0 =	vpack.i.f32.bf16 v1, v0  }
0x11f: {  	[tilespmem:s19+$0xFFFFFFF0] =	vst v0  }
0x120: {  	v0 =	vld [tilespmem:s22+$0x0]  }
0x121: {  	v1 =	vld [tilespmem:s22+$0x10];
	_ =	sdelay $0x4  }
0x122: {  	v0 =	vpack.i.f32.bf16 v1, v0  }
0x123: {  	[tilespmem:s19+$0x0] =	vst v0  }
0x124: {  	v0 =	vld [tilespmem:s22+$0x20]  }
0x125: {  	v1 =	vld [tilespmem:s22+$0x30];
	_ =	sdelay $0x4  }
0x126: {  	v0 =	vpack.i.f32.bf16 v1, v0  }
0x127: {  	[tilespmem:s19+$0x10] =	vst v0  }
0x128: {  	v0 =	vld [tilespmem:s22+$0x40]  }
0x129: {  	v1 =	vld [tilespmem:s22+$0x50];
	_ =	sdelay $0x1  }
.Ltmp3:
0x12a: {  	(pc) =	sbr.rel @p0 .LBB2_8-.Ltmp3, $3  }
0x12b: {  	_ =	sdelay $0x1  }
0x12c: {  	v0 =	vpack.i.f32.bf16 v1, v0  }
0x12d: {  	[tilespmem:s19+$0x20] =	vst v0  }
0x12e: {  	v0 =	vld [tilespmem:s18+$0x60]  }
0x12f: {  	v1 =	vld [tilespmem:s18+$0x70];
	_ =	sdelay $0x4  }
0x130: {  	v0 =	vpack.i.f32.bf16 v1, v0  }
0x131: {  	s17 =	sadd.s32 $0x1, s17;
	[tilespmem:s20+$0x30] =	vst v0  }
0x132: {  	[hbm4b:s10+s2] =	stream.linear.scatter [tilespmem:s15], [sflag:$0x2], $0x3200, $0x38;
	[tilespmem:$0x12C00] =	vst v63  }
0x133: {  	p0 =	sne.s32 s17, s11;
	_ =	swait.ge [sflag:s16], $0x3200  }
.Ltmp4:
0x134: {  	[sflag:s16] =	ssyncset.done $0x0;
	(pc) =	sbr.rel @p0 .LBB2_1-.Ltmp4, $4  }
0x135: {  	[sflag:s16] =	ssyncadd.s32 $0xFFFFCE00  }
0x136: {  	_ =	swait.ge [sflag:s16], $0x3200  }
0x137: {  	[sflag:s16] =	ssyncset.done $0x0  }
0x138: {  	[sflag:s16] =	ssyncadd.s32 $0xFFFFCE00  }
0x139: {  	_ =	sfence.sel $0x180000  }
0x13a: {  	[bflag:$0x0] =	sbarrier.arrive $0xFFFF  }
0x13b: {  	p0 =	sne.s32 s1, $0x0;
	_ =	strace $0x90000047  }
0x13c: {  	s0 =	sadd.s32 @!p0 $0x100000, s0;
	[bflag:$0x2] =	sbarrier.arrive $0xFFFF  }
0x13d: {  	[sflag:s0] =	ssyncadd.tile.s32 @!p0 $0x1;
	_ =	shalt  }
.Lfunc_end2:
_tile_overlayer_lowered:
.L_overlay_start_2:
0x13e: {  	(tag) =	ssettag $0x2  }
0x13f: {  	s0 =	rddreg [dreg:$0x0];
	s2 =	stileid.u32  }
0x140: {  	s1 =	rddreg [dreg:$0x1];
	p0 =	sne.s32 s2, $0x0  }
0x141: {  	s3 =	rddreg [dreg:$0x2];
	[bflag:$0x3] =	sbarrier.arrive $0xFFFF;
	s2 =	simm.s32 @!p0 $0x1C03  }
0x142: {  	[timem:s3], [sflag:s2] =	dma.local @!p0 [hbm:s0], s1  }
0x143: {  	s0 =	simm.s32 @!p0 $0x3  }
0x144: {  	_ =	swait.ge @!p0 [sflag:s0], s1  }
0x145: {  	s1 =	ssub.s32 @!p0 $0x0, s1;
	[sflag:s0] =	ssyncset.done @!p0 $0x0  }
0x146: {  	[sflag:s0] =	ssyncadd.s32 @!p0 s1  }
0x147: {  	[bflag:$0x3] =	sbarrier.arrive $0xFFFF  }
0x148: {  	_ =	shalt  }

// kernel: kernel.8.cloned.1.call-start
scs
__scs_entry_jumppad:
0x0: {  	(pc) =	sbr.rel $0x88, $3  }
0x1: {  	(tag) =	ssettag $0x0;
	lr =	simm.s32 $0x1  }
0x2: {  	[smem:$0x3F9D] =	sst lr;
	_ =	strace $0xD0000000  }
0x3: {  	_ = 	snop  }
0x4: {  	_ = 	snop  }
0x5: {  	_ = 	snop  }
0x6: {  	_ = 	snop  }
0x7: {  	_ = 	snop  }
__scs_overlays_trampoline_lowered:
0x8: {  	[smem:$0x3FAC] =	sst s0  }
0x9: {  	[smem:$0x3FAD] =	sst s1  }
0xa: {  	[smem:$0x3FAE] =	sst s2  }
0xb: {  	[smem:$0x3FAF] =	sst s3  }
0xc: {  	[smem:$0x3FB0] =	sst s4  }
0xd: {  	[smem:$0x3FB1] =	sst s5  }
0xe: {  	[smem:$0x3FB2] =	sst s6  }
0xf: {  	[smem:$0x3FB3] =	sst s7  }
0x10: {  	[smem:$0x3FB4] =	sst s8  }
0x11: {  	[smem:$0x3FB5] =	sst s9;
	s0 =	simm.s32 @!p0 $0x0  }
0x12: {  	s1 =	sld [smem:$0x3F9B];
	s0 =	simm.s32 @p0 $0x1  }
0x13: {  	[smem:$0x3FB6] =	sst s0;
	s0 =	simm.s32 @!p1 $0x0  }
0x14: {  	s2 =	sld [smem:$0x3F9A];
	s0 =	simm.s32 @p1 $0x1  }
0x15: {  	[smem:$0x3FB7] =	sst s0;
	s0 =	simm.s32 @!p2 $0x0  }
0x16: {  	s3 =	sld [smem:$0x3FDB];
	s0 =	simm.s32 @p2 $0x1  }
0x17: {  	s4 =	simm.s32 $0x1BF5;
	[smem:$0x3FB9] =	sst s0  }
0x18: {  	s0 =	sld [smem:$0x3F9C];
	_ =	swait.ge [sflag:s4], $0x0  }
0x19: {  	s7 =	sld [smem:$0x3F9D]  }
0x1a: {  	s8 =	sadd.s32 $0xFFFFE003, lr  }
0x1b: {  	s9 =	sadd.s32 $0xFFFFFEF7, lr;
	s5 =	simm.s32 $0xFFFFFFFF;
	p2 =	slt.u32 s8, $0xFFFFF086  }
0x1c: {  	p1 =	slt.u32 s9, $0xF7A;
	s5 =	simm.s32 @!p2 $0x0  }
0x1d: {  	s5 =	simm.s32 @p1 $0x1;
	p0 =	seq.s32 s7, s2  }
0x1e: {  	s7 =	smul.u32 @!p0 $0xF7A, s2;
	p2 =	seq.s32 @!p0 s5, $0x0  }
0x1f: {  	s9 =	smul.u32 $0xF7A, s1;
	s8 =	simm.s32 @!p0 $0x1BF5;
	p2 =	por !p2, p0  }
0x20: {  	[sflag:s8] =	ssyncset.s32 @!p0 $0xFFFFF086;
	s6 =	sadd.s32 @!p0 s3, s7;
	s7 =	simm.s32 @!p0 $0x108  }
0x21: {  	s3 =	sadd.s32 s3, s9;
	s6 =	sadd.s32 @!p0 $0x88, s6;
	s7 =	simm.s32 @p2 $0x1082  }
0x22: {  	[simem:s7], [sflag:s8] =	dma.local @!p0 [hbm:s6], $0xF7A  }
0x23: {  	s9 =	sor.u32 $0xD0000000, s2;
	s6 =	simm.s32 $0x108;
	_ =	swait.ge @!p0 [sflag:s8], $0x0  }
0x24: {  	s3 =	sadd.s32 $0x88, s3;
	s6 =	simm.s32 @!p1 $0x1082;
	[sflag:s4] =	ssyncset.s32 $0xFFFFF086  }
0x25: {  	[simem:s6], [sflag:s4] =	dma.local [hbm:s3], $0xF7A  }
0x26: {  	[smem:$0x3F9D] =	sst s1;
	(tag) =	ssettag s2;
	_ =	strace s9  }
0x27: {  	s1 =	sld [smem:$0x3FAD]  }
0x28: {  	s2 =	sld [smem:$0x3FAE]  }
0x29: {  	s4 =	sld [smem:$0x3FB0]  }
0x2a: {  	p0 =	seq.s32 s5, $0x0;
	s5 =	sld [smem:$0x3FB1]  }
0x2b: {  	s6 =	sld [smem:$0x3FB2]  }
0x2c: {  	s7 =	sld [smem:$0x3FB3]  }
0x2d: {  	s3 =	simm.s32 $0x108;
	s8 =	sld [smem:$0x3FB4]  }
0x2e: {  	s3 =	simm.s32 @!p0 $0x1082;
	s9 =	sld [smem:$0x3FB5]  }
0x2f: {  	lr =	sadd.s32 s0, s3;
	s0 =	sld [smem:$0x3FAC]  }
0x30: {  	s3 =	sld [smem:$0x3FAF]  }
0x31: {  	[smem:$0x3FB8] =	sst s10  }
0x32: {  	s10 =	sld [smem:$0x3FB6];
	_ =	sdelay $0x3  }
0x33: {  	p0 =	seq.s32 s10, $0x1;
	s10 =	sld [smem:$0x3FB8];
	_ =	sdelay $0x3  }
0x34: {  	[smem:$0x3FB8] =	sst s10  }
0x35: {  	s10 =	sld [smem:$0x3FB7];
	_ =	sdelay $0x3  }
0x36: {  	p1 =	seq.s32 s10, $0x1;
	s10 =	sld [smem:$0x3FB8];
	_ =	sdelay $0x3  }
0x37: {  	[smem:$0x3FB8] =	sst s10  }
0x38: {  	s10 =	sld [smem:$0x3FB9]  }
0x39: {  	_ = 	snop;
	(pc) =	sbr.ind lr, $3  }
0x3a: {  	_ = 	snop  }
0x3b: {  	_ = 	snop  }
0x3c: {  	p2 =	seq.s32 s10, $0x1;
	s10 =	sld [smem:$0x3FB8]  }
0x3d: {  	_ =	shalt  }
0x3e: {  	_ =	shalt  }
0x3f: {  	_ =	shalt  }
0x40: {  	_ =	shalt  }
0x41: {  	_ =	shalt  }
0x42: {  	_ =	shalt  }
0x43: {  	_ =	shalt  }
0x44: {  	_ =	shalt  }
0x45: {  	_ =	shalt  }
0x46: {  	_ =	shalt  }
0x47: {  	_ =	shalt  }
0x48: {  	_ =	shalt  }
0x49: {  	_ =	shalt  }
0x4a: {  	_ =	shalt  }
0x4b: {  	_ =	shalt  }
0x4c: {  	_ =	shalt  }
0x4d: {  	_ =	shalt  }
0x4e: {  	_ =	shalt  }
0x4f: {  	_ =	shalt  }
0x50: {  	_ =	shalt  }
0x51: {  	_ =	shalt  }
0x52: {  	_ =	shalt  }
0x53: {  	_ =	shalt  }
0x54: {  	_ =	shalt  }
0x55: {  	_ =	shalt  }
0x56: {  	_ =	shalt  }
0x57: {  	_ =	shalt  }
0x58: {  	_ =	shalt  }
0x59: {  	_ =	shalt  }
0x5a: {  	_ =	shalt  }
0x5b: {  	_ =	shalt  }
0x5c: {  	_ =	shalt  }
0x5d: {  	_ =	shalt  }
0x5e: {  	_ =	shalt  }
0x5f: {  	_ =	shalt  }
0x60: {  	_ =	shalt  }
0x61: {  	_ =	shalt  }
0x62: {  	_ =	shalt  }
0x63: {  	_ =	shalt  }
0x64: {  	_ =	shalt  }
0x65: {  	_ =	shalt  }
0x66: {  	_ =	shalt  }
0x67: {  	_ =	shalt  }
0x68: {  	_ =	shalt  }
0x69: {  	_ =	shalt  }
0x6a: {  	_ =	shalt  }
0x6b: {  	_ =	shalt  }
0x6c: {  	_ =	shalt  }
0x6d: {  	_ =	shalt  }
0x6e: {  	_ =	shalt  }
0x6f: {  	_ =	shalt  }
0x70: {  	_ =	shalt  }
0x71: {  	_ =	shalt  }
0x72: {  	_ =	shalt  }
0x73: {  	_ =	shalt  }
0x74: {  	_ =	shalt  }
0x75: {  	_ =	shalt  }
0x76: {  	_ =	shalt  }
0x77: {  	_ =	shalt  }
0x78: {  	_ =	shalt  }
0x79: {  	_ =	shalt  }
0x7a: {  	_ =	shalt  }
0x7b: {  	_ =	shalt  }
0x7c: {  	_ =	shalt  }
0x7d: {  	_ =	shalt  }
0x7e: {  	_ =	shalt  }
0x7f: {  	_ =	shalt  }
0x80: {  	_ =	shalt  }
0x81: {  	_ =	shalt  }
0x82: {  	_ =	shalt  }
0x83: {  	_ =	shalt  }
0x84: {  	_ =	shalt  }
0x85: {  	_ =	shalt  }
0x86: {  	_ =	shalt  }
0x87: {  	_ =	shalt  }
.Lfunc_end0:
.L_simem_size_0:
called_computation.1_lowered:
.L_overlay_start_0:
0x88: {  	s2 =	sld [smem:$0x3FD9]  }
0x89: {  	s3 =	sld [smem:$0x3FFE];
	_ =	sdelay $0x1  }
0x8a: {  	s1 =	srdreg.scid  }
0x8b: {  	s0 =	sand.u32 $0x1, s1  }
0x8c: {  	s14 =	sshll.u32 s0, $0xA;
	s2 =	sadd.s32 s3, s2  }
0x8d: {  	s2 =	sadd.s32 s2, s14  }
0x8e: {  	[smem:$0x3FC4] =	sst s2  }
0x8f: {  	_ = 	snop  }
0x90: {  	s2 =	sld [smem:$0x3FD0];
	_ =	sdelay $0x2  }
0x91: {  	s15 =	simm.s32 $0xA;
	s4 =	simm.s32 $0x10  }
0x92: {  	[smem:s4], [sflag:s15] =	dma.local [hbm:s2], $0x1  }
0x93: {  	_ =	swait.eq [sflag:s15], $0x1  }
0x94: {  	[sflag:s15] =	ssyncset.done $0x0  }
0x95: {  	[sflag:s15] =	ssyncadd.s32 $0xFFFFFFFF  }
0x96: {  	s16 =	sld [smem:$0x11];
	(tm) =	ssettm $0x1  }
0x97: {  	s17 =	sld [smem:$0x3FFB];
	_ =	sdelay $0x3  }
0x98: {  	_ =	strace s17  }
0x99: {  	s3 =	sld [smem:$0x3FFC];
	_ =	sdelay $0x3  }
0x9a: {  	_ =	strace s3  }
0x9b: {  	s3 =	sld [smem:$0x3FFD];
	_ =	sdelay $0x3  }
0x9c: {  	_ =	strace s3  }
0x9d: {  	_ =	strace $0x8FFFFFFF  }
0x9e: {  	s18 =	sld [smem:$0x3FDB];
	_ =	sdelay $0x1  }
0x9f: {  	s19 =	simm.s32 $_scs_section_size  }
0xa0: {  	s5 =	simm.s32 $_size__tile_overlayer_lowered;
	s6 =	simm.s32 $_tile_overlayer_lowered  }
0xa1: {  	s22 =	simm.s32 $0x1BFF;
	s21 =	sshll.u32 s6, $0x1;
	s3 =	sadd.s32 s19, s18  }
0xa2: {  	s7 =	simm.s32 $0x0;
	s20 =	sshll.u32 s5, $0x1;
	s5 =	sadd.s32 s21, s3  }
0xa3: {  	[timem:s7], [sflag:s22] =	dma.local [hbm:s5], s20  }
0xa4: {  	_ =	swait.ge [sflag:s22], s20  }
0xa5: {  	s4 =	ssub.s32 $0x0, s20;
	[sflag:s22] =	ssyncset.done $0x0  }
0xa6: {  	[sflag:s22] =	ssyncadd.s32 s4;
	_ =	sdelay $0x1  }
0xa7: {  	s23 =	simm.s32 $0x1B8B  }
0xa8: {  	_ =	swait.ge [sflag:s23], $0x1  }
0xa9: {  	[sflag:s23] =	ssyncset.done $0x0  }
0xaa: {  	s25 =	simm.s32 $0x1B8E;
	s24 =	sld [smem:$0x3FFE];
	[sflag:s23] =	ssyncadd.s32 $0xFFFFFFFF  }
0xab: {  	s26 =	simm.s32 $execute0_lowered;
	[smem:$0x3FD2] =	sst s25  }
0xac: {  	s5 =	sshll.u32 s26, $0x1;
	_ =	strace $0x80000049;
	[dreg:$0x1] =	wrdreg $0xFFFFFFFF  }
0xad: {  	s28 =	simm.s32 $_size_execute0_lowered;
	s3 =	sadd.s32 s3, s5;
	[dreg:$0x0] =	wrdreg $0x0  }
0xae: {  	s5 =	sshll.u32 s28, $0x1;
	[dreg:$0x2] =	wrdreg s3  }
0xaf: {  	[dreg:$0x3] =	wrdreg s5  }
0xb0: {  	[dreg:$0x4] =	wrdreg $0xC0  }
0xb1: {  	_ =	task [dreg:s7], $0x5FFFF  }
0xb2: {  	[dreg:$0x1] =	wrdreg $0xFFFFFFFF  }
0xb3: {  	[dreg:$0x0] =	wrdreg $0x60  }
0xb4: {  	[dreg:$0x2] =	wrdreg s24  }
0xb5: {  	[dreg:$0x3] =	wrdreg s16  }
0xb6: {  	[dreg:$0x4] =	wrdreg $0x9  }
0xb7: {  	_ =	task.clear_ibuf [dreg:s7], $0x5FFFF;
	_ =	strace $0x90000049  }
0xb8: {  	s29 =	simm.s32 $0x9;
	_ =	strace $0x8000004B  }
0xb9: {  	_ =	swait.ge [sflag:s29], $0x1  }
0xba: {  	[sflag:s29] =	ssyncadd.s32 $0xFFFFFFFF  }
0xbb: {  	_ =	strace $0x9000004B  }
0xbc: {  	_ =	sfence  }
0xbd: {  	s30 =	sld [smem:$0x0];
	_ =	sdelay $0x2  }
0xbe: {  	s31 =	sshll.u32 s1, $0xD;
	s1 =	sshrl.u32 s1, $0x2  }
0xbf: {  	s3 =	sand.u32 $0x4000, s31;
	s1 =	sadd.s32 s1, s30  }
0xc0: {  	s0 =	sor.u32 s3, s0;
	s1 =	sshll.u32 s1, $0x11  }
0xc1: {  	s0 =	sor.u32 s1, s0  }
0xc2: {  	s0 =	sadd.s32 $0x8F2B, s0  }
0xc3: {  	[sflag:s0] =	ssyncadd.remote.s32 $0x1  }
0xc4: {  	_ =	sfence.sel $0xFFFF  }
0xc5: {  	[dreg:$0x0] =	wrdreg $0xFFFFFFFF;
	(pc) =	sbr.abs _section_cstart, $3  }
0xc6: {  	[dreg:$0x1] =	wrdreg $0xFFFFFFFF  }
0xc7: {  	_ =	task.clear_ibuf [dreg:s7], $0x2FFFF;
	_ =	strace $0x9FFFFFFF  }
0xc8: {  	(tm) =	ssettm $0x7FFFFFFF  }
0xc9: {  	_ =	shalt  }
tec
execute0_lowered:
.L_overlay_start_1:
0x0: {  	(tag) =	ssettag $0x1  }
0x1: {  	s0 =	srdreg.scid  }
0x2: {  	s2 =	stileid.u32;
	s1 =	rddreg [dreg:$0x0]  }
0x3: {  	s4 =	rddreg [dreg:$0x1];
	s6 =	simm.s32 $0x0;
	s8 =	simm.s32 $0x68  }
0x4: {  	s10 =	simm.s32 $0x60;
	s11 =	simm.s32 $0x7100;
	s13 =	simm.s32 $0x7D00  }
0x5: {  	s15 =	simm.s32 $0x8A00;
	s17 =	simm.s32 $0x9600;
	s19 =	simm.s32 $0xA300  }
0x6: {  	s21 =	simm.s32 $0xAF00;
	s23 =	simm.s32 $0xBC00;
	s28 =	simm.s32 $0xD500  }
0x7: {  	s30 =	simm.s32 $0xE100;
	s12 =	simm.s32 $0xFA00;
	s16 =	simm.s32 $0x10700  }
0x8: {  	s22 =	simm.s32 $0x1;
	s29 =	simm.s32 $0x4;
	s31 =	simm.s32 $0x5  }
0x9: {  	s14 =	simm.s32 $0x7;
	s0 =	sand.u32 $0x1, s0;
	s2 =	sshll.u32 s2, $0x1  }
0xa: {  	[smem:$0x7FF] =	sst s6;
	s2 =	sor.u32 s0, s2;
	s0 =	ssub.s32 $0x2, s0  }
0xb: {  	s7 =	simm.s32 $0x0;
	_ =	strace $0x8000004A;
	s24 =	sshrl.u32 s0, $0x1  }
0xc: {  	s3 =	smul.u32 $0xC80, s2;
	s2 =	sshll.u32 s2, $0xA;
	s0 =	ssub.s32 s0, s24  }
0xd: {  	s26 =	sadd.s32 s4, s2;
	s24 =	simm.s32 $0x2;
	s4 =	simm.s32 $0x8  }
0xe: {  	s5 =	sadd.s32 s3, s1;
	s3 =	sadd.s32 $0x63200, s1;
	[dreg:$0x4] =	wrdreg s26  }
0xf: {  	s0 =	smax.u32 s0, $0x1;
	s1 =	simm.s32 $0xEE00;
	s26 =	simm.s32 $0x3  }
0x10: {  	s25 =	sadd.s32 $0x94400, s5;
	[dreg:$0x5] =	wrdreg s0;
	s5 =	simm.s32 $0x9  }
0x11: {  	s0 =	simm.s32 $0x6;
	[dreg:$0x3] =	wrdreg s25;
	s25 =	simm.s32 $0xC800  }
.LBB2_1:
0x12: {  	[dreg:$0x6] =	wrdreg s7  }
0x13: {  	s2 =	rddreg [dreg:$0x3]  }
0x14: {  	[tilespmem:s6], [sflag:$0x9] =	stream.linear.gather [hbm4b:s2+s6], $0x6400, $0x38;
	[tilespmem:$0x14C00] =	vst v63  }
0x15: {  	_ =	swait.ge [sflag:s5], $0x6400  }
0x16: {  	[sflag:s5] =	ssyncset.done $0x0  }
0x17: {  	s20 =	simm.s32 $0x6400;
	[sflag:s5] =	ssyncadd.s32 $0xFFFF9C00  }
0x18: {  	[tilespmem:s20], [sflag:$0x1] =	stream.indirect.gather [hbm4b:s3+s8], $0x20, s6, s8, $0xb8;
	[tilespmem:$0x14C00] =	vst v63  }
0x19: {  	_ = 	snop  }
0x1a: {  	[tilespmem:s11], [sflag:$0x1] =	stream.indirect.gather [hbm4b:s3+s10], $0x20, s8, s10, $0xb8;
	[tilespmem:$0x14C00] =	vst v63  }
0x1b: {  	s5 =	simm.s32 $0xC8  }
0x1c: {  	[tilespmem:s13], [sflag:$0x2] =	stream.indirect.gather [hbm4b:s3+s8], $0x20, s5, s8, $0xb8;
	[tilespmem:$0x14C00] =	vst v63  }
0x1d: {  	s6 =	simm.s32 $0x130  }
0x1e: {  	[tilespmem:s15], [sflag:$0x2] =	stream.indirect.gather [hbm4b:s3+s10], $0x20, s6, s10, $0xb8;
	[tilespmem:$0x14C00] =	vst v63  }
0x1f: {  	s7 =	simm.s32 $0x190  }
0x20: {  	[tilespmem:s17], [sflag:$0x3] =	stream.indirect.gather [hbm4b:s3+s8], $0x20, s7, s8, $0xb8;
	[tilespmem:$0x14C00] =	vst v63  }
0x21: {  	s9 =	simm.s32 $0x1F8  }
0x22: {  	[tilespmem:s19], [sflag:$0x3] =	stream.indirect.gather [hbm4b:s3+s10], $0x20, s9, s10, $0xb8;
	[tilespmem:$0x14C00] =	vst v63  }
0x23: {  	s18 =	simm.s32 $0x258  }
0x24: {  	[tilespmem:s21], [sflag:$0x4] =	stream.indirect.gather [hbm4b:s3+s8], $0x20, s18, s8, $0xb8;
	[tilespmem:$0x14C00] =	vst v63  }
0x25: {  	s20 =	simm.s32 $0x2C0  }
0x26: {  	[tilespmem:s23], [sflag:$0x4] =	stream.indirect.gather [hbm4b:s3+s10], $0x20, s20, s10, $0xb8;
	[tilespmem:$0x14C00] =	vst v63  }
0x27: {  	s5 =	simm.s32 $0x320  }
0x28: {  	[tilespmem:s25], [sflag:$0x5] =	stream.indirect.gather [hbm4b:s3+s8], $0x20, s5, s8, $0xb8;
	[tilespmem:$0x14C00] =	vst v63  }
0x29: {  	s6 =	simm.s32 $0x388  }
0x2a: {  	[tilespmem:s28], [sflag:$0x5] =	stream.indirect.gather [hbm4b:s3+s10], $0x20, s6, s10, $0xb8;
	[tilespmem:$0x14C00] =	vst v63  }
0x2b: {  	s7 =	simm.s32 $0x3E8  }
0x2c: {  	[tilespmem:s30], [sflag:$0x6] =	stream.indirect.gather [hbm4b:s3+s8], $0x20, s7, s8, $0xb8;
	[tilespmem:$0x14C00] =	vst v63  }
0x2d: {  	s9 =	simm.s32 $0x450  }
0x2e: {  	[tilespmem:s1], [sflag:$0x6] =	stream.indirect.gather [hbm4b:s3+s10], $0x20, s9, s10, $0xb8;
	[tilespmem:$0x14C00] =	vst v63  }
0x2f: {  	s18 =	simm.s32 $0x4B0  }
0x30: {  	[tilespmem:s12], [sflag:$0x7] =	stream.indirect.gather [hbm4b:s3+s8], $0x20, s18, s8, $0xb8;
	[tilespmem:$0x14C00] =	vst v63  }
0x31: {  	s20 =	simm.s32 $0x518;
	s6 =	simm.s32 $0x0  }
0x32: {  	[tilespmem:s16], [sflag:$0x7] =	stream.indirect.gather [hbm4b:s3+s10], $0x20, s20, s10, $0xb8;
	[tilespmem:$0x14C00] =	vst v63  }
.LBB2_2:
0x33: {  	s2 =	sshllo.u32 s6, $0x3  }
0x34: {  	s5 =	smul.u32 $0x320, s2;
	_ =	sdelay $0x1  }
0x35: {  	s7 =	simm.s32 $0x11300;
	s5 =	sshra.s32 s5, $0x2  }
0x36: {  	[tilespmem:s7], [sflag:$0x8] =	stream.indirect.gather [hbm4b:s3+s8], $0x20, s5, s8, $0xb8;
	[tilespmem:$0x14C00] =	vst v63  }
0x37: {  	s20 =	simm.s32 $0x12000;
	s5 =	sadd.s32 $0x68, s5  }
0x38: {  	[tilespmem:s20], [sflag:$0x8] =	stream.indirect.gather [hbm4b:s3+s10], $0x20, s5, s10, $0xb8;
	[tilespmem:$0x14C00] =	vst v63  }
0x39: {  	_ =	swait.ge [sflag:s22], $0xD00  }
0x3a: {  	[sflag:s22] =	ssyncset.done $0x0  }
0x3b: {  	[sflag:s22] =	ssyncadd.s32 $0xFFFFF300  }
0x3c: {  	_ =	swait.ge [sflag:s22], $0xC00  }
0x3d: {  	[sflag:s22] =	ssyncset.done $0x0  }
0x3e: {  	s5 =	simm.s32 $0x70F0;
	[sflag:s22] =	ssyncadd.s32 $0xFFFFF400  }
0x3f: {  	v1 =	vld [tilespmem:s5+$0xFFFFFFF0]  }
0x40: {  	v3 =	vld [tilespmem:s5+$0xFFFFF370]  }
0x41: {  	v5 =	vld [tilespmem:s5+$0xFFFFFFD0]  }
0x42: {  	v7 =	vld [tilespmem:s5+$0xFFFFF350]  }
0x43: {  	v8 =	vld [tilespmem:s5+$0xFFFFFFB0]  }
0x44: {  	v9 =	vld [tilespmem:s5+$0xFFFFF330]  }
0x45: {  	v10 =	vld [tilespmem:s5+$0xFFFFFF90]  }
0x46: {  	v11 =	vld [tilespmem:s5+$0xFFFFF310]  }
0x47: {  	v12 =	vimm.f32 $0.0e+00;
	v13 =	vld [tilespmem:s5+$0xFFFFF320];
	v0 =	vunpack.i.u.bf16.f32 v1;
	v1 =	vunpack.i.l.bf16.f32 v1  }
0x48: {  	v4 =	vunpack.i.u.bf16.f32 v5;
	v2 =	vunpack.i.u.bf16.f32 v3;
	v3 =	vunpack.i.l.bf16.f32 v3  }
0x49: {  	v14 =	vld [tilespmem:s5+$0xFFFFFFA0];
	v6 =	vunpack.i.u.bf16.f32 v7;
	v7 =	vunpack.i.l.bf16.f32 v7;
	v5 =	vunpack.i.l.bf16.f32 v5  }
0x4a: {  	v15 =	vunpack.i.u.bf16.f32 v9;
	v16 =	vunpack.i.u.bf16.f32 v8;
	v17 =	vunpack.i.l.bf16.f32 v8  }
0x4b: {  	v18 =	vld [tilespmem:s5+$0xFFFFF340];
	v8 =	vunpack.i.u.bf16.f32 v10;
	v19 =	vunpack.i.u.bf16.f32 v11;
	v11 =	vunpack.i.l.bf16.f32 v11  }
0x4c: {  	v20 =	vunpack.i.u.bf16.f32 v13;
	v13 =	vunpack.i.l.bf16.f32 v13;
	v11 =	vadd.f32 v11, v12  }
0x4d: {  	v21 =	vld [tilespmem:s5+$0xFFFFFFC0];
	v10 =	vunpack.i.l.bf16.f32 v10;
	v19 =	vadd.f32 v19, v12;
	v13 =	vadd.f32 v13, v12  }
0x4e: {  	v12 =	vadd.f32 v20, v12;
	v11 =	vadd.f32 v10, v11;
	v10 =	vunpack.i.l.bf16.f32 v14  }
0x4f: {  	v22 =	vunpack.i.u.bf16.f32 v14;
	v8 =	vadd.f32 v8, v19;
	v13 =	vadd.f32 v10, v13;
	v10 =	vld [tilespmem:s5+$0xFFFFF360]  }
0x50: {  	v9 =	vunpack.i.l.bf16.f32 v9;
	v12 =	vadd.f32 v22, v12;
	v14 =	vunpack.i.u.bf16.f32 v18  }
0x51: {  	v9 =	vadd.f32 v9, v11;
	v19 =	vadd.f32 v15, v8;
	v15 =	vunpack.i.l.bf16.f32 v18;
	v8 =	vld [tilespmem:s5+$0xFFFFFFE0]  }
0x52: {  	v11 =	vunpack.i.u.bf16.f32 v21;
	v12 =	vadd.f32 v14, v12;
	v13 =	vadd.f32 v15, v13  }
0x53: {  	s18 =	simm.s32 $0x0;
	s7 =	sshll.u32 s6, $0x3;
	s20 =	simm.s32 $0x7170;
	v15 =	vadd.f32 v17, v9;
	v14 =	vadd.f32 v16, v19;
	v16 =	vunpack.i.l.bf16.f32 v21;
	v9 =	vld [tilespmem:s5+$0xFFFFF380]  }
.LBB2_3:
0x54: {  	v17 =	vld [tilespmem:s20+$0xFFFFFFF0];
	v13 =	vadd.f32 v16, v13;
	v11 =	vadd.f32 v11, v12;
	v12 =	vunpack.i.u.bf16.f32 v10  }
0x55: {  	v10 =	vunpack.i.l.bf16.f32 v10;
	v7 =	vadd.f32 v7, v15;
	v6 =	vadd.f32 v6, v14;
	v14 =	vld [tilespmem:s5+$0x0];
	s5 =	smov.u32 s20  }
0x56: {  	v15 =	vld [tilespmem:s20+$0xFFFFF370];
	v16 =	vunpack.i.u.bf16.f32 v8;
	v10 =	vadd.f32 v10, v13;
	v11 =	vadd.f32 v12, v11  }
0x57: {  	v12 =	vld [tilespmem:s20+$0xFFFFFFD0];
	v5 =	vadd.f32 v5, v7;
	v4 =	vadd.f32 v4, v6;
	v6 =	vunpack.i.l.bf16.f32 v8  }
0x58: {  	v7 =	vld [tilespmem:s20+$0xFFFFF350];
	v6 =	vadd.f32 v6, v10;
	v8 =	vadd.f32 v16, v11;
	v10 =	vunpack.i.u.bf16.f32 v9  }
0x59: {  	v11 =	vld [tilespmem:s20+$0xFFFFFFB0];
	v3 =	vadd.f32 v3, v5;
	v2 =	vadd.f32 v2, v4;
	v4 =	vunpack.i.l.bf16.f32 v9  }
0x5a: {  	v9 =	vld [tilespmem:s20+$0xFFFFF330];
	v5 =	vunpack.i.u.bf16.f32 v14;
	v4 =	vadd.f32 v4, v6;
	v6 =	vadd.f32 v10, v8  }
0x5b: {  	v8 =	vld [tilespmem:s20+$0xFFFFFF90];
	v10 =	vadd.f32 v1, v3;
	v13 =	vadd.f32 v0, v2;
	v0 =	vunpack.i.l.bf16.f32 v14  }
0x5c: {  	v14 =	vld [tilespmem:s20+$0xFFFFF310];
	v16 =	vadd.f32 v0, v4;
	v18 =	vadd.f32 v5, v6  }
0x5d: {  	v1 =	vunpack.i.l.bf16.f32 v17;
	v0 =	vunpack.i.u.bf16.f32 v17;
	v19 =	vld [tilespmem:s20+$0xFFFFF320]  }
0x5e: {  	s18 =	sadd.s32 $0x4, s18;
	v2 =	vunpack.i.u.bf16.f32 v15;
	v3 =	vunpack.i.l.bf16.f32 v15;
	v4 =	vunpack.i.u.bf16.f32 v12  }
0x5f: {  	p0 =	slt.u32 s18, $0x60;
	v5 =	vunpack.i.l.bf16.f32 v12;
	v6 =	vunpack.i.u.bf16.f32 v7;
	v7 =	vunpack.i.l.bf16.f32 v7;
	v15 =	vld [tilespmem:s20+$0xFFFFFFA0]  }
0x60: {  	v17 =	vunpack.i.u.bf16.f32 v11;
	v20 =	vunpack.i.l.bf16.f32 v11;
	v12 =	vunpack.i.u.bf16.f32 v9  }
0x61: {  	v9 =	vunpack.i.l.bf16.f32 v9;
	v11 =	vunpack.i.u.bf16.f32 v8;
	v8 =	vunpack.i.l.bf16.f32 v8;
	v21 =	vld [tilespmem:s20+$0xFFFFF340]  }
0x62: {  	v22 =	vunpack.i.u.bf16.f32 v14;
	v14 =	vunpack.i.l.bf16.f32 v14;
	v23 =	vunpack.i.u.bf16.f32 v19  }
0x63: {  	v10 =	vadd.f32 v14, v10;
	v13 =	vadd.f32 v22, v13;
	v14 =	vunpack.i.l.bf16.f32 v19;
	v19 =	vld [tilespmem:s20+$0xFFFFFFC0]  }
0x64: {  	v14 =	vadd.f32 v14, v16;
	v16 =	vadd.f32 v23, v18;
	v22 =	vunpack.i.u.bf16.f32 v15  }
.Ltmp0:
0x65: {  	v8 =	vadd.f32 v8, v10;
	v11 =	vadd.f32 v11, v13;
	v13 =	vunpack.i.l.bf16.f32 v15;
	v10 =	vld [tilespmem:s20+$0xFFFFF360];
	(pc) =	sbr.rel @p0 .LBB2_3-.Ltmp0, $4  }
0x66: {  	v13 =	vadd.f32 v13, v14;
	v14 =	vadd.f32 v22, v16;
	v15 =	vunpack.i.u.bf16.f32 v21  }
0x67: {  	v9 =	vadd.f32 v9, v8;
	v16 =	vadd.f32 v12, v11;
	v12 =	vunpack.i.l.bf16.f32 v21;
	v8 =	vld [tilespmem:s20+$0xFFFFFFE0]  }
0x68: {  	v13 =	vadd.f32 v12, v13;
	v12 =	vadd.f32 v15, v14;
	v11 =	vunpack.i.u.bf16.f32 v19  }
0x69: {  	s20 =	sadd.s32 $0x80, s20;
	v15 =	vadd.f32 v20, v9;
	v14 =	vadd.f32 v17, v16;
	v16 =	vunpack.i.l.bf16.f32 v19;
	v9 =	vld [tilespmem:s5+$0xFFFFF380]  }
0x6a: {  	_ = 	snop  }
0x6b: {  	v13 =	vadd.f32 v16, v13;
	v7 =	vadd.f32 v7, v15  }
0x6c: {  	v11 =	vadd.f32 v11, v12;
	v12 =	vunpack.i.l.bf16.f32 v10;
	v6 =	vadd.f32 v6, v14  }
0x6d: {  	v10 =	vunpack.i.u.bf16.f32 v10;
	v14 =	vld [tilespmem:s5+$0x0];
	v12 =	vadd.f32 v12, v13;
	v5 =	vadd.f32 v5, v7  }
0x6e: {  	v7 =	vadd.f32 v10, v11;
	v4 =	vadd.f32 v4, v6;
	v6 =	vunpack.i.l.bf16.f32 v8  }
0x6f: {  	v8 =	vunpack.i.u.bf16.f32 v8;
	v6 =	vadd.f32 v6, v12;
	v3 =	vadd.f32 v3, v5  }
0x70: {  	v5 =	vadd.f32 v8, v7;
	v2 =	vadd.f32 v2, v4;
	v4 =	vunpack.i.l.bf16.f32 v9  }
0x71: {  	v7 =	vunpack.i.u.bf16.f32 v9;
	v4 =	vadd.f32 v4, v6;
	v1 =	vadd.f32 v1, v3  }
0x72: {  	v3 =	vadd.f32 v7, v5;
	v0 =	vadd.f32 v0, v2;
	v2 =	vunpack.i.l.bf16.f32 v14  }
0x73: {  	s20 =	sshll.u32 s6, $0x9;
	v5 =	vunpack.i.u.bf16.f32 v14;
	v2 =	vadd.f32 v2, v4;
	v1 =	vmul.f32 $4.999999890e-03, v1  }
0x74: {  	s9 =	smin.u32 s7, $0x77;
	s5 =	sand.u32 $0x3FFFFE00, s20;
	v3 =	vadd.f32 v5, v3;
	v0 =	vmul.f32 $4.999999890e-03, v0  }
0x75: {  	s9 =	smul.u32 $0x320, s9;
	[tilespmem:s5+$0x12C00] =	vst v1;
	v1 =	vmul.f32 $4.999999890e-03, v2  }
0x76: {  	[tilespmem:s5+$0x12C10] =	vst v0;
	v0 =	vmul.f32 $4.999999890e-03, v3  }
0x77: {  	s9 =	sshrl.u32 s9, $0x2;
	[tilespmem:s5+$0x12C20] =	vst v1  }
0x78: {  	s20 =	simm.s32 $0x6400;
	s18 =	sadd.s32 $0x640, s9;
	[tilespmem:s5+$0x12C30] =	vst v0  }
0x79: {  	[tilespmem:s20], [sflag:$0x1] =	stream.indirect.gather [hbm4b:s3+s8], $0x20, s18, s8, $0xb8;
	[tilespmem:$0x14C00] =	vst v63  }
0x7a: {  	s9 =	sadd.s32 $0x6A8, s9  }
0x7b: {  	[tilespmem:s11], [sflag:$0x1] =	stream.indirect.gather [hbm4b:s3+s10], $0x20, s9, s10, $0xb8;
	[tilespmem:$0x14C00] =	vst v63  }
0x7c: {  	_ =	swait.ge [sflag:s24], $0xD00  }
0x7d: {  	[sflag:s24] =	ssyncset.done $0x0  }
0x7e: {  	[sflag:s24] =	ssyncadd.s32 $0xFFFFF300  }
0x7f: {  	_ =	swait.ge [sflag:s24], $0xC00  }
0x80: {  	[sflag:s24] =	ssyncset.done $0x0  }
0x81: {  	s18 =	simm.s32 $0x89F0;
	[sflag:s24] =	ssyncadd.s32 $0xFFFFF400  }
0x82: {  	v1 =	vld [tilespmem:s18+$0xFFFFFFF0]  }
0x83: {  	v3 =	vld [tilespmem:s18+$0xFFFFF370]  }
0x84: {  	v5 =	vld [tilespmem:s18+$0xFFFFFFD0]  }
0x85: {  	v7 =	vld [tilespmem:s18+$0xFFFFF350]  }
0x86: {  	v8 =	vld [tilespmem:s18+$0xFFFFFFB0]  }
0x87: {  	v9 =	vld [tilespmem:s18+$0xFFFFF330]  }
0x88: {  	v10 =	vld [tilespmem:s18+$0xFFFFFF90]  }
0x89: {  	v11 =	vld [tilespmem:s18+$0xFFFFF310]  }
0x8a: {  	v12 =	vimm.f32 $0.0e+00;
	v13 =	vld [tilespmem:s18+$0xFFFFF320];
	v0 =	vunpack.i.u.bf16.f32 v1;
	v1 =	vunpack.i.l.bf16.f32 v1  }
0x8b: {  	v4 =	vunpack.i.u.bf16.f32 v5;
	v2 =	vunpack.i.u.bf16.f32 v3;
	v3 =	vunpack.i.l.bf16.f32 v3  }
0x8c: {  	v14 =	vld [tilespmem:s18+$0xFFFFFFA0];
	v6 =	vunpack.i.u.bf16.f32 v7;
	v7 =	vunpack.i.l.bf16.f32 v7;
	v5 =	vunpack.i.l.bf16.f32 v5  }
0x8d: {  	v15 =	vunpack.i.u.bf16.f32 v9;
	v16 =	vunpack.i.u.bf16.f32 v8;
	v17 =	vunpack.i.l.bf16.f32 v8  }
0x8e: {  	v18 =	vld [tilespmem:s18+$0xFFFFF340];
	v8 =	vunpack.i.u.bf16.f32 v10;
	v19 =	vunpack.i.u.bf16.f32 v11;
	v11 =	vunpack.i.l.bf16.f32 v11  }
0x8f: {  	v20 =	vunpack.i.u.bf16.f32 v13;
	v13 =	vunpack.i.l.bf16.f32 v13;
	v11 =	vadd.f32 v11, v12  }
0x90: {  	v21 =	vld [tilespmem:s18+$0xFFFFFFC0];
	v10 =	vunpack.i.l.bf16.f32 v10;
	v19 =	vadd.f32 v19, v12;
	v13 =	vadd.f32 v13, v12  }
0x91: {  	v12 =	vadd.f32 v20, v12;
	v11 =	vadd.f32 v10, v11;
	v10 =	vunpack.i.l.bf16.f32 v14  }
0x92: {  	v22 =	vunpack.i.u.bf16.f32 v14;
	v8 =	vadd.f32 v8, v19;
	v13 =	vadd.f32 v10, v13;
	v10 =	vld [tilespmem:s18+$0xFFFFF360]  }
0x93: {  	v9 =	vunpack.i.l.bf16.f32 v9;
	v12 =	vadd.f32 v22, v12;
	v14 =	vunpack.i.u.bf16.f32 v18  }
0x94: {  	v9 =	vadd.f32 v9, v11;
	v19 =	vadd.f32 v15, v8;
	v15 =	vunpack.i.l.bf16.f32 v18;
	v8 =	vld [tilespmem:s18+$0xFFFFFFE0]  }
0x95: {  	v11 =	vunpack.i.u.bf16.f32 v21;
	v12 =	vadd.f32 v14, v12;
	v13 =	vadd.f32 v15, v13  }
0x96: {  	s20 =	simm.s32 $0x0;
	s9 =	simm.s32 $0x8A70;
	v15 =	vadd.f32 v17, v9;
	v14 =	vadd.f32 v16, v19;
	v16 =	vunpack.i.l.bf16.f32 v21;
	v9 =	vld [tilespmem:s18+$0xFFFFF380]  }
.LBB2_5:
0x97: {  	v17 =	vld [tilespmem:s9+$0xFFFFFFF0];
	v13 =	vadd.f32 v16, v13;
	v11 =	vadd.f32 v11, v12;
	v12 =	vunpack.i.u.bf16.f32 v10  }
0x98: {  	v10 =	vunpack.i.l.bf16.f32 v10;
	v7 =	vadd.f32 v7, v15;
	v6 =	vadd.f32 v6, v14;
	v14 =	vld [tilespmem:s18+$0x0];
	s18 =	smov.u32 s9  }
0x99: {  	v15 =	vld [tilespmem:s9+$0xFFFFF370];
	v16 =	vunpack.i.u.bf16.f32 v8;
	v10 =	vadd.f32 v10, v13;
	v11 =	vadd.f32 v12, v11  }
0x9a: {  	v12 =	vld [tilespmem:s9+$0xFFFFFFD0];
	v5 =	vadd.f32 v5, v7;
	v4 =	vadd.f32 v4, v6;
	v6 =	vunpack.i.l.bf16.f32 v8  }
0x9b: {  	v7 =	vld [tilespmem:s9+$0xFFFFF350];
	v6 =	vadd.f32 v6, v10;
	v8 =	vadd.f32 v16, v11;
	v10 =	vunpack.i.u.bf16.f32 v9  }
0x9c: {  	v11 =	vld [tilespmem:s9+$0xFFFFFFB0];
	v3 =	vadd.f32 v3, v5;
	v2 =	vadd.f32 v2, v4;
	v4 =	vunpack.i.l.bf16.f32 v9  }
0x9d: {  	v9 =	vld [tilespmem:s9+$0xFFFFF330];
	v5 =	vunpack.i.u.bf16.f32 v14;
	v4 =	vadd.f32 v4, v6;
	v6 =	vadd.f32 v10, v8  }
0x9e: {  	v8 =	vld [tilespmem:s9+$0xFFFFFF90];
	v10 =	vadd.f32 v1, v3;
	v13 =	vadd.f32 v0, v2;
	v0 =	vunpack.i.l.bf16.f32 v14  }
0x9f: {  	v14 =	vld [tilespmem:s9+$0xFFFFF310];
	v16 =	vadd.f32 v0, v4;
	v18 =	vadd.f32 v5, v6  }
0xa0: {  	v1 =	vunpack.i.l.bf16.f32 v17;
	v0 =	vunpack.i.u.bf16.f32 v17;
	v19 =	vld [tilespmem:s9+$0xFFFFF320]  }
0xa1: {  	s20 =	sadd.s32 $0x4, s20;
	v2 =	vunpack.i.u.bf16.f32 v15;
	v3 =	vunpack.i.l.bf16.f32 v15;
	v4 =	vunpack.i.u.bf16.f32 v12  }
0xa2: {  	p0 =	slt.u32 s20, $0x60;
	v5 =	vunpack.i.l.bf16.f32 v12;
	v6 =	vunpack.i.u.bf16.f32 v7;
	v7 =	vunpack.i.l.bf16.f32 v7;
	v15 =	vld [tilespmem:s9+$0xFFFFFFA0]  }
0xa3: {  	v17 =	vunpack.i.u.bf16.f32 v11;
	v20 =	vunpack.i.l.bf16.f32 v11;
	v12 =	vunpack.i.u.bf16.f32 v9  }
0xa4: {  	v9 =	vunpack.i.l.bf16.f32 v9;
	v11 =	vunpack.i.u.bf16.f32 v8;
	v8 =	vunpack.i.l.bf16.f32 v8;
	v21 =	vld [tilespmem:s9+$0xFFFFF340]  }
0xa5: {  	v22 =	vunpack.i.u.bf16.f32 v14;
	v14 =	vunpack.i.l.bf16.f32 v14;
	v23 =	vunpack.i.u.bf16.f32 v19  }
0xa6: {  	v10 =	vadd.f32 v14, v10;
	v13 =	vadd.f32 v22, v13;
	v14 =	vunpack.i.l.bf16.f32 v19;
	v19 =	vld [tilespmem:s9+$0xFFFFFFC0]  }
0xa7: {  	v14 =	vadd.f32 v14, v16;
	v16 =	vadd.f32 v23, v18;
	v22 =	vunpack.i.u.bf16.f32 v15  }
.Ltmp1:
0xa8: {  	v8 =	vadd.f32 v8, v10;
	v11 =	vadd.f32 v11, v13;
	v13 =	vunpack.i.l.bf16.f32 v15;
	v10 =	vld [tilespmem:s9+$0xFFFFF360];
	(pc) =	sbr.rel @p0 .LBB2_5-.Ltmp1, $4  }
0xa9: {  	v13 =	vadd.f32 v13, v14;
	v14 =	vadd.f32 v22, v16;
	v15 =	vunpack.i.u.bf16.f32 v21  }
0xaa: {  	v9 =	vadd.f32 v9, v8;
	v16 =	vadd.f32 v12, v11;
	v12 =	vunpack.i.l.bf16.f32 v21;
	v8 =	vld [tilespmem:s9+$0xFFFFFFE0]  }
0xab: {  	v13 =	vadd.f32 v12, v13;
	v12 =	vadd.f32 v15, v14;
	v11 =	vunpack.i.u.bf16.f32 v19  }
0xac: {  	s9 =	sadd.s32 $0x80, s9;
	v15 =	vadd.f32 v20, v9;
	v14 =	vadd.f32 v17, v16;
	v16 =	vunpack.i.l.bf16.f32 v19;
	v9 =	vld [tilespmem:s18+$0xFFFFF380]  }
0xad: {  	_ = 	snop  }
0xae: {  	v13 =	vadd.f32 v16, v13;
	v7 =	vadd.f32 v7, v15  }
0xaf: {  	v11 =	vadd.f32 v11, v12;
	v12 =	vunpack.i.l.bf16.f32 v10;
	v6 =	vadd.f32 v6, v14  }
0xb0: {  	v10 =	vunpack.i.u.bf16.f32 v10;
	v14 =	vld [tilespmem:s18+$0x0];
	v12 =	vadd.f32 v12, v13;
	v5 =	vadd.f32 v5, v7  }
0xb1: {  	v7 =	vadd.f32 v10, v11;
	v4 =	vadd.f32 v4, v6;
	v6 =	vunpack.i.l.bf16.f32 v8  }
0xb2: {  	v8 =	vunpack.i.u.bf16.f32 v8;
	v6 =	vadd.f32 v6, v12;
	v3 =	vadd.f32 v3, v5  }
0xb3: {  	v5 =	vadd.f32 v8, v7;
	v2 =	vadd.f32 v2, v4;
	v4 =	vunpack.i.l.bf16.f32 v9  }
0xb4: {  	v7 =	vunpack.i.u.bf16.f32 v9;
	v4 =	vadd.f32 v4, v6;
	v1 =	vadd.f32 v1, v3  }
0xb5: {  	v3 =	vadd.f32 v7, v5;
	v0 =	vadd.f32 v0, v2;
	v2 =	vunpack.i.l.bf16.f32 v14  }
0xb6: {  	v5 =	vunpack.i.u.bf16.f32 v14;
	v2 =	vadd.f32 v2, v4;
	v1 =	vmul.f32 $4.999999890e-03, v1  }
0xb7: {  	s9 =	smin.u32 s7, $0x76;
	v3 =	vadd.f32 v5, v3;
	v0 =	vmul.f32 $4.999999890e-03, v0  }
0xb8: {  	s9 =	smul.u32 $0x320, s9;
	[tilespmem:s5+$0x12C40] =	vst v1;
	v1 =	vmul.f32 $4.999999890e-03, v2  }
0xb9: {  	[tilespmem:s5+$0x12C50] =	vst v0;
	v0 =	vmul.f32 $4.999999890e-03, v3  }
0xba: {  	s9 =	sshrl.u32 s9, $0x2;
	[tilespmem:s5+$0x12C60] =	vst v1  }
0xbb: {  	s20 =	sadd.s32 $0x708, s9;
	[tilespmem:s5+$0x12C70] =	vst v0  }
0xbc: {  	[tilespmem:s13], [sflag:$0x2] =	stream.indirect.gather [hbm4b:s3+s8], $0x20, s20, s8, $0xb8;
	[tilespmem:$0x14C00] =	vst v63  }
0xbd: {  	s9 =	sadd.s32 $0x770, s9  }
0xbe: {  	[tilespmem:s15], [sflag:$0x2] =	stream.indirect.gather [hbm4b:s3+s10], $0x20, s9, s10, $0xb8;
	[tilespmem:$0x14C00] =	vst v63  }
0xbf: {  	_ =	swait.ge [sflag:s26], $0xD00  }
0xc0: {  	[sflag:s26] =	ssyncset.done $0x0  }
0xc1: {  	[sflag:s26] =	ssyncadd.s32 $0xFFFFF300  }
0xc2: {  	_ =	swait.ge [sflag:s26], $0xC00  }
0xc3: {  	[sflag:s26] =	ssyncset.done $0x0  }
0xc4: {  	s18 =	simm.s32 $0xA2F0;
	[sflag:s26] =	ssyncadd.s32 $0xFFFFF400  }
0xc5: {  	v1 =	vld [tilespmem:s18+$0xFFFFFFF0]  }
0xc6: {  	v3 =	vld [tilespmem:s18+$0xFFFFF370]  }
0xc7: {  	v5 =	vld [tilespmem:s18+$0xFFFFFFD0]  }
0xc8: {  	v7 =	vld [tilespmem:s18+$0xFFFFF350]  }
0xc9: {  	v8 =	vld [tilespmem:s18+$0xFFFFFFB0]  }
0xca: {  	v9 =	vld [tilespmem:s18+$0xFFFFF330]  }
0xcb: {  	v10 =	vld [tilespmem:s18+$0xFFFFFF90]  }
0xcc: {  	v11 =	vld [tilespmem:s18+$0xFFFFF310]  }
0xcd: {  	v12 =	vimm.f32 $0.0e+00;
	v13 =	vld [tilespmem:s18+$0xFFFFF320];
	v0 =	vunpack.i.u.bf16.f32 v1;
	v1 =	vunpack.i.l.bf16.f32 v1  }
0xce: {  	v4 =	vunpack.i.u.bf16.f32 v5;
	v2 =	vunpack.i.u.bf16.f32 v3;
	v3 =	vunpack.i.l.bf16.f32 v3  }
0xcf: {  	v14 =	vld [tilespmem:s18+$0xFFFFFFA0];
	v6 =	vunpack.i.u.bf16.f32 v7;
	v7 =	vunpack.i.l.bf16.f32 v7;
	v5 =	vunpack.i.l.bf16.f32 v5  }
0xd0: {  	v15 =	vunpack.i.u.bf16.f32 v9;
	v16 =	vunpack.i.u.bf16.f32 v8;
	v17 =	vunpack.i.l.bf16.f32 v8  }
0xd1: {  	v18 =	vld [tilespmem:s18+$0xFFFFF340];
	v8 =	vunpack.i.u.bf16.f32 v10;
	v19 =	vunpack.i.u.bf16.f32 v11;
	v11 =	vunpack.i.l.bf16.f32 v11  }
0xd2: {  	v20 =	vunpack.i.u.bf16.f32 v13;
	v13 =	vunpack.i.l.bf16.f32 v13;
	v11 =	vadd.f32 v11, v12  }
0xd3: {  	v21 =	vld [tilespmem:s18+$0xFFFFFFC0];
	v10 =	vunpack.i.l.bf16.f32 v10;
	v19 =	vadd.f32 v19, v12;
	v13 =	vadd.f32 v13, v12  }
0xd4: {  	v12 =	vadd.f32 v20, v12;
	v11 =	vadd.f32 v10, v11;
	v10 =	vunpack.i.l.bf16.f32 v14  }
0xd5: {  	v22 =	vunpack.i.u.bf16.f32 v14;
	v8 =	vadd.f32 v8, v19;
	v13 =	vadd.f32 v10, v13;
	v10 =	vld [tilespmem:s18+$0xFFFFF360]  }
0xd6: {  	v9 =	vunpack.i.l.bf16.f32 v9;
	v12 =	vadd.f32 v22, v12;
	v14 =	vunpack.i.u.bf16.f32 v18  }
0xd7: {  	v9 =	vadd.f32 v9, v11;
	v19 =	vadd.f32 v15, v8;
	v15 =	vunpack.i.l.bf16.f32 v18;
	v8 =	vld [tilespmem:s18+$0xFFFFFFE0]  }
0xd8: {  	v11 =	vunpack.i.u.bf16.f32 v21;
	v12 =	vadd.f32 v14, v12;
	v13 =	vadd.f32 v15, v13  }
0xd9: {  	s20 =	simm.s32 $0x0;
	s9 =	simm.s32 $0xA370;
	v15 =	vadd.f32 v17, v9;
	v14 =	vadd.f32 v16, v19;
	v16 =	vunpack.i.l.bf16.f32 v21;
	v9 =	vld [tilespmem:s18+$0xFFFFF380]  }
.LBB2_7:
0xda: {  	v17 =	vld [tilespmem:s9+$0xFFFFFFF0];
	v13 =	vadd.f32 v16, v13;
	v11 =	vadd.f32 v11, v12;
	v12 =	vunpack.i.u.bf16.f32 v10  }
0xdb: {  	v10 =	vunpack.i.l.bf16.f32 v10;
	v7 =	vadd.f32 v7, v15;
	v6 =	vadd.f32 v6, v14;
	v14 =	vld [tilespmem:s18+$0x0];
	s18 =	smov.u32 s9  }
0xdc: {  	v15 =	vld [tilespmem:s9+$0xFFFFF370];
	v16 =	vunpack.i.u.bf16.f32 v8;
	v10 =	vadd.f32 v10, v13;
	v11 =	vadd.f32 v12, v11  }
0xdd: {  	v12 =	vld [tilespmem:s9+$0xFFFFFFD0];
	v5 =	vadd.f32 v5, v7;
	v4 =	vadd.f32 v4, v6;
	v6 =	vunpack.i.l.bf16.f32 v8  }
0xde: {  	v7 =	vld [tilespmem:s9+$0xFFFFF350];
	v6 =	vadd.f32 v6, v10;
	v8 =	vadd.f32 v16, v11;
	v10 =	vunpack.i.u.bf16.f32 v9  }
0xdf: {  	v11 =	vld [tilespmem:s9+$0xFFFFFFB0];
	v3 =	vadd.f32 v3, v5;
	v2 =	vadd.f32 v2, v4;
	v4 =	vunpack.i.l.bf16.f32 v9  }
0xe0: {  	v9 =	vld [tilespmem:s9+$0xFFFFF330];
	v5 =	vunpack.i.u.bf16.f32 v14;
	v4 =	vadd.f32 v4, v6;
	v6 =	vadd.f32 v10, v8  }
0xe1: {  	v8 =	vld [tilespmem:s9+$0xFFFFFF90];
	v10 =	vadd.f32 v1, v3;
	v13 =	vadd.f32 v0, v2;
	v0 =	vunpack.i.l.bf16.f32 v14  }
0xe2: {  	v14 =	vld [tilespmem:s9+$0xFFFFF310];
	v16 =	vadd.f32 v0, v4;
	v18 =	vadd.f32 v5, v6  }
0xe3: {  	v1 =	vunpack.i.l.bf16.f32 v17;
	v0 =	vunpack.i.u.bf16.f32 v17;
	v19 =	vld [tilespmem:s9+$0xFFFFF320]  }
0xe4: {  	s20 =	sadd.s32 $0x4, s20;
	v2 =	vunpack.i.u.bf16.f32 v15;
	v3 =	vunpack.i.l.bf16.f32 v15;
	v4 =	vunpack.i.u.bf16.f32 v12  }
0xe5: {  	p0 =	slt.u32 s20, $0x60;
	v5 =	vunpack.i.l.bf16.f32 v12;
	v6 =	vunpack.i.u.bf16.f32 v7;
	v7 =	vunpack.i.l.bf16.f32 v7;
	v15 =	vld [tilespmem:s9+$0xFFFFFFA0]  }
0xe6: {  	v17 =	vunpack.i.u.bf16.f32 v11;
	v20 =	vunpack.i.l.bf16.f32 v11;
	v12 =	vunpack.i.u.bf16.f32 v9  }
0xe7: {  	v9 =	vunpack.i.l.bf16.f32 v9;
	v11 =	vunpack.i.u.bf16.f32 v8;
	v8 =	vunpack.i.l.bf16.f32 v8;
	v21 =	vld [tilespmem:s9+$0xFFFFF340]  }
0xe8: {  	v22 =	vunpack.i.u.bf16.f32 v14;
	v14 =	vunpack.i.l.bf16.f32 v14;
	v23 =	vunpack.i.u.bf16.f32 v19  }
0xe9: {  	v10 =	vadd.f32 v14, v10;
	v13 =	vadd.f32 v22, v13;
	v14 =	vunpack.i.l.bf16.f32 v19;
	v19 =	vld [tilespmem:s9+$0xFFFFFFC0]  }
0xea: {  	v14 =	vadd.f32 v14, v16;
	v16 =	vadd.f32 v23, v18;
	v22 =	vunpack.i.u.bf16.f32 v15  }
.Ltmp2:
0xeb: {  	v8 =	vadd.f32 v8, v10;
	v11 =	vadd.f32 v11, v13;
	v13 =	vunpack.i.l.bf16.f32 v15;
	v10 =	vld [tilespmem:s9+$0xFFFFF360];
	(pc) =	sbr.rel @p0 .LBB2_7-.Ltmp2, $4  }
0xec: {  	v13 =	vadd.f32 v13, v14;
	v14 =	vadd.f32 v22, v16;
	v15 =	vunpack.i.u.bf16.f32 v21  }
0xed: {  	v9 =	vadd.f32 v9, v8;
	v16 =	vadd.f32 v12, v11;
	v12 =	vunpack.i.l.bf16.f32 v21;
	v8 =	vld [tilespmem:s9+$0xFFFFFFE0]  }
0xee: {  	v13 =	vadd.f32 v12, v13;
	v12 =	vadd.f32 v15, v14;
	v11 =	vunpack.i.u.bf16.f32 v19  }
0xef: {  	s9 =	sadd.s32 $0x80, s9;
	v15 =	vadd.f32 v20, v9;
	v14 =	vadd.f32 v17, v16;
	v16 =	vunpack.i.l.bf16.f32 v19;
	v9 =	vld [tilespmem:s18+$0xFFFFF380]  }
0xf0: {  	_ = 	snop  }
0xf1: {  	v13 =	vadd.f32 v16, v13;
	v7 =	vadd.f32 v7, v15  }
0xf2: {  	v11 =	vadd.f32 v11, v12;
	v12 =	vunpack.i.l.bf16.f32 v10;
	v6 =	vadd.f32 v6, v14  }
0xf3: {  	v10 =	vunpack.i.u.bf16.f32 v10;
	v14 =	vld [tilespmem:s18+$0x0];
	v12 =	vadd.f32 v12, v13;
	v5 =	vadd.f32 v5, v7  }
0xf4: {  	v7 =	vadd.f32 v10, v11;
	v4 =	vadd.f32 v4, v6;
	v6 =	vunpack.i.l.bf16.f32 v8  }
0xf5: {  	v8 =	vunpack.i.u.bf16.f32 v8;
	v6 =	vadd.f32 v6, v12;
	v3 =	vadd.f32 v3, v5  }
0xf6: {  	v5 =	vadd.f32 v8, v7;
	v2 =	vadd.f32 v2, v4;
	v4 =	vunpack.i.l.bf16.f32 v9  }
0xf7: {  	v7 =	vunpack.i.u.bf16.f32 v9;
	v4 =	vadd.f32 v4, v6;
	v1 =	vadd.f32 v1, v3  }
0xf8: {  	v3 =	vadd.f32 v7, v5;
	v0 =	vadd.f32 v0, v2;
	v2 =	vunpack.i.l.bf16.f32 v14  }
0xf9: {  	v5 =	vunpack.i.u.bf16.f32 v14;
	v2 =	vadd.f32 v2, v4;
	v1 =	vmul.f32 $4.999999890e-03, v1  }
0xfa: {  	s9 =	smin.u32 s7, $0x75;
	v3 =	vadd.f32 v5, v3;
	v0 =	vmul.f32 $4.999999890e-03, v0  }
0xfb: {  	s9 =	smul.u32 $0x320, s9;
	[tilespmem:s5+$0x12C80] =	vst v1;
	v1 =	vmul.f32 $4.999999890e-03, v2  }
0xfc: {  	[tilespmem:s5+$0x12C90] =	vst v0;
	v0 =	vmul.f32 $4.999999890e-03, v3  }
0xfd: {  	s9 =	sshrl.u32 s9, $0x2;
	[tilespmem:s5+$0x12CA0] =	vst v1  }
0xfe: {  	s20 =	sadd.s32 $0x7D0, s9;
	[tilespmem:s5+$0x12CB0] =	vst v0  }
0xff: {  	[tilespmem:s17], [sflag:$0x3] =	stream.indirect.gather [hbm4b:s3+s8], $0x20, s20, s8, $0xb8;
	[tilespmem:$0x14C00] =	vst v63  }
0x100: {  	s9 =	sadd.s32 $0x838, s9  }
0x101: {  	[tilespmem:s19], [sflag:$0x3] =	stream.indirect.gather [hbm4b:s3+s10], $0x20, s9, s10, $0xb8;
	[tilespmem:$0x14C00] =	vst v63  }
0x102: {  	_ =	swait.ge [sflag:s29], $0xD00  }
0x103: {  	[sflag:s29] =	ssyncset.done $0x0  }
0x104: {  	[sflag:s29] =	ssyncadd.s32 $0xFFFFF300  }
0x105: {  	_ =	swait.ge [sflag:s29], $0xC00  }
0x106: {  	[sflag:s29] =	ssyncset.done $0x0  }
0x107: {  	s18 =	simm.s32 $0xBBF0;
	[sflag:s29] =	ssyncadd.s32 $0xFFFFF400  }
0x108: {  	v1 =	vld [tilespmem:s18+$0xFFFFFFF0]  }
0x109: {  	v3 =	vld [tilespmem:s18+$0xFFFFF370]  }
0x10a: {  	v5 =	vld [tilespmem:s18+$0xFFFFFFD0]  }
0x10b: {  	v7 =	vld [tilespmem:s18+$0xFFFFF350]  }
0x10c: {  	v8 =	vld [tilespmem:s18+$0xFFFFFFB0]  }
0x10d: {  	v9 =	vld [tilespmem:s18+$0xFFFFF330]  }
0x10e: {  	v10 =	vld [tilespmem:s18+$0xFFFFFF90]  }
0x10f: {  	v11 =	vld [tilespmem:s18+$0xFFFFF310]  }
0x110: {  	v12 =	vimm.f32 $0.0e+00;
	v13 =	vld [tilespmem:s18+$0xFFFFF320];
	v0 =	vunpack.i.u.bf16.f32 v1;
	v1 =	vunpack.i.l.bf16.f32 v1  }
0x111: {  	v4 =	vunpack.i.u.bf16.f32 v5;
	v2 =	vunpack.i.u.bf16.f32 v3;
	v3 =	vunpack.i.l.bf16.f32 v3  }
0x112: {  	v14 =	vld [tilespmem:s18+$0xFFFFFFA0];
	v6 =	vunpack.i.u.bf16.f32 v7;
	v7 =	vunpack.i.l.bf16.f32 v7;
	v5 =	vunpack.i.l.bf16.f32 v5  }
0x113: {  	v15 =	vunpack.i.u.bf16.f32 v9;
	v16 =	vunpack.i.u.bf16.f32 v8;
	v17 =	vunpack.i.l.bf16.f32 v8  }
0x114: {  	v18 =	vld [tilespmem:s18+$0xFFFFF340];
	v8 =	vunpack.i.u.bf16.f32 v10;
	v19 =	vunpack.i.u.bf16.f32 v11;
	v11 =	vunpack.i.l.bf16.f32 v11  }
0x115: {  	v20 =	vunpack.i.u.bf16.f32 v13;
	v13 =	vunpack.i.l.bf16.f32 v13;
	v11 =	vadd.f32 v11, v12  }
0x116: {  	v21 =	vld [tilespmem:s18+$0xFFFFFFC0];
	v10 =	vunpack.i.l.bf16.f32 v10;
	v19 =	vadd.f32 v19, v12;
	v13 =	vadd.f32 v13, v12  }
0x117: {  	v12 =	vadd.f32 v20, v12;
	v11 =	vadd.f32 v10, v11;
	v10 =	vunpack.i.l.bf16.f32 v14  }
0x118: {  	v22 =	vunpack.i.u.bf16.f32 v14;
	v8 =	vadd.f32 v8, v19;
	v13 =	vadd.f32 v10, v13;
	v10 =	vld [tilespmem:s18+$0xFFFFF360]  }
0x119: {  	v9 =	vunpack.i.l.bf16.f32 v9;
	v12 =	vadd.f32 v22, v12;
	v14 =	vunpack.i.u.bf16.f32 v18  }
0x11a: {  	v9 =	vadd.f32 v9, v11;
	v19 =	vadd.f32 v15, v8;
	v15 =	vunpack.i.l.bf16.f32 v18;
	v8 =	vld [tilespmem:s18+$0xFFFFFFE0]  }
0x11b: {  	v11 =	vunpack.i.u.bf16.f32 v21;
	v12 =	vadd.f32 v14, v12;
	v13 =	vadd.f32 v15, v13  }
0x11c: {  	s20 =	simm.s32 $0x0;
	s9 =	simm.s32 $0xBC70;
	v15 =	vadd.f32 v17, v9;
	v14 =	vadd.f32 v16, v19;
	v16 =	vunpack.i.l.bf16.f32 v21;
	v9 =	vld [tilespmem:s18+$0xFFFFF380]  }
.LBB2_9:
0x11d: {  	v17 =	vld [tilespmem:s9+$0xFFFFFFF0];
	v13 =	vadd.f32 v16, v13;
	v11 =	vadd.f32 v11, v12;
	v12 =	vunpack.i.u.bf16.f32 v10  }
0x11e: {  	v10 =	vunpack.i.l.bf16.f32 v10;
	v7 =	vadd.f32 v7, v15;
	v6 =	vadd.f32 v6, v14;
	v14 =	vld [tilespmem:s18+$0x0];
	s18 =	smov.u32 s9  }
0x11f: {  	v15 =	vld [tilespmem:s9+$0xFFFFF370];
	v16 =	vunpack.i.u.bf16.f32 v8;
	v10 =	vadd.f32 v10, v13;
	v11 =	vadd.f32 v12, v11  }
0x120: {  	v12 =	vld [tilespmem:s9+$0xFFFFFFD0];
	v5 =	vadd.f32 v5, v7;
	v4 =	vadd.f32 v4, v6;
	v6 =	vunpack.i.l.bf16.f32 v8  }
0x121: {  	v7 =	vld [tilespmem:s9+$0xFFFFF350];
	v6 =	vadd.f32 v6, v10;
	v8 =	vadd.f32 v16, v11;
	v10 =	vunpack.i.u.bf16.f32 v9  }
0x122: {  	v11 =	vld [tilespmem:s9+$0xFFFFFFB0];
	v3 =	vadd.f32 v3, v5;
	v2 =	vadd.f32 v2, v4;
	v4 =	vunpack.i.l.bf16.f32 v9  }
0x123: {  	v9 =	vld [tilespmem:s9+$0xFFFFF330];
	v5 =	vunpack.i.u.bf16.f32 v14;
	v4 =	vadd.f32 v4, v6;
	v6 =	vadd.f32 v10, v8  }
0x124: {  	v8 =	vld [tilespmem:s9+$0xFFFFFF90];
	v10 =	vadd.f32 v1, v3;
	v13 =	vadd.f32 v0, v2;
	v0 =	vunpack.i.l.bf16.f32 v14  }
0x125: {  	v14 =	vld [tilespmem:s9+$0xFFFFF310];
	v16 =	vadd.f32 v0, v4;
	v18 =	vadd.f32 v5, v6  }
0x126: {  	v1 =	vunpack.i.l.bf16.f32 v17;
	v0 =	vunpack.i.u.bf16.f32 v17;
	v19 =	vld [tilespmem:s9+$0xFFFFF320]  }
0x127: {  	s20 =	sadd.s32 $0x4, s20;
	v2 =	vunpack.i.u.bf16.f32 v15;
	v3 =	vunpack.i.l.bf16.f32 v15;
	v4 =	vunpack.i.u.bf16.f32 v12  }
0x128: {  	p0 =	slt.u32 s20, $0x60;
	v5 =	vunpack.i.l.bf16.f32 v12;
	v6 =	vunpack.i.u.bf16.f32 v7;
	v7 =	vunpack.i.l.bf16.f32 v7;
	v15 =	vld [tilespmem:s9+$0xFFFFFFA0]  }
0x129: {  	v17 =	vunpack.i.u.bf16.f32 v11;
	v20 =	vunpack.i.l.bf16.f32 v11;
	v12 =	vunpack.i.u.bf16.f32 v9  }
0x12a: {  	v9 =	vunpack.i.l.bf16.f32 v9;
	v11 =	vunpack.i.u.bf16.f32 v8;
	v8 =	vunpack.i.l.bf16.f32 v8;
	v21 =	vld [tilespmem:s9+$0xFFFFF340]  }
0x12b: {  	v22 =	vunpack.i.u.bf16.f32 v14;
	v14 =	vunpack.i.l.bf16.f32 v14;
	v23 =	vunpack.i.u.bf16.f32 v19  }
0x12c: {  	v10 =	vadd.f32 v14, v10;
	v13 =	vadd.f32 v22, v13;
	v14 =	vunpack.i.l.bf16.f32 v19;
	v19 =	vld [tilespmem:s9+$0xFFFFFFC0]  }
0x12d: {  	v14 =	vadd.f32 v14, v16;
	v16 =	vadd.f32 v23, v18;
	v22 =	vunpack.i.u.bf16.f32 v15  }
.Ltmp3:
0x12e: {  	v8 =	vadd.f32 v8, v10;
	v11 =	vadd.f32 v11, v13;
	v13 =	vunpack.i.l.bf16.f32 v15;
	v10 =	vld [tilespmem:s9+$0xFFFFF360];
	(pc) =	sbr.rel @p0 .LBB2_9-.Ltmp3, $4  }
0x12f: {  	v13 =	vadd.f32 v13, v14;
	v14 =	vadd.f32 v22, v16;
	v15 =	vunpack.i.u.bf16.f32 v21  }
0x130: {  	v9 =	vadd.f32 v9, v8;
	v16 =	vadd.f32 v12, v11;
	v12 =	vunpack.i.l.bf16.f32 v21;
	v8 =	vld [tilespmem:s9+$0xFFFFFFE0]  }
0x131: {  	v13 =	vadd.f32 v12, v13;
	v12 =	vadd.f32 v15, v14;
	v11 =	vunpack.i.u.bf16.f32 v19  }
0x132: {  	s9 =	sadd.s32 $0x80, s9;
	v15 =	vadd.f32 v20, v9;
	v14 =	vadd.f32 v17, v16;
	v16 =	vunpack.i.l.bf16.f32 v19;
	v9 =	vld [tilespmem:s18+$0xFFFFF380]  }
0x133: {  	_ = 	snop  }
0x134: {  	v13 =	vadd.f32 v16, v13;
	v7 =	vadd.f32 v7, v15  }
0x135: {  	v11 =	vadd.f32 v11, v12;
	v12 =	vunpack.i.l.bf16.f32 v10;
	v6 =	vadd.f32 v6, v14  }
0x136: {  	v10 =	vunpack.i.u.bf16.f32 v10;
	v14 =	vld [tilespmem:s18+$0x0];
	v12 =	vadd.f32 v12, v13;
	v5 =	vadd.f32 v5, v7  }
0x137: {  	v7 =	vadd.f32 v10, v11;
	v4 =	vadd.f32 v4, v6;
	v6 =	vunpack.i.l.bf16.f32 v8  }
0x138: {  	v8 =	vunpack.i.u.bf16.f32 v8;
	v6 =	vadd.f32 v6, v12;
	v3 =	vadd.f32 v3, v5  }
0x139: {  	v5 =	vadd.f32 v8, v7;
	v2 =	vadd.f32 v2, v4;
	v4 =	vunpack.i.l.bf16.f32 v9  }
0x13a: {  	v7 =	vunpack.i.u.bf16.f32 v9;
	v4 =	vadd.f32 v4, v6;
	v1 =	vadd.f32 v1, v3  }
0x13b: {  	v3 =	vadd.f32 v7, v5;
	v0 =	vadd.f32 v0, v2;
	v2 =	vunpack.i.l.bf16.f32 v14  }
0x13c: {  	v5 =	vunpack.i.u.bf16.f32 v14;
	v2 =	vadd.f32 v2, v4;
	v1 =	vmul.f32 $4.999999890e-03, v1  }
0x13d: {  	s9 =	smin.u32 s7, $0x74;
	v3 =	vadd.f32 v5, v3;
	v0 =	vmul.f32 $4.999999890e-03, v0  }
0x13e: {  	s9 =	smul.u32 $0x320, s9;
	[tilespmem:s5+$0x12CC0] =	vst v1;
	v1 =	vmul.f32 $4.999999890e-03, v2  }
0x13f: {  	[tilespmem:s5+$0x12CD0] =	vst v0;
	v0 =	vmul.f32 $4.999999890e-03, v3  }
0x140: {  	s9 =	sshrl.u32 s9, $0x2;
	[tilespmem:s5+$0x12CE0] =	vst v1  }
0x141: {  	s20 =	sadd.s32 $0x898, s9;
	[tilespmem:s5+$0x12CF0] =	vst v0  }
0x142: {  	[tilespmem:s21], [sflag:$0x4] =	stream.indirect.gather [hbm4b:s3+s8], $0x20, s20, s8, $0xb8;
	[tilespmem:$0x14C00] =	vst v63  }
0x143: {  	s9 =	sadd.s32 $0x900, s9  }
0x144: {  	[tilespmem:s23], [sflag:$0x4] =	stream.indirect.gather [hbm4b:s3+s10], $0x20, s9, s10, $0xb8;
	[tilespmem:$0x14C00] =	vst v63  }
0x145: {  	_ =	swait.ge [sflag:s31], $0xD00  }
0x146: {  	[sflag:s31] =	ssyncset.done $0x0  }
0x147: {  	[sflag:s31] =	ssyncadd.s32 $0xFFFFF300  }
0x148: {  	_ =	swait.ge [sflag:s31], $0xC00  }
0x149: {  	[sflag:s31] =	ssyncset.done $0x0  }
0x14a: {  	s18 =	simm.s32 $0xD4F0;
	[sflag:s31] =	ssyncadd.s32 $0xFFFFF400  }
0x14b: {  	v1 =	vld [tilespmem:s18+$0xFFFFFFF0]  }
0x14c: {  	v3 =	vld [tilespmem:s18+$0xFFFFF370]  }
0x14d: {  	v5 =	vld [tilespmem:s18+$0xFFFFFFD0]  }
0x14e: {  	v7 =	vld [tilespmem:s18+$0xFFFFF350]  }
0x14f: {  	v8 =	vld [tilespmem:s18+$0xFFFFFFB0]  }
0x150: {  	v9 =	vld [tilespmem:s18+$0xFFFFF330]  }
0x151: {  	v10 =	vld [tilespmem:s18+$0xFFFFFF90]  }
0x152: {  	v11 =	vld [tilespmem:s18+$0xFFFFF310]  }
0x153: {  	v12 =	vimm.f32 $0.0e+00;
	v13 =	vld [tilespmem:s18+$0xFFFFF320];
	v0 =	vunpack.i.u.bf16.f32 v1;
	v1 =	vunpack.i.l.bf16.f32 v1  }
0x154: {  	v4 =	vunpack.i.u.bf16.f32 v5;
	v2 =	vunpack.i.u.bf16.f32 v3;
	v3 =	vunpack.i.l.bf16.f32 v3  }
0x155: {  	v14 =	vld [tilespmem:s18+$0xFFFFFFA0];
	v6 =	vunpack.i.u.bf16.f32 v7;
	v7 =	vunpack.i.l.bf16.f32 v7;
	v5 =	vunpack.i.l.bf16.f32 v5  }
0x156: {  	v15 =	vunpack.i.u.bf16.f32 v9;
	v16 =	vunpack.i.u.bf16.f32 v8;
	v17 =	vunpack.i.l.bf16.f32 v8  }
0x157: {  	v18 =	vld [tilespmem:s18+$0xFFFFF340];
	v8 =	vunpack.i.u.bf16.f32 v10;
	v19 =	vunpack.i.u.bf16.f32 v11;
	v11 =	vunpack.i.l.bf16.f32 v11  }
0x158: {  	v20 =	vunpack.i.u.bf16.f32 v13;
	v13 =	vunpack.i.l.bf16.f32 v13;
	v11 =	vadd.f32 v11, v12  }
0x159: {  	v21 =	vld [tilespmem:s18+$0xFFFFFFC0];
	v10 =	vunpack.i.l.bf16.f32 v10;
	v19 =	vadd.f32 v19, v12;
	v13 =	vadd.f32 v13, v12  }
0x15a: {  	v12 =	vadd.f32 v20, v12;
	v11 =	vadd.f32 v10, v11;
	v10 =	vunpack.i.l.bf16.f32 v14  }
0x15b: {  	v22 =	vunpack.i.u.bf16.f32 v14;
	v8 =	vadd.f32 v8, v19;
	v13 =	vadd.f32 v10, v13;
	v10 =	vld [tilespmem:s18+$0xFFFFF360]  }
0x15c: {  	v9 =	vunpack.i.l.bf16.f32 v9;
	v12 =	vadd.f32 v22, v12;
	v14 =	vunpack.i.u.bf16.f32 v18  }
0x15d: {  	v9 =	vadd.f32 v9, v11;
	v19 =	vadd.f32 v15, v8;
	v15 =	vunpack.i.l.bf16.f32 v18;
	v8 =	vld [tilespmem:s18+$0xFFFFFFE0]  }
0x15e: {  	v11 =	vunpack.i.u.bf16.f32 v21;
	v12 =	vadd.f32 v14, v12;
	v13 =	vadd.f32 v15, v13  }
0x15f: {  	s20 =	simm.s32 $0x0;
	s9 =	simm.s32 $0xD570;
	v15 =	vadd.f32 v17, v9;
	v14 =	vadd.f32 v16, v19;
	v16 =	vunpack.i.l.bf16.f32 v21;
	v9 =	vld [tilespmem:s18+$0xFFFFF380]  }
.LBB2_11:
0x160: {  	v17 =	vld [tilespmem:s9+$0xFFFFFFF0];
	v13 =	vadd.f32 v16, v13;
	v11 =	vadd.f32 v11, v12;
	v12 =	vunpack.i.u.bf16.f32 v10  }
0x161: {  	v10 =	vunpack.i.l.bf16.f32 v10;
	v7 =	vadd.f32 v7, v15;
	v6 =	vadd.f32 v6, v14;
	v14 =	vld [tilespmem:s18+$0x0];
	s18 =	smov.u32 s9  }
0x162: {  	v15 =	vld [tilespmem:s9+$0xFFFFF370];
	v16 =	vunpack.i.u.bf16.f32 v8;
	v10 =	vadd.f32 v10, v13;
	v11 =	vadd.f32 v12, v11  }
0x163: {  	v12 =	vld [tilespmem:s9+$0xFFFFFFD0];
	v5 =	vadd.f32 v5, v7;
	v4 =	vadd.f32 v4, v6;
	v6 =	vunpack.i.l.bf16.f32 v8  }
0x164: {  	v7 =	vld [tilespmem:s9+$0xFFFFF350];
	v6 =	vadd.f32 v6, v10;
	v8 =	vadd.f32 v16, v11;
	v10 =	vunpack.i.u.bf16.f32 v9  }
0x165: {  	v11 =	vld [tilespmem:s9+$0xFFFFFFB0];
	v3 =	vadd.f32 v3, v5;
	v2 =	vadd.f32 v2, v4;
	v4 =	vunpack.i.l.bf16.f32 v9  }
0x166: {  	v9 =	vld [tilespmem:s9+$0xFFFFF330];
	v5 =	vunpack.i.u.bf16.f32 v14;
	v4 =	vadd.f32 v4, v6;
	v6 =	vadd.f32 v10, v8  }
0x167: {  	v8 =	vld [tilespmem:s9+$0xFFFFFF90];
	v10 =	vadd.f32 v1, v3;
	v13 =	vadd.f32 v0, v2;
	v0 =	vunpack.i.l.bf16.f32 v14  }
0x168: {  	v14 =	vld [tilespmem:s9+$0xFFFFF310];
	v16 =	vadd.f32 v0, v4;
	v18 =	vadd.f32 v5, v6  }
0x169: {  	v1 =	vunpack.i.l.bf16.f32 v17;
	v0 =	vunpack.i.u.bf16.f32 v17;
	v19 =	vld [tilespmem:s9+$0xFFFFF320]  }
0x16a: {  	s20 =	sadd.s32 $0x4, s20;
	v2 =	vunpack.i.u.bf16.f32 v15;
	v3 =	vunpack.i.l.bf16.f32 v15;
	v4 =	vunpack.i.u.bf16.f32 v12  }
0x16b: {  	p0 =	slt.u32 s20, $0x60;
	v5 =	vunpack.i.l.bf16.f32 v12;
	v6 =	vunpack.i.u.bf16.f32 v7;
	v7 =	vunpack.i.l.bf16.f32 v7;
	v15 =	vld [tilespmem:s9+$0xFFFFFFA0]  }
0x16c: {  	v17 =	vunpack.i.u.bf16.f32 v11;
	v20 =	vunpack.i.l.bf16.f32 v11;
	v12 =	vunpack.i.u.bf16.f32 v9  }
0x16d: {  	v9 =	vunpack.i.l.bf16.f32 v9;
	v11 =	vunpack.i.u.bf16.f32 v8;
	v8 =	vunpack.i.l.bf16.f32 v8;
	v21 =	vld [tilespmem:s9+$0xFFFFF340]  }
0x16e: {  	v22 =	vunpack.i.u.bf16.f32 v14;
	v14 =	vunpack.i.l.bf16.f32 v14;
	v23 =	vunpack.i.u.bf16.f32 v19  }
0x16f: {  	v10 =	vadd.f32 v14, v10;
	v13 =	vadd.f32 v22, v13;
	v14 =	vunpack.i.l.bf16.f32 v19;
	v19 =	vld [tilespmem:s9+$0xFFFFFFC0]  }
0x170: {  	v14 =	vadd.f32 v14, v16;
	v16 =	vadd.f32 v23, v18;
	v22 =	vunpack.i.u.bf16.f32 v15  }
.Ltmp4:
0x171: {  	v8 =	vadd.f32 v8, v10;
	v11 =	vadd.f32 v11, v13;
	v13 =	vunpack.i.l.bf16.f32 v15;
	v10 =	vld [tilespmem:s9+$0xFFFFF360];
	(pc) =	sbr.rel @p0 .LBB2_11-.Ltmp4, $4  }
0x172: {  	v13 =	vadd.f32 v13, v14;
	v14 =	vadd.f32 v22, v16;
	v15 =	vunpack.i.u.bf16.f32 v21  }
0x173: {  	v9 =	vadd.f32 v9, v8;
	v16 =	vadd.f32 v12, v11;
	v12 =	vunpack.i.l.bf16.f32 v21;
	v8 =	vld [tilespmem:s9+$0xFFFFFFE0]  }
0x174: {  	v13 =	vadd.f32 v12, v13;
	v12 =	vadd.f32 v15, v14;
	v11 =	vunpack.i.u.bf16.f32 v19  }
0x175: {  	s9 =	sadd.s32 $0x80, s9;
	v15 =	vadd.f32 v20, v9;
	v14 =	vadd.f32 v17, v16;
	v16 =	vunpack.i.l.bf16.f32 v19;
	v9 =	vld [tilespmem:s18+$0xFFFFF380]  }
0x176: {  	_ = 	snop  }
0x177: {  	v13 =	vadd.f32 v16, v13;
	v7 =	vadd.f32 v7, v15  }
0x178: {  	v11 =	vadd.f32 v11, v12;
	v12 =	vunpack.i.l.bf16.f32 v10;
	v6 =	vadd.f32 v6, v14  }
0x179: {  	v10 =	vunpack.i.u.bf16.f32 v10;
	v14 =	vld [tilespmem:s18+$0x0];
	v12 =	vadd.f32 v12, v13;
	v5 =	vadd.f32 v5, v7  }
0x17a: {  	v7 =	vadd.f32 v10, v11;
	v4 =	vadd.f32 v4, v6;
	v6 =	vunpack.i.l.bf16.f32 v8  }
0x17b: {  	v8 =	vunpack.i.u.bf16.f32 v8;
	v6 =	vadd.f32 v6, v12;
	v3 =	vadd.f32 v3, v5  }
0x17c: {  	v5 =	vadd.f32 v8, v7;
	v2 =	vadd.f32 v2, v4;
	v4 =	vunpack.i.l.bf16.f32 v9  }
0x17d: {  	v7 =	vunpack.i.u.bf16.f32 v9;
	v4 =	vadd.f32 v4, v6;
	v1 =	vadd.f32 v1, v3  }
0x17e: {  	v3 =	vadd.f32 v7, v5;
	v0 =	vadd.f32 v0, v2;
	v2 =	vunpack.i.l.bf16.f32 v14  }
0x17f: {  	v5 =	vunpack.i.u.bf16.f32 v14;
	v2 =	vadd.f32 v2, v4;
	v1 =	vmul.f32 $4.999999890e-03, v1  }
0x180: {  	s9 =	smin.u32 s7, $0x73;
	v3 =	vadd.f32 v5, v3;
	v0 =	vmul.f32 $4.999999890e-03, v0  }
0x181: {  	s9 =	smul.u32 $0x320, s9;
	[tilespmem:s5+$0x12D00] =	vst v1;
	v1 =	vmul.f32 $4.999999890e-03, v2  }
0x182: {  	[tilespmem:s5+$0x12D10] =	vst v0;
	v0 =	vmul.f32 $4.999999890e-03, v3  }
0x183: {  	s9 =	sshrl.u32 s9, $0x2;
	[tilespmem:s5+$0x12D20] =	vst v1  }
0x184: {  	s20 =	sadd.s32 $0x960, s9;
	[tilespmem:s5+$0x12D30] =	vst v0  }
0x185: {  	[tilespmem:s25], [sflag:$0x5] =	stream.indirect.gather [hbm4b:s3+s8], $0x20, s20, s8, $0xb8;
	[tilespmem:$0x14C00] =	vst v63  }
0x186: {  	s9 =	sadd.s32 $0x9C8, s9  }
0x187: {  	[tilespmem:s28], [sflag:$0x5] =	stream.indirect.gather [hbm4b:s3+s10], $0x20, s9, s10, $0xb8;
	[tilespmem:$0x14C00] =	vst v63  }
0x188: {  	_ =	swait.ge [sflag:s0], $0xD00  }
0x189: {  	[sflag:s0] =	ssyncset.done $0x0  }
0x18a: {  	[sflag:s0] =	ssyncadd.s32 $0xFFFFF300  }
0x18b: {  	_ =	swait.ge [sflag:s0], $0xC00  }
0x18c: {  	[sflag:s0] =	ssyncset.done $0x0  }
0x18d: {  	s18 =	simm.s32 $0xEDF0;
	[sflag:s0] =	ssyncadd.s32 $0xFFFFF400  }
0x18e: {  	v1 =	vld [tilespmem:s18+$0xFFFFFFF0]  }
0x18f: {  	v3 =	vld [tilespmem:s18+$0xFFFFF370]  }
0x190: {  	v5 =	vld [tilespmem:s18+$0xFFFFFFD0]  }
0x191: {  	v7 =	vld [tilespmem:s18+$0xFFFFF350]  }
0x192: {  	v8 =	vld [tilespmem:s18+$0xFFFFFFB0]  }
0x193: {  	v9 =	vld [tilespmem:s18+$0xFFFFF330]  }
0x194: {  	v10 =	vld [tilespmem:s18+$0xFFFFFF90]  }
0x195: {  	v11 =	vld [tilespmem:s18+$0xFFFFF310]  }
0x196: {  	v12 =	vimm.f32 $0.0e+00;
	v13 =	vld [tilespmem:s18+$0xFFFFF320];
	v0 =	vunpack.i.u.bf16.f32 v1;
	v1 =	vunpack.i.l.bf16.f32 v1  }
0x197: {  	v4 =	vunpack.i.u.bf16.f32 v5;
	v2 =	vunpack.i.u.bf16.f32 v3;
	v3 =	vunpack.i.l.bf16.f32 v3  }
0x198: {  	v14 =	vld [tilespmem:s18+$0xFFFFFFA0];
	v6 =	vunpack.i.u.bf16.f32 v7;
	v7 =	vunpack.i.l.bf16.f32 v7;
	v5 =	vunpack.i.l.bf16.f32 v5  }
0x199: {  	v15 =	vunpack.i.u.bf16.f32 v9;
	v16 =	vunpack.i.u.bf16.f32 v8;
	v17 =	vunpack.i.l.bf16.f32 v8  }
0x19a: {  	v18 =	vld [tilespmem:s18+$0xFFFFF340];
	v8 =	vunpack.i.u.bf16.f32 v10;
	v19 =	vunpack.i.u.bf16.f32 v11;
	v11 =	vunpack.i.l.bf16.f32 v11  }
0x19b: {  	v20 =	vunpack.i.u.bf16.f32 v13;
	v13 =	vunpack.i.l.bf16.f32 v13;
	v11 =	vadd.f32 v11, v12  }
0x19c: {  	v21 =	vld [tilespmem:s18+$0xFFFFFFC0];
	v10 =	vunpack.i.l.bf16.f32 v10;
	v19 =	vadd.f32 v19, v12;
	v13 =	vadd.f32 v13, v12  }
0x19d: {  	v12 =	vadd.f32 v20, v12;
	v11 =	vadd.f32 v10, v11;
	v10 =	vunpack.i.l.bf16.f32 v14  }
0x19e: {  	v22 =	vunpack.i.u.bf16.f32 v14;
	v8 =	vadd.f32 v8, v19;
	v13 =	vadd.f32 v10, v13;
	v10 =	vld [tilespmem:s18+$0xFFFFF360]  }
0x19f: {  	v9 =	vunpack.i.l.bf16.f32 v9;
	v12 =	vadd.f32 v22, v12;
	v14 =	vunpack.i.u.bf16.f32 v18  }
0x1a0: {  	v9 =	vadd.f32 v9, v11;
	v19 =	vadd.f32 v15, v8;
	v15 =	vunpack.i.l.bf16.f32 v18;
	v8 =	vld [tilespmem:s18+$0xFFFFFFE0]  }
0x1a1: {  	v11 =	vunpack.i.u.bf16.f32 v21;
	v12 =	vadd.f32 v14, v12;
	v13 =	vadd.f32 v15, v13  }
0x1a2: {  	s20 =	simm.s32 $0x0;
	s9 =	simm.s32 $0xEE70;
	v15 =	vadd.f32 v17, v9;
	v14 =	vadd.f32 v16, v19;
	v16 =	vunpack.i.l.bf16.f32 v21;
	v9 =	vld [tilespmem:s18+$0xFFFFF380]  }
.LBB2_13:
0x1a3: {  	v17 =	vld [tilespmem:s9+$0xFFFFFFF0];
	v13 =	vadd.f32 v16, v13;
	v11 =	vadd.f32 v11, v12;
	v12 =	vunpack.i.u.bf16.f32 v10  }
0x1a4: {  	v10 =	vunpack.i.l.bf16.f32 v10;
	v7 =	vadd.f32 v7, v15;
	v6 =	vadd.f32 v6, v14;
	v14 =	vld [tilespmem:s18+$0x0];
	s18 =	smov.u32 s9  }
0x1a5: {  	v15 =	vld [tilespmem:s9+$0xFFFFF370];
	v16 =	vunpack.i.u.bf16.f32 v8;
	v10 =	vadd.f32 v10, v13;
	v11 =	vadd.f32 v12, v11  }
0x1a6: {  	v12 =	vld [tilespmem:s9+$0xFFFFFFD0];
	v5 =	vadd.f32 v5, v7;
	v4 =	vadd.f32 v4, v6;
	v6 =	vunpack.i.l.bf16.f32 v8  }
0x1a7: {  	v7 =	vld [tilespmem:s9+$0xFFFFF350];
	v6 =	vadd.f32 v6, v10;
	v8 =	vadd.f32 v16, v11;
	v10 =	vunpack.i.u.bf16.f32 v9  }
0x1a8: {  	v11 =	vld [tilespmem:s9+$0xFFFFFFB0];
	v3 =	vadd.f32 v3, v5;
	v2 =	vadd.f32 v2, v4;
	v4 =	vunpack.i.l.bf16.f32 v9  }
0x1a9: {  	v9 =	vld [tilespmem:s9+$0xFFFFF330];
	v5 =	vunpack.i.u.bf16.f32 v14;
	v4 =	vadd.f32 v4, v6;
	v6 =	vadd.f32 v10, v8  }
0x1aa: {  	v8 =	vld [tilespmem:s9+$0xFFFFFF90];
	v10 =	vadd.f32 v1, v3;
	v13 =	vadd.f32 v0, v2;
	v0 =	vunpack.i.l.bf16.f32 v14  }
0x1ab: {  	v14 =	vld [tilespmem:s9+$0xFFFFF310];
	v16 =	vadd.f32 v0, v4;
	v18 =	vadd.f32 v5, v6  }
0x1ac: {  	v1 =	vunpack.i.l.bf16.f32 v17;
	v0 =	vunpack.i.u.bf16.f32 v17;
	v19 =	vld [tilespmem:s9+$0xFFFFF320]  }
0x1ad: {  	s20 =	sadd.s32 $0x4, s20;
	v2 =	vunpack.i.u.bf16.f32 v15;
	v3 =	vunpack.i.l.bf16.f32 v15;
	v4 =	vunpack.i.u.bf16.f32 v12  }
0x1ae: {  	p0 =	slt.u32 s20, $0x60;
	v5 =	vunpack.i.l.bf16.f32 v12;
	v6 =	vunpack.i.u.bf16.f32 v7;
	v7 =	vunpack.i.l.bf16.f32 v7;
	v15 =	vld [tilespmem:s9+$0xFFFFFFA0]  }
0x1af: {  	v17 =	vunpack.i.u.bf16.f32 v11;
	v20 =	vunpack.i.l.bf16.f32 v11;
	v12 =	vunpack.i.u.bf16.f32 v9  }
0x1b0: {  	v9 =	vunpack.i.l.bf16.f32 v9;
	v11 =	vunpack.i.u.bf16.f32 v8;
	v8 =	vunpack.i.l.bf16.f32 v8;
	v21 =	vld [tilespmem:s9+$0xFFFFF340]  }
0x1b1: {  	v22 =	vunpack.i.u.bf16.f32 v14;
	v14 =	vunpack.i.l.bf16.f32 v14;
	v23 =	vunpack.i.u.bf16.f32 v19  }
0x1b2: {  	v10 =	vadd.f32 v14, v10;
	v13 =	vadd.f32 v22, v13;
	v14 =	vunpack.i.l.bf16.f32 v19;
	v19 =	vld [tilespmem:s9+$0xFFFFFFC0]  }
0x1b3: {  	v14 =	vadd.f32 v14, v16;
	v16 =	vadd.f32 v23, v18;
	v22 =	vunpack.i.u.bf16.f32 v15  }
.Ltmp5:
0x1b4: {  	v8 =	vadd.f32 v8, v10;
	v11 =	vadd.f32 v11, v13;
	v13 =	vunpack.i.l.bf16.f32 v15;
	v10 =	vld [tilespmem:s9+$0xFFFFF360];
	(pc) =	sbr.rel @p0 .LBB2_13-.Ltmp5, $4  }
0x1b5: {  	v13 =	vadd.f32 v13, v14;
	v14 =	vadd.f32 v22, v16;
	v15 =	vunpack.i.u.bf16.f32 v21  }
0x1b6: {  	v9 =	vadd.f32 v9, v8;
	v16 =	vadd.f32 v12, v11;
	v12 =	vunpack.i.l.bf16.f32 v21;
	v8 =	vld [tilespmem:s9+$0xFFFFFFE0]  }
0x1b7: {  	v13 =	vadd.f32 v12, v13;
	v12 =	vadd.f32 v15, v14;
	v11 =	vunpack.i.u.bf16.f32 v19  }
0x1b8: {  	s9 =	sadd.s32 $0x80, s9;
	v15 =	vadd.f32 v20, v9;
	v14 =	vadd.f32 v17, v16;
	v16 =	vunpack.i.l.bf16.f32 v19;
	v9 =	vld [tilespmem:s18+$0xFFFFF380]  }
0x1b9: {  	_ = 	snop  }
0x1ba: {  	v13 =	vadd.f32 v16, v13;
	v7 =	vadd.f32 v7, v15  }
0x1bb: {  	v11 =	vadd.f32 v11, v12;
	v12 =	vunpack.i.l.bf16.f32 v10;
	v6 =	vadd.f32 v6, v14  }
0x1bc: {  	v10 =	vunpack.i.u.bf16.f32 v10;
	v14 =	vld [tilespmem:s18+$0x0];
	v12 =	vadd.f32 v12, v13;
	v5 =	vadd.f32 v5, v7  }
0x1bd: {  	v7 =	vadd.f32 v10, v11;
	v4 =	vadd.f32 v4, v6;
	v6 =	vunpack.i.l.bf16.f32 v8  }
0x1be: {  	v8 =	vunpack.i.u.bf16.f32 v8;
	v6 =	vadd.f32 v6, v12;
	v3 =	vadd.f32 v3, v5  }
0x1bf: {  	v5 =	vadd.f32 v8, v7;
	v2 =	vadd.f32 v2, v4;
	v4 =	vunpack.i.l.bf16.f32 v9  }
0x1c0: {  	v7 =	vunpack.i.u.bf16.f32 v9;
	v4 =	vadd.f32 v4, v6;
	v1 =	vadd.f32 v1, v3  }
0x1c1: {  	v3 =	vadd.f32 v7, v5;
	v0 =	vadd.f32 v0, v2;
	v2 =	vunpack.i.l.bf16.f32 v14  }
0x1c2: {  	v5 =	vunpack.i.u.bf16.f32 v14;
	v2 =	vadd.f32 v2, v4;
	v1 =	vmul.f32 $4.999999890e-03, v1  }
0x1c3: {  	s9 =	smin.u32 s7, $0x72;
	v3 =	vadd.f32 v5, v3;
	v0 =	vmul.f32 $4.999999890e-03, v0  }
0x1c4: {  	s9 =	smul.u32 $0x320, s9;
	[tilespmem:s5+$0x12D40] =	vst v1;
	v1 =	vmul.f32 $4.999999890e-03, v2  }
0x1c5: {  	[tilespmem:s5+$0x12D50] =	vst v0;
	v0 =	vmul.f32 $4.999999890e-03, v3  }
0x1c6: {  	s9 =	sshrl.u32 s9, $0x2;
	[tilespmem:s5+$0x12D60] =	vst v1  }
0x1c7: {  	s20 =	sadd.s32 $0xA28, s9;
	[tilespmem:s5+$0x12D70] =	vst v0  }
0x1c8: {  	[tilespmem:s30], [sflag:$0x6] =	stream.indirect.gather [hbm4b:s3+s8], $0x20, s20, s8, $0xb8;
	[tilespmem:$0x14C00] =	vst v63  }
0x1c9: {  	s9 =	sadd.s32 $0xA90, s9  }
0x1ca: {  	[tilespmem:s1], [sflag:$0x6] =	stream.indirect.gather [hbm4b:s3+s10], $0x20, s9, s10, $0xb8;
	[tilespmem:$0x14C00] =	vst v63  }
0x1cb: {  	_ =	swait.ge [sflag:s14], $0xD00  }
0x1cc: {  	[sflag:s14] =	ssyncset.done $0x0  }
0x1cd: {  	[sflag:s14] =	ssyncadd.s32 $0xFFFFF300  }
0x1ce: {  	_ =	swait.ge [sflag:s14], $0xC00  }
0x1cf: {  	[sflag:s14] =	ssyncset.done $0x0  }
0x1d0: {  	s18 =	simm.s32 $0x106F0;
	[sflag:s14] =	ssyncadd.s32 $0xFFFFF400  }
0x1d1: {  	v1 =	vld [tilespmem:s18+$0xFFFFFFF0]  }
0x1d2: {  	v3 =	vld [tilespmem:s18+$0xFFFFF370]  }
0x1d3: {  	v5 =	vld [tilespmem:s18+$0xFFFFFFD0]  }
0x1d4: {  	v7 =	vld [tilespmem:s18+$0xFFFFF350]  }
0x1d5: {  	v8 =	vld [tilespmem:s18+$0xFFFFFFB0]  }
0x1d6: {  	v9 =	vld [tilespmem:s18+$0xFFFFF330]  }
0x1d7: {  	v10 =	vld [tilespmem:s18+$0xFFFFFF90]  }
0x1d8: {  	v11 =	vld [tilespmem:s18+$0xFFFFF310]  }
0x1d9: {  	v12 =	vimm.f32 $0.0e+00;
	v13 =	vld [tilespmem:s18+$0xFFFFF320];
	v0 =	vunpack.i.u.bf16.f32 v1;
	v1 =	vunpack.i.l.bf16.f32 v1  }
0x1da: {  	v4 =	vunpack.i.u.bf16.f32 v5;
	v2 =	vunpack.i.u.bf16.f32 v3;
	v3 =	vunpack.i.l.bf16.f32 v3  }
0x1db: {  	v14 =	vld [tilespmem:s18+$0xFFFFFFA0];
	v6 =	vunpack.i.u.bf16.f32 v7;
	v7 =	vunpack.i.l.bf16.f32 v7;
	v5 =	vunpack.i.l.bf16.f32 v5  }
0x1dc: {  	v15 =	vunpack.i.u.bf16.f32 v9;
	v16 =	vunpack.i.u.bf16.f32 v8;
	v17 =	vunpack.i.l.bf16.f32 v8  }
0x1dd: {  	v18 =	vld [tilespmem:s18+$0xFFFFF340];
	v8 =	vunpack.i.u.bf16.f32 v10;
	v19 =	vunpack.i.u.bf16.f32 v11;
	v11 =	vunpack.i.l.bf16.f32 v11  }
0x1de: {  	v20 =	vunpack.i.u.bf16.f32 v13;
	v13 =	vunpack.i.l.bf16.f32 v13;
	v11 =	vadd.f32 v11, v12  }
0x1df: {  	v21 =	vld [tilespmem:s18+$0xFFFFFFC0];
	v10 =	vunpack.i.l.bf16.f32 v10;
	v19 =	vadd.f32 v19, v12;
	v13 =	vadd.f32 v13, v12  }
0x1e0: {  	v12 =	vadd.f32 v20, v12;
	v11 =	vadd.f32 v10, v11;
	v10 =	vunpack.i.l.bf16.f32 v14  }
0x1e1: {  	v22 =	vunpack.i.u.bf16.f32 v14;
	v8 =	vadd.f32 v8, v19;
	v13 =	vadd.f32 v10, v13;
	v10 =	vld [tilespmem:s18+$0xFFFFF360]  }
0x1e2: {  	v9 =	vunpack.i.l.bf16.f32 v9;
	v12 =	vadd.f32 v22, v12;
	v14 =	vunpack.i.u.bf16.f32 v18  }
0x1e3: {  	v9 =	vadd.f32 v9, v11;
	v19 =	vadd.f32 v15, v8;
	v15 =	vunpack.i.l.bf16.f32 v18;
	v8 =	vld [tilespmem:s18+$0xFFFFFFE0]  }
0x1e4: {  	v11 =	vunpack.i.u.bf16.f32 v21;
	v12 =	vadd.f32 v14, v12;
	v13 =	vadd.f32 v15, v13  }
0x1e5: {  	s20 =	simm.s32 $0x0;
	s9 =	simm.s32 $0x10770;
	v15 =	vadd.f32 v17, v9;
	v14 =	vadd.f32 v16, v19;
	v16 =	vunpack.i.l.bf16.f32 v21;
	v9 =	vld [tilespmem:s18+$0xFFFFF380]  }
.LBB2_15:
0x1e6: {  	v17 =	vld [tilespmem:s9+$0xFFFFFFF0];
	v13 =	vadd.f32 v16, v13;
	v11 =	vadd.f32 v11, v12;
	v12 =	vunpack.i.u.bf16.f32 v10  }
0x1e7: {  	v10 =	vunpack.i.l.bf16.f32 v10;
	v7 =	vadd.f32 v7, v15;
	v6 =	vadd.f32 v6, v14;
	v14 =	vld [tilespmem:s18+$0x0];
	s18 =	smov.u32 s9  }
0x1e8: {  	v15 =	vld [tilespmem:s9+$0xFFFFF370];
	v16 =	vunpack.i.u.bf16.f32 v8;
	v10 =	vadd.f32 v10, v13;
	v11 =	vadd.f32 v12, v11  }
0x1e9: {  	v12 =	vld [tilespmem:s9+$0xFFFFFFD0];
	v5 =	vadd.f32 v5, v7;
	v4 =	vadd.f32 v4, v6;
	v6 =	vunpack.i.l.bf16.f32 v8  }
0x1ea: {  	v7 =	vld [tilespmem:s9+$0xFFFFF350];
	v6 =	vadd.f32 v6, v10;
	v8 =	vadd.f32 v16, v11;
	v10 =	vunpack.i.u.bf16.f32 v9  }
0x1eb: {  	v11 =	vld [tilespmem:s9+$0xFFFFFFB0];
	v3 =	vadd.f32 v3, v5;
	v2 =	vadd.f32 v2, v4;
	v4 =	vunpack.i.l.bf16.f32 v9  }
0x1ec: {  	v9 =	vld [tilespmem:s9+$0xFFFFF330];
	v5 =	vunpack.i.u.bf16.f32 v14;
	v4 =	vadd.f32 v4, v6;
	v6 =	vadd.f32 v10, v8  }
0x1ed: {  	v8 =	vld [tilespmem:s9+$0xFFFFFF90];
	v10 =	vadd.f32 v1, v3;
	v13 =	vadd.f32 v0, v2;
	v0 =	vunpack.i.l.bf16.f32 v14  }
0x1ee: {  	v14 =	vld [tilespmem:s9+$0xFFFFF310];
	v16 =	vadd.f32 v0, v4;
	v18 =	vadd.f32 v5, v6  }
0x1ef: {  	v1 =	vunpack.i.l.bf16.f32 v17;
	v0 =	vunpack.i.u.bf16.f32 v17;
	v19 =	vld [tilespmem:s9+$0xFFFFF320]  }
0x1f0: {  	s20 =	sadd.s32 $0x4, s20;
	v2 =	vunpack.i.u.bf16.f32 v15;
	v3 =	vunpack.i.l.bf16.f32 v15;
	v4 =	vunpack.i.u.bf16.f32 v12  }
0x1f1: {  	p0 =	slt.u32 s20, $0x60;
	v5 =	vunpack.i.l.bf16.f32 v12;
	v6 =	vunpack.i.u.bf16.f32 v7;
	v7 =	vunpack.i.l.bf16.f32 v7;
	v15 =	vld [tilespmem:s9+$0xFFFFFFA0]  }
0x1f2: {  	v17 =	vunpack.i.u.bf16.f32 v11;
	v20 =	vunpack.i.l.bf16.f32 v11;
	v12 =	vunpack.i.u.bf16.f32 v9  }
0x1f3: {  	v9 =	vunpack.i.l.bf16.f32 v9;
	v11 =	vunpack.i.u.bf16.f32 v8;
	v8 =	vunpack.i.l.bf16.f32 v8;
	v21 =	vld [tilespmem:s9+$0xFFFFF340]  }
0x1f4: {  	v22 =	vunpack.i.u.bf16.f32 v14;
	v14 =	vunpack.i.l.bf16.f32 v14;
	v23 =	vunpack.i.u.bf16.f32 v19  }
0x1f5: {  	v10 =	vadd.f32 v14, v10;
	v13 =	vadd.f32 v22, v13;
	v14 =	vunpack.i.l.bf16.f32 v19;
	v19 =	vld [tilespmem:s9+$0xFFFFFFC0]  }
0x1f6: {  	v14 =	vadd.f32 v14, v16;
	v16 =	vadd.f32 v23, v18;
	v22 =	vunpack.i.u.bf16.f32 v15  }
.Ltmp6:
0x1f7: {  	v8 =	vadd.f32 v8, v10;
	v11 =	vadd.f32 v11, v13;
	v13 =	vunpack.i.l.bf16.f32 v15;
	v10 =	vld [tilespmem:s9+$0xFFFFF360];
	(pc) =	sbr.rel @p0 .LBB2_15-.Ltmp6, $4  }
0x1f8: {  	v13 =	vadd.f32 v13, v14;
	v14 =	vadd.f32 v22, v16;
	v15 =	vunpack.i.u.bf16.f32 v21  }
0x1f9: {  	v9 =	vadd.f32 v9, v8;
	v16 =	vadd.f32 v12, v11;
	v12 =	vunpack.i.l.bf16.f32 v21;
	v8 =	vld [tilespmem:s9+$0xFFFFFFE0]  }
0x1fa: {  	v13 =	vadd.f32 v12, v13;
	v12 =	vadd.f32 v15, v14;
	v11 =	vunpack.i.u.bf16.f32 v19  }
0x1fb: {  	s9 =	sadd.s32 $0x80, s9;
	v15 =	vadd.f32 v20, v9;
	v14 =	vadd.f32 v17, v16;
	v16 =	vunpack.i.l.bf16.f32 v19;
	v9 =	vld [tilespmem:s18+$0xFFFFF380]  }
0x1fc: {  	_ = 	snop  }
0x1fd: {  	v13 =	vadd.f32 v16, v13;
	v7 =	vadd.f32 v7, v15  }
0x1fe: {  	v11 =	vadd.f32 v11, v12;
	v12 =	vunpack.i.l.bf16.f32 v10;
	v6 =	vadd.f32 v6, v14  }
0x1ff: {  	v10 =	vunpack.i.u.bf16.f32 v10;
	v14 =	vld [tilespmem:s18+$0x0];
	v12 =	vadd.f32 v12, v13;
	v5 =	vadd.f32 v5, v7  }
0x200: {  	v7 =	vadd.f32 v10, v11;
	v4 =	vadd.f32 v4, v6;
	v6 =	vunpack.i.l.bf16.f32 v8  }
0x201: {  	v8 =	vunpack.i.u.bf16.f32 v8;
	v6 =	vadd.f32 v6, v12;
	v3 =	vadd.f32 v3, v5  }
0x202: {  	v5 =	vadd.f32 v8, v7;
	v2 =	vadd.f32 v2, v4;
	v4 =	vunpack.i.l.bf16.f32 v9  }
0x203: {  	v7 =	vunpack.i.u.bf16.f32 v9;
	v4 =	vadd.f32 v4, v6;
	v1 =	vadd.f32 v1, v3  }
0x204: {  	v3 =	vadd.f32 v7, v5;
	v0 =	vadd.f32 v0, v2;
	v2 =	vunpack.i.l.bf16.f32 v14  }
0x205: {  	v5 =	vunpack.i.u.bf16.f32 v14;
	v2 =	vadd.f32 v2, v4;
	v1 =	vmul.f32 $4.999999890e-03, v1  }
0x206: {  	s7 =	smin.u32 s7, $0x71;
	v3 =	vadd.f32 v5, v3;
	v0 =	vmul.f32 $4.999999890e-03, v0  }
0x207: {  	s7 =	smul.u32 $0x320, s7;
	[tilespmem:s5+$0x12D80] =	vst v1;
	v1 =	vmul.f32 $4.999999890e-03, v2  }
0x208: {  	[tilespmem:s5+$0x12D90] =	vst v0;
	v0 =	vmul.f32 $4.999999890e-03, v3  }
0x209: {  	s7 =	sshrl.u32 s7, $0x2;
	[tilespmem:s5+$0x12DA0] =	vst v1  }
0x20a: {  	s18 =	sadd.s32 $0xAF0, s7;
	[tilespmem:s5+$0x12DB0] =	vst v0  }
0x20b: {  	[tilespmem:s12], [sflag:$0x7] =	stream.indirect.gather [hbm4b:s3+s8], $0x20, s18, s8, $0xb8;
	[tilespmem:$0x14C00] =	vst v63  }
0x20c: {  	s20 =	sadd.s32 $0xB58, s7  }
0x20d: {  	[tilespmem:s16], [sflag:$0x7] =	stream.indirect.gather [hbm4b:s3+s10], $0x20, s20, s10, $0xb8;
	[tilespmem:$0x14C00] =	vst v63  }
0x20e: {  	_ =	swait.ge [sflag:s4], $0xD00  }
0x20f: {  	[sflag:s4] =	ssyncset.done $0x0  }
0x210: {  	[sflag:s4] =	ssyncadd.s32 $0xFFFFF300  }
0x211: {  	_ =	swait.ge [sflag:s4], $0xC00  }
0x212: {  	[sflag:s4] =	ssyncset.done $0x0  }
0x213: {  	s5 =	simm.s32 $0x11FF0;
	[sflag:s4] =	ssyncadd.s32 $0xFFFFF400  }
0x214: {  	v1 =	vld [tilespmem:s5+$0xFFFFFFF0]  }
0x215: {  	v3 =	vld [tilespmem:s5+$0xFFFFF370]  }
0x216: {  	v5 =	vld [tilespmem:s5+$0xFFFFFFD0]  }
0x217: {  	v7 =	vld [tilespmem:s5+$0xFFFFF350]  }
0x218: {  	v8 =	vld [tilespmem:s5+$0xFFFFFFB0]  }
0x219: {  	v9 =	vld [tilespmem:s5+$0xFFFFF330]  }
0x21a: {  	v10 =	vld [tilespmem:s5+$0xFFFFFF90]  }
0x21b: {  	v11 =	vld [tilespmem:s5+$0xFFFFF310]  }
0x21c: {  	v12 =	vimm.f32 $0.0e+00;
	v13 =	vld [tilespmem:s5+$0xFFFFF320];
	v0 =	vunpack.i.u.bf16.f32 v1;
	v1 =	vunpack.i.l.bf16.f32 v1  }
0x21d: {  	v4 =	vunpack.i.u.bf16.f32 v5;
	v2 =	vunpack.i.u.bf16.f32 v3;
	v3 =	vunpack.i.l.bf16.f32 v3  }
0x21e: {  	v14 =	vld [tilespmem:s5+$0xFFFFFFA0];
	v6 =	vunpack.i.u.bf16.f32 v7;
	v7 =	vunpack.i.l.bf16.f32 v7;
	v5 =	vunpack.i.l.bf16.f32 v5  }
0x21f: {  	v15 =	vunpack.i.u.bf16.f32 v9;
	v16 =	vunpack.i.u.bf16.f32 v8;
	v17 =	vunpack.i.l.bf16.f32 v8  }
0x220: {  	v18 =	vld [tilespmem:s5+$0xFFFFF340];
	v8 =	vunpack.i.u.bf16.f32 v10;
	v19 =	vunpack.i.u.bf16.f32 v11;
	v11 =	vunpack.i.l.bf16.f32 v11  }
0x221: {  	v20 =	vunpack.i.u.bf16.f32 v13;
	v13 =	vunpack.i.l.bf16.f32 v13;
	v11 =	vadd.f32 v11, v12  }
0x222: {  	v21 =	vld [tilespmem:s5+$0xFFFFFFC0];
	v10 =	vunpack.i.l.bf16.f32 v10;
	v19 =	vadd.f32 v19, v12;
	v13 =	vadd.f32 v13, v12  }
0x223: {  	v12 =	vadd.f32 v20, v12;
	v11 =	vadd.f32 v10, v11;
	v10 =	vunpack.i.l.bf16.f32 v14  }
0x224: {  	v22 =	vunpack.i.u.bf16.f32 v14;
	v8 =	vadd.f32 v8, v19;
	v13 =	vadd.f32 v10, v13;
	v10 =	vld [tilespmem:s5+$0xFFFFF360]  }
0x225: {  	v9 =	vunpack.i.l.bf16.f32 v9;
	v12 =	vadd.f32 v22, v12;
	v14 =	vunpack.i.u.bf16.f32 v18  }
0x226: {  	v9 =	vadd.f32 v9, v11;
	v19 =	vadd.f32 v15, v8;
	v15 =	vunpack.i.l.bf16.f32 v18;
	v8 =	vld [tilespmem:s5+$0xFFFFFFE0]  }
0x227: {  	v11 =	vunpack.i.u.bf16.f32 v21;
	v12 =	vadd.f32 v14, v12;
	v13 =	vadd.f32 v15, v13  }
0x228: {  	s9 =	simm.s32 $0x12070;
	s7 =	simm.s32 $0x0;
	v15 =	vadd.f32 v17, v9;
	v14 =	vadd.f32 v16, v19;
	v16 =	vunpack.i.l.bf16.f32 v21;
	v9 =	vld [tilespmem:s5+$0xFFFFF380]  }
.LBB2_17:
0x229: {  	v17 =	vld [tilespmem:s9+$0xFFFFFFF0];
	v13 =	vadd.f32 v16, v13;
	v11 =	vadd.f32 v11, v12;
	v12 =	vunpack.i.u.bf16.f32 v10  }
0x22a: {  	v10 =	vunpack.i.l.bf16.f32 v10;
	v7 =	vadd.f32 v7, v15;
	v6 =	vadd.f32 v6, v14;
	v14 =	vld [tilespmem:s5+$0x0];
	s5 =	smov.u32 s9  }
0x22b: {  	v15 =	vld [tilespmem:s9+$0xFFFFF370];
	v16 =	vunpack.i.u.bf16.f32 v8;
	v10 =	vadd.f32 v10, v13;
	v11 =	vadd.f32 v12, v11  }
0x22c: {  	v12 =	vld [tilespmem:s9+$0xFFFFFFD0];
	v5 =	vadd.f32 v5, v7;
	v4 =	vadd.f32 v4, v6;
	v6 =	vunpack.i.l.bf16.f32 v8  }
0x22d: {  	v7 =	vld [tilespmem:s9+$0xFFFFF350];
	v6 =	vadd.f32 v6, v10;
	v8 =	vadd.f32 v16, v11;
	v10 =	vunpack.i.u.bf16.f32 v9  }
0x22e: {  	v11 =	vld [tilespmem:s9+$0xFFFFFFB0];
	v3 =	vadd.f32 v3, v5;
	v2 =	vadd.f32 v2, v4;
	v4 =	vunpack.i.l.bf16.f32 v9  }
0x22f: {  	v9 =	vld [tilespmem:s9+$0xFFFFF330];
	v5 =	vunpack.i.u.bf16.f32 v14;
	v4 =	vadd.f32 v4, v6;
	v6 =	vadd.f32 v10, v8  }
0x230: {  	v8 =	vld [tilespmem:s9+$0xFFFFFF90];
	v10 =	vadd.f32 v1, v3;
	v13 =	vadd.f32 v0, v2;
	v0 =	vunpack.i.l.bf16.f32 v14  }
0x231: {  	v14 =	vld [tilespmem:s9+$0xFFFFF310];
	v16 =	vadd.f32 v0, v4;
	v18 =	vadd.f32 v5, v6  }
0x232: {  	v1 =	vunpack.i.l.bf16.f32 v17;
	v0 =	vunpack.i.u.bf16.f32 v17;
	v19 =	vld [tilespmem:s9+$0xFFFFF320]  }
0x233: {  	s7 =	sadd.s32 $0x4, s7;
	v2 =	vunpack.i.u.bf16.f32 v15;
	v3 =	vunpack.i.l.bf16.f32 v15;
	v4 =	vunpack.i.u.bf16.f32 v12  }
0x234: {  	p0 =	slt.u32 s7, $0x60;
	v5 =	vunpack.i.l.bf16.f32 v12;
	v6 =	vunpack.i.u.bf16.f32 v7;
	v7 =	vunpack.i.l.bf16.f32 v7;
	v15 =	vld [tilespmem:s9+$0xFFFFFFA0]  }
0x235: {  	v17 =	vunpack.i.u.bf16.f32 v11;
	v20 =	vunpack.i.l.bf16.f32 v11;
	v12 =	vunpack.i.u.bf16.f32 v9  }
0x236: {  	v9 =	vunpack.i.l.bf16.f32 v9;
	v11 =	vunpack.i.u.bf16.f32 v8;
	v8 =	vunpack.i.l.bf16.f32 v8;
	v21 =	vld [tilespmem:s9+$0xFFFFF340]  }
0x237: {  	v22 =	vunpack.i.u.bf16.f32 v14;
	v14 =	vunpack.i.l.bf16.f32 v14;
	v23 =	vunpack.i.u.bf16.f32 v19  }
0x238: {  	v10 =	vadd.f32 v14, v10;
	v13 =	vadd.f32 v22, v13;
	v14 =	vunpack.i.l.bf16.f32 v19;
	v19 =	vld [tilespmem:s9+$0xFFFFFFC0]  }
0x239: {  	v14 =	vadd.f32 v14, v16;
	v16 =	vadd.f32 v23, v18;
	v22 =	vunpack.i.u.bf16.f32 v15  }
.Ltmp7:
0x23a: {  	v8 =	vadd.f32 v8, v10;
	v11 =	vadd.f32 v11, v13;
	v13 =	vunpack.i.l.bf16.f32 v15;
	v10 =	vld [tilespmem:s9+$0xFFFFF360];
	(pc) =	sbr.rel @p0 .LBB2_17-.Ltmp7, $4  }
0x23b: {  	v13 =	vadd.f32 v13, v14;
	v14 =	vadd.f32 v22, v16;
	v15 =	vunpack.i.u.bf16.f32 v21  }
0x23c: {  	v9 =	vadd.f32 v9, v8;
	v16 =	vadd.f32 v12, v11;
	v12 =	vunpack.i.l.bf16.f32 v21;
	v8 =	vld [tilespmem:s9+$0xFFFFFFE0]  }
0x23d: {  	v13 =	vadd.f32 v12, v13;
	v12 =	vadd.f32 v15, v14;
	v11 =	vunpack.i.u.bf16.f32 v19  }
0x23e: {  	s9 =	sadd.s32 $0x80, s9;
	v15 =	vadd.f32 v20, v9;
	v14 =	vadd.f32 v17, v16;
	v16 =	vunpack.i.l.bf16.f32 v19;
	v9 =	vld [tilespmem:s5+$0xFFFFF380]  }
0x23f: {  	_ = 	snop  }
0x240: {  	v13 =	vadd.f32 v16, v13;
	v7 =	vadd.f32 v7, v15  }
0x241: {  	v11 =	vadd.f32 v11, v12;
	v50 =	vunpack.i.l.bf16.f32 v10;
	v6 =	vadd.f32 v6, v14  }
0x242: {  	v51 =	vunpack.i.u.bf16.f32 v10;
	v52 =	vld [tilespmem:s5+$0x0];
	v12 =	vadd.f32 v50, v13;
	v5 =	vadd.f32 v5, v7  }
0x243: {  	v53 =	vadd.f32 v51, v11;
	v54 =	vunpack.i.l.bf16.f32 v8;
	v4 =	vadd.f32 v4, v6  }
0x244: {  	v55 =	vunpack.i.u.bf16.f32 v8;
	v6 =	vadd.f32 v54, v12;
	v3 =	vadd.f32 v3, v5  }
0x245: {  	v56 =	vadd.f32 v55, v53;
	v57 =	vunpack.i.l.bf16.f32 v9;
	v2 =	vadd.f32 v2, v4  }
0x246: {  	v58 =	vunpack.i.u.bf16.f32 v9;
	v4 =	vadd.f32 v57, v6;
	v1 =	vadd.f32 v1, v3  }
0x247: {  	s6 =	sadd.s32 $0x1, s6;
	v60 =	vunpack.i.l.bf16.f32 v52;
	v59 =	vadd.f32 v58, v56;
	v0 =	vadd.f32 v0, v2  }
0x248: {  	s2 =	sshll.u32 s2, $0x6;
	p0 =	sne.s32 s6, $0x10;
	v61 =	vunpack.i.u.bf16.f32 v52;
	v2 =	vadd.f32 v60, v4;
	v1 =	vmul.f32 $4.999999890e-03, v1  }
.Ltmp8:
0x249: {  	s2 =	sand.u32 $0x3FFFFFC0, s2;
	v3 =	vadd.f32 v61, v59;
	v0 =	vmul.f32 $4.999999890e-03, v0;
	(pc) =	sbr.rel @p0 .LBB2_2-.Ltmp8, $4  }
0x24a: {  	v62 =	vmul.f32 $4.999999890e-03, v2;
	[tilespmem:s2+$0x12C00] =	vst v1  }
0x24b: {  	v63 =	vmul.f32 $4.999999890e-03, v3;
	[tilespmem:s2+$0x12C10] =	vst v0  }
0x24c: {  	[tilespmem:s2+$0x12C20] =	vst v62  }
0x24d: {  	[tilespmem:s2+$0x12C30] =	vst v63  }
0x24e: {  	_ =	swait.ge [sflag:s22], $0xD00  }
0x24f: {  	[sflag:s22] =	ssyncset.done $0x0  }
0x250: {  	[sflag:s22] =	ssyncadd.s32 $0xFFFFF300  }
0x251: {  	_ =	swait.ge [sflag:s22], $0xC00  }
0x252: {  	[sflag:s22] =	ssyncset.done $0x0  }
0x253: {  	[sflag:s22] =	ssyncadd.s32 $0xFFFFF400  }
0x254: {  	_ =	swait.ge [sflag:s24], $0xD00  }
0x255: {  	[sflag:s24] =	ssyncset.done $0x0  }
0x256: {  	[sflag:s24] =	ssyncadd.s32 $0xFFFFF300  }
0x257: {  	_ =	swait.ge [sflag:s24], $0xC00  }
0x258: {  	[sflag:s24] =	ssyncset.done $0x0  }
0x259: {  	[sflag:s24] =	ssyncadd.s32 $0xFFFFF400  }
0x25a: {  	_ =	swait.ge [sflag:s26], $0xD00  }
0x25b: {  	[sflag:s26] =	ssyncset.done $0x0  }
0x25c: {  	[sflag:s26] =	ssyncadd.s32 $0xFFFFF300  }
0x25d: {  	_ =	swait.ge [sflag:s26], $0xC00  }
0x25e: {  	[sflag:s26] =	ssyncset.done $0x0  }
0x25f: {  	[sflag:s26] =	ssyncadd.s32 $0xFFFFF400  }
0x260: {  	_ =	swait.ge [sflag:s29], $0xD00  }
0x261: {  	[sflag:s29] =	ssyncset.done $0x0  }
0x262: {  	[sflag:s29] =	ssyncadd.s32 $0xFFFFF300  }
0x263: {  	_ =	swait.ge [sflag:s29], $0xC00  }
0x264: {  	[sflag:s29] =	ssyncset.done $0x0  }
0x265: {  	[sflag:s29] =	ssyncadd.s32 $0xFFFFF400  }
0x266: {  	_ =	swait.ge [sflag:s31], $0xD00  }
0x267: {  	[sflag:s31] =	ssyncset.done $0x0  }
0x268: {  	[sflag:s31] =	ssyncadd.s32 $0xFFFFF300  }
0x269: {  	_ =	swait.ge [sflag:s31], $0xC00  }
0x26a: {  	[sflag:s31] =	ssyncset.done $0x0  }
0x26b: {  	[sflag:s31] =	ssyncadd.s32 $0xFFFFF400  }
0x26c: {  	_ =	swait.ge [sflag:s0], $0xD00  }
0x26d: {  	[sflag:s0] =	ssyncset.done $0x0  }
0x26e: {  	[sflag:s0] =	ssyncadd.s32 $0xFFFFF300  }
0x26f: {  	_ =	swait.ge [sflag:s0], $0xC00  }
0x270: {  	[sflag:s0] =	ssyncset.done $0x0  }
0x271: {  	[sflag:s0] =	ssyncadd.s32 $0xFFFFF400  }
0x272: {  	_ =	swait.ge [sflag:s14], $0xD00  }
0x273: {  	[sflag:s14] =	ssyncset.done $0x0  }
0x274: {  	[sflag:s14] =	ssyncadd.s32 $0xFFFFF300  }
0x275: {  	_ =	swait.ge [sflag:s14], $0xC00  }
0x276: {  	s6 =	simm.s32 $0x0;
	[sflag:s14] =	ssyncset.done $0x0  }
0x277: {  	s5 =	simm.s32 $0x12C00;
	s2 =	rddreg [dreg:$0x4];
	[sflag:s14] =	ssyncadd.s32 $0xFFFFF400  }
0x278: {  	[hbm4b:s2+s6] =	stream.linear.scatter [tilespmem:s5], [sflag:$0x9], $0x2000, $0x38;
	[tilespmem:$0x14C00] =	vst v63  }
0x279: {  	s5 =	simm.s32 $0x9  }
0x27a: {  	_ =	swait.ge [sflag:s5], $0x2000  }
0x27b: {  	s7 =	rddreg [dreg:$0x6]  }
0x27c: {  	s20 =	rddreg [dreg:$0x5];
	s7 =	sadd.s32 $0x1, s7  }
0x27d: {  	p0 =	sne.s32 s7, s20  }
.Ltmp9:
0x27e: {  	_ = 	snop;
	(pc) =	sbr.rel @p0 .LBB2_1-.Ltmp9, $3  }
0x27f: {  	_ =	sdelay $0x1  }
0x280: {  	[sflag:s5] =	ssyncset.done $0x0  }
0x281: {  	[sflag:s5] =	ssyncadd.s32 $0xFFFFE000  }
0x282: {  	_ =	sfence.sel $0x180000  }
0x283: {  	[bflag:$0x0] =	sbarrier.arrive $0xFFFF  }
0x284: {  	_ =	strace $0x9000004A  }
0x285: {  	s0 =	stileid.u32;
	[bflag:$0x2] =	sbarrier.arrive $0xFFFF  }
0x286: {  	p0 =	sne.s32 s0, $0x0;
	s0 =	rddreg [dreg:$0x2]  }
0x287: {  	s0 =	sadd.s32 @!p0 $0x100000, s0  }
0x288: {  	[sflag:s0] =	ssyncadd.tile.s32 @!p0 $0x1;
	_ =	shalt  }
.Lfunc_end2:
_tile_overlayer_lowered:
.L_overlay_start_2:
0x289: {  	(tag) =	ssettag $0x2  }
0x28a: {  	s0 =	rddreg [dreg:$0x0];
	s2 =	stileid.u32  }
0x28b: {  	s1 =	rddreg [dreg:$0x1];
	p0 =	sne.s32 s2, $0x0  }
0x28c: {  	s3 =	rddreg [dreg:$0x2];
	[bflag:$0x3] =	sbarrier.arrive $0xFFFF;
	s2 =	simm.s32 @!p0 $0x1C09  }
0x28d: {  	[timem:s3], [sflag:s2] =	dma.local @!p0 [hbm:s0], s1  }
0x28e: {  	s0 =	simm.s32 @!p0 $0x9  }
0x28f: {  	_ =	swait.ge @!p0 [sflag:s0], s1  }
0x290: {  	s1 =	ssub.s32 @!p0 $0x0, s1;
	[sflag:s0] =	ssyncset.done @!p0 $0x0  }
0x291: {  	[sflag:s0] =	ssyncadd.s32 @!p0 s1  }
0x292: {  	[bflag:$0x3] =	sbarrier.arrive $0xFFFF  }
0x293: {  	_ =	shalt  }

</sc_bundles>
